<compile_context>
chip_gen: v7x
topology: tpu7x:2x2x1
jax: 0.10.2.dev20260603
libtpu: 0.0.44.dev20260713+nightly
codegen_flags: <defaults>
</compile_context>

<pallas_src>
import functools

import jax
import jax.numpy as jnp
from jax import lax
from jax.experimental import pallas as pl
from jax.experimental.pallas import tpu as pltpu
from jax.experimental.pallas import tpu_sc as plsc

_V = 1000000
_D = 32
_BATCH = 16384
_S = 50
_NW = 32
_BPW = _BATCH // _NW
_G = _S

_mesh = plsc.VectorSubcoreMesh(core_axis_name="c", subcore_axis_name="s")


@functools.partial(
    pl.kernel,
    mesh=_mesh,
    out_type=jax.ShapeDtypeStruct((_S * (_D // 8) * (_BATCH // 512), 4096),
                                  jnp.float32),
    compiler_params=pltpu.CompilerParams(use_tc_tiling_on_sc=False,
                                         needs_layout_passes=False),
    scratch_types=[
        pltpu.VMEM((_BPW * _S,), jnp.int32),
        pltpu.VMEM((2, _BPW), jnp.int32),
        pltpu.VMEM((2, _BPW, _D), jnp.float32),
        pltpu.VMEM((2, 4, 4096), jnp.float32),
        pltpu.SemaphoreType.DMA,
        pltpu.SemaphoreType.DMA((2,)),
        pltpu.SemaphoreType.DMA((2,)),
    ],
)
def _emb_kernel(idx_hbm, table_hbm, out_hbm, xblk, idxl, rows, tiles,
                sem_x, sem_g, sem_o):
    wid = lax.axis_index("s") * 2 + lax.axis_index("c")
    b0 = wid * _BPW

    pltpu.async_copy(
        idx_hbm.at[pl.ds(pl.multiple_of(b0 * _S, _BPW * _S), _BPW * _S)],
        xblk, sem_x).wait()

    def build_idx(g, b):
        lane50 = lax.iota(jnp.int32, 16) * _S
        for cb in range(_BPW // 16):
            v = plsc.load_gather(xblk, [lane50 + (cb * 16 * _S + g)])
            idxl[b, pl.ds(cb * 16, 16)] = v

    def gather_start(g, b):
        pltpu.async_copy(table_hbm.at[idxl.at[b]], rows.at[b], sem_g.at[b])

    def gather_wait(g, b):
        pltpu.make_async_copy(table_hbm.at[idxl.at[b]], rows.at[b],
                              sem_g.at[b]).wait()

    def transpose(b):
        @plsc.parallel_loop(0, _D, step=1, unroll=4)
        def _(j):
            lane = lax.iota(jnp.int32, 16)
            jv = jnp.full((16,), j, jnp.int32)
            t1 = j // 8
            r128 = (j % 8) * 128
            for t2l in range(4):
                for cb in range(8):
                    c = t2l * 128 + cb * 16
                    v = plsc.load_gather(rows.at[b], [lane + c, jv])
                    tiles[b, t1, pl.ds(r128 + (t2l * 1024 + cb * 16), 16)] = v

    def store_start(g, b):
        for t1 in range(4):
            pltpu.async_copy(tiles.at[b, t1],
                             out_hbm.at[(g * 4 + t1) * 32 + wid], sem_o.at[b])

    def store_wait(g, b):
        for t1 in range(4):
            pltpu.make_async_copy(tiles.at[b, t1],
                                  out_hbm.at[(g * 4 + t1) * 32 + wid],
                                  sem_o.at[b]).wait()

    build_idx(0, 0)
    gather_start(0, 0)

    def body(t, carry):
        for b in range(2):
            g = t * 2 + b
            bn = 1 - b
            gather_wait(g, b)

            @pl.when(g + 1 < _G)
            def _():
                build_idx(g + 1, bn)
                gather_start(g + 1, bn)

            @pl.when(g >= 2)
            def _():
                store_wait(g - 2, b)

            transpose(b)
            store_start(g, b)
        return carry

    lax.fori_loop(0, _G // 2, body, 0)

    store_wait(_G - 2, 0)
    store_wait(_G - 1, 1)


def kernel(x, weight):
    idx = x.reshape(-1)
    out4 = _emb_kernel(idx, weight)
    a5 = out4.reshape(_S, _D // 8, _BATCH // 128, 8, 128)
    out = a5.transpose((2, 4, 0, 1, 3)).reshape(_BATCH, _S, _D)
    return out

# --- scband reference (transcript-rebuilt; emitter-appended) ---
"""Pipeline reference for scband-embedding-91113436217473 (READ-ONLY COPY).

The authoritative reference and input builder live on the scoring server;
editing this copy changes nothing except your own understanding.
"""

import jax, jax.numpy as jnp
import numpy as np


def setup_inputs(seed: int = 0) -> dict:
    key = jax.random.key(seed)
    k1, k2 = jax.random.split(key, 2)
    x = jax.random.randint(k1, (16384, 50), 0, 1000000, dtype=jnp.int64 if jax.config.read('jax_enable_x64') else jnp.int32)
    weight = jax.random.normal(k2, (1000000, 32), dtype=jnp.float32)
    return {"x": x, "weight": weight}


def reference(x, weight):
    # Faithful translation of: self.out = self.weight[x]
    out = jnp.take(weight, x, axis=0)
    return out

if __name__ == "__main__":
    import jax
    _d = setup_inputs()
    print(jax.jit(kernel)(*tuple(_d.values())))

</pallas_src>

<mosaic_0001>
#map = affine_map<(d0, d1) -> (0)>
#map1 = affine_map<(d0, d1) -> (0, 0)>
module attributes {stable_mosaic.version = 14 : i64} {
  func.func @_emb_kernel(%arg0: i32, %arg1: i32, %arg2: memref<819200xi32, #tpu.memory_space<hbm>>, %arg3: memref<1000000x32xf32, #tpu.memory_space<hbm>>, %arg4: memref<6400x4096xf32, #tpu.memory_space<hbm>>, %arg5: memref<25600xi32, #tpu.memory_space<vmem>>, %arg6: memref<2x512xi32, #tpu.memory_space<vmem>>, %arg7: memref<2x512x32xf32, #tpu.memory_space<vmem>>, %arg8: memref<2x4x4096xf32, #tpu.memory_space<vmem>>, %arg9: memref<!tpu.dma_semaphore, #tpu.memory_space<semaphore_mem>>, %arg10: memref<2x!tpu.dma_semaphore, #tpu.memory_space<semaphore_mem>>, %arg11: memref<2x!tpu.dma_semaphore, #tpu.memory_space<semaphore_mem>>) attributes {dimension_semantics = [#tpu.dimension_semantics<core_parallel>, #tpu.dimension_semantics<subcore_parallel>], iteration_bounds = array<i64: 2, 16>, scalar_prefetch = 0 : i64, scratch_operands = 7 : i64, tpu.core_type = #tpu.core_type<sc_vector_subcore>, window_params = [{transform_indices = #map}, {transform_indices = #map1}, {transform_indices = #map1}]} {
    %mul3A = arith.constant 2 : i32
    %mul3A_0 = arith.muli %arg1, %mul3A : i32
    %add3A = arith.addi %mul3A_0, %arg0 : i32
    %mul3A_1 = arith.constant 512 : i32
    %mul3A_2 = arith.muli %add3A, %mul3A_1 : i32
    %mul3A_3 = arith.constant 50 : i32
    %mul3A_4 = arith.muli %mul3A_2, %mul3A_3 : i32
    %multiple_of3A = tpu.assume_multiple %mul3A_4, 25600 : i32
    %dma_start3A = tpu.memref_slice %arg2[%multiple_of3A] : memref<819200xi32, #tpu.memory_space<hbm>> -> memref<25600xi32, #tpu.memory_space<hbm>>
    %dma_start3A_5 = tpu.memref_slice %arg2[%multiple_of3A] : memref<819200xi32, #tpu.memory_space<hbm>> -> memref<25600xi32, #tpu.memory_space<hbm>>
    tpu.enqueue_dma source(%dma_start3A_5 : memref<25600xi32, #tpu.memory_space<hbm>>) target(%arg5 : memref<25600xi32, #tpu.memory_space<vmem>>) target_semaphore(%arg9 : memref<!tpu.dma_semaphore, #tpu.memory_space<semaphore_mem>>)
    %dma_wait3A = tpu.memref_slice %arg2[%multiple_of3A] : memref<819200xi32, #tpu.memory_space<hbm>> -> memref<25600xi32, #tpu.memory_space<hbm>>
    %dma_wait3A_6 = tpu.memref_slice %arg2[%multiple_of3A] : memref<819200xi32, #tpu.memory_space<hbm>> -> memref<25600xi32, #tpu.memory_space<hbm>>
    tpu.wait_dma2 semaphore(%arg9 : memref<!tpu.dma_semaphore, #tpu.memory_space<semaphore_mem>>) src(%dma_wait3A_6 : memref<25600xi32, #tpu.memory_space<hbm>>) dst(%arg5 : memref<25600xi32, #tpu.memory_space<vmem>>)
    %iota3A = tpu.iota {dimensions = array<i32: 0>} : vector<16xi32>
    %mul3A_7 = arith.constant 50 : i32
    %mul3A_8 = vector.broadcast %mul3A_7 : i32 to vector<16xi32>
    %mul3A_9 = arith.muli %iota3A, %mul3A_8 : vector<16xi32>
    %add3A_10 = arith.constant 0 : i32
    %add3A_11 = vector.broadcast %add3A_10 : i32 to vector<16xi32>
    %add3A_12 = arith.addi %mul3A_9, %add3A_11 : vector<16xi32>
    %gather3A = tpu.vector_load_idx %arg5[%add3A_12] : memref<25600xi32, #tpu.memory_space<vmem>>[vector<16xi32>], vector<16xi32>,
    %swap3A = arith.constant 0 : i32
    %swap3A_13 = arith.index_cast %swap3A : i32 to index
    %swap3A_14 = arith.constant 0 : index
    %swap3A_15 = tpu.vector_load %arg6[%swap3A_13, %swap3A_14] {strides = array<i32>} : memref<2x512xi32, #tpu.memory_space<vmem>>, vector<16xi32>,
    tpu.vector_store %arg6[%swap3A_13, %swap3A_14], %gather3A {strides = array<i32>} : memref<2x512xi32, #tpu.memory_space<vmem>>, vector<16xi32>,
    %add3A_16 = arith.constant 800 : i32
    %add3A_17 = vector.broadcast %add3A_16 : i32 to vector<16xi32>
    %add3A_18 = arith.addi %mul3A_9, %add3A_17 : vector<16xi32>
    %gather3A_19 = tpu.vector_load_idx %arg5[%add3A_18] : memref<25600xi32, #tpu.memory_space<vmem>>[vector<16xi32>], vector<16xi32>,
    %swap3A_20 = arith.constant 0 : i32
    %swap3A_21 = arith.index_cast %swap3A_20 : i32 to index
    %swap3A_22 = arith.constant 16 : index
    %swap3A_23 = tpu.vector_load %arg6[%swap3A_21, %swap3A_22] {strides = array<i32>} : memref<2x512xi32, #tpu.memory_space<vmem>>, vector<16xi32>,
    tpu.vector_store %arg6[%swap3A_21, %swap3A_22], %gather3A_19 {strides = array<i32>} : memref<2x512xi32, #tpu.memory_space<vmem>>, vector<16xi32>,
    %add3A_24 = arith.constant 1600 : i32
    %add3A_25 = vector.broadcast %add3A_24 : i32 to vector<16xi32>
    %add3A_26 = arith.addi %mul3A_9, %add3A_25 : vector<16xi32>
    %gather3A_27 = tpu.vector_load_idx %arg5[%add3A_26] : memref<25600xi32, #tpu.memory_space<vmem>>[vector<16xi32>], vector<16xi32>,
    %swap3A_28 = arith.constant 0 : i32
    %swap3A_29 = arith.index_cast %swap3A_28 : i32 to index
    %swap3A_30 = arith.constant 32 : index
    %swap3A_31 = tpu.vector_load %arg6[%swap3A_29, %swap3A_30] {strides = array<i32>} : memref<2x512xi32, #tpu.memory_space<vmem>>, vector<16xi32>,
    tpu.vector_store %arg6[%swap3A_29, %swap3A_30], %gather3A_27 {strides = array<i32>} : memref<2x512xi32, #tpu.memory_space<vmem>>, vector<16xi32>,
    %add3A_32 = arith.constant 2400 : i32
    %add3A_33 = vector.broadcast %add3A_32 : i32 to vector<16xi32>
    %add3A_34 = arith.addi %mul3A_9, %add3A_33 : vector<16xi32>
    %gather3A_35 = tpu.vector_load_idx %arg5[%add3A_34] : memref<25600xi32, #tpu.memory_space<vmem>>[vector<16xi32>], vector<16xi32>,
    %swap3A_36 = arith.constant 0 : i32
    %swap3A_37 = arith.index_cast %swap3A_36 : i32 to index
    %swap3A_38 = arith.constant 48 : index
    %swap3A_39 = tpu.vector_load %arg6[%swap3A_37, %swap3A_38] {strides = array<i32>} : memref<2x512xi32, #tpu.memory_space<vmem>>, vector<16xi32>,
    tpu.vector_store %arg6[%swap3A_37, %swap3A_38], %gather3A_35 {strides = array<i32>} : memref<2x512xi32, #tpu.memory_space<vmem>>, vector<16xi32>,
    %add3A_40 = arith.constant 3200 : i32
    %add3A_41 = vector.broadcast %add3A_40 : i32 to vector<16xi32>
    %add3A_42 = arith.addi %mul3A_9, %add3A_41 : vector<16xi32>
    %gather3A_43 = tpu.vector_load_idx %arg5[%add3A_42] : memref<25600xi32, #tpu.memory_space<vmem>>[vector<16xi32>], vector<16xi32>,
    %swap3A_44 = arith.constant 0 : i32
    %swap3A_45 = arith.index_cast %swap3A_44 : i32 to index
    %swap3A_46 = arith.constant 64 : index
    %swap3A_47 = tpu.vector_load %arg6[%swap3A_45, %swap3A_46] {strides = array<i32>} : memref<2x512xi32, #tpu.memory_space<vmem>>, vector<16xi32>,
    tpu.vector_store %arg6[%swap3A_45, %swap3A_46], %gather3A_43 {strides = array<i32>} : memref<2x512xi32, #tpu.memory_space<vmem>>, vector<16xi32>,
    %add3A_48 = arith.constant 4000 : i32
    %add3A_49 = vector.broadcast %add3A_48 : i32 to vector<16xi32>
    %add3A_50 = arith.addi %mul3A_9, %add3A_49 : vector<16xi32>
    %gather3A_51 = tpu.vector_load_idx %arg5[%add3A_50] : memref<25600xi32, #tpu.memory_space<vmem>>[vector<16xi32>], vector<16xi32>,
    %swap3A_52 = arith.constant 0 : i32
    %swap3A_53 = arith.index_cast %swap3A_52 : i32 to index
    %swap3A_54 = arith.constant 80 : index
    %swap3A_55 = tpu.vector_load %arg6[%swap3A_53, %swap3A_54] {strides = array<i32>} : memref<2x512xi32, #tpu.memory_space<vmem>>, vector<16xi32>,
    tpu.vector_store %arg6[%swap3A_53, %swap3A_54], %gather3A_51 {strides = array<i32>} : memref<2x512xi32, #tpu.memory_space<vmem>>, vector<16xi32>,
    %add3A_56 = arith.constant 4800 : i32
    %add3A_57 = vector.broadcast %add3A_56 : i32 to vector<16xi32>
    %add3A_58 = arith.addi %mul3A_9, %add3A_57 : vector<16xi32>
    %gather3A_59 = tpu.vector_load_idx %arg5[%add3A_58] : memref<25600xi32, #tpu.memory_space<vmem>>[vector<16xi32>], vector<16xi32>,
    %swap3A_60 = arith.constant 0 : i32
    %swap3A_61 = arith.index_cast %swap3A_60 : i32 to index
    %swap3A_62 = arith.constant 96 : index
    %swap3A_63 = tpu.vector_load %arg6[%swap3A_61, %swap3A_62] {strides = array<i32>} : memref<2x512xi32, #tpu.memory_space<vmem>>, vector<16xi32>,
    tpu.vector_store %arg6[%swap3A_61, %swap3A_62], %gather3A_59 {strides = array<i32>} : memref<2x512xi32, #tpu.memory_space<vmem>>, vector<16xi32>,
    %add3A_64 = arith.constant 5600 : i32
    %add3A_65 = vector.broadcast %add3A_64 : i32 to vector<16xi32>
    %add3A_66 = arith.addi %mul3A_9, %add3A_65 : vector<16xi32>
    %gather3A_67 = tpu.vector_load_idx %arg5[%add3A_66] : memref<25600xi32, #tpu.memory_space<vmem>>[vector<16xi32>], vector<16xi32>,
    %swap3A_68 = arith.constant 0 : i32
    %swap3A_69 = arith.index_cast %swap3A_68 : i32 to index
    %swap3A_70 = arith.constant 112 : index
    %swap3A_71 = tpu.vector_load %arg6[%swap3A_69, %swap3A_70] {strides = array<i32>} : memref<2x512xi32, #tpu.memory_space<vmem>>, vector<16xi32>,
    tpu.vector_store %arg6[%swap3A_69, %swap3A_70], %gather3A_67 {strides = array<i32>} : memref<2x512xi32, #tpu.memory_space<vmem>>, vector<16xi32>,
    %add3A_72 = arith.constant 6400 : i32
    %add3A_73 = vector.broadcast %add3A_72 : i32 to vector<16xi32>
    %add3A_74 = arith.addi %mul3A_9, %add3A_73 : vector<16xi32>
    %gather3A_75 = tpu.vector_load_idx %arg5[%add3A_74] : memref<25600xi32, #tpu.memory_space<vmem>>[vector<16xi32>], vector<16xi32>,
    %swap3A_76 = arith.constant 0 : i32
    %swap3A_77 = arith.index_cast %swap3A_76 : i32 to index
    %swap3A_78 = arith.constant 128 : index
    %swap3A_79 = tpu.vector_load %arg6[%swap3A_77, %swap3A_78] {strides = array<i32>} : memref<2x512xi32, #tpu.memory_space<vmem>>, vector<16xi32>,
    tpu.vector_store %arg6[%swap3A_77, %swap3A_78], %gather3A_75 {strides = array<i32>} : memref<2x512xi32, #tpu.memory_space<vmem>>, vector<16xi32>,
    %add3A_80 = arith.constant 7200 : i32
    %add3A_81 = vector.broadcast %add3A_80 : i32 to vector<16xi32>
    %add3A_82 = arith.addi %mul3A_9, %add3A_81 : vector<16xi32>
    %gather3A_83 = tpu.vector_load_idx %arg5[%add3A_82] : memref<25600xi32, #tpu.memory_space<vmem>>[vector<16xi32>], vector<16xi32>,
    %swap3A_84 = arith.constant 0 : i32
    %swap3A_85 = arith.index_cast %swap3A_84 : i32 to index
    %swap3A_86 = arith.constant 144 : index
    %swap3A_87 = tpu.vector_load %arg6[%swap3A_85, %swap3A_86] {strides = array<i32>} : memref<2x512xi32, #tpu.memory_space<vmem>>, vector<16xi32>,
    tpu.vector_store %arg6[%swap3A_85, %swap3A_86], %gather3A_83 {strides = array<i32>} : memref<2x512xi32, #tpu.memory_space<vmem>>, vector<16xi32>,
    %add3A_88 = arith.constant 8000 : i32
    %add3A_89 = vector.broadcast %add3A_88 : i32 to vector<16xi32>
    %add3A_90 = arith.addi %mul3A_9, %add3A_89 : vector<16xi32>
    %gather3A_91 = tpu.vector_load_idx %arg5[%add3A_90] : memref<25600xi32, #tpu.memory_space<vmem>>[vector<16xi32>], vector<16xi32>,
    %swap3A_92 = arith.constant 0 : i32
    %swap3A_93 = arith.index_cast %swap3A_92 : i32 to index
    %swap3A_94 = arith.constant 160 : index
    %swap3A_95 = tpu.vector_load %arg6[%swap3A_93, %swap3A_94] {strides = array<i32>} : memref<2x512xi32, #tpu.memory_space<vmem>>, vector<16xi32>,
    tpu.vector_store %arg6[%swap3A_93, %swap3A_94], %gather3A_91 {strides = array<i32>} : memref<2x512xi32, #tpu.memory_space<vmem>>, vector<16xi32>,
    %add3A_96 = arith.constant 8800 : i32
    %add3A_97 = vector.broadcast %add3A_96 : i32 to vector<16xi32>
    %add3A_98 = arith.addi %mul3A_9, %add3A_97 : vector<16xi32>
    %gather3A_99 = tpu.vector_load_idx %arg5[%add3A_98] : memref<25600xi32, #tpu.memory_space<vmem>>[vector<16xi32>], vector<16xi32>,
    %swap3A_100 = arith.constant 0 : i32
    %swap3A_101 = arith.index_cast %swap3A_100 : i32 to index
    %swap3A_102 = arith.constant 176 : index
    %swap3A_103 = tpu.vector_load %arg6[%swap3A_101, %swap3A_102] {strides = array<i32>} : memref<2x512xi32, #tpu.memory_space<vmem>>, vector<16xi32>,
    tpu.vector_store %arg6[%swap3A_101, %swap3A_102], %gather3A_99 {strides = array<i32>} : memref<2x512xi32, #tpu.memory_space<vmem>>, vector<16xi32>,
    %add3A_104 = arith.constant 9600 : i32
    %add3A_105 = vector.broadcast %add3A_104 : i32 to vector<16xi32>
    %add3A_106 = arith.addi %mul3A_9, %add3A_105 : vector<16xi32>
    %gather3A_107 = tpu.vector_load_idx %arg5[%add3A_106] : memref<25600xi32, #tpu.memory_space<vmem>>[vector<16xi32>], vector<16xi32>,
    %swap3A_108 = arith.constant 0 : i32
    %swap3A_109 = arith.index_cast %swap3A_108 : i32 to index
    %swap3A_110 = arith.constant 192 : index
    %swap3A_111 = tpu.vector_load %arg6[%swap3A_109, %swap3A_110] {strides = array<i32>} : memref<2x512xi32, #tpu.memory_space<vmem>>, vector<16xi32>,
    tpu.vector_store %arg6[%swap3A_109, %swap3A_110], %gather3A_107 {strides = array<i32>} : memref<2x512xi32, #tpu.memory_space<vmem>>, vector<16xi32>,
    %add3A_112 = arith.constant 10400 : i32
    %add3A_113 = vector.broadcast %add3A_112 : i32 to vector<16xi32>
    %add3A_114 = arith.addi %mul3A_9, %add3A_113 : vector<16xi32>
    %gather3A_115 = tpu.vector_load_idx %arg5[%add3A_114] : memref<25600xi32, #tpu.memory_space<vmem>>[vector<16xi32>], vector<16xi32>,
    %swap3A_116 = arith.constant 0 : i32
    %swap3A_117 = arith.index_cast %swap3A_116 : i32 to index
    %swap3A_118 = arith.constant 208 : index
    %swap3A_119 = tpu.vector_load %arg6[%swap3A_117, %swap3A_118] {strides = array<i32>} : memref<2x512xi32, #tpu.memory_space<vmem>>, vector<16xi32>,
    tpu.vector_store %arg6[%swap3A_117, %swap3A_118], %gather3A_115 {strides = array<i32>} : memref<2x512xi32, #tpu.memory_space<vmem>>, vector<16xi32>,
    %add3A_120 = arith.constant 11200 : i32
    %add3A_121 = vector.broadcast %add3A_120 : i32 to vector<16xi32>
    %add3A_122 = arith.addi %mul3A_9, %add3A_121 : vector<16xi32>
    %gather3A_123 = tpu.vector_load_idx %arg5[%add3A_122] : memref<25600xi32, #tpu.memory_space<vmem>>[vector<16xi32>], vector<16xi32>,
    %swap3A_124 = arith.constant 0 : i32
    %swap3A_125 = arith.index_cast %swap3A_124 : i32 to index
    %swap3A_126 = arith.constant 224 : index
    %swap3A_127 = tpu.vector_load %arg6[%swap3A_125, %swap3A_126] {strides = array<i32>} : memref<2x512xi32, #tpu.memory_space<vmem>>, vector<16xi32>,
    tpu.vector_store %arg6[%swap3A_125, %swap3A_126], %gather3A_123 {strides = array<i32>} : memref<2x512xi32, #tpu.memory_space<vmem>>, vector<16xi32>,
    %add3A_128 = arith.constant 12000 : i32
    %add3A_129 = vector.broadcast %add3A_128 : i32 to vector<16xi32>
    %add3A_130 = arith.addi %mul3A_9, %add3A_129 : vector<16xi32>
    %gather3A_131 = tpu.vector_load_idx %arg5[%add3A_130] : memref<25600xi32, #tpu.memory_space<vmem>>[vector<16xi32>], vector<16xi32>,
    %swap3A_132 = arith.constant 0 : i32
    %swap3A_133 = arith.index_cast %swap3A_132 : i32 to index
    %swap3A_134 = arith.constant 240 : index
    %swap3A_135 = tpu.vector_load %arg6[%swap3A_133, %swap3A_134] {strides = array<i32>} : memref<2x512xi32, #tpu.memory_space<vmem>>, vector<16xi32>,
    tpu.vector_store %arg6[%swap3A_133, %swap3A_134], %gather3A_131 {strides = array<i32>} : memref<2x512xi32, #tpu.memory_space<vmem>>, vector<16xi32>,
    %add3A_136 = arith.constant 12800 : i32
    %add3A_137 = vector.broadcast %add3A_136 : i32 to vector<16xi32>
    %add3A_138 = arith.addi %mul3A_9, %add3A_137 : vector<16xi32>
    %gather3A_139 = tpu.vector_load_idx %arg5[%add3A_138] : memref<25600xi32, #tpu.memory_space<vmem>>[vector<16xi32>], vector<16xi32>,
    %swap3A_140 = arith.constant 0 : i32
    %swap3A_141 = arith.index_cast %swap3A_140 : i32 to index
    %swap3A_142 = arith.constant 256 : index
    %swap3A_143 = tpu.vector_load %arg6[%swap3A_141, %swap3A_142] {strides = array<i32>} : memref<2x512xi32, #tpu.memory_space<vmem>>, vector<16xi32>,
    tpu.vector_store %arg6[%swap3A_141, %swap3A_142], %gather3A_139 {strides = array<i32>} : memref<2x512xi32, #tpu.memory_space<vmem>>, vector<16xi32>,
    %add3A_144 = arith.constant 13600 : i32
    %add3A_145 = vector.broadcast %add3A_144 : i32 to vector<16xi32>
    %add3A_146 = arith.addi %mul3A_9, %add3A_145 : vector<16xi32>
    %gather3A_147 = tpu.vector_load_idx %arg5[%add3A_146] : memref<25600xi32, #tpu.memory_space<vmem>>[vector<16xi32>], vector<16xi32>,
    %swap3A_148 = arith.constant 0 : i32
    %swap3A_149 = arith.index_cast %swap3A_148 : i32 to index
    %swap3A_150 = arith.constant 272 : index
    %swap3A_151 = tpu.vector_load %arg6[%swap3A_149, %swap3A_150] {strides = array<i32>} : memref<2x512xi32, #tpu.memory_space<vmem>>, vector<16xi32>,
    tpu.vector_store %arg6[%swap3A_149, %swap3A_150], %gather3A_147 {strides = array<i32>} : memref<2x512xi32, #tpu.memory_space<vmem>>, vector<16xi32>,
    %add3A_152 = arith.constant 14400 : i32
    %add3A_153 = vector.broadcast %add3A_152 : i32 to vector<16xi32>
    %add3A_154 = arith.addi %mul3A_9, %add3A_153 : vector<16xi32>
    %gather3A_155 = tpu.vector_load_idx %arg5[%add3A_154] : memref<25600xi32, #tpu.memory_space<vmem>>[vector<16xi32>], vector<16xi32>,
    %swap3A_156 = arith.constant 0 : i32
    %swap3A_157 = arith.index_cast %swap3A_156 : i32 to index
    %swap3A_158 = arith.constant 288 : index
    %swap3A_159 = tpu.vector_load %arg6[%swap3A_157, %swap3A_158] {strides = array<i32>} : memref<2x512xi32, #tpu.memory_space<vmem>>, vector<16xi32>,
    tpu.vector_store %arg6[%swap3A_157, %swap3A_158], %gather3A_155 {strides = array<i32>} : memref<2x512xi32, #tpu.memory_space<vmem>>, vector<16xi32>,
    %add3A_160 = arith.constant 15200 : i32
    %add3A_161 = vector.broadcast %add3A_160 : i32 to vector<16xi32>
    %add3A_162 = arith.addi %mul3A_9, %add3A_161 : vector<16xi32>
    %gather3A_163 = tpu.vector_load_idx %arg5[%add3A_162] : memref<25600xi32, #tpu.memory_space<vmem>>[vector<16xi32>], vector<16xi32>,
    %swap3A_164 = arith.constant 0 : i32
    %swap3A_165 = arith.index_cast %swap3A_164 : i32 to index
    %swap3A_166 = arith.constant 304 : index
    %swap3A_167 = tpu.vector_load %arg6[%swap3A_165, %swap3A_166] {strides = array<i32>} : memref<2x512xi32, #tpu.memory_space<vmem>>, vector<16xi32>,
    tpu.vector_store %arg6[%swap3A_165, %swap3A_166], %gather3A_163 {strides = array<i32>} : memref<2x512xi32, #tpu.memory_space<vmem>>, vector<16xi32>,
    %add3A_168 = arith.constant 16000 : i32
    %add3A_169 = vector.broadcast %add3A_168 : i32 to vector<16xi32>
    %add3A_170 = arith.addi %mul3A_9, %add3A_169 : vector<16xi32>
    %gather3A_171 = tpu.vector_load_idx %arg5[%add3A_170] : memref<25600xi32, #tpu.memory_space<vmem>>[vector<16xi32>], vector<16xi32>,
    %swap3A_172 = arith.constant 0 : i32
    %swap3A_173 = arith.index_cast %swap3A_172 : i32 to index
    %swap3A_174 = arith.constant 320 : index
    %swap3A_175 = tpu.vector_load %arg6[%swap3A_173, %swap3A_174] {strides = array<i32>} : memref<2x512xi32, #tpu.memory_space<vmem>>, vector<16xi32>,
    tpu.vector_store %arg6[%swap3A_173, %swap3A_174], %gather3A_171 {strides = array<i32>} : memref<2x512xi32, #tpu.memory_space<vmem>>, vector<16xi32>,
    %add3A_176 = arith.constant 16800 : i32
    %add3A_177 = vector.broadcast %add3A_176 : i32 to vector<16xi32>
    %add3A_178 = arith.addi %mul3A_9, %add3A_177 : vector<16xi32>
    %gather3A_179 = tpu.vector_load_idx %arg5[%add3A_178] : memref<25600xi32, #tpu.memory_space<vmem>>[vector<16xi32>], vector<16xi32>,
    %swap3A_180 = arith.constant 0 : i32
    %swap3A_181 = arith.index_cast %swap3A_180 : i32 to index
    %swap3A_182 = arith.constant 336 : index
    %swap3A_183 = tpu.vector_load %arg6[%swap3A_181, %swap3A_182] {strides = array<i32>} : memref<2x512xi32, #tpu.memory_space<vmem>>, vector<16xi32>,
    tpu.vector_store %arg6[%swap3A_181, %swap3A_182], %gather3A_179 {strides = array<i32>} : memref<2x512xi32, #tpu.memory_space<vmem>>, vector<16xi32>,
    %add3A_184 = arith.constant 17600 : i32
    %add3A_185 = vector.broadcast %add3A_184 : i32 to vector<16xi32>
    %add3A_186 = arith.addi %mul3A_9, %add3A_185 : vector<16xi32>
    %gather3A_187 = tpu.vector_load_idx %arg5[%add3A_186] : memref<25600xi32, #tpu.memory_space<vmem>>[vector<16xi32>], vector<16xi32>,
    %swap3A_188 = arith.constant 0 : i32
    %swap3A_189 = arith.index_cast %swap3A_188 : i32 to index
    %swap3A_190 = arith.constant 352 : index
    %swap3A_191 = tpu.vector_load %arg6[%swap3A_189, %swap3A_190] {strides = array<i32>} : memref<2x512xi32, #tpu.memory_space<vmem>>, vector<16xi32>,
    tpu.vector_store %arg6[%swap3A_189, %swap3A_190], %gather3A_187 {strides = array<i32>} : memref<2x512xi32, #tpu.memory_space<vmem>>, vector<16xi32>,
    %add3A_192 = arith.constant 18400 : i32
    %add3A_193 = vector.broadcast %add3A_192 : i32 to vector<16xi32>
    %add3A_194 = arith.addi %mul3A_9, %add3A_193 : vector<16xi32>
    %gather3A_195 = tpu.vector_load_idx %arg5[%add3A_194] : memref<25600xi32, #tpu.memory_space<vmem>>[vector<16xi32>], vector<16xi32>,
    %swap3A_196 = arith.constant 0 : i32
    %swap3A_197 = arith.index_cast %swap3A_196 : i32 to index
    %swap3A_198 = arith.constant 368 : index
    %swap3A_199 = tpu.vector_load %arg6[%swap3A_197, %swap3A_198] {strides = array<i32>} : memref<2x512xi32, #tpu.memory_space<vmem>>, vector<16xi32>,
    tpu.vector_store %arg6[%swap3A_197, %swap3A_198], %gather3A_195 {strides = array<i32>} : memref<2x512xi32, #tpu.memory_space<vmem>>, vector<16xi32>,
    %add3A_200 = arith.constant 19200 : i32
    %add3A_201 = vector.broadcast %add3A_200 : i32 to vector<16xi32>
    %add3A_202 = arith.addi %mul3A_9, %add3A_201 : vector<16xi32>
    %gather3A_203 = tpu.vector_load_idx %arg5[%add3A_202] : memref<25600xi32, #tpu.memory_space<vmem>>[vector<16xi32>], vector<16xi32>,
    %swap3A_204 = arith.constant 0 : i32
    %swap3A_205 = arith.index_cast %swap3A_204 : i32 to index
    %swap3A_206 = arith.constant 384 : index
    %swap3A_207 = tpu.vector_load %arg6[%swap3A_205, %swap3A_206] {strides = array<i32>} : memref<2x512xi32, #tpu.memory_space<vmem>>, vector<16xi32>,
    tpu.vector_store %arg6[%swap3A_205, %swap3A_206], %gather3A_203 {strides = array<i32>} : memref<2x512xi32, #tpu.memory_space<vmem>>, vector<16xi32>,
    %add3A_208 = arith.constant 20000 : i32
    %add3A_209 = vector.broadcast %add3A_208 : i32 to vector<16xi32>
    %add3A_210 = arith.addi %mul3A_9, %add3A_209 : vector<16xi32>
    %gather3A_211 = tpu.vector_load_idx %arg5[%add3A_210] : memref<25600xi32, #tpu.memory_space<vmem>>[vector<16xi32>], vector<16xi32>,
    %swap3A_212 = arith.constant 0 : i32
    %swap3A_213 = arith.index_cast %swap3A_212 : i32 to index
    %swap3A_214 = arith.constant 400 : index
    %swap3A_215 = tpu.vector_load %arg6[%swap3A_213, %swap3A_214] {strides = array<i32>} : memref<2x512xi32, #tpu.memory_space<vmem>>, vector<16xi32>,
    tpu.vector_store %arg6[%swap3A_213, %swap3A_214], %gather3A_211 {strides = array<i32>} : memref<2x512xi32, #tpu.memory_space<vmem>>, vector<16xi32>,
    %add3A_216 = arith.constant 20800 : i32
    %add3A_217 = vector.broadcast %add3A_216 : i32 to vector<16xi32>
    %add3A_218 = arith.addi %mul3A_9, %add3A_217 : vector<16xi32>
    %gather3A_219 = tpu.vector_load_idx %arg5[%add3A_218] : memref<25600xi32, #tpu.memory_space<vmem>>[vector<16xi32>], vector<16xi32>,
    %swap3A_220 = arith.constant 0 : i32
    %swap3A_221 = arith.index_cast %swap3A_220 : i32 to index
    %swap3A_222 = arith.constant 416 : index
    %swap3A_223 = tpu.vector_load %arg6[%swap3A_221, %swap3A_222] {strides = array<i32>} : memref<2x512xi32, #tpu.memory_space<vmem>>, vector<16xi32>,
    tpu.vector_store %arg6[%swap3A_221, %swap3A_222], %gather3A_219 {strides = array<i32>} : memref<2x512xi32, #tpu.memory_space<vmem>>, vector<16xi32>,
    %add3A_224 = arith.constant 21600 : i32
    %add3A_225 = vector.broadcast %add3A_224 : i32 to vector<16xi32>
    %add3A_226 = arith.addi %mul3A_9, %add3A_225 : vector<16xi32>
    %gather3A_227 = tpu.vector_load_idx %arg5[%add3A_226] : memref<25600xi32, #tpu.memory_space<vmem>>[vector<16xi32>], vector<16xi32>,
    %swap3A_228 = arith.constant 0 : i32
    %swap3A_229 = arith.index_cast %swap3A_228 : i32 to index
    %swap3A_230 = arith.constant 432 : index
    %swap3A_231 = tpu.vector_load %arg6[%swap3A_229, %swap3A_230] {strides = array<i32>} : memref<2x512xi32, #tpu.memory_space<vmem>>, vector<16xi32>,
    tpu.vector_store %arg6[%swap3A_229, %swap3A_230], %gather3A_227 {strides = array<i32>} : memref<2x512xi32, #tpu.memory_space<vmem>>, vector<16xi32>,
    %add3A_232 = arith.constant 22400 : i32
    %add3A_233 = vector.broadcast %add3A_232 : i32 to vector<16xi32>
    %add3A_234 = arith.addi %mul3A_9, %add3A_233 : vector<16xi32>
    %gather3A_235 = tpu.vector_load_idx %arg5[%add3A_234] : memref<25600xi32, #tpu.memory_space<vmem>>[vector<16xi32>], vector<16xi32>,
    %swap3A_236 = arith.constant 0 : i32
    %swap3A_237 = arith.index_cast %swap3A_236 : i32 to index
    %swap3A_238 = arith.constant 448 : index
    %swap3A_239 = tpu.vector_load %arg6[%swap3A_237, %swap3A_238] {strides = array<i32>} : memref<2x512xi32, #tpu.memory_space<vmem>>, vector<16xi32>,
    tpu.vector_store %arg6[%swap3A_237, %swap3A_238], %gather3A_235 {strides = array<i32>} : memref<2x512xi32, #tpu.memory_space<vmem>>, vector<16xi32>,
    %add3A_240 = arith.constant 23200 : i32
    %add3A_241 = vector.broadcast %add3A_240 : i32 to vector<16xi32>
    %add3A_242 = arith.addi %mul3A_9, %add3A_241 : vector<16xi32>
    %gather3A_243 = tpu.vector_load_idx %arg5[%add3A_242] : memref<25600xi32, #tpu.memory_space<vmem>>[vector<16xi32>], vector<16xi32>,
    %swap3A_244 = arith.constant 0 : i32
    %swap3A_245 = arith.index_cast %swap3A_244 : i32 to index
    %swap3A_246 = arith.constant 464 : index
    %swap3A_247 = tpu.vector_load %arg6[%swap3A_245, %swap3A_246] {strides = array<i32>} : memref<2x512xi32, #tpu.memory_space<vmem>>, vector<16xi32>,
    tpu.vector_store %arg6[%swap3A_245, %swap3A_246], %gather3A_243 {strides = array<i32>} : memref<2x512xi32, #tpu.memory_space<vmem>>, vector<16xi32>,
    %add3A_248 = arith.constant 24000 : i32
    %add3A_249 = vector.broadcast %add3A_248 : i32 to vector<16xi32>
    %add3A_250 = arith.addi %mul3A_9, %add3A_249 : vector<16xi32>
    %gather3A_251 = tpu.vector_load_idx %arg5[%add3A_250] : memref<25600xi32, #tpu.memory_space<vmem>>[vector<16xi32>], vector<16xi32>,
    %swap3A_252 = arith.constant 0 : i32
    %swap3A_253 = arith.index_cast %swap3A_252 : i32 to index
    %swap3A_254 = arith.constant 480 : index
    %swap3A_255 = tpu.vector_load %arg6[%swap3A_253, %swap3A_254] {strides = array<i32>} : memref<2x512xi32, #tpu.memory_space<vmem>>, vector<16xi32>,
    tpu.vector_store %arg6[%swap3A_253, %swap3A_254], %gather3A_251 {strides = array<i32>} : memref<2x512xi32, #tpu.memory_space<vmem>>, vector<16xi32>,
    %add3A_256 = arith.constant 24800 : i32
    %add3A_257 = vector.broadcast %add3A_256 : i32 to vector<16xi32>
    %add3A_258 = arith.addi %mul3A_9, %add3A_257 : vector<16xi32>
    %gather3A_259 = tpu.vector_load_idx %arg5[%add3A_258] : memref<25600xi32, #tpu.memory_space<vmem>>[vector<16xi32>], vector<16xi32>,
    %swap3A_260 = arith.constant 0 : i32
    %swap3A_261 = arith.index_cast %swap3A_260 : i32 to index
    %swap3A_262 = arith.constant 496 : index
    %swap3A_263 = tpu.vector_load %arg6[%swap3A_261, %swap3A_262] {strides = array<i32>} : memref<2x512xi32, #tpu.memory_space<vmem>>, vector<16xi32>,
    tpu.vector_store %arg6[%swap3A_261, %swap3A_262], %gather3A_259 {strides = array<i32>} : memref<2x512xi32, #tpu.memory_space<vmem>>, vector<16xi32>,
    %dma_start3A_264 = arith.constant 0 : i32
    %dma_start3A_265 = arith.constant 0 : i32
    %dma_start3A_266 = arith.constant 0 : i32
    %dma_start3A_267 = arith.constant 0 : i32
    %dma_start3A_268 = arith.constant 0 : i32
    %dma_start3A_269 = tpu.memref_slice %arg7[%dma_start3A_265, %dma_start3A_267, %dma_start3A_268] : memref<2x512x32xf32, #tpu.memory_space<vmem>> -> memref<1x512x32xf32, #tpu.memory_space<vmem>>
    %dma_start3A_270 = tpu.memref_squeeze %dma_start3A_269 : memref<1x512x32xf32, #tpu.memory_space<vmem>> -> memref<512x32xf32, #tpu.memory_space<vmem>>
    %dma_start3A_271 = arith.constant 0 : i32
    %dma_start3A_272 = tpu.memref_slice %arg6[%dma_start3A_264, %dma_start3A_271] : memref<2x512xi32, #tpu.memory_space<vmem>> -> memref<1x512xi32, #tpu.memory_space<vmem>>
    %dma_start3A_273 = tpu.memref_squeeze %dma_start3A_272 : memref<1x512xi32, #tpu.memory_space<vmem>> -> memref<512xi32, #tpu.memory_space<vmem>>
    %dma_start3A_274 = arith.constant 0 : i32
    %dma_start3A_275 = arith.constant 0 : i32
    %dma_start3A_276 = tpu.memref_slice %arg3[%dma_start3A_274, %dma_start3A_275] : memref<1000000x32xf32, #tpu.memory_space<hbm>> -> memref<1000000x32xf32, #tpu.memory_space<hbm>>
    %dma_start3A_277 = tpu.memref_slice %arg10[%dma_start3A_266] : memref<2x!tpu.dma_semaphore, #tpu.memory_space<semaphore_mem>> -> memref<1x!tpu.dma_semaphore, #tpu.memory_space<semaphore_mem>>
    %dma_start3A_278 = tpu.memref_squeeze %dma_start3A_277 : memref<1x!tpu.dma_semaphore, #tpu.memory_space<semaphore_mem>> -> memref<!tpu.dma_semaphore, #tpu.memory_space<semaphore_mem>>
    tpu.enqueue_indirect_dma source(%dma_start3A_276 : memref<1000000x32xf32, #tpu.memory_space<hbm>>) target(%dma_start3A_270 : memref<512x32xf32, #tpu.memory_space<vmem>>) offsets(%dma_start3A_273 : memref<512xi32, #tpu.memory_space<vmem>>) semaphore(%dma_start3A_278 : memref<!tpu.dma_semaphore, #tpu.memory_space<semaphore_mem>>)
    %scan3A = arith.constant 0 : i32
    %scan3A_279 = arith.constant 0 : i32
    %scan3A_280 = arith.constant 25 : i32
    %scan3A_281 = arith.addi %scan3A_279, %scan3A_280 : i32
    %scan3A_282 = arith.constant 1 : i32
    scf.for %scan3A_436 = %scan3A_279 to %scan3A_281 step %scan3A_282  : i32 {
      %mul3A_437 = arith.constant 2 : i32
      %mul3A_438 = arith.muli %scan3A_436, %mul3A_437 : i32
      %add3A_439 = arith.constant 0 : i32
      %add3A_440 = arith.addi %mul3A_438, %add3A_439 : i32
      %dma_wait3A_441 = arith.constant 0 : i32
      %dma_wait3A_442 = arith.constant 0 : i32
      %dma_wait3A_443 = arith.constant 0 : i32
      %dma_wait3A_444 = arith.constant 0 : i32
      %dma_wait3A_445 = arith.constant 0 : i32
      %dma_wait3A_446 = tpu.memref_slice %arg7[%dma_wait3A_442, %dma_wait3A_444, %dma_wait3A_445] : memref<2x512x32xf32, #tpu.memory_space<vmem>> -> memref<1x512x32xf32, #tpu.memory_space<vmem>>
      %dma_wait3A_447 = tpu.memref_squeeze %dma_wait3A_446 : memref<1x512x32xf32, #tpu.memory_space<vmem>> -> memref<512x32xf32, #tpu.memory_space<vmem>>
      %dma_wait3A_448 = arith.constant 0 : i32
      %dma_wait3A_449 = tpu.memref_slice %arg6[%dma_wait3A_441, %dma_wait3A_448] : memref<2x512xi32, #tpu.memory_space<vmem>> -> memref<1x512xi32, #tpu.memory_space<vmem>>
      %dma_wait3A_450 = tpu.memref_squeeze %dma_wait3A_449 : memref<1x512xi32, #tpu.memory_space<vmem>> -> memref<512xi32, #tpu.memory_space<vmem>>
      %dma_wait3A_451 = arith.constant 0 : i32
      %dma_wait3A_452 = arith.constant 0 : i32
      %dma_wait3A_453 = tpu.memref_slice %arg3[%dma_wait3A_451, %dma_wait3A_452] : memref<1000000x32xf32, #tpu.memory_space<hbm>> -> memref<1000000x32xf32, #tpu.memory_space<hbm>>
      %dma_wait3A_454 = tpu.memref_slice %arg10[%dma_wait3A_443] : memref<2x!tpu.dma_semaphore, #tpu.memory_space<semaphore_mem>> -> memref<1x!tpu.dma_semaphore, #tpu.memory_space<semaphore_mem>>
      %dma_wait3A_455 = tpu.memref_squeeze %dma_wait3A_454 : memref<1x!tpu.dma_semaphore, #tpu.memory_space<semaphore_mem>> -> memref<!tpu.dma_semaphore, #tpu.memory_space<semaphore_mem>>
      tpu.wait_indirect_dma semaphore(%dma_wait3A_455 : memref<!tpu.dma_semaphore, #tpu.memory_space<semaphore_mem>>) src(%dma_wait3A_453 : memref<1000000x32xf32, #tpu.memory_space<hbm>>) dst(%dma_wait3A_447 : memref<512x32xf32, #tpu.memory_space<vmem>>)
      %add3A_456 = arith.constant 1 : i32
      %add3A_457 = arith.addi %add3A_440, %add3A_456 : i32
      %lt3A = arith.constant 50 : i32
      %lt3A_458 = arith.cmpi slt, %add3A_457, %lt3A : i32
      %convert_element_type3A = arith.extui %lt3A_458 : i1 to i32
      %cond3A = arith.constant 0 : i32
      %cond3A_459 = arith.cmpi ne, %convert_element_type3A, %cond3A : i32
      scf.if %cond3A_459 {
        %add3A_692 = arith.constant 1 : i32
        %add3A_693 = arith.addi %add3A_440, %add3A_692 : i32
        %iota3A_694 = tpu.iota {dimensions = array<i32: 0>} : vector<16xi32>
        %mul3A_695 = arith.constant 50 : i32
        %mul3A_696 = vector.broadcast %mul3A_695 : i32 to vector<16xi32>
        %mul3A_697 = arith.muli %iota3A_694, %mul3A_696 : vector<16xi32>
        %add3A_698 = arith.constant 0 : i32
        %add3A_699 = arith.addi %add3A_698, %add3A_693 : i32
        %add3A_700 = vector.broadcast %add3A_699 : i32 to vector<16xi32>
        %add3A_701 = arith.addi %mul3A_697, %add3A_700 : vector<16xi32>
        %gather3A_702 = tpu.vector_load_idx %arg5[%add3A_701] : memref<25600xi32, #tpu.memory_space<vmem>>[vector<16xi32>], vector<16xi32>,
        %swap3A_703 = arith.constant 1 : i32
        %swap3A_704 = arith.index_cast %swap3A_703 : i32 to index
        %swap3A_705 = arith.constant 0 : index
        %swap3A_706 = tpu.vector_load %arg6[%swap3A_704, %swap3A_705] {strides = array<i32>} : memref<2x512xi32, #tpu.memory_space<vmem>>, vector<16xi32>,
        tpu.vector_store %arg6[%swap3A_704, %swap3A_705], %gather3A_702 {strides = array<i32>} : memref<2x512xi32, #tpu.memory_space<vmem>>, vector<16xi32>,
        %add3A_707 = arith.constant 800 : i32
        %add3A_708 = arith.addi %add3A_707, %add3A_693 : i32
        %add3A_709 = vector.broadcast %add3A_708 : i32 to vector<16xi32>
        %add3A_710 = arith.addi %mul3A_697, %add3A_709 : vector<16xi32>
        %gather3A_711 = tpu.vector_load_idx %arg5[%add3A_710] : memref<25600xi32, #tpu.memory_space<vmem>>[vector<16xi32>], vector<16xi32>,
        %swap3A_712 = arith.constant 1 : i32
        %swap3A_713 = arith.index_cast %swap3A_712 : i32 to index
        %swap3A_714 = arith.constant 16 : index
        %swap3A_715 = tpu.vector_load %arg6[%swap3A_713, %swap3A_714] {strides = array<i32>} : memref<2x512xi32, #tpu.memory_space<vmem>>, vector<16xi32>,
        tpu.vector_store %arg6[%swap3A_713, %swap3A_714], %gather3A_711 {strides = array<i32>} : memref<2x512xi32, #tpu.memory_space<vmem>>, vector<16xi32>,
        %add3A_716 = arith.constant 1600 : i32
        %add3A_717 = arith.addi %add3A_716, %add3A_693 : i32
        %add3A_718 = vector.broadcast %add3A_717 : i32 to vector<16xi32>
        %add3A_719 = arith.addi %mul3A_697, %add3A_718 : vector<16xi32>
        %gather3A_720 = tpu.vector_load_idx %arg5[%add3A_719] : memref<25600xi32, #tpu.memory_space<vmem>>[vector<16xi32>], vector<16xi32>,
        %swap3A_721 = arith.constant 1 : i32
        %swap3A_722 = arith.index_cast %swap3A_721 : i32 to index
        %swap3A_723 = arith.constant 32 : index
        %swap3A_724 = tpu.vector_load %arg6[%swap3A_722, %swap3A_723] {strides = array<i32>} : memref<2x512xi32, #tpu.memory_space<vmem>>, vector<16xi32>,
        tpu.vector_store %arg6[%swap3A_722, %swap3A_723], %gather3A_720 {strides = array<i32>} : memref<2x512xi32, #tpu.memory_space<vmem>>, vector<16xi32>,
        %add3A_725 = arith.constant 2400 : i32
        %add3A_726 = arith.addi %add3A_725, %add3A_693 : i32
        %add3A_727 = vector.broadcast %add3A_726 : i32 to vector<16xi32>
        %add3A_728 = arith.addi %mul3A_697, %add3A_727 : vector<16xi32>
        %gather3A_729 = tpu.vector_load_idx %arg5[%add3A_728] : memref<25600xi32, #tpu.memory_space<vmem>>[vector<16xi32>], vector<16xi32>,
        %swap3A_730 = arith.constant 1 : i32
        %swap3A_731 = arith.index_cast %swap3A_730 : i32 to index
        %swap3A_732 = arith.constant 48 : index
        %swap3A_733 = tpu.vector_load %arg6[%swap3A_731, %swap3A_732] {strides = array<i32>} : memref<2x512xi32, #tpu.memory_space<vmem>>, vector<16xi32>,
        tpu.vector_store %arg6[%swap3A_731, %swap3A_732], %gather3A_729 {strides = array<i32>} : memref<2x512xi32, #tpu.memory_space<vmem>>, vector<16xi32>,
        %add3A_734 = arith.constant 3200 : i32
        %add3A_735 = arith.addi %add3A_734, %add3A_693 : i32
        %add3A_736 = vector.broadcast %add3A_735 : i32 to vector<16xi32>
        %add3A_737 = arith.addi %mul3A_697, %add3A_736 : vector<16xi32>
        %gather3A_738 = tpu.vector_load_idx %arg5[%add3A_737] : memref<25600xi32, #tpu.memory_space<vmem>>[vector<16xi32>], vector<16xi32>,
        %swap3A_739 = arith.constant 1 : i32
        %swap3A_740 = arith.index_cast %swap3A_739 : i32 to index
        %swap3A_741 = arith.constant 64 : index
        %swap3A_742 = tpu.vector_load %arg6[%swap3A_740, %swap3A_741] {strides = array<i32>} : memref<2x512xi32, #tpu.memory_space<vmem>>, vector<16xi32>,
        tpu.vector_store %arg6[%swap3A_740, %swap3A_741], %gather3A_738 {strides = array<i32>} : memref<2x512xi32, #tpu.memory_space<vmem>>, vector<16xi32>,
        %add3A_743 = arith.constant 4000 : i32
        %add3A_744 = arith.addi %add3A_743, %add3A_693 : i32
        %add3A_745 = vector.broadcast %add3A_744 : i32 to vector<16xi32>
        %add3A_746 = arith.addi %mul3A_697, %add3A_745 : vector<16xi32>
        %gather3A_747 = tpu.vector_load_idx %arg5[%add3A_746] : memref<25600xi32, #tpu.memory_space<vmem>>[vector<16xi32>], vector<16xi32>,
        %swap3A_748 = arith.constant 1 : i32
        %swap3A_749 = arith.index_cast %swap3A_748 : i32 to index
        %swap3A_750 = arith.constant 80 : index
        %swap3A_751 = tpu.vector_load %arg6[%swap3A_749, %swap3A_750] {strides = array<i32>} : memref<2x512xi32, #tpu.memory_space<vmem>>, vector<16xi32>,
        tpu.vector_store %arg6[%swap3A_749, %swap3A_750], %gather3A_747 {strides = array<i32>} : memref<2x512xi32, #tpu.memory_space<vmem>>, vector<16xi32>,
        %add3A_752 = arith.constant 4800 : i32
        %add3A_753 = arith.addi %add3A_752, %add3A_693 : i32
        %add3A_754 = vector.broadcast %add3A_753 : i32 to vector<16xi32>
        %add3A_755 = arith.addi %mul3A_697, %add3A_754 : vector<16xi32>
        %gather3A_756 = tpu.vector_load_idx %arg5[%add3A_755] : memref<25600xi32, #tpu.memory_space<vmem>>[vector<16xi32>], vector<16xi32>,
        %swap3A_757 = arith.constant 1 : i32
        %swap3A_758 = arith.index_cast %swap3A_757 : i32 to index
        %swap3A_759 = arith.constant 96 : index
        %swap3A_760 = tpu.vector_load %arg6[%swap3A_758, %swap3A_759] {strides = array<i32>} : memref<2x512xi32, #tpu.memory_space<vmem>>, vector<16xi32>,
        tpu.vector_store %arg6[%swap3A_758, %swap3A_759], %gather3A_756 {strides = array<i32>} : memref<2x512xi32, #tpu.memory_space<vmem>>, vector<16xi32>,
        %add3A_761 = arith.constant 5600 : i32
        %add3A_762 = arith.addi %add3A_761, %add3A_693 : i32
        %add3A_763 = vector.broadcast %add3A_762 : i32 to vector<16xi32>
        %add3A_764 = arith.addi %mul3A_697, %add3A_763 : vector<16xi32>
        %gather3A_765 = tpu.vector_load_idx %arg5[%add3A_764] : memref<25600xi32, #tpu.memory_space<vmem>>[vector<16xi32>], vector<16xi32>,
        %swap3A_766 = arith.constant 1 : i32
        %swap3A_767 = arith.index_cast %swap3A_766 : i32 to index
        %swap3A_768 = arith.constant 112 : index
        %swap3A_769 = tpu.vector_load %arg6[%swap3A_767, %swap3A_768] {strides = array<i32>} : memref<2x512xi32, #tpu.memory_space<vmem>>, vector<16xi32>,
        tpu.vector_store %arg6[%swap3A_767, %swap3A_768], %gather3A_765 {strides = array<i32>} : memref<2x512xi32, #tpu.memory_space<vmem>>, vector<16xi32>,
        %add3A_770 = arith.constant 6400 : i32
        %add3A_771 = arith.addi %add3A_770, %add3A_693 : i32
        %add3A_772 = vector.broadcast %add3A_771 : i32 to vector<16xi32>
        %add3A_773 = arith.addi %mul3A_697, %add3A_772 : vector<16xi32>
        %gather3A_774 = tpu.vector_load_idx %arg5[%add3A_773] : memref<25600xi32, #tpu.memory_space<vmem>>[vector<16xi32>], vector<16xi32>,
        %swap3A_775 = arith.constant 1 : i32
        %swap3A_776 = arith.index_cast %swap3A_775 : i32 to index
        %swap3A_777 = arith.constant 128 : index
        %swap3A_778 = tpu.vector_load %arg6[%swap3A_776, %swap3A_777] {strides = array<i32>} : memref<2x512xi32, #tpu.memory_space<vmem>>, vector<16xi32>,
        tpu.vector_store %arg6[%swap3A_776, %swap3A_777], %gather3A_774 {strides = array<i32>} : memref<2x512xi32, #tpu.memory_space<vmem>>, vector<16xi32>,
        %add3A_779 = arith.constant 7200 : i32
        %add3A_780 = arith.addi %add3A_779, %add3A_693 : i32
        %add3A_781 = vector.broadcast %add3A_780 : i32 to vector<16xi32>
        %add3A_782 = arith.addi %mul3A_697, %add3A_781 : vector<16xi32>
        %gather3A_783 = tpu.vector_load_idx %arg5[%add3A_782] : memref<25600xi32, #tpu.memory_space<vmem>>[vector<16xi32>], vector<16xi32>,
        %swap3A_784 = arith.constant 1 : i32
        %swap3A_785 = arith.index_cast %swap3A_784 : i32 to index
        %swap3A_786 = arith.constant 144 : index
        %swap3A_787 = tpu.vector_load %arg6[%swap3A_785, %swap3A_786] {strides = array<i32>} : memref<2x512xi32, #tpu.memory_space<vmem>>, vector<16xi32>,
        tpu.vector_store %arg6[%swap3A_785, %swap3A_786], %gather3A_783 {strides = array<i32>} : memref<2x512xi32, #tpu.memory_space<vmem>>, vector<16xi32>,
        %add3A_788 = arith.constant 8000 : i32
        %add3A_789 = arith.addi %add3A_788, %add3A_693 : i32
        %add3A_790 = vector.broadcast %add3A_789 : i32 to vector<16xi32>
        %add3A_791 = arith.addi %mul3A_697, %add3A_790 : vector<16xi32>
        %gather3A_792 = tpu.vector_load_idx %arg5[%add3A_791] : memref<25600xi32, #tpu.memory_space<vmem>>[vector<16xi32>], vector<16xi32>,
        %swap3A_793 = arith.constant 1 : i32
        %swap3A_794 = arith.index_cast %swap3A_793 : i32 to index
        %swap3A_795 = arith.constant 160 : index
        %swap3A_796 = tpu.vector_load %arg6[%swap3A_794, %swap3A_795] {strides = array<i32>} : memref<2x512xi32, #tpu.memory_space<vmem>>, vector<16xi32>,
        tpu.vector_store %arg6[%swap3A_794, %swap3A_795], %gather3A_792 {strides = array<i32>} : memref<2x512xi32, #tpu.memory_space<vmem>>, vector<16xi32>,
        %add3A_797 = arith.constant 8800 : i32
        %add3A_798 = arith.addi %add3A_797, %add3A_693 : i32
        %add3A_799 = vector.broadcast %add3A_798 : i32 to vector<16xi32>
        %add3A_800 = arith.addi %mul3A_697, %add3A_799 : vector<16xi32>
        %gather3A_801 = tpu.vector_load_idx %arg5[%add3A_800] : memref<25600xi32, #tpu.memory_space<vmem>>[vector<16xi32>], vector<16xi32>,
        %swap3A_802 = arith.constant 1 : i32
        %swap3A_803 = arith.index_cast %swap3A_802 : i32 to index
        %swap3A_804 = arith.constant 176 : index
        %swap3A_805 = tpu.vector_load %arg6[%swap3A_803, %swap3A_804] {strides = array<i32>} : memref<2x512xi32, #tpu.memory_space<vmem>>, vector<16xi32>,
        tpu.vector_store %arg6[%swap3A_803, %swap3A_804], %gather3A_801 {strides = array<i32>} : memref<2x512xi32, #tpu.memory_space<vmem>>, vector<16xi32>,
        %add3A_806 = arith.constant 9600 : i32
        %add3A_807 = arith.addi %add3A_806, %add3A_693 : i32
        %add3A_808 = vector.broadcast %add3A_807 : i32 to vector<16xi32>
        %add3A_809 = arith.addi %mul3A_697, %add3A_808 : vector<16xi32>
        %gather3A_810 = tpu.vector_load_idx %arg5[%add3A_809] : memref<25600xi32, #tpu.memory_space<vmem>>[vector<16xi32>], vector<16xi32>,
        %swap3A_811 = arith.constant 1 : i32
        %swap3A_812 = arith.index_cast %swap3A_811 : i32 to index
        %swap3A_813 = arith.constant 192 : index
        %swap3A_814 = tpu.vector_load %arg6[%swap3A_812, %swap3A_813] {strides = array<i32>} : memref<2x512xi32, #tpu.memory_space<vmem>>, vector<16xi32>,
        tpu.vector_store %arg6[%swap3A_812, %swap3A_813], %gather3A_810 {strides = array<i32>} : memref<2x512xi32, #tpu.memory_space<vmem>>, vector<16xi32>,
        %add3A_815 = arith.constant 10400 : i32
        %add3A_816 = arith.addi %add3A_815, %add3A_693 : i32
        %add3A_817 = vector.broadcast %add3A_816 : i32 to vector<16xi32>
        %add3A_818 = arith.addi %mul3A_697, %add3A_817 : vector<16xi32>
        %gather3A_819 = tpu.vector_load_idx %arg5[%add3A_818] : memref<25600xi32, #tpu.memory_space<vmem>>[vector<16xi32>], vector<16xi32>,
        %swap3A_820 = arith.constant 1 : i32
        %swap3A_821 = arith.index_cast %swap3A_820 : i32 to index
        %swap3A_822 = arith.constant 208 : index
        %swap3A_823 = tpu.vector_load %arg6[%swap3A_821, %swap3A_822] {strides = array<i32>} : memref<2x512xi32, #tpu.memory_space<vmem>>, vector<16xi32>,
        tpu.vector_store %arg6[%swap3A_821, %swap3A_822], %gather3A_819 {strides = array<i32>} : memref<2x512xi32, #tpu.memory_space<vmem>>, vector<16xi32>,
        %add3A_824 = arith.constant 11200 : i32
        %add3A_825 = arith.addi %add3A_824, %add3A_693 : i32
        %add3A_826 = vector.broadcast %add3A_825 : i32 to vector<16xi32>
        %add3A_827 = arith.addi %mul3A_697, %add3A_826 : vector<16xi32>
        %gather3A_828 = tpu.vector_load_idx %arg5[%add3A_827] : memref<25600xi32, #tpu.memory_space<vmem>>[vector<16xi32>], vector<16xi32>,
        %swap3A_829 = arith.constant 1 : i32
        %swap3A_830 = arith.index_cast %swap3A_829 : i32 to index
        %swap3A_831 = arith.constant 224 : index
        %swap3A_832 = tpu.vector_load %arg6[%swap3A_830, %swap3A_831] {strides = array<i32>} : memref<2x512xi32, #tpu.memory_space<vmem>>, vector<16xi32>,
        tpu.vector_store %arg6[%swap3A_830, %swap3A_831], %gather3A_828 {strides = array<i32>} : memref<2x512xi32, #tpu.memory_space<vmem>>, vector<16xi32>,
        %add3A_833 = arith.constant 12000 : i32
        %add3A_834 = arith.addi %add3A_833, %add3A_693 : i32
        %add3A_835 = vector.broadcast %add3A_834 : i32 to vector<16xi32>
        %add3A_836 = arith.addi %mul3A_697, %add3A_835 : vector<16xi32>
        %gather3A_837 = tpu.vector_load_idx %arg5[%add3A_836] : memref<25600xi32, #tpu.memory_space<vmem>>[vector<16xi32>], vector<16xi32>,
        %swap3A_838 = arith.constant 1 : i32
        %swap3A_839 = arith.index_cast %swap3A_838 : i32 to index
        %swap3A_840 = arith.constant 240 : index
        %swap3A_841 = tpu.vector_load %arg6[%swap3A_839, %swap3A_840] {strides = array<i32>} : memref<2x512xi32, #tpu.memory_space<vmem>>, vector<16xi32>,
        tpu.vector_store %arg6[%swap3A_839, %swap3A_840], %gather3A_837 {strides = array<i32>} : memref<2x512xi32, #tpu.memory_space<vmem>>, vector<16xi32>,
        %add3A_842 = arith.constant 12800 : i32
        %add3A_843 = arith.addi %add3A_842, %add3A_693 : i32
        %add3A_844 = vector.broadcast %add3A_843 : i32 to vector<16xi32>
        %add3A_845 = arith.addi %mul3A_697, %add3A_844 : vector<16xi32>
        %gather3A_846 = tpu.vector_load_idx %arg5[%add3A_845] : memref<25600xi32, #tpu.memory_space<vmem>>[vector<16xi32>], vector<16xi32>,
        %swap3A_847 = arith.constant 1 : i32
        %swap3A_848 = arith.index_cast %swap3A_847 : i32 to index
        %swap3A_849 = arith.constant 256 : index
        %swap3A_850 = tpu.vector_load %arg6[%swap3A_848, %swap3A_849] {strides = array<i32>} : memref<2x512xi32, #tpu.memory_space<vmem>>, vector<16xi32>,
        tpu.vector_store %arg6[%swap3A_848, %swap3A_849], %gather3A_846 {strides = array<i32>} : memref<2x512xi32, #tpu.memory_space<vmem>>, vector<16xi32>,
        %add3A_851 = arith.constant 13600 : i32
        %add3A_852 = arith.addi %add3A_851, %add3A_693 : i32
        %add3A_853 = vector.broadcast %add3A_852 : i32 to vector<16xi32>
        %add3A_854 = arith.addi %mul3A_697, %add3A_853 : vector<16xi32>
        %gather3A_855 = tpu.vector_load_idx %arg5[%add3A_854] : memref<25600xi32, #tpu.memory_space<vmem>>[vector<16xi32>], vector<16xi32>,
        %swap3A_856 = arith.constant 1 : i32
        %swap3A_857 = arith.index_cast %swap3A_856 : i32 to index
        %swap3A_858 = arith.constant 272 : index
        %swap3A_859 = tpu.vector_load %arg6[%swap3A_857, %swap3A_858] {strides = array<i32>} : memref<2x512xi32, #tpu.memory_space<vmem>>, vector<16xi32>,
        tpu.vector_store %arg6[%swap3A_857, %swap3A_858], %gather3A_855 {strides = array<i32>} : memref<2x512xi32, #tpu.memory_space<vmem>>, vector<16xi32>,
        %add3A_860 = arith.constant 14400 : i32
        %add3A_861 = arith.addi %add3A_860, %add3A_693 : i32
        %add3A_862 = vector.broadcast %add3A_861 : i32 to vector<16xi32>
        %add3A_863 = arith.addi %mul3A_697, %add3A_862 : vector<16xi32>
        %gather3A_864 = tpu.vector_load_idx %arg5[%add3A_863] : memref<25600xi32, #tpu.memory_space<vmem>>[vector<16xi32>], vector<16xi32>,
        %swap3A_865 = arith.constant 1 : i32
        %swap3A_866 = arith.index_cast %swap3A_865 : i32 to index
        %swap3A_867 = arith.constant 288 : index
        %swap3A_868 = tpu.vector_load %arg6[%swap3A_866, %swap3A_867] {strides = array<i32>} : memref<2x512xi32, #tpu.memory_space<vmem>>, vector<16xi32>,
        tpu.vector_store %arg6[%swap3A_866, %swap3A_867], %gather3A_864 {strides = array<i32>} : memref<2x512xi32, #tpu.memory_space<vmem>>, vector<16xi32>,
        %add3A_869 = arith.constant 15200 : i32
        %add3A_870 = arith.addi %add3A_869, %add3A_693 : i32
        %add3A_871 = vector.broadcast %add3A_870 : i32 to vector<16xi32>
        %add3A_872 = arith.addi %mul3A_697, %add3A_871 : vector<16xi32>
        %gather3A_873 = tpu.vector_load_idx %arg5[%add3A_872] : memref<25600xi32, #tpu.memory_space<vmem>>[vector<16xi32>], vector<16xi32>,
        %swap3A_874 = arith.constant 1 : i32
        %swap3A_875 = arith.index_cast %swap3A_874 : i32 to index
        %swap3A_876 = arith.constant 304 : index
        %swap3A_877 = tpu.vector_load %arg6[%swap3A_875, %swap3A_876] {strides = array<i32>} : memref<2x512xi32, #tpu.memory_space<vmem>>, vector<16xi32>,
        tpu.vector_store %arg6[%swap3A_875, %swap3A_876], %gather3A_873 {strides = array<i32>} : memref<2x512xi32, #tpu.memory_space<vmem>>, vector<16xi32>,
        %add3A_878 = arith.constant 16000 : i32
        %add3A_879 = arith.addi %add3A_878, %add3A_693 : i32
        %add3A_880 = vector.broadcast %add3A_879 : i32 to vector<16xi32>
        %add3A_881 = arith.addi %mul3A_697, %add3A_880 : vector<16xi32>
        %gather3A_882 = tpu.vector_load_idx %arg5[%add3A_881] : memref<25600xi32, #tpu.memory_space<vmem>>[vector<16xi32>], vector<16xi32>,
        %swap3A_883 = arith.constant 1 : i32
        %swap3A_884 = arith.index_cast %swap3A_883 : i32 to index
        %swap3A_885 = arith.constant 320 : index
        %swap3A_886 = tpu.vector_load %arg6[%swap3A_884, %swap3A_885] {strides = array<i32>} : memref<2x512xi32, #tpu.memory_space<vmem>>, vector<16xi32>,
        tpu.vector_store %arg6[%swap3A_884, %swap3A_885], %gather3A_882 {strides = array<i32>} : memref<2x512xi32, #tpu.memory_space<vmem>>, vector<16xi32>,
        %add3A_887 = arith.constant 16800 : i32
        %add3A_888 = arith.addi %add3A_887, %add3A_693 : i32
        %add3A_889 = vector.broadcast %add3A_888 : i32 to vector<16xi32>
        %add3A_890 = arith.addi %mul3A_697, %add3A_889 : vector<16xi32>
        %gather3A_891 = tpu.vector_load_idx %arg5[%add3A_890] : memref<25600xi32, #tpu.memory_space<vmem>>[vector<16xi32>], vector<16xi32>,
        %swap3A_892 = arith.constant 1 : i32
        %swap3A_893 = arith.index_cast %swap3A_892 : i32 to index
        %swap3A_894 = arith.constant 336 : index
        %swap3A_895 = tpu.vector_load %arg6[%swap3A_893, %swap3A_894] {strides = array<i32>} : memref<2x512xi32, #tpu.memory_space<vmem>>, vector<16xi32>,
        tpu.vector_store %arg6[%swap3A_893, %swap3A_894], %gather3A_891 {strides = array<i32>} : memref<2x512xi32, #tpu.memory_space<vmem>>, vector<16xi32>,
        %add3A_896 = arith.constant 17600 : i32
        %add3A_897 = arith.addi %add3A_896, %add3A_693 : i32
        %add3A_898 = vector.broadcast %add3A_897 : i32 to vector<16xi32>
        %add3A_899 = arith.addi %mul3A_697, %add3A_898 : vector<16xi32>
        %gather3A_900 = tpu.vector_load_idx %arg5[%add3A_899] : memref<25600xi32, #tpu.memory_space<vmem>>[vector<16xi32>], vector<16xi32>,
        %swap3A_901 = arith.constant 1 : i32
        %swap3A_902 = arith.index_cast %swap3A_901 : i32 to index
        %swap3A_903 = arith.constant 352 : index
        %swap3A_904 = tpu.vector_load %arg6[%swap3A_902, %swap3A_903] {strides = array<i32>} : memref<2x512xi32, #tpu.memory_space<vmem>>, vector<16xi32>,
        tpu.vector_store %arg6[%swap3A_902, %swap3A_903], %gather3A_900 {strides = array<i32>} : memref<2x512xi32, #tpu.memory_space<vmem>>, vector<16xi32>,
        %add3A_905 = arith.constant 18400 : i32
        %add3A_906 = arith.addi %add3A_905, %add3A_693 : i32
        %add3A_907 = vector.broadcast %add3A_906 : i32 to vector<16xi32>
        %add3A_908 = arith.addi %mul3A_697, %add3A_907 : vector<16xi32>
        %gather3A_909 = tpu.vector_load_idx %arg5[%add3A_908] : memref<25600xi32, #tpu.memory_space<vmem>>[vector<16xi32>], vector<16xi32>,
        %swap3A_910 = arith.constant 1 : i32
        %swap3A_911 = arith.index_cast %swap3A_910 : i32 to index
        %swap3A_912 = arith.constant 368 : index
        %swap3A_913 = tpu.vector_load %arg6[%swap3A_911, %swap3A_912] {strides = array<i32>} : memref<2x512xi32, #tpu.memory_space<vmem>>, vector<16xi32>,
        tpu.vector_store %arg6[%swap3A_911, %swap3A_912], %gather3A_909 {strides = array<i32>} : memref<2x512xi32, #tpu.memory_space<vmem>>, vector<16xi32>,
        %add3A_914 = arith.constant 19200 : i32
        %add3A_915 = arith.addi %add3A_914, %add3A_693 : i32
        %add3A_916 = vector.broadcast %add3A_915 : i32 to vector<16xi32>
        %add3A_917 = arith.addi %mul3A_697, %add3A_916 : vector<16xi32>
        %gather3A_918 = tpu.vector_load_idx %arg5[%add3A_917] : memref<25600xi32, #tpu.memory_space<vmem>>[vector<16xi32>], vector<16xi32>,
        %swap3A_919 = arith.constant 1 : i32
        %swap3A_920 = arith.index_cast %swap3A_919 : i32 to index
        %swap3A_921 = arith.constant 384 : index
        %swap3A_922 = tpu.vector_load %arg6[%swap3A_920, %swap3A_921] {strides = array<i32>} : memref<2x512xi32, #tpu.memory_space<vmem>>, vector<16xi32>,
        tpu.vector_store %arg6[%swap3A_920, %swap3A_921], %gather3A_918 {strides = array<i32>} : memref<2x512xi32, #tpu.memory_space<vmem>>, vector<16xi32>,
        %add3A_923 = arith.constant 20000 : i32
        %add3A_924 = arith.addi %add3A_923, %add3A_693 : i32
        %add3A_925 = vector.broadcast %add3A_924 : i32 to vector<16xi32>
        %add3A_926 = arith.addi %mul3A_697, %add3A_925 : vector<16xi32>
        %gather3A_927 = tpu.vector_load_idx %arg5[%add3A_926] : memref<25600xi32, #tpu.memory_space<vmem>>[vector<16xi32>], vector<16xi32>,
        %swap3A_928 = arith.constant 1 : i32
        %swap3A_929 = arith.index_cast %swap3A_928 : i32 to index
        %swap3A_930 = arith.constant 400 : index
        %swap3A_931 = tpu.vector_load %arg6[%swap3A_929, %swap3A_930] {strides = array<i32>} : memref<2x512xi32, #tpu.memory_space<vmem>>, vector<16xi32>,
        tpu.vector_store %arg6[%swap3A_929, %swap3A_930], %gather3A_927 {strides = array<i32>} : memref<2x512xi32, #tpu.memory_space<vmem>>, vector<16xi32>,
        %add3A_932 = arith.constant 20800 : i32
        %add3A_933 = arith.addi %add3A_932, %add3A_693 : i32
        %add3A_934 = vector.broadcast %add3A_933 : i32 to vector<16xi32>
        %add3A_935 = arith.addi %mul3A_697, %add3A_934 : vector<16xi32>
        %gather3A_936 = tpu.vector_load_idx %arg5[%add3A_935] : memref<25600xi32, #tpu.memory_space<vmem>>[vector<16xi32>], vector<16xi32>,
        %swap3A_937 = arith.constant 1 : i32
        %swap3A_938 = arith.index_cast %swap3A_937 : i32 to index
        %swap3A_939 = arith.constant 416 : index
        %swap3A_940 = tpu.vector_load %arg6[%swap3A_938, %swap3A_939] {strides = array<i32>} : memref<2x512xi32, #tpu.memory_space<vmem>>, vector<16xi32>,
        tpu.vector_store %arg6[%swap3A_938, %swap3A_939], %gather3A_936 {strides = array<i32>} : memref<2x512xi32, #tpu.memory_space<vmem>>, vector<16xi32>,
        %add3A_941 = arith.constant 21600 : i32
        %add3A_942 = arith.addi %add3A_941, %add3A_693 : i32
        %add3A_943 = vector.broadcast %add3A_942 : i32 to vector<16xi32>
        %add3A_944 = arith.addi %mul3A_697, %add3A_943 : vector<16xi32>
        %gather3A_945 = tpu.vector_load_idx %arg5[%add3A_944] : memref<25600xi32, #tpu.memory_space<vmem>>[vector<16xi32>], vector<16xi32>,
        %swap3A_946 = arith.constant 1 : i32
        %swap3A_947 = arith.index_cast %swap3A_946 : i32 to index
        %swap3A_948 = arith.constant 432 : index
        %swap3A_949 = tpu.vector_load %arg6[%swap3A_947, %swap3A_948] {strides = array<i32>} : memref<2x512xi32, #tpu.memory_space<vmem>>, vector<16xi32>,
        tpu.vector_store %arg6[%swap3A_947, %swap3A_948], %gather3A_945 {strides = array<i32>} : memref<2x512xi32, #tpu.memory_space<vmem>>, vector<16xi32>,
        %add3A_950 = arith.constant 22400 : i32
        %add3A_951 = arith.addi %add3A_950, %add3A_693 : i32
        %add3A_952 = vector.broadcast %add3A_951 : i32 to vector<16xi32>
        %add3A_953 = arith.addi %mul3A_697, %add3A_952 : vector<16xi32>
        %gather3A_954 = tpu.vector_load_idx %arg5[%add3A_953] : memref<25600xi32, #tpu.memory_space<vmem>>[vector<16xi32>], vector<16xi32>,
        %swap3A_955 = arith.constant 1 : i32
        %swap3A_956 = arith.index_cast %swap3A_955 : i32 to index
        %swap3A_957 = arith.constant 448 : index
        %swap3A_958 = tpu.vector_load %arg6[%swap3A_956, %swap3A_957] {strides = array<i32>} : memref<2x512xi32, #tpu.memory_space<vmem>>, vector<16xi32>,
        tpu.vector_store %arg6[%swap3A_956, %swap3A_957], %gather3A_954 {strides = array<i32>} : memref<2x512xi32, #tpu.memory_space<vmem>>, vector<16xi32>,
        %add3A_959 = arith.constant 23200 : i32
        %add3A_960 = arith.addi %add3A_959, %add3A_693 : i32
        %add3A_961 = vector.broadcast %add3A_960 : i32 to vector<16xi32>
        %add3A_962 = arith.addi %mul3A_697, %add3A_961 : vector<16xi32>
        %gather3A_963 = tpu.vector_load_idx %arg5[%add3A_962] : memref<25600xi32, #tpu.memory_space<vmem>>[vector<16xi32>], vector<16xi32>,
        %swap3A_964 = arith.constant 1 : i32
        %swap3A_965 = arith.index_cast %swap3A_964 : i32 to index
        %swap3A_966 = arith.constant 464 : index
        %swap3A_967 = tpu.vector_load %arg6[%swap3A_965, %swap3A_966] {strides = array<i32>} : memref<2x512xi32, #tpu.memory_space<vmem>>, vector<16xi32>,
        tpu.vector_store %arg6[%swap3A_965, %swap3A_966], %gather3A_963 {strides = array<i32>} : memref<2x512xi32, #tpu.memory_space<vmem>>, vector<16xi32>,
        %add3A_968 = arith.constant 24000 : i32
        %add3A_969 = arith.addi %add3A_968, %add3A_693 : i32
        %add3A_970 = vector.broadcast %add3A_969 : i32 to vector<16xi32>
        %add3A_971 = arith.addi %mul3A_697, %add3A_970 : vector<16xi32>
        %gather3A_972 = tpu.vector_load_idx %arg5[%add3A_971] : memref<25600xi32, #tpu.memory_space<vmem>>[vector<16xi32>], vector<16xi32>,
        %swap3A_973 = arith.constant 1 : i32
        %swap3A_974 = arith.index_cast %swap3A_973 : i32 to index
        %swap3A_975 = arith.constant 480 : index
        %swap3A_976 = tpu.vector_load %arg6[%swap3A_974, %swap3A_975] {strides = array<i32>} : memref<2x512xi32, #tpu.memory_space<vmem>>, vector<16xi32>,
        tpu.vector_store %arg6[%swap3A_974, %swap3A_975], %gather3A_972 {strides = array<i32>} : memref<2x512xi32, #tpu.memory_space<vmem>>, vector<16xi32>,
        %add3A_977 = arith.constant 24800 : i32
        %add3A_978 = arith.addi %add3A_977, %add3A_693 : i32
        %add3A_979 = vector.broadcast %add3A_978 : i32 to vector<16xi32>
        %add3A_980 = arith.addi %mul3A_697, %add3A_979 : vector<16xi32>
        %gather3A_981 = tpu.vector_load_idx %arg5[%add3A_980] : memref<25600xi32, #tpu.memory_space<vmem>>[vector<16xi32>], vector<16xi32>,
        %swap3A_982 = arith.constant 1 : i32
        %swap3A_983 = arith.index_cast %swap3A_982 : i32 to index
        %swap3A_984 = arith.constant 496 : index
        %swap3A_985 = tpu.vector_load %arg6[%swap3A_983, %swap3A_984] {strides = array<i32>} : memref<2x512xi32, #tpu.memory_space<vmem>>, vector<16xi32>,
        tpu.vector_store %arg6[%swap3A_983, %swap3A_984], %gather3A_981 {strides = array<i32>} : memref<2x512xi32, #tpu.memory_space<vmem>>, vector<16xi32>,
        %add3A_986 = arith.constant 1 : i32
        %add3A_987 = arith.addi %add3A_440, %add3A_986 : i32
        %dma_start3A_988 = arith.constant 1 : i32
        %dma_start3A_989 = arith.constant 1 : i32
        %dma_start3A_990 = arith.constant 1 : i32
        %dma_start3A_991 = arith.constant 0 : i32
        %dma_start3A_992 = arith.constant 0 : i32
        %dma_start3A_993 = tpu.memref_slice %arg7[%dma_start3A_989, %dma_start3A_991, %dma_start3A_992] : memref<2x512x32xf32, #tpu.memory_space<vmem>> -> memref<1x512x32xf32, #tpu.memory_space<vmem>>
        %dma_start3A_994 = tpu.memref_squeeze %dma_start3A_993 : memref<1x512x32xf32, #tpu.memory_space<vmem>> -> memref<512x32xf32, #tpu.memory_space<vmem>>
        %dma_start3A_995 = arith.constant 0 : i32
        %dma_start3A_996 = tpu.memref_slice %arg6[%dma_start3A_988, %dma_start3A_995] : memref<2x512xi32, #tpu.memory_space<vmem>> -> memref<1x512xi32, #tpu.memory_space<vmem>>
        %dma_start3A_997 = tpu.memref_squeeze %dma_start3A_996 : memref<1x512xi32, #tpu.memory_space<vmem>> -> memref<512xi32, #tpu.memory_space<vmem>>
        %dma_start3A_998 = arith.constant 0 : i32
        %dma_start3A_999 = arith.constant 0 : i32
        %dma_start3A_1000 = tpu.memref_slice %arg3[%dma_start3A_998, %dma_start3A_999] : memref<1000000x32xf32, #tpu.memory_space<hbm>> -> memref<1000000x32xf32, #tpu.memory_space<hbm>>
        %dma_start3A_1001 = tpu.memref_slice %arg10[%dma_start3A_990] : memref<2x!tpu.dma_semaphore, #tpu.memory_space<semaphore_mem>> -> memref<1x!tpu.dma_semaphore, #tpu.memory_space<semaphore_mem>>
        %dma_start3A_1002 = tpu.memref_squeeze %dma_start3A_1001 : memref<1x!tpu.dma_semaphore, #tpu.memory_space<semaphore_mem>> -> memref<!tpu.dma_semaphore, #tpu.memory_space<semaphore_mem>>
        tpu.enqueue_indirect_dma source(%dma_start3A_1000 : memref<1000000x32xf32, #tpu.memory_space<hbm>>) target(%dma_start3A_994 : memref<512x32xf32, #tpu.memory_space<vmem>>) offsets(%dma_start3A_997 : memref<512xi32, #tpu.memory_space<vmem>>) semaphore(%dma_start3A_1002 : memref<!tpu.dma_semaphore, #tpu.memory_space<semaphore_mem>>)
      } else {
      }
      %ge3A = arith.constant 2 : i32
      %ge3A_460 = arith.cmpi sge, %add3A_440, %ge3A : i32
      %convert_element_type3A_461 = arith.extui %ge3A_460 : i1 to i32
      %cond3A_462 = arith.constant 0 : i32
      %cond3A_463 = arith.cmpi ne, %convert_element_type3A_461, %cond3A_462 : i32
      scf.if %cond3A_463 {
        %sub3A = arith.constant 2 : i32
        %sub3A_692 = arith.subi %add3A_440, %sub3A : i32
        %mul3A_693 = arith.constant 4 : i32
        %mul3A_694 = arith.muli %sub3A_692, %mul3A_693 : i32
        %add3A_695 = arith.constant 0 : i32
        %add3A_696 = arith.addi %mul3A_694, %add3A_695 : i32
        %mul3A_697 = arith.constant 32 : i32
        %mul3A_698 = arith.muli %add3A_696, %mul3A_697 : i32
        %add3A_699 = arith.addi %mul3A_698, %add3A : i32
        %dma_wait3A_700 = arith.constant 0 : i32
        %dma_wait3A_701 = arith.constant 0 : i32
        %dma_wait3A_702 = arith.constant 0 : i32
        %dma_wait3A_703 = arith.constant 0 : i32
        %dma_wait3A_704 = tpu.memref_slice %arg8[%dma_wait3A_700, %dma_wait3A_701, %dma_wait3A_703] : memref<2x4x4096xf32, #tpu.memory_space<vmem>> -> memref<1x1x4096xf32, #tpu.memory_space<vmem>>
        %dma_wait3A_705 = tpu.memref_squeeze %dma_wait3A_704 : memref<1x1x4096xf32, #tpu.memory_space<vmem>> -> memref<4096xf32, #tpu.memory_space<vmem>>
        %dma_wait3A_706 = arith.constant 0 : i32
        %dma_wait3A_707 = tpu.memref_slice %arg4[%add3A_699, %dma_wait3A_706] : memref<6400x4096xf32, #tpu.memory_space<hbm>> -> memref<1x4096xf32, #tpu.memory_space<hbm>>
        %dma_wait3A_708 = tpu.memref_squeeze %dma_wait3A_707 : memref<1x4096xf32, #tpu.memory_space<hbm>> -> memref<4096xf32, #tpu.memory_space<hbm>>
        %dma_wait3A_709 = tpu.memref_slice %arg11[%dma_wait3A_702] : memref<2x!tpu.dma_semaphore, #tpu.memory_space<semaphore_mem>> -> memref<1x!tpu.dma_semaphore, #tpu.memory_space<semaphore_mem>>
        %dma_wait3A_710 = tpu.memref_squeeze %dma_wait3A_709 : memref<1x!tpu.dma_semaphore, #tpu.memory_space<semaphore_mem>> -> memref<!tpu.dma_semaphore, #tpu.memory_space<semaphore_mem>>
        %dma_wait3A_711 = arith.constant 0 : i32
        %dma_wait3A_712 = tpu.memref_slice %arg4[%add3A_699, %dma_wait3A_711] : memref<6400x4096xf32, #tpu.memory_space<hbm>> -> memref<1x4096xf32, #tpu.memory_space<hbm>>
        %dma_wait3A_713 = tpu.memref_squeeze %dma_wait3A_712 : memref<1x4096xf32, #tpu.memory_space<hbm>> -> memref<4096xf32, #tpu.memory_space<hbm>>
        %dma_wait3A_714 = arith.constant 0 : i32
        %dma_wait3A_715 = tpu.memref_slice %arg8[%dma_wait3A_700, %dma_wait3A_701, %dma_wait3A_714] : memref<2x4x4096xf32, #tpu.memory_space<vmem>> -> memref<1x1x4096xf32, #tpu.memory_space<vmem>>
        %dma_wait3A_716 = tpu.memref_squeeze %dma_wait3A_715 : memref<1x1x4096xf32, #tpu.memory_space<vmem>> -> memref<4096xf32, #tpu.memory_space<vmem>>
        tpu.wait_dma2 semaphore(%dma_wait3A_710 : memref<!tpu.dma_semaphore, #tpu.memory_space<semaphore_mem>>) src(%dma_wait3A_716 : memref<4096xf32, #tpu.memory_space<vmem>>) dst(%dma_wait3A_713 : memref<4096xf32, #tpu.memory_space<hbm>>)
        %mul3A_717 = arith.constant 4 : i32
        %mul3A_718 = arith.muli %sub3A_692, %mul3A_717 : i32
        %add3A_719 = arith.constant 1 : i32
        %add3A_720 = arith.addi %mul3A_718, %add3A_719 : i32
        %mul3A_721 = arith.constant 32 : i32
        %mul3A_722 = arith.muli %add3A_720, %mul3A_721 : i32
        %add3A_723 = arith.addi %mul3A_722, %add3A : i32
        %dma_wait3A_724 = arith.constant 0 : i32
        %dma_wait3A_725 = arith.constant 1 : i32
        %dma_wait3A_726 = arith.constant 0 : i32
        %dma_wait3A_727 = arith.constant 0 : i32
        %dma_wait3A_728 = tpu.memref_slice %arg8[%dma_wait3A_724, %dma_wait3A_725, %dma_wait3A_727] : memref<2x4x4096xf32, #tpu.memory_space<vmem>> -> memref<1x1x4096xf32, #tpu.memory_space<vmem>>
        %dma_wait3A_729 = tpu.memref_squeeze %dma_wait3A_728 : memref<1x1x4096xf32, #tpu.memory_space<vmem>> -> memref<4096xf32, #tpu.memory_space<vmem>>
        %dma_wait3A_730 = arith.constant 0 : i32
        %dma_wait3A_731 = tpu.memref_slice %arg4[%add3A_723, %dma_wait3A_730] : memref<6400x4096xf32, #tpu.memory_space<hbm>> -> memref<1x4096xf32, #tpu.memory_space<hbm>>
        %dma_wait3A_732 = tpu.memref_squeeze %dma_wait3A_731 : memref<1x4096xf32, #tpu.memory_space<hbm>> -> memref<4096xf32, #tpu.memory_space<hbm>>
        %dma_wait3A_733 = tpu.memref_slice %arg11[%dma_wait3A_726] : memref<2x!tpu.dma_semaphore, #tpu.memory_space<semaphore_mem>> -> memref<1x!tpu.dma_semaphore, #tpu.memory_space<semaphore_mem>>
        %dma_wait3A_734 = tpu.memref_squeeze %dma_wait3A_733 : memref<1x!tpu.dma_semaphore, #tpu.memory_space<semaphore_mem>> -> memref<!tpu.dma_semaphore, #tpu.memory_space<semaphore_mem>>
        %dma_wait3A_735 = arith.constant 0 : i32
        %dma_wait3A_736 = tpu.memref_slice %arg4[%add3A_723, %dma_wait3A_735] : memref<6400x4096xf32, #tpu.memory_space<hbm>> -> memref<1x4096xf32, #tpu.memory_space<hbm>>
        %dma_wait3A_737 = tpu.memref_squeeze %dma_wait3A_736 : memref<1x4096xf32, #tpu.memory_space<hbm>> -> memref<4096xf32, #tpu.memory_space<hbm>>
        %dma_wait3A_738 = arith.constant 0 : i32
        %dma_wait3A_739 = tpu.memref_slice %arg8[%dma_wait3A_724, %dma_wait3A_725, %dma_wait3A_738] : memref<2x4x4096xf32, #tpu.memory_space<vmem>> -> memref<1x1x4096xf32, #tpu.memory_space<vmem>>
        %dma_wait3A_740 = tpu.memref_squeeze %dma_wait3A_739 : memref<1x1x4096xf32, #tpu.memory_space<vmem>> -> memref<4096xf32, #tpu.memory_space<vmem>>
        tpu.wait_dma2 semaphore(%dma_wait3A_734 : memref<!tpu.dma_semaphore, #tpu.memory_space<semaphore_mem>>) src(%dma_wait3A_740 : memref<4096xf32, #tpu.memory_space<vmem>>) dst(%dma_wait3A_737 : memref<4096xf32, #tpu.memory_space<hbm>>)
        %mul3A_741 = arith.constant 4 : i32
        %mul3A_742 = arith.muli %sub3A_692, %mul3A_741 : i32
        %add3A_743 = arith.constant 2 : i32
        %add3A_744 = arith.addi %mul3A_742, %add3A_743 : i32
        %mul3A_745 = arith.constant 32 : i32
        %mul3A_746 = arith.muli %add3A_744, %mul3A_745 : i32
        %add3A_747 = arith.addi %mul3A_746, %add3A : i32
        %dma_wait3A_748 = arith.constant 0 : i32
        %dma_wait3A_749 = arith.constant 2 : i32
        %dma_wait3A_750 = arith.constant 0 : i32
        %dma_wait3A_751 = arith.constant 0 : i32
        %dma_wait3A_752 = tpu.memref_slice %arg8[%dma_wait3A_748, %dma_wait3A_749, %dma_wait3A_751] : memref<2x4x4096xf32, #tpu.memory_space<vmem>> -> memref<1x1x4096xf32, #tpu.memory_space<vmem>>
        %dma_wait3A_753 = tpu.memref_squeeze %dma_wait3A_752 : memref<1x1x4096xf32, #tpu.memory_space<vmem>> -> memref<4096xf32, #tpu.memory_space<vmem>>
        %dma_wait3A_754 = arith.constant 0 : i32
        %dma_wait3A_755 = tpu.memref_slice %arg4[%add3A_747, %dma_wait3A_754] : memref<6400x4096xf32, #tpu.memory_space<hbm>> -> memref<1x4096xf32, #tpu.memory_space<hbm>>
        %dma_wait3A_756 = tpu.memref_squeeze %dma_wait3A_755 : memref<1x4096xf32, #tpu.memory_space<hbm>> -> memref<4096xf32, #tpu.memory_space<hbm>>
        %dma_wait3A_757 = tpu.memref_slice %arg11[%dma_wait3A_750] : memref<2x!tpu.dma_semaphore, #tpu.memory_space<semaphore_mem>> -> memref<1x!tpu.dma_semaphore, #tpu.memory_space<semaphore_mem>>
        %dma_wait3A_758 = tpu.memref_squeeze %dma_wait3A_757 : memref<1x!tpu.dma_semaphore, #tpu.memory_space<semaphore_mem>> -> memref<!tpu.dma_semaphore, #tpu.memory_space<semaphore_mem>>
        %dma_wait3A_759 = arith.constant 0 : i32
        %dma_wait3A_760 = tpu.memref_slice %arg4[%add3A_747, %dma_wait3A_759] : memref<6400x4096xf32, #tpu.memory_space<hbm>> -> memref<1x4096xf32, #tpu.memory_space<hbm>>
        %dma_wait3A_761 = tpu.memref_squeeze %dma_wait3A_760 : memref<1x4096xf32, #tpu.memory_space<hbm>> -> memref<4096xf32, #tpu.memory_space<hbm>>
        %dma_wait3A_762 = arith.constant 0 : i32
        %dma_wait3A_763 = tpu.memref_slice %arg8[%dma_wait3A_748, %dma_wait3A_749, %dma_wait3A_762] : memref<2x4x4096xf32, #tpu.memory_space<vmem>> -> memref<1x1x4096xf32, #tpu.memory_space<vmem>>
        %dma_wait3A_764 = tpu.memref_squeeze %dma_wait3A_763 : memref<1x1x4096xf32, #tpu.memory_space<vmem>> -> memref<4096xf32, #tpu.memory_space<vmem>>
        tpu.wait_dma2 semaphore(%dma_wait3A_758 : memref<!tpu.dma_semaphore, #tpu.memory_space<semaphore_mem>>) src(%dma_wait3A_764 : memref<4096xf32, #tpu.memory_space<vmem>>) dst(%dma_wait3A_761 : memref<4096xf32, #tpu.memory_space<hbm>>)
        %mul3A_765 = arith.constant 4 : i32
        %mul3A_766 = arith.muli %sub3A_692, %mul3A_765 : i32
        %add3A_767 = arith.constant 3 : i32
        %add3A_768 = arith.addi %mul3A_766, %add3A_767 : i32
        %mul3A_769 = arith.constant 32 : i32
        %mul3A_770 = arith.muli %add3A_768, %mul3A_769 : i32
        %add3A_771 = arith.addi %mul3A_770, %add3A : i32
        %dma_wait3A_772 = arith.constant 0 : i32
        %dma_wait3A_773 = arith.constant 3 : i32
        %dma_wait3A_774 = arith.constant 0 : i32
        %dma_wait3A_775 = arith.constant 0 : i32
        %dma_wait3A_776 = tpu.memref_slice %arg8[%dma_wait3A_772, %dma_wait3A_773, %dma_wait3A_775] : memref<2x4x4096xf32, #tpu.memory_space<vmem>> -> memref<1x1x4096xf32, #tpu.memory_space<vmem>>
        %dma_wait3A_777 = tpu.memref_squeeze %dma_wait3A_776 : memref<1x1x4096xf32, #tpu.memory_space<vmem>> -> memref<4096xf32, #tpu.memory_space<vmem>>
        %dma_wait3A_778 = arith.constant 0 : i32
        %dma_wait3A_779 = tpu.memref_slice %arg4[%add3A_771, %dma_wait3A_778] : memref<6400x4096xf32, #tpu.memory_space<hbm>> -> memref<1x4096xf32, #tpu.memory_space<hbm>>
        %dma_wait3A_780 = tpu.memref_squeeze %dma_wait3A_779 : memref<1x4096xf32, #tpu.memory_space<hbm>> -> memref<4096xf32, #tpu.memory_space<hbm>>
        %dma_wait3A_781 = tpu.memref_slice %arg11[%dma_wait3A_774] : memref<2x!tpu.dma_semaphore, #tpu.memory_space<semaphore_mem>> -> memref<1x!tpu.dma_semaphore, #tpu.memory_space<semaphore_mem>>
        %dma_wait3A_782 = tpu.memref_squeeze %dma_wait3A_781 : memref<1x!tpu.dma_semaphore, #tpu.memory_space<semaphore_mem>> -> memref<!tpu.dma_semaphore, #tpu.memory_space<semaphore_mem>>
        %dma_wait3A_783 = arith.constant 0 : i32
        %dma_wait3A_784 = tpu.memref_slice %arg4[%add3A_771, %dma_wait3A_783] : memref<6400x4096xf32, #tpu.memory_space<hbm>> -> memref<1x4096xf32, #tpu.memory_space<hbm>>
        %dma_wait3A_785 = tpu.memref_squeeze %dma_wait3A_784 : memref<1x4096xf32, #tpu.memory_space<hbm>> -> memref<4096xf32, #tpu.memory_space<hbm>>
        %dma_wait3A_786 = arith.constant 0 : i32
        %dma_wait3A_787 = tpu.memref_slice %arg8[%dma_wait3A_772, %dma_wait3A_773, %dma_wait3A_786] : memref<2x4x4096xf32, #tpu.memory_space<vmem>> -> memref<1x1x4096xf32, #tpu.memory_space<vmem>>
        %dma_wait3A_788 = tpu.memref_squeeze %dma_wait3A_787 : memref<1x1x4096xf32, #tpu.memory_space<vmem>> -> memref<4096xf32, #tpu.memory_space<vmem>>
        tpu.wait_dma2 semaphore(%dma_wait3A_782 : memref<!tpu.dma_semaphore, #tpu.memory_space<semaphore_mem>>) src(%dma_wait3A_788 : memref<4096xf32, #tpu.memory_space<vmem>>) dst(%dma_wait3A_785 : memref<4096xf32, #tpu.memory_space<hbm>>)
      } else {
      }
      %parallel_loop3A = arith.constant 0 : i32
      %parallel_loop3A_464 = arith.constant 32 : i32
      %parallel_loop3A_465 = arith.constant 1 : i32
      scf.for %parallel_loop3A_692 = %parallel_loop3A to %parallel_loop3A_464 step %parallel_loop3A_465  : i32 {
        %parallel_loop3A_693 = tpu.iota {dimensions = array<i32: 0>} : vector<16xi32>
        %parallel_loop3A_694 = vector.broadcast %parallel_loop3A_692 : i32 to vector<16xi32>
        %parallel_loop3A_695 = arith.constant 8 : i32
        %parallel_loop3A_696 = arith.divsi %parallel_loop3A_692, %parallel_loop3A_695 : i32
        %parallel_loop3A_697 = arith.constant 0 : i32
        %parallel_loop3A_698 = arith.cmpi sgt, %parallel_loop3A_692, %parallel_loop3A_697 : i32
        %parallel_loop3A_699 = arith.extui %parallel_loop3A_698 : i1 to i32
        %parallel_loop3A_700 = arith.constant 0 : i32
        %parallel_loop3A_701 = arith.cmpi slt, %parallel_loop3A_692, %parallel_loop3A_700 : i32
        %parallel_loop3A_702 = arith.extui %parallel_loop3A_701 : i1 to i32
        %parallel_loop3A_703 = arith.subi %parallel_loop3A_699, %parallel_loop3A_702 : i32
        %parallel_loop3A_704 = arith.constant 0 : i32
        %parallel_loop3A_705 = arith.cmpi sgt, %parallel_loop3A_695, %parallel_loop3A_704 : i32
        %parallel_loop3A_706 = arith.extui %parallel_loop3A_705 : i1 to i32
        %parallel_loop3A_707 = arith.constant 0 : i32
        %parallel_loop3A_708 = arith.cmpi slt, %parallel_loop3A_695, %parallel_loop3A_707 : i32
        %parallel_loop3A_709 = arith.extui %parallel_loop3A_708 : i1 to i32
        %parallel_loop3A_710 = arith.subi %parallel_loop3A_706, %parallel_loop3A_709 : i32
        %parallel_loop3A_711 = arith.cmpi ne, %parallel_loop3A_703, %parallel_loop3A_710 : i32
        %parallel_loop3A_712 = arith.remsi %parallel_loop3A_692, %parallel_loop3A_695 : i32
        %parallel_loop3A_713 = arith.constant 0 : i32
        %parallel_loop3A_714 = arith.cmpi ne, %parallel_loop3A_712, %parallel_loop3A_713 : i32
        %parallel_loop3A_715 = arith.andi %parallel_loop3A_711, %parallel_loop3A_714 : i1
        %parallel_loop3A_716 = arith.constant 1 : i32
        %parallel_loop3A_717 = arith.subi %parallel_loop3A_696, %parallel_loop3A_716 : i32
        %parallel_loop3A_718 = arith.select %parallel_loop3A_715, %parallel_loop3A_717, %parallel_loop3A_696 : i32
        %parallel_loop3A_719 = arith.constant 8 : i32
        %parallel_loop3A_720 = arith.constant 0 : i32
        %parallel_loop3A_721 = arith.cmpi eq, %parallel_loop3A_719, %parallel_loop3A_720 : i32
        %parallel_loop3A_722 = arith.constant 1 : i32
        %parallel_loop3A_723 = arith.select %parallel_loop3A_721, %parallel_loop3A_722, %parallel_loop3A_719 : i32
        %parallel_loop3A_724 = arith.remsi %parallel_loop3A_692, %parallel_loop3A_723 : i32
        %parallel_loop3A_725 = arith.constant 0 : i32
        %parallel_loop3A_726 = arith.cmpi ne, %parallel_loop3A_724, %parallel_loop3A_725 : i32
        %parallel_loop3A_727 = arith.constant 0 : i32
        %parallel_loop3A_728 = arith.cmpi slt, %parallel_loop3A_724, %parallel_loop3A_727 : i32
        %parallel_loop3A_729 = arith.constant 0 : i32
        %parallel_loop3A_730 = arith.cmpi slt, %parallel_loop3A_723, %parallel_loop3A_729 : i32
        %parallel_loop3A_731 = arith.xori %parallel_loop3A_728, %parallel_loop3A_730 : i1
        %parallel_loop3A_732 = arith.andi %parallel_loop3A_731, %parallel_loop3A_726 : i1
        %parallel_loop3A_733 = arith.addi %parallel_loop3A_724, %parallel_loop3A_723 : i32
        %parallel_loop3A_734 = arith.select %parallel_loop3A_732, %parallel_loop3A_733, %parallel_loop3A_724 : i32
        %parallel_loop3A_735 = arith.constant 128 : i32
        %parallel_loop3A_736 = arith.muli %parallel_loop3A_734, %parallel_loop3A_735 : i32
        %parallel_loop3A_737 = arith.constant 0 : i32
        %parallel_loop3A_738 = vector.broadcast %parallel_loop3A_737 : i32 to vector<16xi32>
        %parallel_loop3A_739 = arith.addi %parallel_loop3A_693, %parallel_loop3A_738 : vector<16xi32>
        %parallel_loop3A_740 = arith.constant 0 : i32
        %parallel_loop3A_741 = arith.constant 0 : i32
        %parallel_loop3A_742 = arith.constant 0 : i32
        %parallel_loop3A_743 = tpu.memref_slice %arg7[%parallel_loop3A_740, %parallel_loop3A_741, %parallel_loop3A_742] : memref<2x512x32xf32, #tpu.memory_space<vmem>> -> memref<1x512x32xf32, #tpu.memory_space<vmem>>
        %parallel_loop3A_744 = tpu.memref_squeeze %parallel_loop3A_743 : memref<1x512x32xf32, #tpu.memory_space<vmem>> -> memref<512x32xf32, #tpu.memory_space<vmem>>
        %parallel_loop3A_745 = tpu.vector_load_idx %parallel_loop3A_744[%parallel_loop3A_739, %parallel_loop3A_694] : memref<512x32xf32, #tpu.memory_space<vmem>>[vector<16xi32>, vector<16xi32>], vector<16xf32>,
        %parallel_loop3A_746 = arith.constant 0 : i32
        %parallel_loop3A_747 = arith.addi %parallel_loop3A_736, %parallel_loop3A_746 : i32
        %parallel_loop3A_748 = arith.constant 0 : i32
        %parallel_loop3A_749 = arith.index_cast %parallel_loop3A_748 : i32 to index
        %parallel_loop3A_750 = arith.index_cast %parallel_loop3A_718 : i32 to index
        %parallel_loop3A_751 = arith.index_cast %parallel_loop3A_747 : i32 to index
        %parallel_loop3A_752 = tpu.vector_load %arg8[%parallel_loop3A_749, %parallel_loop3A_750, %parallel_loop3A_751] {strides = array<i32>} : memref<2x4x4096xf32, #tpu.memory_space<vmem>>, vector<16xf32>,
        tpu.vector_store %arg8[%parallel_loop3A_749, %parallel_loop3A_750, %parallel_loop3A_751], %parallel_loop3A_745 {strides = array<i32>} : memref<2x4x4096xf32, #tpu.memory_space<vmem>>, vector<16xf32>,
        %parallel_loop3A_753 = arith.constant 16 : i32
        %parallel_loop3A_754 = vector.broadcast %parallel_loop3A_753 : i32 to vector<16xi32>
        %parallel_loop3A_755 = arith.addi %parallel_loop3A_693, %parallel_loop3A_754 : vector<16xi32>
        %parallel_loop3A_756 = arith.constant 0 : i32
        %parallel_loop3A_757 = arith.constant 0 : i32
        %parallel_loop3A_758 = arith.constant 0 : i32
        %parallel_loop3A_759 = tpu.memref_slice %arg7[%parallel_loop3A_756, %parallel_loop3A_757, %parallel_loop3A_758] : memref<2x512x32xf32, #tpu.memory_space<vmem>> -> memref<1x512x32xf32, #tpu.memory_space<vmem>>
        %parallel_loop3A_760 = tpu.memref_squeeze %parallel_loop3A_759 : memref<1x512x32xf32, #tpu.memory_space<vmem>> -> memref<512x32xf32, #tpu.memory_space<vmem>>
        %parallel_loop3A_761 = tpu.vector_load_idx %parallel_loop3A_760[%parallel_loop3A_755, %parallel_loop3A_694] : memref<512x32xf32, #tpu.memory_space<vmem>>[vector<16xi32>, vector<16xi32>], vector<16xf32>,
        %parallel_loop3A_762 = arith.constant 16 : i32
        %parallel_loop3A_763 = arith.addi %parallel_loop3A_736, %parallel_loop3A_762 : i32
        %parallel_loop3A_764 = arith.constant 0 : i32
        %parallel_loop3A_765 = arith.index_cast %parallel_loop3A_764 : i32 to index
        %parallel_loop3A_766 = arith.index_cast %parallel_loop3A_718 : i32 to index
        %parallel_loop3A_767 = arith.index_cast %parallel_loop3A_763 : i32 to index
        %parallel_loop3A_768 = tpu.vector_load %arg8[%parallel_loop3A_765, %parallel_loop3A_766, %parallel_loop3A_767] {strides = array<i32>} : memref<2x4x4096xf32, #tpu.memory_space<vmem>>, vector<16xf32>,
        tpu.vector_store %arg8[%parallel_loop3A_765, %parallel_loop3A_766, %parallel_loop3A_767], %parallel_loop3A_761 {strides = array<i32>} : memref<2x4x4096xf32, #tpu.memory_space<vmem>>, vector<16xf32>,
        %parallel_loop3A_769 = arith.constant 32 : i32
        %parallel_loop3A_770 = vector.broadcast %parallel_loop3A_769 : i32 to vector<16xi32>
        %parallel_loop3A_771 = arith.addi %parallel_loop3A_693, %parallel_loop3A_770 : vector<16xi32>
        %parallel_loop3A_772 = arith.constant 0 : i32
        %parallel_loop3A_773 = arith.constant 0 : i32
        %parallel_loop3A_774 = arith.constant 0 : i32
        %parallel_loop3A_775 = tpu.memref_slice %arg7[%parallel_loop3A_772, %parallel_loop3A_773, %parallel_loop3A_774] : memref<2x512x32xf32, #tpu.memory_space<vmem>> -> memref<1x512x32xf32, #tpu.memory_space<vmem>>
        %parallel_loop3A_776 = tpu.memref_squeeze %parallel_loop3A_775 : memref<1x512x32xf32, #tpu.memory_space<vmem>> -> memref<512x32xf32, #tpu.memory_space<vmem>>
        %parallel_loop3A_777 = tpu.vector_load_idx %parallel_loop3A_776[%parallel_loop3A_771, %parallel_loop3A_694] : memref<512x32xf32, #tpu.memory_space<vmem>>[vector<16xi32>, vector<16xi32>], vector<16xf32>,
        %parallel_loop3A_778 = arith.constant 32 : i32
        %parallel_loop3A_779 = arith.addi %parallel_loop3A_736, %parallel_loop3A_778 : i32
        %parallel_loop3A_780 = arith.constant 0 : i32
        %parallel_loop3A_781 = arith.index_cast %parallel_loop3A_780 : i32 to index
        %parallel_loop3A_782 = arith.index_cast %parallel_loop3A_718 : i32 to index
        %parallel_loop3A_783 = arith.index_cast %parallel_loop3A_779 : i32 to index
        %parallel_loop3A_784 = tpu.vector_load %arg8[%parallel_loop3A_781, %parallel_loop3A_782, %parallel_loop3A_783] {strides = array<i32>} : memref<2x4x4096xf32, #tpu.memory_space<vmem>>, vector<16xf32>,
        tpu.vector_store %arg8[%parallel_loop3A_781, %parallel_loop3A_782, %parallel_loop3A_783], %parallel_loop3A_777 {strides = array<i32>} : memref<2x4x4096xf32, #tpu.memory_space<vmem>>, vector<16xf32>,
        %parallel_loop3A_785 = arith.constant 48 : i32
        %parallel_loop3A_786 = vector.broadcast %parallel_loop3A_785 : i32 to vector<16xi32>
        %parallel_loop3A_787 = arith.addi %parallel_loop3A_693, %parallel_loop3A_786 : vector<16xi32>
        %parallel_loop3A_788 = arith.constant 0 : i32
        %parallel_loop3A_789 = arith.constant 0 : i32
        %parallel_loop3A_790 = arith.constant 0 : i32
        %parallel_loop3A_791 = tpu.memref_slice %arg7[%parallel_loop3A_788, %parallel_loop3A_789, %parallel_loop3A_790] : memref<2x512x32xf32, #tpu.memory_space<vmem>> -> memref<1x512x32xf32, #tpu.memory_space<vmem>>
        %parallel_loop3A_792 = tpu.memref_squeeze %parallel_loop3A_791 : memref<1x512x32xf32, #tpu.memory_space<vmem>> -> memref<512x32xf32, #tpu.memory_space<vmem>>
        %parallel_loop3A_793 = tpu.vector_load_idx %parallel_loop3A_792[%parallel_loop3A_787, %parallel_loop3A_694] : memref<512x32xf32, #tpu.memory_space<vmem>>[vector<16xi32>, vector<16xi32>], vector<16xf32>,
        %parallel_loop3A_794 = arith.constant 48 : i32
        %parallel_loop3A_795 = arith.addi %parallel_loop3A_736, %parallel_loop3A_794 : i32
        %parallel_loop3A_796 = arith.constant 0 : i32
        %parallel_loop3A_797 = arith.index_cast %parallel_loop3A_796 : i32 to index
        %parallel_loop3A_798 = arith.index_cast %parallel_loop3A_718 : i32 to index
        %parallel_loop3A_799 = arith.index_cast %parallel_loop3A_795 : i32 to index
        %parallel_loop3A_800 = tpu.vector_load %arg8[%parallel_loop3A_797, %parallel_loop3A_798, %parallel_loop3A_799] {strides = array<i32>} : memref<2x4x4096xf32, #tpu.memory_space<vmem>>, vector<16xf32>,
        tpu.vector_store %arg8[%parallel_loop3A_797, %parallel_loop3A_798, %parallel_loop3A_799], %parallel_loop3A_793 {strides = array<i32>} : memref<2x4x4096xf32, #tpu.memory_space<vmem>>, vector<16xf32>,
        %parallel_loop3A_801 = arith.constant 64 : i32
        %parallel_loop3A_802 = vector.broadcast %parallel_loop3A_801 : i32 to vector<16xi32>
        %parallel_loop3A_803 = arith.addi %parallel_loop3A_693, %parallel_loop3A_802 : vector<16xi32>
        %parallel_loop3A_804 = arith.constant 0 : i32
        %parallel_loop3A_805 = arith.constant 0 : i32
        %parallel_loop3A_806 = arith.constant 0 : i32
        %parallel_loop3A_807 = tpu.memref_slice %arg7[%parallel_loop3A_804, %parallel_loop3A_805, %parallel_loop3A_806] : memref<2x512x32xf32, #tpu.memory_space<vmem>> -> memref<1x512x32xf32, #tpu.memory_space<vmem>>
        %parallel_loop3A_808 = tpu.memref_squeeze %parallel_loop3A_807 : memref<1x512x32xf32, #tpu.memory_space<vmem>> -> memref<512x32xf32, #tpu.memory_space<vmem>>
        %parallel_loop3A_809 = tpu.vector_load_idx %parallel_loop3A_808[%parallel_loop3A_803, %parallel_loop3A_694] : memref<512x32xf32, #tpu.memory_space<vmem>>[vector<16xi32>, vector<16xi32>], vector<16xf32>,
        %parallel_loop3A_810 = arith.constant 64 : i32
        %parallel_loop3A_811 = arith.addi %parallel_loop3A_736, %parallel_loop3A_810 : i32
        %parallel_loop3A_812 = arith.constant 0 : i32
        %parallel_loop3A_813 = arith.index_cast %parallel_loop3A_812 : i32 to index
        %parallel_loop3A_814 = arith.index_cast %parallel_loop3A_718 : i32 to index
        %parallel_loop3A_815 = arith.index_cast %parallel_loop3A_811 : i32 to index
        %parallel_loop3A_816 = tpu.vector_load %arg8[%parallel_loop3A_813, %parallel_loop3A_814, %parallel_loop3A_815] {strides = array<i32>} : memref<2x4x4096xf32, #tpu.memory_space<vmem>>, vector<16xf32>,
        tpu.vector_store %arg8[%parallel_loop3A_813, %parallel_loop3A_814, %parallel_loop3A_815], %parallel_loop3A_809 {strides = array<i32>} : memref<2x4x4096xf32, #tpu.memory_space<vmem>>, vector<16xf32>,
        %parallel_loop3A_817 = arith.constant 80 : i32
        %parallel_loop3A_818 = vector.broadcast %parallel_loop3A_817 : i32 to vector<16xi32>
        %parallel_loop3A_819 = arith.addi %parallel_loop3A_693, %parallel_loop3A_818 : vector<16xi32>
        %parallel_loop3A_820 = arith.constant 0 : i32
        %parallel_loop3A_821 = arith.constant 0 : i32
        %parallel_loop3A_822 = arith.constant 0 : i32
        %parallel_loop3A_823 = tpu.memref_slice %arg7[%parallel_loop3A_820, %parallel_loop3A_821, %parallel_loop3A_822] : memref<2x512x32xf32, #tpu.memory_space<vmem>> -> memref<1x512x32xf32, #tpu.memory_space<vmem>>
        %parallel_loop3A_824 = tpu.memref_squeeze %parallel_loop3A_823 : memref<1x512x32xf32, #tpu.memory_space<vmem>> -> memref<512x32xf32, #tpu.memory_space<vmem>>
        %parallel_loop3A_825 = tpu.vector_load_idx %parallel_loop3A_824[%parallel_loop3A_819, %parallel_loop3A_694] : memref<512x32xf32, #tpu.memory_space<vmem>>[vector<16xi32>, vector<16xi32>], vector<16xf32>,
        %parallel_loop3A_826 = arith.constant 80 : i32
        %parallel_loop3A_827 = arith.addi %parallel_loop3A_736, %parallel_loop3A_826 : i32
        %parallel_loop3A_828 = arith.constant 0 : i32
        %parallel_loop3A_829 = arith.index_cast %parallel_loop3A_828 : i32 to index
        %parallel_loop3A_830 = arith.index_cast %parallel_loop3A_718 : i32 to index
        %parallel_loop3A_831 = arith.index_cast %parallel_loop3A_827 : i32 to index
        %parallel_loop3A_832 = tpu.vector_load %arg8[%parallel_loop3A_829, %parallel_loop3A_830, %parallel_loop3A_831] {strides = array<i32>} : memref<2x4x4096xf32, #tpu.memory_space<vmem>>, vector<16xf32>,
        tpu.vector_store %arg8[%parallel_loop3A_829, %parallel_loop3A_830, %parallel_loop3A_831], %parallel_loop3A_825 {strides = array<i32>} : memref<2x4x4096xf32, #tpu.memory_space<vmem>>, vector<16xf32>,
        %parallel_loop3A_833 = arith.constant 96 : i32
        %parallel_loop3A_834 = vector.broadcast %parallel_loop3A_833 : i32 to vector<16xi32>
        %parallel_loop3A_835 = arith.addi %parallel_loop3A_693, %parallel_loop3A_834 : vector<16xi32>
        %parallel_loop3A_836 = arith.constant 0 : i32
        %parallel_loop3A_837 = arith.constant 0 : i32
        %parallel_loop3A_838 = arith.constant 0 : i32
        %parallel_loop3A_839 = tpu.memref_slice %arg7[%parallel_loop3A_836, %parallel_loop3A_837, %parallel_loop3A_838] : memref<2x512x32xf32, #tpu.memory_space<vmem>> -> memref<1x512x32xf32, #tpu.memory_space<vmem>>
        %parallel_loop3A_840 = tpu.memref_squeeze %parallel_loop3A_839 : memref<1x512x32xf32, #tpu.memory_space<vmem>> -> memref<512x32xf32, #tpu.memory_space<vmem>>
        %parallel_loop3A_841 = tpu.vector_load_idx %parallel_loop3A_840[%parallel_loop3A_835, %parallel_loop3A_694] : memref<512x32xf32, #tpu.memory_space<vmem>>[vector<16xi32>, vector<16xi32>], vector<16xf32>,
        %parallel_loop3A_842 = arith.constant 96 : i32
        %parallel_loop3A_843 = arith.addi %parallel_loop3A_736, %parallel_loop3A_842 : i32
        %parallel_loop3A_844 = arith.constant 0 : i32
        %parallel_loop3A_845 = arith.index_cast %parallel_loop3A_844 : i32 to index
        %parallel_loop3A_846 = arith.index_cast %parallel_loop3A_718 : i32 to index
        %parallel_loop3A_847 = arith.index_cast %parallel_loop3A_843 : i32 to index
        %parallel_loop3A_848 = tpu.vector_load %arg8[%parallel_loop3A_845, %parallel_loop3A_846, %parallel_loop3A_847] {strides = array<i32>} : memref<2x4x4096xf32, #tpu.memory_space<vmem>>, vector<16xf32>,
        tpu.vector_store %arg8[%parallel_loop3A_845, %parallel_loop3A_846, %parallel_loop3A_847], %parallel_loop3A_841 {strides = array<i32>} : memref<2x4x4096xf32, #tpu.memory_space<vmem>>, vector<16xf32>,
        %parallel_loop3A_849 = arith.constant 112 : i32
        %parallel_loop3A_850 = vector.broadcast %parallel_loop3A_849 : i32 to vector<16xi32>
        %parallel_loop3A_851 = arith.addi %parallel_loop3A_693, %parallel_loop3A_850 : vector<16xi32>
        %parallel_loop3A_852 = arith.constant 0 : i32
        %parallel_loop3A_853 = arith.constant 0 : i32
        %parallel_loop3A_854 = arith.constant 0 : i32
        %parallel_loop3A_855 = tpu.memref_slice %arg7[%parallel_loop3A_852, %parallel_loop3A_853, %parallel_loop3A_854] : memref<2x512x32xf32, #tpu.memory_space<vmem>> -> memref<1x512x32xf32, #tpu.memory_space<vmem>>
        %parallel_loop3A_856 = tpu.memref_squeeze %parallel_loop3A_855 : memref<1x512x32xf32, #tpu.memory_space<vmem>> -> memref<512x32xf32, #tpu.memory_space<vmem>>
        %parallel_loop3A_857 = tpu.vector_load_idx %parallel_loop3A_856[%parallel_loop3A_851, %parallel_loop3A_694] : memref<512x32xf32, #tpu.memory_space<vmem>>[vector<16xi32>, vector<16xi32>], vector<16xf32>,
        %parallel_loop3A_858 = arith.constant 112 : i32
        %parallel_loop3A_859 = arith.addi %parallel_loop3A_736, %parallel_loop3A_858 : i32
        %parallel_loop3A_860 = arith.constant 0 : i32
        %parallel_loop3A_861 = arith.index_cast %parallel_loop3A_860 : i32 to index
        %parallel_loop3A_862 = arith.index_cast %parallel_loop3A_718 : i32 to index
        %parallel_loop3A_863 = arith.index_cast %parallel_loop3A_859 : i32 to index
        %parallel_loop3A_864 = tpu.vector_load %arg8[%parallel_loop3A_861, %parallel_loop3A_862, %parallel_loop3A_863] {strides = array<i32>} : memref<2x4x4096xf32, #tpu.memory_space<vmem>>, vector<16xf32>,
        tpu.vector_store %arg8[%parallel_loop3A_861, %parallel_loop3A_862, %parallel_loop3A_863], %parallel_loop3A_857 {strides = array<i32>} : memref<2x4x4096xf32, #tpu.memory_space<vmem>>, vector<16xf32>,
        %parallel_loop3A_865 = arith.constant 128 : i32
        %parallel_loop3A_866 = vector.broadcast %parallel_loop3A_865 : i32 to vector<16xi32>
        %parallel_loop3A_867 = arith.addi %parallel_loop3A_693, %parallel_loop3A_866 : vector<16xi32>
        %parallel_loop3A_868 = arith.constant 0 : i32
        %parallel_loop3A_869 = arith.constant 0 : i32
        %parallel_loop3A_870 = arith.constant 0 : i32
        %parallel_loop3A_871 = tpu.memref_slice %arg7[%parallel_loop3A_868, %parallel_loop3A_869, %parallel_loop3A_870] : memref<2x512x32xf32, #tpu.memory_space<vmem>> -> memref<1x512x32xf32, #tpu.memory_space<vmem>>
        %parallel_loop3A_872 = tpu.memref_squeeze %parallel_loop3A_871 : memref<1x512x32xf32, #tpu.memory_space<vmem>> -> memref<512x32xf32, #tpu.memory_space<vmem>>
        %parallel_loop3A_873 = tpu.vector_load_idx %parallel_loop3A_872[%parallel_loop3A_867, %parallel_loop3A_694] : memref<512x32xf32, #tpu.memory_space<vmem>>[vector<16xi32>, vector<16xi32>], vector<16xf32>,
        %parallel_loop3A_874 = arith.constant 1024 : i32
        %parallel_loop3A_875 = arith.addi %parallel_loop3A_736, %parallel_loop3A_874 : i32
        %parallel_loop3A_876 = arith.constant 0 : i32
        %parallel_loop3A_877 = arith.index_cast %parallel_loop3A_876 : i32 to index
        %parallel_loop3A_878 = arith.index_cast %parallel_loop3A_718 : i32 to index
        %parallel_loop3A_879 = arith.index_cast %parallel_loop3A_875 : i32 to index
        %parallel_loop3A_880 = tpu.vector_load %arg8[%parallel_loop3A_877, %parallel_loop3A_878, %parallel_loop3A_879] {strides = array<i32>} : memref<2x4x4096xf32, #tpu.memory_space<vmem>>, vector<16xf32>,
        tpu.vector_store %arg8[%parallel_loop3A_877, %parallel_loop3A_878, %parallel_loop3A_879], %parallel_loop3A_873 {strides = array<i32>} : memref<2x4x4096xf32, #tpu.memory_space<vmem>>, vector<16xf32>,
        %parallel_loop3A_881 = arith.constant 144 : i32
        %parallel_loop3A_882 = vector.broadcast %parallel_loop3A_881 : i32 to vector<16xi32>
        %parallel_loop3A_883 = arith.addi %parallel_loop3A_693, %parallel_loop3A_882 : vector<16xi32>
        %parallel_loop3A_884 = arith.constant 0 : i32
        %parallel_loop3A_885 = arith.constant 0 : i32
        %parallel_loop3A_886 = arith.constant 0 : i32
        %parallel_loop3A_887 = tpu.memref_slice %arg7[%parallel_loop3A_884, %parallel_loop3A_885, %parallel_loop3A_886] : memref<2x512x32xf32, #tpu.memory_space<vmem>> -> memref<1x512x32xf32, #tpu.memory_space<vmem>>
        %parallel_loop3A_888 = tpu.memref_squeeze %parallel_loop3A_887 : memref<1x512x32xf32, #tpu.memory_space<vmem>> -> memref<512x32xf32, #tpu.memory_space<vmem>>
        %parallel_loop3A_889 = tpu.vector_load_idx %parallel_loop3A_888[%parallel_loop3A_883, %parallel_loop3A_694] : memref<512x32xf32, #tpu.memory_space<vmem>>[vector<16xi32>, vector<16xi32>], vector<16xf32>,
        %parallel_loop3A_890 = arith.constant 1040 : i32
        %parallel_loop3A_891 = arith.addi %parallel_loop3A_736, %parallel_loop3A_890 : i32
        %parallel_loop3A_892 = arith.constant 0 : i32
        %parallel_loop3A_893 = arith.index_cast %parallel_loop3A_892 : i32 to index
        %parallel_loop3A_894 = arith.index_cast %parallel_loop3A_718 : i32 to index
        %parallel_loop3A_895 = arith.index_cast %parallel_loop3A_891 : i32 to index
        %parallel_loop3A_896 = tpu.vector_load %arg8[%parallel_loop3A_893, %parallel_loop3A_894, %parallel_loop3A_895] {strides = array<i32>} : memref<2x4x4096xf32, #tpu.memory_space<vmem>>, vector<16xf32>,
        tpu.vector_store %arg8[%parallel_loop3A_893, %parallel_loop3A_894, %parallel_loop3A_895], %parallel_loop3A_889 {strides = array<i32>} : memref<2x4x4096xf32, #tpu.memory_space<vmem>>, vector<16xf32>,
        %parallel_loop3A_897 = arith.constant 160 : i32
        %parallel_loop3A_898 = vector.broadcast %parallel_loop3A_897 : i32 to vector<16xi32>
        %parallel_loop3A_899 = arith.addi %parallel_loop3A_693, %parallel_loop3A_898 : vector<16xi32>
        %parallel_loop3A_900 = arith.constant 0 : i32
        %parallel_loop3A_901 = arith.constant 0 : i32
        %parallel_loop3A_902 = arith.constant 0 : i32
        %parallel_loop3A_903 = tpu.memref_slice %arg7[%parallel_loop3A_900, %parallel_loop3A_901, %parallel_loop3A_902] : memref<2x512x32xf32, #tpu.memory_space<vmem>> -> memref<1x512x32xf32, #tpu.memory_space<vmem>>
        %parallel_loop3A_904 = tpu.memref_squeeze %parallel_loop3A_903 : memref<1x512x32xf32, #tpu.memory_space<vmem>> -> memref<512x32xf32, #tpu.memory_space<vmem>>
        %parallel_loop3A_905 = tpu.vector_load_idx %parallel_loop3A_904[%parallel_loop3A_899, %parallel_loop3A_694] : memref<512x32xf32, #tpu.memory_space<vmem>>[vector<16xi32>, vector<16xi32>], vector<16xf32>,
        %parallel_loop3A_906 = arith.constant 1056 : i32
        %parallel_loop3A_907 = arith.addi %parallel_loop3A_736, %parallel_loop3A_906 : i32
        %parallel_loop3A_908 = arith.constant 0 : i32
        %parallel_loop3A_909 = arith.index_cast %parallel_loop3A_908 : i32 to index
        %parallel_loop3A_910 = arith.index_cast %parallel_loop3A_718 : i32 to index
        %parallel_loop3A_911 = arith.index_cast %parallel_loop3A_907 : i32 to index
        %parallel_loop3A_912 = tpu.vector_load %arg8[%parallel_loop3A_909, %parallel_loop3A_910, %parallel_loop3A_911] {strides = array<i32>} : memref<2x4x4096xf32, #tpu.memory_space<vmem>>, vector<16xf32>,
        tpu.vector_store %arg8[%parallel_loop3A_909, %parallel_loop3A_910, %parallel_loop3A_911], %parallel_loop3A_905 {strides = array<i32>} : memref<2x4x4096xf32, #tpu.memory_space<vmem>>, vector<16xf32>,
        %parallel_loop3A_913 = arith.constant 176 : i32
        %parallel_loop3A_914 = vector.broadcast %parallel_loop3A_913 : i32 to vector<16xi32>
        %parallel_loop3A_915 = arith.addi %parallel_loop3A_693, %parallel_loop3A_914 : vector<16xi32>
        %parallel_loop3A_916 = arith.constant 0 : i32
        %parallel_loop3A_917 = arith.constant 0 : i32
        %parallel_loop3A_918 = arith.constant 0 : i32
        %parallel_loop3A_919 = tpu.memref_slice %arg7[%parallel_loop3A_916, %parallel_loop3A_917, %parallel_loop3A_918] : memref<2x512x32xf32, #tpu.memory_space<vmem>> -> memref<1x512x32xf32, #tpu.memory_space<vmem>>
        %parallel_loop3A_920 = tpu.memref_squeeze %parallel_loop3A_919 : memref<1x512x32xf32, #tpu.memory_space<vmem>> -> memref<512x32xf32, #tpu.memory_space<vmem>>
        %parallel_loop3A_921 = tpu.vector_load_idx %parallel_loop3A_920[%parallel_loop3A_915, %parallel_loop3A_694] : memref<512x32xf32, #tpu.memory_space<vmem>>[vector<16xi32>, vector<16xi32>], vector<16xf32>,
        %parallel_loop3A_922 = arith.constant 1072 : i32
        %parallel_loop3A_923 = arith.addi %parallel_loop3A_736, %parallel_loop3A_922 : i32
        %parallel_loop3A_924 = arith.constant 0 : i32
        %parallel_loop3A_925 = arith.index_cast %parallel_loop3A_924 : i32 to index
        %parallel_loop3A_926 = arith.index_cast %parallel_loop3A_718 : i32 to index
        %parallel_loop3A_927 = arith.index_cast %parallel_loop3A_923 : i32 to index
        %parallel_loop3A_928 = tpu.vector_load %arg8[%parallel_loop3A_925, %parallel_loop3A_926, %parallel_loop3A_927] {strides = array<i32>} : memref<2x4x4096xf32, #tpu.memory_space<vmem>>, vector<16xf32>,
        tpu.vector_store %arg8[%parallel_loop3A_925, %parallel_loop3A_926, %parallel_loop3A_927], %parallel_loop3A_921 {strides = array<i32>} : memref<2x4x4096xf32, #tpu.memory_space<vmem>>, vector<16xf32>,
        %parallel_loop3A_929 = arith.constant 192 : i32
        %parallel_loop3A_930 = vector.broadcast %parallel_loop3A_929 : i32 to vector<16xi32>
        %parallel_loop3A_931 = arith.addi %parallel_loop3A_693, %parallel_loop3A_930 : vector<16xi32>
        %parallel_loop3A_932 = arith.constant 0 : i32
        %parallel_loop3A_933 = arith.constant 0 : i32
        %parallel_loop3A_934 = arith.constant 0 : i32
        %parallel_loop3A_935 = tpu.memref_slice %arg7[%parallel_loop3A_932, %parallel_loop3A_933, %parallel_loop3A_934] : memref<2x512x32xf32, #tpu.memory_space<vmem>> -> memref<1x512x32xf32, #tpu.memory_space<vmem>>
        %parallel_loop3A_936 = tpu.memref_squeeze %parallel_loop3A_935 : memref<1x512x32xf32, #tpu.memory_space<vmem>> -> memref<512x32xf32, #tpu.memory_space<vmem>>
        %parallel_loop3A_937 = tpu.vector_load_idx %parallel_loop3A_936[%parallel_loop3A_931, %parallel_loop3A_694] : memref<512x32xf32, #tpu.memory_space<vmem>>[vector<16xi32>, vector<16xi32>], vector<16xf32>,
        %parallel_loop3A_938 = arith.constant 1088 : i32
        %parallel_loop3A_939 = arith.addi %parallel_loop3A_736, %parallel_loop3A_938 : i32
        %parallel_loop3A_940 = arith.constant 0 : i32
        %parallel_loop3A_941 = arith.index_cast %parallel_loop3A_940 : i32 to index
        %parallel_loop3A_942 = arith.index_cast %parallel_loop3A_718 : i32 to index
        %parallel_loop3A_943 = arith.index_cast %parallel_loop3A_939 : i32 to index
        %parallel_loop3A_944 = tpu.vector_load %arg8[%parallel_loop3A_941, %parallel_loop3A_942, %parallel_loop3A_943] {strides = array<i32>} : memref<2x4x4096xf32, #tpu.memory_space<vmem>>, vector<16xf32>,
        tpu.vector_store %arg8[%parallel_loop3A_941, %parallel_loop3A_942, %parallel_loop3A_943], %parallel_loop3A_937 {strides = array<i32>} : memref<2x4x4096xf32, #tpu.memory_space<vmem>>, vector<16xf32>,
        %parallel_loop3A_945 = arith.constant 208 : i32
        %parallel_loop3A_946 = vector.broadcast %parallel_loop3A_945 : i32 to vector<16xi32>
        %parallel_loop3A_947 = arith.addi %parallel_loop3A_693, %parallel_loop3A_946 : vector<16xi32>
        %parallel_loop3A_948 = arith.constant 0 : i32
        %parallel_loop3A_949 = arith.constant 0 : i32
        %parallel_loop3A_950 = arith.constant 0 : i32
        %parallel_loop3A_951 = tpu.memref_slice %arg7[%parallel_loop3A_948, %parallel_loop3A_949, %parallel_loop3A_950] : memref<2x512x32xf32, #tpu.memory_space<vmem>> -> memref<1x512x32xf32, #tpu.memory_space<vmem>>
        %parallel_loop3A_952 = tpu.memref_squeeze %parallel_loop3A_951 : memref<1x512x32xf32, #tpu.memory_space<vmem>> -> memref<512x32xf32, #tpu.memory_space<vmem>>
        %parallel_loop3A_953 = tpu.vector_load_idx %parallel_loop3A_952[%parallel_loop3A_947, %parallel_loop3A_694] : memref<512x32xf32, #tpu.memory_space<vmem>>[vector<16xi32>, vector<16xi32>], vector<16xf32>,
        %parallel_loop3A_954 = arith.constant 1104 : i32
        %parallel_loop3A_955 = arith.addi %parallel_loop3A_736, %parallel_loop3A_954 : i32
        %parallel_loop3A_956 = arith.constant 0 : i32
        %parallel_loop3A_957 = arith.index_cast %parallel_loop3A_956 : i32 to index
        %parallel_loop3A_958 = arith.index_cast %parallel_loop3A_718 : i32 to index
        %parallel_loop3A_959 = arith.index_cast %parallel_loop3A_955 : i32 to index
        %parallel_loop3A_960 = tpu.vector_load %arg8[%parallel_loop3A_957, %parallel_loop3A_958, %parallel_loop3A_959] {strides = array<i32>} : memref<2x4x4096xf32, #tpu.memory_space<vmem>>, vector<16xf32>,
        tpu.vector_store %arg8[%parallel_loop3A_957, %parallel_loop3A_958, %parallel_loop3A_959], %parallel_loop3A_953 {strides = array<i32>} : memref<2x4x4096xf32, #tpu.memory_space<vmem>>, vector<16xf32>,
        %parallel_loop3A_961 = arith.constant 224 : i32
        %parallel_loop3A_962 = vector.broadcast %parallel_loop3A_961 : i32 to vector<16xi32>
        %parallel_loop3A_963 = arith.addi %parallel_loop3A_693, %parallel_loop3A_962 : vector<16xi32>
        %parallel_loop3A_964 = arith.constant 0 : i32
        %parallel_loop3A_965 = arith.constant 0 : i32
        %parallel_loop3A_966 = arith.constant 0 : i32
        %parallel_loop3A_967 = tpu.memref_slice %arg7[%parallel_loop3A_964, %parallel_loop3A_965, %parallel_loop3A_966] : memref<2x512x32xf32, #tpu.memory_space<vmem>> -> memref<1x512x32xf32, #tpu.memory_space<vmem>>
        %parallel_loop3A_968 = tpu.memref_squeeze %parallel_loop3A_967 : memref<1x512x32xf32, #tpu.memory_space<vmem>> -> memref<512x32xf32, #tpu.memory_space<vmem>>
        %parallel_loop3A_969 = tpu.vector_load_idx %parallel_loop3A_968[%parallel_loop3A_963, %parallel_loop3A_694] : memref<512x32xf32, #tpu.memory_space<vmem>>[vector<16xi32>, vector<16xi32>], vector<16xf32>,
        %parallel_loop3A_970 = arith.constant 1120 : i32
        %parallel_loop3A_971 = arith.addi %parallel_loop3A_736, %parallel_loop3A_970 : i32
        %parallel_loop3A_972 = arith.constant 0 : i32
        %parallel_loop3A_973 = arith.index_cast %parallel_loop3A_972 : i32 to index
        %parallel_loop3A_974 = arith.index_cast %parallel_loop3A_718 : i32 to index
        %parallel_loop3A_975 = arith.index_cast %parallel_loop3A_971 : i32 to index
        %parallel_loop3A_976 = tpu.vector_load %arg8[%parallel_loop3A_973, %parallel_loop3A_974, %parallel_loop3A_975] {strides = array<i32>} : memref<2x4x4096xf32, #tpu.memory_space<vmem>>, vector<16xf32>,
        tpu.vector_store %arg8[%parallel_loop3A_973, %parallel_loop3A_974, %parallel_loop3A_975], %parallel_loop3A_969 {strides = array<i32>} : memref<2x4x4096xf32, #tpu.memory_space<vmem>>, vector<16xf32>,
        %parallel_loop3A_977 = arith.constant 240 : i32
        %parallel_loop3A_978 = vector.broadcast %parallel_loop3A_977 : i32 to vector<16xi32>
        %parallel_loop3A_979 = arith.addi %parallel_loop3A_693, %parallel_loop3A_978 : vector<16xi32>
        %parallel_loop3A_980 = arith.constant 0 : i32
        %parallel_loop3A_981 = arith.constant 0 : i32
        %parallel_loop3A_982 = arith.constant 0 : i32
        %parallel_loop3A_983 = tpu.memref_slice %arg7[%parallel_loop3A_980, %parallel_loop3A_981, %parallel_loop3A_982] : memref<2x512x32xf32, #tpu.memory_space<vmem>> -> memref<1x512x32xf32, #tpu.memory_space<vmem>>
        %parallel_loop3A_984 = tpu.memref_squeeze %parallel_loop3A_983 : memref<1x512x32xf32, #tpu.memory_space<vmem>> -> memref<512x32xf32, #tpu.memory_space<vmem>>
        %parallel_loop3A_985 = tpu.vector_load_idx %parallel_loop3A_984[%parallel_loop3A_979, %parallel_loop3A_694] : memref<512x32xf32, #tpu.memory_space<vmem>>[vector<16xi32>, vector<16xi32>], vector<16xf32>,
        %parallel_loop3A_986 = arith.constant 1136 : i32
        %parallel_loop3A_987 = arith.addi %parallel_loop3A_736, %parallel_loop3A_986 : i32
        %parallel_loop3A_988 = arith.constant 0 : i32
        %parallel_loop3A_989 = arith.index_cast %parallel_loop3A_988 : i32 to index
        %parallel_loop3A_990 = arith.index_cast %parallel_loop3A_718 : i32 to index
        %parallel_loop3A_991 = arith.index_cast %parallel_loop3A_987 : i32 to index
        %parallel_loop3A_992 = tpu.vector_load %arg8[%parallel_loop3A_989, %parallel_loop3A_990, %parallel_loop3A_991] {strides = array<i32>} : memref<2x4x4096xf32, #tpu.memory_space<vmem>>, vector<16xf32>,
        tpu.vector_store %arg8[%parallel_loop3A_989, %parallel_loop3A_990, %parallel_loop3A_991], %parallel_loop3A_985 {strides = array<i32>} : memref<2x4x4096xf32, #tpu.memory_space<vmem>>, vector<16xf32>,
        %parallel_loop3A_993 = arith.constant 256 : i32
        %parallel_loop3A_994 = vector.broadcast %parallel_loop3A_993 : i32 to vector<16xi32>
        %parallel_loop3A_995 = arith.addi %parallel_loop3A_693, %parallel_loop3A_994 : vector<16xi32>
        %parallel_loop3A_996 = arith.constant 0 : i32
        %parallel_loop3A_997 = arith.constant 0 : i32
        %parallel_loop3A_998 = arith.constant 0 : i32
        %parallel_loop3A_999 = tpu.memref_slice %arg7[%parallel_loop3A_996, %parallel_loop3A_997, %parallel_loop3A_998] : memref<2x512x32xf32, #tpu.memory_space<vmem>> -> memref<1x512x32xf32, #tpu.memory_space<vmem>>
        %parallel_loop3A_1000 = tpu.memref_squeeze %parallel_loop3A_999 : memref<1x512x32xf32, #tpu.memory_space<vmem>> -> memref<512x32xf32, #tpu.memory_space<vmem>>
        %parallel_loop3A_1001 = tpu.vector_load_idx %parallel_loop3A_1000[%parallel_loop3A_995, %parallel_loop3A_694] : memref<512x32xf32, #tpu.memory_space<vmem>>[vector<16xi32>, vector<16xi32>], vector<16xf32>,
        %parallel_loop3A_1002 = arith.constant 2048 : i32
        %parallel_loop3A_1003 = arith.addi %parallel_loop3A_736, %parallel_loop3A_1002 : i32
        %parallel_loop3A_1004 = arith.constant 0 : i32
        %parallel_loop3A_1005 = arith.index_cast %parallel_loop3A_1004 : i32 to index
        %parallel_loop3A_1006 = arith.index_cast %parallel_loop3A_718 : i32 to index
        %parallel_loop3A_1007 = arith.index_cast %parallel_loop3A_1003 : i32 to index
        %parallel_loop3A_1008 = tpu.vector_load %arg8[%parallel_loop3A_1005, %parallel_loop3A_1006, %parallel_loop3A_1007] {strides = array<i32>} : memref<2x4x4096xf32, #tpu.memory_space<vmem>>, vector<16xf32>,
        tpu.vector_store %arg8[%parallel_loop3A_1005, %parallel_loop3A_1006, %parallel_loop3A_1007], %parallel_loop3A_1001 {strides = array<i32>} : memref<2x4x4096xf32, #tpu.memory_space<vmem>>, vector<16xf32>,
        %parallel_loop3A_1009 = arith.constant 272 : i32
        %parallel_loop3A_1010 = vector.broadcast %parallel_loop3A_1009 : i32 to vector<16xi32>
        %parallel_loop3A_1011 = arith.addi %parallel_loop3A_693, %parallel_loop3A_1010 : vector<16xi32>
        %parallel_loop3A_1012 = arith.constant 0 : i32
        %parallel_loop3A_1013 = arith.constant 0 : i32
        %parallel_loop3A_1014 = arith.constant 0 : i32
        %parallel_loop3A_1015 = tpu.memref_slice %arg7[%parallel_loop3A_1012, %parallel_loop3A_1013, %parallel_loop3A_1014] : memref<2x512x32xf32, #tpu.memory_space<vmem>> -> memref<1x512x32xf32, #tpu.memory_space<vmem>>
        %parallel_loop3A_1016 = tpu.memref_squeeze %parallel_loop3A_1015 : memref<1x512x32xf32, #tpu.memory_space<vmem>> -> memref<512x32xf32, #tpu.memory_space<vmem>>
        %parallel_loop3A_1017 = tpu.vector_load_idx %parallel_loop3A_1016[%parallel_loop3A_1011, %parallel_loop3A_694] : memref<512x32xf32, #tpu.memory_space<vmem>>[vector<16xi32>, vector<16xi32>], vector<16xf32>,
        %parallel_loop3A_1018 = arith.constant 2064 : i32
        %parallel_loop3A_1019 = arith.addi %parallel_loop3A_736, %parallel_loop3A_1018 : i32
        %parallel_loop3A_1020 = arith.constant 0 : i32
        %parallel_loop3A_1021 = arith.index_cast %parallel_loop3A_1020 : i32 to index
        %parallel_loop3A_1022 = arith.index_cast %parallel_loop3A_718 : i32 to index
        %parallel_loop3A_1023 = arith.index_cast %parallel_loop3A_1019 : i32 to index
        %parallel_loop3A_1024 = tpu.vector_load %arg8[%parallel_loop3A_1021, %parallel_loop3A_1022, %parallel_loop3A_1023] {strides = array<i32>} : memref<2x4x4096xf32, #tpu.memory_space<vmem>>, vector<16xf32>,
        tpu.vector_store %arg8[%parallel_loop3A_1021, %parallel_loop3A_1022, %parallel_loop3A_1023], %parallel_loop3A_1017 {strides = array<i32>} : memref<2x4x4096xf32, #tpu.memory_space<vmem>>, vector<16xf32>,
        %parallel_loop3A_1025 = arith.constant 288 : i32
        %parallel_loop3A_1026 = vector.broadcast %parallel_loop3A_1025 : i32 to vector<16xi32>
        %parallel_loop3A_1027 = arith.addi %parallel_loop3A_693, %parallel_loop3A_1026 : vector<16xi32>
        %parallel_loop3A_1028 = arith.constant 0 : i32
        %parallel_loop3A_1029 = arith.constant 0 : i32
        %parallel_loop3A_1030 = arith.constant 0 : i32
        %parallel_loop3A_1031 = tpu.memref_slice %arg7[%parallel_loop3A_1028, %parallel_loop3A_1029, %parallel_loop3A_1030] : memref<2x512x32xf32, #tpu.memory_space<vmem>> -> memref<1x512x32xf32, #tpu.memory_space<vmem>>
        %parallel_loop3A_1032 = tpu.memref_squeeze %parallel_loop3A_1031 : memref<1x512x32xf32, #tpu.memory_space<vmem>> -> memref<512x32xf32, #tpu.memory_space<vmem>>
        %parallel_loop3A_1033 = tpu.vector_load_idx %parallel_loop3A_1032[%parallel_loop3A_1027, %parallel_loop3A_694] : memref<512x32xf32, #tpu.memory_space<vmem>>[vector<16xi32>, vector<16xi32>], vector<16xf32>,
        %parallel_loop3A_1034 = arith.constant 2080 : i32
        %parallel_loop3A_1035 = arith.addi %parallel_loop3A_736, %parallel_loop3A_1034 : i32
        %parallel_loop3A_1036 = arith.constant 0 : i32
        %parallel_loop3A_1037 = arith.index_cast %parallel_loop3A_1036 : i32 to index
        %parallel_loop3A_1038 = arith.index_cast %parallel_loop3A_718 : i32 to index
        %parallel_loop3A_1039 = arith.index_cast %parallel_loop3A_1035 : i32 to index
        %parallel_loop3A_1040 = tpu.vector_load %arg8[%parallel_loop3A_1037, %parallel_loop3A_1038, %parallel_loop3A_1039] {strides = array<i32>} : memref<2x4x4096xf32, #tpu.memory_space<vmem>>, vector<16xf32>,
        tpu.vector_store %arg8[%parallel_loop3A_1037, %parallel_loop3A_1038, %parallel_loop3A_1039], %parallel_loop3A_1033 {strides = array<i32>} : memref<2x4x4096xf32, #tpu.memory_space<vmem>>, vector<16xf32>,
        %parallel_loop3A_1041 = arith.constant 304 : i32
        %parallel_loop3A_1042 = vector.broadcast %parallel_loop3A_1041 : i32 to vector<16xi32>
        %parallel_loop3A_1043 = arith.addi %parallel_loop3A_693, %parallel_loop3A_1042 : vector<16xi32>
        %parallel_loop3A_1044 = arith.constant 0 : i32
        %parallel_loop3A_1045 = arith.constant 0 : i32
        %parallel_loop3A_1046 = arith.constant 0 : i32
        %parallel_loop3A_1047 = tpu.memref_slice %arg7[%parallel_loop3A_1044, %parallel_loop3A_1045, %parallel_loop3A_1046] : memref<2x512x32xf32, #tpu.memory_space<vmem>> -> memref<1x512x32xf32, #tpu.memory_space<vmem>>
        %parallel_loop3A_1048 = tpu.memref_squeeze %parallel_loop3A_1047 : memref<1x512x32xf32, #tpu.memory_space<vmem>> -> memref<512x32xf32, #tpu.memory_space<vmem>>
        %parallel_loop3A_1049 = tpu.vector_load_idx %parallel_loop3A_1048[%parallel_loop3A_1043, %parallel_loop3A_694] : memref<512x32xf32, #tpu.memory_space<vmem>>[vector<16xi32>, vector<16xi32>], vector<16xf32>,
        %parallel_loop3A_1050 = arith.constant 2096 : i32
        %parallel_loop3A_1051 = arith.addi %parallel_loop3A_736, %parallel_loop3A_1050 : i32
        %parallel_loop3A_1052 = arith.constant 0 : i32
        %parallel_loop3A_1053 = arith.index_cast %parallel_loop3A_1052 : i32 to index
        %parallel_loop3A_1054 = arith.index_cast %parallel_loop3A_718 : i32 to index
        %parallel_loop3A_1055 = arith.index_cast %parallel_loop3A_1051 : i32 to index
        %parallel_loop3A_1056 = tpu.vector_load %arg8[%parallel_loop3A_1053, %parallel_loop3A_1054, %parallel_loop3A_1055] {strides = array<i32>} : memref<2x4x4096xf32, #tpu.memory_space<vmem>>, vector<16xf32>,
        tpu.vector_store %arg8[%parallel_loop3A_1053, %parallel_loop3A_1054, %parallel_loop3A_1055], %parallel_loop3A_1049 {strides = array<i32>} : memref<2x4x4096xf32, #tpu.memory_space<vmem>>, vector<16xf32>,
        %parallel_loop3A_1057 = arith.constant 320 : i32
        %parallel_loop3A_1058 = vector.broadcast %parallel_loop3A_1057 : i32 to vector<16xi32>
        %parallel_loop3A_1059 = arith.addi %parallel_loop3A_693, %parallel_loop3A_1058 : vector<16xi32>
        %parallel_loop3A_1060 = arith.constant 0 : i32
        %parallel_loop3A_1061 = arith.constant 0 : i32
        %parallel_loop3A_1062 = arith.constant 0 : i32
        %parallel_loop3A_1063 = tpu.memref_slice %arg7[%parallel_loop3A_1060, %parallel_loop3A_1061, %parallel_loop3A_1062] : memref<2x512x32xf32, #tpu.memory_space<vmem>> -> memref<1x512x32xf32, #tpu.memory_space<vmem>>
        %parallel_loop3A_1064 = tpu.memref_squeeze %parallel_loop3A_1063 : memref<1x512x32xf32, #tpu.memory_space<vmem>> -> memref<512x32xf32, #tpu.memory_space<vmem>>
        %parallel_loop3A_1065 = tpu.vector_load_idx %parallel_loop3A_1064[%parallel_loop3A_1059, %parallel_loop3A_694] : memref<512x32xf32, #tpu.memory_space<vmem>>[vector<16xi32>, vector<16xi32>], vector<16xf32>,
        %parallel_loop3A_1066 = arith.constant 2112 : i32
        %parallel_loop3A_1067 = arith.addi %parallel_loop3A_736, %parallel_loop3A_1066 : i32
        %parallel_loop3A_1068 = arith.constant 0 : i32
        %parallel_loop3A_1069 = arith.index_cast %parallel_loop3A_1068 : i32 to index
        %parallel_loop3A_1070 = arith.index_cast %parallel_loop3A_718 : i32 to index
        %parallel_loop3A_1071 = arith.index_cast %parallel_loop3A_1067 : i32 to index
        %parallel_loop3A_1072 = tpu.vector_load %arg8[%parallel_loop3A_1069, %parallel_loop3A_1070, %parallel_loop3A_1071] {strides = array<i32>} : memref<2x4x4096xf32, #tpu.memory_space<vmem>>, vector<16xf32>,
        tpu.vector_store %arg8[%parallel_loop3A_1069, %parallel_loop3A_1070, %parallel_loop3A_1071], %parallel_loop3A_1065 {strides = array<i32>} : memref<2x4x4096xf32, #tpu.memory_space<vmem>>, vector<16xf32>,
        %parallel_loop3A_1073 = arith.constant 336 : i32
        %parallel_loop3A_1074 = vector.broadcast %parallel_loop3A_1073 : i32 to vector<16xi32>
        %parallel_loop3A_1075 = arith.addi %parallel_loop3A_693, %parallel_loop3A_1074 : vector<16xi32>
        %parallel_loop3A_1076 = arith.constant 0 : i32
        %parallel_loop3A_1077 = arith.constant 0 : i32
        %parallel_loop3A_1078 = arith.constant 0 : i32
        %parallel_loop3A_1079 = tpu.memref_slice %arg7[%parallel_loop3A_1076, %parallel_loop3A_1077, %parallel_loop3A_1078] : memref<2x512x32xf32, #tpu.memory_space<vmem>> -> memref<1x512x32xf32, #tpu.memory_space<vmem>>
        %parallel_loop3A_1080 = tpu.memref_squeeze %parallel_loop3A_1079 : memref<1x512x32xf32, #tpu.memory_space<vmem>> -> memref<512x32xf32, #tpu.memory_space<vmem>>
        %parallel_loop3A_1081 = tpu.vector_load_idx %parallel_loop3A_1080[%parallel_loop3A_1075, %parallel_loop3A_694] : memref<512x32xf32, #tpu.memory_space<vmem>>[vector<16xi32>, vector<16xi32>], vector<16xf32>,
        %parallel_loop3A_1082 = arith.constant 2128 : i32
        %parallel_loop3A_1083 = arith.addi %parallel_loop3A_736, %parallel_loop3A_1082 : i32
        %parallel_loop3A_1084 = arith.constant 0 : i32
        %parallel_loop3A_1085 = arith.index_cast %parallel_loop3A_1084 : i32 to index
        %parallel_loop3A_1086 = arith.index_cast %parallel_loop3A_718 : i32 to index
        %parallel_loop3A_1087 = arith.index_cast %parallel_loop3A_1083 : i32 to index
        %parallel_loop3A_1088 = tpu.vector_load %arg8[%parallel_loop3A_1085, %parallel_loop3A_1086, %parallel_loop3A_1087] {strides = array<i32>} : memref<2x4x4096xf32, #tpu.memory_space<vmem>>, vector<16xf32>,
        tpu.vector_store %arg8[%parallel_loop3A_1085, %parallel_loop3A_1086, %parallel_loop3A_1087], %parallel_loop3A_1081 {strides = array<i32>} : memref<2x4x4096xf32, #tpu.memory_space<vmem>>, vector<16xf32>,
        %parallel_loop3A_1089 = arith.constant 352 : i32
        %parallel_loop3A_1090 = vector.broadcast %parallel_loop3A_1089 : i32 to vector<16xi32>
        %parallel_loop3A_1091 = arith.addi %parallel_loop3A_693, %parallel_loop3A_1090 : vector<16xi32>
        %parallel_loop3A_1092 = arith.constant 0 : i32
        %parallel_loop3A_1093 = arith.constant 0 : i32
        %parallel_loop3A_1094 = arith.constant 0 : i32
        %parallel_loop3A_1095 = tpu.memref_slice %arg7[%parallel_loop3A_1092, %parallel_loop3A_1093, %parallel_loop3A_1094] : memref<2x512x32xf32, #tpu.memory_space<vmem>> -> memref<1x512x32xf32, #tpu.memory_space<vmem>>
        %parallel_loop3A_1096 = tpu.memref_squeeze %parallel_loop3A_1095 : memref<1x512x32xf32, #tpu.memory_space<vmem>> -> memref<512x32xf32, #tpu.memory_space<vmem>>
        %parallel_loop3A_1097 = tpu.vector_load_idx %parallel_loop3A_1096[%parallel_loop3A_1091, %parallel_loop3A_694] : memref<512x32xf32, #tpu.memory_space<vmem>>[vector<16xi32>, vector<16xi32>], vector<16xf32>,
        %parallel_loop3A_1098 = arith.constant 2144 : i32
        %parallel_loop3A_1099 = arith.addi %parallel_loop3A_736, %parallel_loop3A_1098 : i32
        %parallel_loop3A_1100 = arith.constant 0 : i32
        %parallel_loop3A_1101 = arith.index_cast %parallel_loop3A_1100 : i32 to index
        %parallel_loop3A_1102 = arith.index_cast %parallel_loop3A_718 : i32 to index
        %parallel_loop3A_1103 = arith.index_cast %parallel_loop3A_1099 : i32 to index
        %parallel_loop3A_1104 = tpu.vector_load %arg8[%parallel_loop3A_1101, %parallel_loop3A_1102, %parallel_loop3A_1103] {strides = array<i32>} : memref<2x4x4096xf32, #tpu.memory_space<vmem>>, vector<16xf32>,
        tpu.vector_store %arg8[%parallel_loop3A_1101, %parallel_loop3A_1102, %parallel_loop3A_1103], %parallel_loop3A_1097 {strides = array<i32>} : memref<2x4x4096xf32, #tpu.memory_space<vmem>>, vector<16xf32>,
        %parallel_loop3A_1105 = arith.constant 368 : i32
        %parallel_loop3A_1106 = vector.broadcast %parallel_loop3A_1105 : i32 to vector<16xi32>
        %parallel_loop3A_1107 = arith.addi %parallel_loop3A_693, %parallel_loop3A_1106 : vector<16xi32>
        %parallel_loop3A_1108 = arith.constant 0 : i32
        %parallel_loop3A_1109 = arith.constant 0 : i32
        %parallel_loop3A_1110 = arith.constant 0 : i32
        %parallel_loop3A_1111 = tpu.memref_slice %arg7[%parallel_loop3A_1108, %parallel_loop3A_1109, %parallel_loop3A_1110] : memref<2x512x32xf32, #tpu.memory_space<vmem>> -> memref<1x512x32xf32, #tpu.memory_space<vmem>>
        %parallel_loop3A_1112 = tpu.memref_squeeze %parallel_loop3A_1111 : memref<1x512x32xf32, #tpu.memory_space<vmem>> -> memref<512x32xf32, #tpu.memory_space<vmem>>
        %parallel_loop3A_1113 = tpu.vector_load_idx %parallel_loop3A_1112[%parallel_loop3A_1107, %parallel_loop3A_694] : memref<512x32xf32, #tpu.memory_space<vmem>>[vector<16xi32>, vector<16xi32>], vector<16xf32>,
        %parallel_loop3A_1114 = arith.constant 2160 : i32
        %parallel_loop3A_1115 = arith.addi %parallel_loop3A_736, %parallel_loop3A_1114 : i32
        %parallel_loop3A_1116 = arith.constant 0 : i32
        %parallel_loop3A_1117 = arith.index_cast %parallel_loop3A_1116 : i32 to index
        %parallel_loop3A_1118 = arith.index_cast %parallel_loop3A_718 : i32 to index
        %parallel_loop3A_1119 = arith.index_cast %parallel_loop3A_1115 : i32 to index
        %parallel_loop3A_1120 = tpu.vector_load %arg8[%parallel_loop3A_1117, %parallel_loop3A_1118, %parallel_loop3A_1119] {strides = array<i32>} : memref<2x4x4096xf32, #tpu.memory_space<vmem>>, vector<16xf32>,
        tpu.vector_store %arg8[%parallel_loop3A_1117, %parallel_loop3A_1118, %parallel_loop3A_1119], %parallel_loop3A_1113 {strides = array<i32>} : memref<2x4x4096xf32, #tpu.memory_space<vmem>>, vector<16xf32>,
        %parallel_loop3A_1121 = arith.constant 384 : i32
        %parallel_loop3A_1122 = vector.broadcast %parallel_loop3A_1121 : i32 to vector<16xi32>
        %parallel_loop3A_1123 = arith.addi %parallel_loop3A_693, %parallel_loop3A_1122 : vector<16xi32>
        %parallel_loop3A_1124 = arith.constant 0 : i32
        %parallel_loop3A_1125 = arith.constant 0 : i32
        %parallel_loop3A_1126 = arith.constant 0 : i32
        %parallel_loop3A_1127 = tpu.memref_slice %arg7[%parallel_loop3A_1124, %parallel_loop3A_1125, %parallel_loop3A_1126] : memref<2x512x32xf32, #tpu.memory_space<vmem>> -> memref<1x512x32xf32, #tpu.memory_space<vmem>>
        %parallel_loop3A_1128 = tpu.memref_squeeze %parallel_loop3A_1127 : memref<1x512x32xf32, #tpu.memory_space<vmem>> -> memref<512x32xf32, #tpu.memory_space<vmem>>
        %parallel_loop3A_1129 = tpu.vector_load_idx %parallel_loop3A_1128[%parallel_loop3A_1123, %parallel_loop3A_694] : memref<512x32xf32, #tpu.memory_space<vmem>>[vector<16xi32>, vector<16xi32>], vector<16xf32>,
        %parallel_loop3A_1130 = arith.constant 3072 : i32
        %parallel_loop3A_1131 = arith.addi %parallel_loop3A_736, %parallel_loop3A_1130 : i32
        %parallel_loop3A_1132 = arith.constant 0 : i32
        %parallel_loop3A_1133 = arith.index_cast %parallel_loop3A_1132 : i32 to index
        %parallel_loop3A_1134 = arith.index_cast %parallel_loop3A_718 : i32 to index
        %parallel_loop3A_1135 = arith.index_cast %parallel_loop3A_1131 : i32 to index
        %parallel_loop3A_1136 = tpu.vector_load %arg8[%parallel_loop3A_1133, %parallel_loop3A_1134, %parallel_loop3A_1135] {strides = array<i32>} : memref<2x4x4096xf32, #tpu.memory_space<vmem>>, vector<16xf32>,
        tpu.vector_store %arg8[%parallel_loop3A_1133, %parallel_loop3A_1134, %parallel_loop3A_1135], %parallel_loop3A_1129 {strides = array<i32>} : memref<2x4x4096xf32, #tpu.memory_space<vmem>>, vector<16xf32>,
        %parallel_loop3A_1137 = arith.constant 400 : i32
        %parallel_loop3A_1138 = vector.broadcast %parallel_loop3A_1137 : i32 to vector<16xi32>
        %parallel_loop3A_1139 = arith.addi %parallel_loop3A_693, %parallel_loop3A_1138 : vector<16xi32>
        %parallel_loop3A_1140 = arith.constant 0 : i32
        %parallel_loop3A_1141 = arith.constant 0 : i32
        %parallel_loop3A_1142 = arith.constant 0 : i32
        %parallel_loop3A_1143 = tpu.memref_slice %arg7[%parallel_loop3A_1140, %parallel_loop3A_1141, %parallel_loop3A_1142] : memref<2x512x32xf32, #tpu.memory_space<vmem>> -> memref<1x512x32xf32, #tpu.memory_space<vmem>>
        %parallel_loop3A_1144 = tpu.memref_squeeze %parallel_loop3A_1143 : memref<1x512x32xf32, #tpu.memory_space<vmem>> -> memref<512x32xf32, #tpu.memory_space<vmem>>
        %parallel_loop3A_1145 = tpu.vector_load_idx %parallel_loop3A_1144[%parallel_loop3A_1139, %parallel_loop3A_694] : memref<512x32xf32, #tpu.memory_space<vmem>>[vector<16xi32>, vector<16xi32>], vector<16xf32>,
        %parallel_loop3A_1146 = arith.constant 3088 : i32
        %parallel_loop3A_1147 = arith.addi %parallel_loop3A_736, %parallel_loop3A_1146 : i32
        %parallel_loop3A_1148 = arith.constant 0 : i32
        %parallel_loop3A_1149 = arith.index_cast %parallel_loop3A_1148 : i32 to index
        %parallel_loop3A_1150 = arith.index_cast %parallel_loop3A_718 : i32 to index
        %parallel_loop3A_1151 = arith.index_cast %parallel_loop3A_1147 : i32 to index
        %parallel_loop3A_1152 = tpu.vector_load %arg8[%parallel_loop3A_1149, %parallel_loop3A_1150, %parallel_loop3A_1151] {strides = array<i32>} : memref<2x4x4096xf32, #tpu.memory_space<vmem>>, vector<16xf32>,
        tpu.vector_store %arg8[%parallel_loop3A_1149, %parallel_loop3A_1150, %parallel_loop3A_1151], %parallel_loop3A_1145 {strides = array<i32>} : memref<2x4x4096xf32, #tpu.memory_space<vmem>>, vector<16xf32>,
        %parallel_loop3A_1153 = arith.constant 416 : i32
        %parallel_loop3A_1154 = vector.broadcast %parallel_loop3A_1153 : i32 to vector<16xi32>
        %parallel_loop3A_1155 = arith.addi %parallel_loop3A_693, %parallel_loop3A_1154 : vector<16xi32>
        %parallel_loop3A_1156 = arith.constant 0 : i32
        %parallel_loop3A_1157 = arith.constant 0 : i32
        %parallel_loop3A_1158 = arith.constant 0 : i32
        %parallel_loop3A_1159 = tpu.memref_slice %arg7[%parallel_loop3A_1156, %parallel_loop3A_1157, %parallel_loop3A_1158] : memref<2x512x32xf32, #tpu.memory_space<vmem>> -> memref<1x512x32xf32, #tpu.memory_space<vmem>>
        %parallel_loop3A_1160 = tpu.memref_squeeze %parallel_loop3A_1159 : memref<1x512x32xf32, #tpu.memory_space<vmem>> -> memref<512x32xf32, #tpu.memory_space<vmem>>
        %parallel_loop3A_1161 = tpu.vector_load_idx %parallel_loop3A_1160[%parallel_loop3A_1155, %parallel_loop3A_694] : memref<512x32xf32, #tpu.memory_space<vmem>>[vector<16xi32>, vector<16xi32>], vector<16xf32>,
        %parallel_loop3A_1162 = arith.constant 3104 : i32
        %parallel_loop3A_1163 = arith.addi %parallel_loop3A_736, %parallel_loop3A_1162 : i32
        %parallel_loop3A_1164 = arith.constant 0 : i32
        %parallel_loop3A_1165 = arith.index_cast %parallel_loop3A_1164 : i32 to index
        %parallel_loop3A_1166 = arith.index_cast %parallel_loop3A_718 : i32 to index
        %parallel_loop3A_1167 = arith.index_cast %parallel_loop3A_1163 : i32 to index
        %parallel_loop3A_1168 = tpu.vector_load %arg8[%parallel_loop3A_1165, %parallel_loop3A_1166, %parallel_loop3A_1167] {strides = array<i32>} : memref<2x4x4096xf32, #tpu.memory_space<vmem>>, vector<16xf32>,
        tpu.vector_store %arg8[%parallel_loop3A_1165, %parallel_loop3A_1166, %parallel_loop3A_1167], %parallel_loop3A_1161 {strides = array<i32>} : memref<2x4x4096xf32, #tpu.memory_space<vmem>>, vector<16xf32>,
        %parallel_loop3A_1169 = arith.constant 432 : i32
        %parallel_loop3A_1170 = vector.broadcast %parallel_loop3A_1169 : i32 to vector<16xi32>
        %parallel_loop3A_1171 = arith.addi %parallel_loop3A_693, %parallel_loop3A_1170 : vector<16xi32>
        %parallel_loop3A_1172 = arith.constant 0 : i32
        %parallel_loop3A_1173 = arith.constant 0 : i32
        %parallel_loop3A_1174 = arith.constant 0 : i32
        %parallel_loop3A_1175 = tpu.memref_slice %arg7[%parallel_loop3A_1172, %parallel_loop3A_1173, %parallel_loop3A_1174] : memref<2x512x32xf32, #tpu.memory_space<vmem>> -> memref<1x512x32xf32, #tpu.memory_space<vmem>>
        %parallel_loop3A_1176 = tpu.memref_squeeze %parallel_loop3A_1175 : memref<1x512x32xf32, #tpu.memory_space<vmem>> -> memref<512x32xf32, #tpu.memory_space<vmem>>
        %parallel_loop3A_1177 = tpu.vector_load_idx %parallel_loop3A_1176[%parallel_loop3A_1171, %parallel_loop3A_694] : memref<512x32xf32, #tpu.memory_space<vmem>>[vector<16xi32>, vector<16xi32>], vector<16xf32>,
        %parallel_loop3A_1178 = arith.constant 3120 : i32
        %parallel_loop3A_1179 = arith.addi %parallel_loop3A_736, %parallel_loop3A_1178 : i32
        %parallel_loop3A_1180 = arith.constant 0 : i32
        %parallel_loop3A_1181 = arith.index_cast %parallel_loop3A_1180 : i32 to index
        %parallel_loop3A_1182 = arith.index_cast %parallel_loop3A_718 : i32 to index
        %parallel_loop3A_1183 = arith.index_cast %parallel_loop3A_1179 : i32 to index
        %parallel_loop3A_1184 = tpu.vector_load %arg8[%parallel_loop3A_1181, %parallel_loop3A_1182, %parallel_loop3A_1183] {strides = array<i32>} : memref<2x4x4096xf32, #tpu.memory_space<vmem>>, vector<16xf32>,
        tpu.vector_store %arg8[%parallel_loop3A_1181, %parallel_loop3A_1182, %parallel_loop3A_1183], %parallel_loop3A_1177 {strides = array<i32>} : memref<2x4x4096xf32, #tpu.memory_space<vmem>>, vector<16xf32>,
        %parallel_loop3A_1185 = arith.constant 448 : i32
        %parallel_loop3A_1186 = vector.broadcast %parallel_loop3A_1185 : i32 to vector<16xi32>
        %parallel_loop3A_1187 = arith.addi %parallel_loop3A_693, %parallel_loop3A_1186 : vector<16xi32>
        %parallel_loop3A_1188 = arith.constant 0 : i32
        %parallel_loop3A_1189 = arith.constant 0 : i32
        %parallel_loop3A_1190 = arith.constant 0 : i32
        %parallel_loop3A_1191 = tpu.memref_slice %arg7[%parallel_loop3A_1188, %parallel_loop3A_1189, %parallel_loop3A_1190] : memref<2x512x32xf32, #tpu.memory_space<vmem>> -> memref<1x512x32xf32, #tpu.memory_space<vmem>>
        %parallel_loop3A_1192 = tpu.memref_squeeze %parallel_loop3A_1191 : memref<1x512x32xf32, #tpu.memory_space<vmem>> -> memref<512x32xf32, #tpu.memory_space<vmem>>
        %parallel_loop3A_1193 = tpu.vector_load_idx %parallel_loop3A_1192[%parallel_loop3A_1187, %parallel_loop3A_694] : memref<512x32xf32, #tpu.memory_space<vmem>>[vector<16xi32>, vector<16xi32>], vector<16xf32>,
        %parallel_loop3A_1194 = arith.constant 3136 : i32
        %parallel_loop3A_1195 = arith.addi %parallel_loop3A_736, %parallel_loop3A_1194 : i32
        %parallel_loop3A_1196 = arith.constant 0 : i32
        %parallel_loop3A_1197 = arith.index_cast %parallel_loop3A_1196 : i32 to index
        %parallel_loop3A_1198 = arith.index_cast %parallel_loop3A_718 : i32 to index
        %parallel_loop3A_1199 = arith.index_cast %parallel_loop3A_1195 : i32 to index
        %parallel_loop3A_1200 = tpu.vector_load %arg8[%parallel_loop3A_1197, %parallel_loop3A_1198, %parallel_loop3A_1199] {strides = array<i32>} : memref<2x4x4096xf32, #tpu.memory_space<vmem>>, vector<16xf32>,
        tpu.vector_store %arg8[%parallel_loop3A_1197, %parallel_loop3A_1198, %parallel_loop3A_1199], %parallel_loop3A_1193 {strides = array<i32>} : memref<2x4x4096xf32, #tpu.memory_space<vmem>>, vector<16xf32>,
        %parallel_loop3A_1201 = arith.constant 464 : i32
        %parallel_loop3A_1202 = vector.broadcast %parallel_loop3A_1201 : i32 to vector<16xi32>
        %parallel_loop3A_1203 = arith.addi %parallel_loop3A_693, %parallel_loop3A_1202 : vector<16xi32>
        %parallel_loop3A_1204 = arith.constant 0 : i32
        %parallel_loop3A_1205 = arith.constant 0 : i32
        %parallel_loop3A_1206 = arith.constant 0 : i32
        %parallel_loop3A_1207 = tpu.memref_slice %arg7[%parallel_loop3A_1204, %parallel_loop3A_1205, %parallel_loop3A_1206] : memref<2x512x32xf32, #tpu.memory_space<vmem>> -> memref<1x512x32xf32, #tpu.memory_space<vmem>>
        %parallel_loop3A_1208 = tpu.memref_squeeze %parallel_loop3A_1207 : memref<1x512x32xf32, #tpu.memory_space<vmem>> -> memref<512x32xf32, #tpu.memory_space<vmem>>
        %parallel_loop3A_1209 = tpu.vector_load_idx %parallel_loop3A_1208[%parallel_loop3A_1203, %parallel_loop3A_694] : memref<512x32xf32, #tpu.memory_space<vmem>>[vector<16xi32>, vector<16xi32>], vector<16xf32>,
        %parallel_loop3A_1210 = arith.constant 3152 : i32
        %parallel_loop3A_1211 = arith.addi %parallel_loop3A_736, %parallel_loop3A_1210 : i32
        %parallel_loop3A_1212 = arith.constant 0 : i32
        %parallel_loop3A_1213 = arith.index_cast %parallel_loop3A_1212 : i32 to index
        %parallel_loop3A_1214 = arith.index_cast %parallel_loop3A_718 : i32 to index
        %parallel_loop3A_1215 = arith.index_cast %parallel_loop3A_1211 : i32 to index
        %parallel_loop3A_1216 = tpu.vector_load %arg8[%parallel_loop3A_1213, %parallel_loop3A_1214, %parallel_loop3A_1215] {strides = array<i32>} : memref<2x4x4096xf32, #tpu.memory_space<vmem>>, vector<16xf32>,
        tpu.vector_store %arg8[%parallel_loop3A_1213, %parallel_loop3A_1214, %parallel_loop3A_1215], %parallel_loop3A_1209 {strides = array<i32>} : memref<2x4x4096xf32, #tpu.memory_space<vmem>>, vector<16xf32>,
        %parallel_loop3A_1217 = arith.constant 480 : i32
        %parallel_loop3A_1218 = vector.broadcast %parallel_loop3A_1217 : i32 to vector<16xi32>
        %parallel_loop3A_1219 = arith.addi %parallel_loop3A_693, %parallel_loop3A_1218 : vector<16xi32>
        %parallel_loop3A_1220 = arith.constant 0 : i32
        %parallel_loop3A_1221 = arith.constant 0 : i32
        %parallel_loop3A_1222 = arith.constant 0 : i32
        %parallel_loop3A_1223 = tpu.memref_slice %arg7[%parallel_loop3A_1220, %parallel_loop3A_1221, %parallel_loop3A_1222] : memref<2x512x32xf32, #tpu.memory_space<vmem>> -> memref<1x512x32xf32, #tpu.memory_space<vmem>>
        %parallel_loop3A_1224 = tpu.memref_squeeze %parallel_loop3A_1223 : memref<1x512x32xf32, #tpu.memory_space<vmem>> -> memref<512x32xf32, #tpu.memory_space<vmem>>
        %parallel_loop3A_1225 = tpu.vector_load_idx %parallel_loop3A_1224[%parallel_loop3A_1219, %parallel_loop3A_694] : memref<512x32xf32, #tpu.memory_space<vmem>>[vector<16xi32>, vector<16xi32>], vector<16xf32>,
        %parallel_loop3A_1226 = arith.constant 3168 : i32
        %parallel_loop3A_1227 = arith.addi %parallel_loop3A_736, %parallel_loop3A_1226 : i32
        %parallel_loop3A_1228 = arith.constant 0 : i32
        %parallel_loop3A_1229 = arith.index_cast %parallel_loop3A_1228 : i32 to index
        %parallel_loop3A_1230 = arith.index_cast %parallel_loop3A_718 : i32 to index
        %parallel_loop3A_1231 = arith.index_cast %parallel_loop3A_1227 : i32 to index
        %parallel_loop3A_1232 = tpu.vector_load %arg8[%parallel_loop3A_1229, %parallel_loop3A_1230, %parallel_loop3A_1231] {strides = array<i32>} : memref<2x4x4096xf32, #tpu.memory_space<vmem>>, vector<16xf32>,
        tpu.vector_store %arg8[%parallel_loop3A_1229, %parallel_loop3A_1230, %parallel_loop3A_1231], %parallel_loop3A_1225 {strides = array<i32>} : memref<2x4x4096xf32, #tpu.memory_space<vmem>>, vector<16xf32>,
        %parallel_loop3A_1233 = arith.constant 496 : i32
        %parallel_loop3A_1234 = vector.broadcast %parallel_loop3A_1233 : i32 to vector<16xi32>
        %parallel_loop3A_1235 = arith.addi %parallel_loop3A_693, %parallel_loop3A_1234 : vector<16xi32>
        %parallel_loop3A_1236 = arith.constant 0 : i32
        %parallel_loop3A_1237 = arith.constant 0 : i32
        %parallel_loop3A_1238 = arith.constant 0 : i32
        %parallel_loop3A_1239 = tpu.memref_slice %arg7[%parallel_loop3A_1236, %parallel_loop3A_1237, %parallel_loop3A_1238] : memref<2x512x32xf32, #tpu.memory_space<vmem>> -> memref<1x512x32xf32, #tpu.memory_space<vmem>>
        %parallel_loop3A_1240 = tpu.memref_squeeze %parallel_loop3A_1239 : memref<1x512x32xf32, #tpu.memory_space<vmem>> -> memref<512x32xf32, #tpu.memory_space<vmem>>
        %parallel_loop3A_1241 = tpu.vector_load_idx %parallel_loop3A_1240[%parallel_loop3A_1235, %parallel_loop3A_694] : memref<512x32xf32, #tpu.memory_space<vmem>>[vector<16xi32>, vector<16xi32>], vector<16xf32>,
        %parallel_loop3A_1242 = arith.constant 3184 : i32
        %parallel_loop3A_1243 = arith.addi %parallel_loop3A_736, %parallel_loop3A_1242 : i32
        %parallel_loop3A_1244 = arith.constant 0 : i32
        %parallel_loop3A_1245 = arith.index_cast %parallel_loop3A_1244 : i32 to index
        %parallel_loop3A_1246 = arith.index_cast %parallel_loop3A_718 : i32 to index
        %parallel_loop3A_1247 = arith.index_cast %parallel_loop3A_1243 : i32 to index
        %parallel_loop3A_1248 = tpu.vector_load %arg8[%parallel_loop3A_1245, %parallel_loop3A_1246, %parallel_loop3A_1247] {strides = array<i32>} : memref<2x4x4096xf32, #tpu.memory_space<vmem>>, vector<16xf32>,
        tpu.vector_store %arg8[%parallel_loop3A_1245, %parallel_loop3A_1246, %parallel_loop3A_1247], %parallel_loop3A_1241 {strides = array<i32>} : memref<2x4x4096xf32, #tpu.memory_space<vmem>>, vector<16xf32>,
      } {sc.loop_unroll_factor = 4 : i64, sc.parallel_access}
      %mul3A_466 = arith.constant 4 : i32
      %mul3A_467 = arith.muli %add3A_440, %mul3A_466 : i32
      %add3A_468 = arith.constant 0 : i32
      %add3A_469 = arith.addi %mul3A_467, %add3A_468 : i32
      %mul3A_470 = arith.constant 32 : i32
      %mul3A_471 = arith.muli %add3A_469, %mul3A_470 : i32
      %add3A_472 = arith.addi %mul3A_471, %add3A : i32
      %dma_start3A_473 = arith.constant 0 : i32
      %dma_start3A_474 = arith.constant 0 : i32
      %dma_start3A_475 = arith.constant 0 : i32
      %dma_start3A_476 = arith.constant 0 : i32
      %dma_start3A_477 = tpu.memref_slice %arg8[%dma_start3A_473, %dma_start3A_474, %dma_start3A_476] : memref<2x4x4096xf32, #tpu.memory_space<vmem>> -> memref<1x1x4096xf32, #tpu.memory_space<vmem>>
      %dma_start3A_478 = tpu.memref_squeeze %dma_start3A_477 : memref<1x1x4096xf32, #tpu.memory_space<vmem>> -> memref<4096xf32, #tpu.memory_space<vmem>>
      %dma_start3A_479 = arith.constant 0 : i32
      %dma_start3A_480 = tpu.memref_slice %arg4[%add3A_472, %dma_start3A_479] : memref<6400x4096xf32, #tpu.memory_space<hbm>> -> memref<1x4096xf32, #tpu.memory_space<hbm>>
      %dma_start3A_481 = tpu.memref_squeeze %dma_start3A_480 : memref<1x4096xf32, #tpu.memory_space<hbm>> -> memref<4096xf32, #tpu.memory_space<hbm>>
      %dma_start3A_482 = tpu.memref_slice %arg11[%dma_start3A_475] : memref<2x!tpu.dma_semaphore, #tpu.memory_space<semaphore_mem>> -> memref<1x!tpu.dma_semaphore, #tpu.memory_space<semaphore_mem>>
      %dma_start3A_483 = tpu.memref_squeeze %dma_start3A_482 : memref<1x!tpu.dma_semaphore, #tpu.memory_space<semaphore_mem>> -> memref<!tpu.dma_semaphore, #tpu.memory_space<semaphore_mem>>
      %dma_start3A_484 = arith.constant 0 : i32
      %dma_start3A_485 = tpu.memref_slice %arg4[%add3A_472, %dma_start3A_484] : memref<6400x4096xf32, #tpu.memory_space<hbm>> -> memref<1x4096xf32, #tpu.memory_space<hbm>>
      %dma_start3A_486 = tpu.memref_squeeze %dma_start3A_485 : memref<1x4096xf32, #tpu.memory_space<hbm>> -> memref<4096xf32, #tpu.memory_space<hbm>>
      %dma_start3A_487 = arith.constant 0 : i32
      %dma_start3A_488 = tpu.memref_slice %arg8[%dma_start3A_473, %dma_start3A_474, %dma_start3A_487] : memref<2x4x4096xf32, #tpu.memory_space<vmem>> -> memref<1x1x4096xf32, #tpu.memory_space<vmem>>
      %dma_start3A_489 = tpu.memref_squeeze %dma_start3A_488 : memref<1x1x4096xf32, #tpu.memory_space<vmem>> -> memref<4096xf32, #tpu.memory_space<vmem>>
      tpu.enqueue_dma source(%dma_start3A_489 : memref<4096xf32, #tpu.memory_space<vmem>>) target(%dma_start3A_486 : memref<4096xf32, #tpu.memory_space<hbm>>) target_semaphore(%dma_start3A_483 : memref<!tpu.dma_semaphore, #tpu.memory_space<semaphore_mem>>)
      %mul3A_490 = arith.constant 4 : i32
      %mul3A_491 = arith.muli %add3A_440, %mul3A_490 : i32
      %add3A_492 = arith.constant 1 : i32
      %add3A_493 = arith.addi %mul3A_491, %add3A_492 : i32
      %mul3A_494 = arith.constant 32 : i32
      %mul3A_495 = arith.muli %add3A_493, %mul3A_494 : i32
      %add3A_496 = arith.addi %mul3A_495, %add3A : i32
      %dma_start3A_497 = arith.constant 0 : i32
      %dma_start3A_498 = arith.constant 1 : i32
      %dma_start3A_499 = arith.constant 0 : i32
      %dma_start3A_500 = arith.constant 0 : i32
      %dma_start3A_501 = tpu.memref_slice %arg8[%dma_start3A_497, %dma_start3A_498, %dma_start3A_500] : memref<2x4x4096xf32, #tpu.memory_space<vmem>> -> memref<1x1x4096xf32, #tpu.memory_space<vmem>>
      %dma_start3A_502 = tpu.memref_squeeze %dma_start3A_501 : memref<1x1x4096xf32, #tpu.memory_space<vmem>> -> memref<4096xf32, #tpu.memory_space<vmem>>
      %dma_start3A_503 = arith.constant 0 : i32
      %dma_start3A_504 = tpu.memref_slice %arg4[%add3A_496, %dma_start3A_503] : memref<6400x4096xf32, #tpu.memory_space<hbm>> -> memref<1x4096xf32, #tpu.memory_space<hbm>>
      %dma_start3A_505 = tpu.memref_squeeze %dma_start3A_504 : memref<1x4096xf32, #tpu.memory_space<hbm>> -> memref<4096xf32, #tpu.memory_space<hbm>>
      %dma_start3A_506 = tpu.memref_slice %arg11[%dma_start3A_499] : memref<2x!tpu.dma_semaphore, #tpu.memory_space<semaphore_mem>> -> memref<1x!tpu.dma_semaphore, #tpu.memory_space<semaphore_mem>>
      %dma_start3A_507 = tpu.memref_squeeze %dma_start3A_506 : memref<1x!tpu.dma_semaphore, #tpu.memory_space<semaphore_mem>> -> memref<!tpu.dma_semaphore, #tpu.memory_space<semaphore_mem>>
      %dma_start3A_508 = arith.constant 0 : i32
      %dma_start3A_509 = tpu.memref_slice %arg4[%add3A_496, %dma_start3A_508] : memref<6400x4096xf32, #tpu.memory_space<hbm>> -> memref<1x4096xf32, #tpu.memory_space<hbm>>
      %dma_start3A_510 = tpu.memref_squeeze %dma_start3A_509 : memref<1x4096xf32, #tpu.memory_space<hbm>> -> memref<4096xf32, #tpu.memory_space<hbm>>
      %dma_start3A_511 = arith.constant 0 : i32
      %dma_start3A_512 = tpu.memref_slice %arg8[%dma_start3A_497, %dma_start3A_498, %dma_start3A_511] : memref<2x4x4096xf32, #tpu.memory_space<vmem>> -> memref<1x1x4096xf32, #tpu.memory_space<vmem>>
      %dma_start3A_513 = tpu.memref_squeeze %dma_start3A_512 : memref<1x1x4096xf32, #tpu.memory_space<vmem>> -> memref<4096xf32, #tpu.memory_space<vmem>>
      tpu.enqueue_dma source(%dma_start3A_513 : memref<4096xf32, #tpu.memory_space<vmem>>) target(%dma_start3A_510 : memref<4096xf32, #tpu.memory_space<hbm>>) target_semaphore(%dma_start3A_507 : memref<!tpu.dma_semaphore, #tpu.memory_space<semaphore_mem>>)
      %mul3A_514 = arith.constant 4 : i32
      %mul3A_515 = arith.muli %add3A_440, %mul3A_514 : i32
      %add3A_516 = arith.constant 2 : i32
      %add3A_517 = arith.addi %mul3A_515, %add3A_516 : i32
      %mul3A_518 = arith.constant 32 : i32
      %mul3A_519 = arith.muli %add3A_517, %mul3A_518 : i32
      %add3A_520 = arith.addi %mul3A_519, %add3A : i32
      %dma_start3A_521 = arith.constant 0 : i32
      %dma_start3A_522 = arith.constant 2 : i32
      %dma_start3A_523 = arith.constant 0 : i32
      %dma_start3A_524 = arith.constant 0 : i32
      %dma_start3A_525 = tpu.memref_slice %arg8[%dma_start3A_521, %dma_start3A_522, %dma_start3A_524] : memref<2x4x4096xf32, #tpu.memory_space<vmem>> -> memref<1x1x4096xf32, #tpu.memory_space<vmem>>
      %dma_start3A_526 = tpu.memref_squeeze %dma_start3A_525 : memref<1x1x4096xf32, #tpu.memory_space<vmem>> -> memref<4096xf32, #tpu.memory_space<vmem>>
      %dma_start3A_527 = arith.constant 0 : i32
      %dma_start3A_528 = tpu.memref_slice %arg4[%add3A_520, %dma_start3A_527] : memref<6400x4096xf32, #tpu.memory_space<hbm>> -> memref<1x4096xf32, #tpu.memory_space<hbm>>
      %dma_start3A_529 = tpu.memref_squeeze %dma_start3A_528 : memref<1x4096xf32, #tpu.memory_space<hbm>> -> memref<4096xf32, #tpu.memory_space<hbm>>
      %dma_start3A_530 = tpu.memref_slice %arg11[%dma_start3A_523] : memref<2x!tpu.dma_semaphore, #tpu.memory_space<semaphore_mem>> -> memref<1x!tpu.dma_semaphore, #tpu.memory_space<semaphore_mem>>
      %dma_start3A_531 = tpu.memref_squeeze %dma_start3A_530 : memref<1x!tpu.dma_semaphore, #tpu.memory_space<semaphore_mem>> -> memref<!tpu.dma_semaphore, #tpu.memory_space<semaphore_mem>>
      %dma_start3A_532 = arith.constant 0 : i32
      %dma_start3A_533 = tpu.memref_slice %arg4[%add3A_520, %dma_start3A_532] : memref<6400x4096xf32, #tpu.memory_space<hbm>> -> memref<1x4096xf32, #tpu.memory_space<hbm>>
      %dma_start3A_534 = tpu.memref_squeeze %dma_start3A_533 : memref<1x4096xf32, #tpu.memory_space<hbm>> -> memref<4096xf32, #tpu.memory_space<hbm>>
      %dma_start3A_535 = arith.constant 0 : i32
      %dma_start3A_536 = tpu.memref_slice %arg8[%dma_start3A_521, %dma_start3A_522, %dma_start3A_535] : memref<2x4x4096xf32, #tpu.memory_space<vmem>> -> memref<1x1x4096xf32, #tpu.memory_space<vmem>>
      %dma_start3A_537 = tpu.memref_squeeze %dma_start3A_536 : memref<1x1x4096xf32, #tpu.memory_space<vmem>> -> memref<4096xf32, #tpu.memory_space<vmem>>
      tpu.enqueue_dma source(%dma_start3A_537 : memref<4096xf32, #tpu.memory_space<vmem>>) target(%dma_start3A_534 : memref<4096xf32, #tpu.memory_space<hbm>>) target_semaphore(%dma_start3A_531 : memref<!tpu.dma_semaphore, #tpu.memory_space<semaphore_mem>>)
      %mul3A_538 = arith.constant 4 : i32
      %mul3A_539 = arith.muli %add3A_440, %mul3A_538 : i32
      %add3A_540 = arith.constant 3 : i32
      %add3A_541 = arith.addi %mul3A_539, %add3A_540 : i32
      %mul3A_542 = arith.constant 32 : i32
      %mul3A_543 = arith.muli %add3A_541, %mul3A_542 : i32
      %add3A_544 = arith.addi %mul3A_543, %add3A : i32
      %dma_start3A_545 = arith.constant 0 : i32
      %dma_start3A_546 = arith.constant 3 : i32
      %dma_start3A_547 = arith.constant 0 : i32
      %dma_start3A_548 = arith.constant 0 : i32
      %dma_start3A_549 = tpu.memref_slice %arg8[%dma_start3A_545, %dma_start3A_546, %dma_start3A_548] : memref<2x4x4096xf32, #tpu.memory_space<vmem>> -> memref<1x1x4096xf32, #tpu.memory_space<vmem>>
      %dma_start3A_550 = tpu.memref_squeeze %dma_start3A_549 : memref<1x1x4096xf32, #tpu.memory_space<vmem>> -> memref<4096xf32, #tpu.memory_space<vmem>>
      %dma_start3A_551 = arith.constant 0 : i32
      %dma_start3A_552 = tpu.memref_slice %arg4[%add3A_544, %dma_start3A_551] : memref<6400x4096xf32, #tpu.memory_space<hbm>> -> memref<1x4096xf32, #tpu.memory_space<hbm>>
      %dma_start3A_553 = tpu.memref_squeeze %dma_start3A_552 : memref<1x4096xf32, #tpu.memory_space<hbm>> -> memref<4096xf32, #tpu.memory_space<hbm>>
      %dma_start3A_554 = tpu.memref_slice %arg11[%dma_start3A_547] : memref<2x!tpu.dma_semaphore, #tpu.memory_space<semaphore_mem>> -> memref<1x!tpu.dma_semaphore, #tpu.memory_space<semaphore_mem>>
      %dma_start3A_555 = tpu.memref_squeeze %dma_start3A_554 : memref<1x!tpu.dma_semaphore, #tpu.memory_space<semaphore_mem>> -> memref<!tpu.dma_semaphore, #tpu.memory_space<semaphore_mem>>
      %dma_start3A_556 = arith.constant 0 : i32
      %dma_start3A_557 = tpu.memref_slice %arg4[%add3A_544, %dma_start3A_556] : memref<6400x4096xf32, #tpu.memory_space<hbm>> -> memref<1x4096xf32, #tpu.memory_space<hbm>>
      %dma_start3A_558 = tpu.memref_squeeze %dma_start3A_557 : memref<1x4096xf32, #tpu.memory_space<hbm>> -> memref<4096xf32, #tpu.memory_space<hbm>>
      %dma_start3A_559 = arith.constant 0 : i32
      %dma_start3A_560 = tpu.memref_slice %arg8[%dma_start3A_545, %dma_start3A_546, %dma_start3A_559] : memref<2x4x4096xf32, #tpu.memory_space<vmem>> -> memref<1x1x4096xf32, #tpu.memory_space<vmem>>
      %dma_start3A_561 = tpu.memref_squeeze %dma_start3A_560 : memref<1x1x4096xf32, #tpu.memory_space<vmem>> -> memref<4096xf32, #tpu.memory_space<vmem>>
      tpu.enqueue_dma source(%dma_start3A_561 : memref<4096xf32, #tpu.memory_space<vmem>>) target(%dma_start3A_558 : memref<4096xf32, #tpu.memory_space<hbm>>) target_semaphore(%dma_start3A_555 : memref<!tpu.dma_semaphore, #tpu.memory_space<semaphore_mem>>)
      %mul3A_562 = arith.constant 2 : i32
      %mul3A_563 = arith.muli %scan3A_436, %mul3A_562 : i32
      %add3A_564 = arith.constant 1 : i32
      %add3A_565 = arith.addi %mul3A_563, %add3A_564 : i32
      %dma_wait3A_566 = arith.constant 1 : i32
      %dma_wait3A_567 = arith.constant 1 : i32
      %dma_wait3A_568 = arith.constant 1 : i32
      %dma_wait3A_569 = arith.constant 0 : i32
      %dma_wait3A_570 = arith.constant 0 : i32
      %dma_wait3A_571 = tpu.memref_slice %arg7[%dma_wait3A_567, %dma_wait3A_569, %dma_wait3A_570] : memref<2x512x32xf32, #tpu.memory_space<vmem>> -> memref<1x512x32xf32, #tpu.memory_space<vmem>>
      %dma_wait3A_572 = tpu.memref_squeeze %dma_wait3A_571 : memref<1x512x32xf32, #tpu.memory_space<vmem>> -> memref<512x32xf32, #tpu.memory_space<vmem>>
      %dma_wait3A_573 = arith.constant 0 : i32
      %dma_wait3A_574 = tpu.memref_slice %arg6[%dma_wait3A_566, %dma_wait3A_573] : memref<2x512xi32, #tpu.memory_space<vmem>> -> memref<1x512xi32, #tpu.memory_space<vmem>>
      %dma_wait3A_575 = tpu.memref_squeeze %dma_wait3A_574 : memref<1x512xi32, #tpu.memory_space<vmem>> -> memref<512xi32, #tpu.memory_space<vmem>>
      %dma_wait3A_576 = arith.constant 0 : i32
      %dma_wait3A_577 = arith.constant 0 : i32
      %dma_wait3A_578 = tpu.memref_slice %arg3[%dma_wait3A_576, %dma_wait3A_577] : memref<1000000x32xf32, #tpu.memory_space<hbm>> -> memref<1000000x32xf32, #tpu.memory_space<hbm>>
      %dma_wait3A_579 = tpu.memref_slice %arg10[%dma_wait3A_568] : memref<2x!tpu.dma_semaphore, #tpu.memory_space<semaphore_mem>> -> memref<1x!tpu.dma_semaphore, #tpu.memory_space<semaphore_mem>>
      %dma_wait3A_580 = tpu.memref_squeeze %dma_wait3A_579 : memref<1x!tpu.dma_semaphore, #tpu.memory_space<semaphore_mem>> -> memref<!tpu.dma_semaphore, #tpu.memory_space<semaphore_mem>>
      tpu.wait_indirect_dma semaphore(%dma_wait3A_580 : memref<!tpu.dma_semaphore, #tpu.memory_space<semaphore_mem>>) src(%dma_wait3A_578 : memref<1000000x32xf32, #tpu.memory_space<hbm>>) dst(%dma_wait3A_572 : memref<512x32xf32, #tpu.memory_space<vmem>>)
      %add3A_581 = arith.constant 1 : i32
      %add3A_582 = arith.addi %add3A_565, %add3A_581 : i32
      %lt3A_583 = arith.constant 50 : i32
      %lt3A_584 = arith.cmpi slt, %add3A_582, %lt3A_583 : i32
      %convert_element_type3A_585 = arith.extui %lt3A_584 : i1 to i32
      %cond3A_586 = arith.constant 0 : i32
      %cond3A_587 = arith.cmpi ne, %convert_element_type3A_585, %cond3A_586 : i32
      scf.if %cond3A_587 {
        %add3A_692 = arith.constant 1 : i32
        %add3A_693 = arith.addi %add3A_565, %add3A_692 : i32
        %iota3A_694 = tpu.iota {dimensions = array<i32: 0>} : vector<16xi32>
        %mul3A_695 = arith.constant 50 : i32
        %mul3A_696 = vector.broadcast %mul3A_695 : i32 to vector<16xi32>
        %mul3A_697 = arith.muli %iota3A_694, %mul3A_696 : vector<16xi32>
        %add3A_698 = arith.constant 0 : i32
        %add3A_699 = arith.addi %add3A_698, %add3A_693 : i32
        %add3A_700 = vector.broadcast %add3A_699 : i32 to vector<16xi32>
        %add3A_701 = arith.addi %mul3A_697, %add3A_700 : vector<16xi32>
        %gather3A_702 = tpu.vector_load_idx %arg5[%add3A_701] : memref<25600xi32, #tpu.memory_space<vmem>>[vector<16xi32>], vector<16xi32>,
        %swap3A_703 = arith.constant 0 : i32
        %swap3A_704 = arith.index_cast %swap3A_703 : i32 to index
        %swap3A_705 = arith.constant 0 : index
        %swap3A_706 = tpu.vector_load %arg6[%swap3A_704, %swap3A_705] {strides = array<i32>} : memref<2x512xi32, #tpu.memory_space<vmem>>, vector<16xi32>,
        tpu.vector_store %arg6[%swap3A_704, %swap3A_705], %gather3A_702 {strides = array<i32>} : memref<2x512xi32, #tpu.memory_space<vmem>>, vector<16xi32>,
        %add3A_707 = arith.constant 800 : i32
        %add3A_708 = arith.addi %add3A_707, %add3A_693 : i32
        %add3A_709 = vector.broadcast %add3A_708 : i32 to vector<16xi32>
        %add3A_710 = arith.addi %mul3A_697, %add3A_709 : vector<16xi32>
        %gather3A_711 = tpu.vector_load_idx %arg5[%add3A_710] : memref<25600xi32, #tpu.memory_space<vmem>>[vector<16xi32>], vector<16xi32>,
        %swap3A_712 = arith.constant 0 : i32
        %swap3A_713 = arith.index_cast %swap3A_712 : i32 to index
        %swap3A_714 = arith.constant 16 : index
        %swap3A_715 = tpu.vector_load %arg6[%swap3A_713, %swap3A_714] {strides = array<i32>} : memref<2x512xi32, #tpu.memory_space<vmem>>, vector<16xi32>,
        tpu.vector_store %arg6[%swap3A_713, %swap3A_714], %gather3A_711 {strides = array<i32>} : memref<2x512xi32, #tpu.memory_space<vmem>>, vector<16xi32>,
        %add3A_716 = arith.constant 1600 : i32
        %add3A_717 = arith.addi %add3A_716, %add3A_693 : i32
        %add3A_718 = vector.broadcast %add3A_717 : i32 to vector<16xi32>
        %add3A_719 = arith.addi %mul3A_697, %add3A_718 : vector<16xi32>
        %gather3A_720 = tpu.vector_load_idx %arg5[%add3A_719] : memref<25600xi32, #tpu.memory_space<vmem>>[vector<16xi32>], vector<16xi32>,
        %swap3A_721 = arith.constant 0 : i32
        %swap3A_722 = arith.index_cast %swap3A_721 : i32 to index
        %swap3A_723 = arith.constant 32 : index
        %swap3A_724 = tpu.vector_load %arg6[%swap3A_722, %swap3A_723] {strides = array<i32>} : memref<2x512xi32, #tpu.memory_space<vmem>>, vector<16xi32>,
        tpu.vector_store %arg6[%swap3A_722, %swap3A_723], %gather3A_720 {strides = array<i32>} : memref<2x512xi32, #tpu.memory_space<vmem>>, vector<16xi32>,
        %add3A_725 = arith.constant 2400 : i32
        %add3A_726 = arith.addi %add3A_725, %add3A_693 : i32
        %add3A_727 = vector.broadcast %add3A_726 : i32 to vector<16xi32>
        %add3A_728 = arith.addi %mul3A_697, %add3A_727 : vector<16xi32>
        %gather3A_729 = tpu.vector_load_idx %arg5[%add3A_728] : memref<25600xi32, #tpu.memory_space<vmem>>[vector<16xi32>], vector<16xi32>,
        %swap3A_730 = arith.constant 0 : i32
        %swap3A_731 = arith.index_cast %swap3A_730 : i32 to index
        %swap3A_732 = arith.constant 48 : index
        %swap3A_733 = tpu.vector_load %arg6[%swap3A_731, %swap3A_732] {strides = array<i32>} : memref<2x512xi32, #tpu.memory_space<vmem>>, vector<16xi32>,
        tpu.vector_store %arg6[%swap3A_731, %swap3A_732], %gather3A_729 {strides = array<i32>} : memref<2x512xi32, #tpu.memory_space<vmem>>, vector<16xi32>,
        %add3A_734 = arith.constant 3200 : i32
        %add3A_735 = arith.addi %add3A_734, %add3A_693 : i32
        %add3A_736 = vector.broadcast %add3A_735 : i32 to vector<16xi32>
        %add3A_737 = arith.addi %mul3A_697, %add3A_736 : vector<16xi32>
        %gather3A_738 = tpu.vector_load_idx %arg5[%add3A_737] : memref<25600xi32, #tpu.memory_space<vmem>>[vector<16xi32>], vector<16xi32>,
        %swap3A_739 = arith.constant 0 : i32
        %swap3A_740 = arith.index_cast %swap3A_739 : i32 to index
        %swap3A_741 = arith.constant 64 : index
        %swap3A_742 = tpu.vector_load %arg6[%swap3A_740, %swap3A_741] {strides = array<i32>} : memref<2x512xi32, #tpu.memory_space<vmem>>, vector<16xi32>,
        tpu.vector_store %arg6[%swap3A_740, %swap3A_741], %gather3A_738 {strides = array<i32>} : memref<2x512xi32, #tpu.memory_space<vmem>>, vector<16xi32>,
        %add3A_743 = arith.constant 4000 : i32
        %add3A_744 = arith.addi %add3A_743, %add3A_693 : i32
        %add3A_745 = vector.broadcast %add3A_744 : i32 to vector<16xi32>
        %add3A_746 = arith.addi %mul3A_697, %add3A_745 : vector<16xi32>
        %gather3A_747 = tpu.vector_load_idx %arg5[%add3A_746] : memref<25600xi32, #tpu.memory_space<vmem>>[vector<16xi32>], vector<16xi32>,
        %swap3A_748 = arith.constant 0 : i32
        %swap3A_749 = arith.index_cast %swap3A_748 : i32 to index
        %swap3A_750 = arith.constant 80 : index
        %swap3A_751 = tpu.vector_load %arg6[%swap3A_749, %swap3A_750] {strides = array<i32>} : memref<2x512xi32, #tpu.memory_space<vmem>>, vector<16xi32>,
        tpu.vector_store %arg6[%swap3A_749, %swap3A_750], %gather3A_747 {strides = array<i32>} : memref<2x512xi32, #tpu.memory_space<vmem>>, vector<16xi32>,
        %add3A_752 = arith.constant 4800 : i32
        %add3A_753 = arith.addi %add3A_752, %add3A_693 : i32
        %add3A_754 = vector.broadcast %add3A_753 : i32 to vector<16xi32>
        %add3A_755 = arith.addi %mul3A_697, %add3A_754 : vector<16xi32>
        %gather3A_756 = tpu.vector_load_idx %arg5[%add3A_755] : memref<25600xi32, #tpu.memory_space<vmem>>[vector<16xi32>], vector<16xi32>,
        %swap3A_757 = arith.constant 0 : i32
        %swap3A_758 = arith.index_cast %swap3A_757 : i32 to index
        %swap3A_759 = arith.constant 96 : index
        %swap3A_760 = tpu.vector_load %arg6[%swap3A_758, %swap3A_759] {strides = array<i32>} : memref<2x512xi32, #tpu.memory_space<vmem>>, vector<16xi32>,
        tpu.vector_store %arg6[%swap3A_758, %swap3A_759], %gather3A_756 {strides = array<i32>} : memref<2x512xi32, #tpu.memory_space<vmem>>, vector<16xi32>,
        %add3A_761 = arith.constant 5600 : i32
        %add3A_762 = arith.addi %add3A_761, %add3A_693 : i32
        %add3A_763 = vector.broadcast %add3A_762 : i32 to vector<16xi32>
        %add3A_764 = arith.addi %mul3A_697, %add3A_763 : vector<16xi32>
        %gather3A_765 = tpu.vector_load_idx %arg5[%add3A_764] : memref<25600xi32, #tpu.memory_space<vmem>>[vector<16xi32>], vector<16xi32>,
        %swap3A_766 = arith.constant 0 : i32
        %swap3A_767 = arith.index_cast %swap3A_766 : i32 to index
        %swap3A_768 = arith.constant 112 : index
        %swap3A_769 = tpu.vector_load %arg6[%swap3A_767, %swap3A_768] {strides = array<i32>} : memref<2x512xi32, #tpu.memory_space<vmem>>, vector<16xi32>,
        tpu.vector_store %arg6[%swap3A_767, %swap3A_768], %gather3A_765 {strides = array<i32>} : memref<2x512xi32, #tpu.memory_space<vmem>>, vector<16xi32>,
        %add3A_770 = arith.constant 6400 : i32
        %add3A_771 = arith.addi %add3A_770, %add3A_693 : i32
        %add3A_772 = vector.broadcast %add3A_771 : i32 to vector<16xi32>
        %add3A_773 = arith.addi %mul3A_697, %add3A_772 : vector<16xi32>
        %gather3A_774 = tpu.vector_load_idx %arg5[%add3A_773] : memref<25600xi32, #tpu.memory_space<vmem>>[vector<16xi32>], vector<16xi32>,
        %swap3A_775 = arith.constant 0 : i32
        %swap3A_776 = arith.index_cast %swap3A_775 : i32 to index
        %swap3A_777 = arith.constant 128 : index
        %swap3A_778 = tpu.vector_load %arg6[%swap3A_776, %swap3A_777] {strides = array<i32>} : memref<2x512xi32, #tpu.memory_space<vmem>>, vector<16xi32>,
        tpu.vector_store %arg6[%swap3A_776, %swap3A_777], %gather3A_774 {strides = array<i32>} : memref<2x512xi32, #tpu.memory_space<vmem>>, vector<16xi32>,
        %add3A_779 = arith.constant 7200 : i32
        %add3A_780 = arith.addi %add3A_779, %add3A_693 : i32
        %add3A_781 = vector.broadcast %add3A_780 : i32 to vector<16xi32>
        %add3A_782 = arith.addi %mul3A_697, %add3A_781 : vector<16xi32>
        %gather3A_783 = tpu.vector_load_idx %arg5[%add3A_782] : memref<25600xi32, #tpu.memory_space<vmem>>[vector<16xi32>], vector<16xi32>,
        %swap3A_784 = arith.constant 0 : i32
        %swap3A_785 = arith.index_cast %swap3A_784 : i32 to index
        %swap3A_786 = arith.constant 144 : index
        %swap3A_787 = tpu.vector_load %arg6[%swap3A_785, %swap3A_786] {strides = array<i32>} : memref<2x512xi32, #tpu.memory_space<vmem>>, vector<16xi32>,
        tpu.vector_store %arg6[%swap3A_785, %swap3A_786], %gather3A_783 {strides = array<i32>} : memref<2x512xi32, #tpu.memory_space<vmem>>, vector<16xi32>,
        %add3A_788 = arith.constant 8000 : i32
        %add3A_789 = arith.addi %add3A_788, %add3A_693 : i32
        %add3A_790 = vector.broadcast %add3A_789 : i32 to vector<16xi32>
        %add3A_791 = arith.addi %mul3A_697, %add3A_790 : vector<16xi32>
        %gather3A_792 = tpu.vector_load_idx %arg5[%add3A_791] : memref<25600xi32, #tpu.memory_space<vmem>>[vector<16xi32>], vector<16xi32>,
        %swap3A_793 = arith.constant 0 : i32
        %swap3A_794 = arith.index_cast %swap3A_793 : i32 to index
        %swap3A_795 = arith.constant 160 : index
        %swap3A_796 = tpu.vector_load %arg6[%swap3A_794, %swap3A_795] {strides = array<i32>} : memref<2x512xi32, #tpu.memory_space<vmem>>, vector<16xi32>,
        tpu.vector_store %arg6[%swap3A_794, %swap3A_795], %gather3A_792 {strides = array<i32>} : memref<2x512xi32, #tpu.memory_space<vmem>>, vector<16xi32>,
        %add3A_797 = arith.constant 8800 : i32
        %add3A_798 = arith.addi %add3A_797, %add3A_693 : i32
        %add3A_799 = vector.broadcast %add3A_798 : i32 to vector<16xi32>
        %add3A_800 = arith.addi %mul3A_697, %add3A_799 : vector<16xi32>
        %gather3A_801 = tpu.vector_load_idx %arg5[%add3A_800] : memref<25600xi32, #tpu.memory_space<vmem>>[vector<16xi32>], vector<16xi32>,
        %swap3A_802 = arith.constant 0 : i32
        %swap3A_803 = arith.index_cast %swap3A_802 : i32 to index
        %swap3A_804 = arith.constant 176 : index
        %swap3A_805 = tpu.vector_load %arg6[%swap3A_803, %swap3A_804] {strides = array<i32>} : memref<2x512xi32, #tpu.memory_space<vmem>>, vector<16xi32>,
        tpu.vector_store %arg6[%swap3A_803, %swap3A_804], %gather3A_801 {strides = array<i32>} : memref<2x512xi32, #tpu.memory_space<vmem>>, vector<16xi32>,
        %add3A_806 = arith.constant 9600 : i32
        %add3A_807 = arith.addi %add3A_806, %add3A_693 : i32
        %add3A_808 = vector.broadcast %add3A_807 : i32 to vector<16xi32>
        %add3A_809 = arith.addi %mul3A_697, %add3A_808 : vector<16xi32>
        %gather3A_810 = tpu.vector_load_idx %arg5[%add3A_809] : memref<25600xi32, #tpu.memory_space<vmem>>[vector<16xi32>], vector<16xi32>,
        %swap3A_811 = arith.constant 0 : i32
        %swap3A_812 = arith.index_cast %swap3A_811 : i32 to index
        %swap3A_813 = arith.constant 192 : index
        %swap3A_814 = tpu.vector_load %arg6[%swap3A_812, %swap3A_813] {strides = array<i32>} : memref<2x512xi32, #tpu.memory_space<vmem>>, vector<16xi32>,
        tpu.vector_store %arg6[%swap3A_812, %swap3A_813], %gather3A_810 {strides = array<i32>} : memref<2x512xi32, #tpu.memory_space<vmem>>, vector<16xi32>,
        %add3A_815 = arith.constant 10400 : i32
        %add3A_816 = arith.addi %add3A_815, %add3A_693 : i32
        %add3A_817 = vector.broadcast %add3A_816 : i32 to vector<16xi32>
        %add3A_818 = arith.addi %mul3A_697, %add3A_817 : vector<16xi32>
        %gather3A_819 = tpu.vector_load_idx %arg5[%add3A_818] : memref<25600xi32, #tpu.memory_space<vmem>>[vector<16xi32>], vector<16xi32>,
        %swap3A_820 = arith.constant 0 : i32
        %swap3A_821 = arith.index_cast %swap3A_820 : i32 to index
        %swap3A_822 = arith.constant 208 : index
        %swap3A_823 = tpu.vector_load %arg6[%swap3A_821, %swap3A_822] {strides = array<i32>} : memref<2x512xi32, #tpu.memory_space<vmem>>, vector<16xi32>,
        tpu.vector_store %arg6[%swap3A_821, %swap3A_822], %gather3A_819 {strides = array<i32>} : memref<2x512xi32, #tpu.memory_space<vmem>>, vector<16xi32>,
        %add3A_824 = arith.constant 11200 : i32
        %add3A_825 = arith.addi %add3A_824, %add3A_693 : i32
        %add3A_826 = vector.broadcast %add3A_825 : i32 to vector<16xi32>
        %add3A_827 = arith.addi %mul3A_697, %add3A_826 : vector<16xi32>
        %gather3A_828 = tpu.vector_load_idx %arg5[%add3A_827] : memref<25600xi32, #tpu.memory_space<vmem>>[vector<16xi32>], vector<16xi32>,
        %swap3A_829 = arith.constant 0 : i32
        %swap3A_830 = arith.index_cast %swap3A_829 : i32 to index
        %swap3A_831 = arith.constant 224 : index
        %swap3A_832 = tpu.vector_load %arg6[%swap3A_830, %swap3A_831] {strides = array<i32>} : memref<2x512xi32, #tpu.memory_space<vmem>>, vector<16xi32>,
        tpu.vector_store %arg6[%swap3A_830, %swap3A_831], %gather3A_828 {strides = array<i32>} : memref<2x512xi32, #tpu.memory_space<vmem>>, vector<16xi32>,
        %add3A_833 = arith.constant 12000 : i32
        %add3A_834 = arith.addi %add3A_833, %add3A_693 : i32
        %add3A_835 = vector.broadcast %add3A_834 : i32 to vector<16xi32>
        %add3A_836 = arith.addi %mul3A_697, %add3A_835 : vector<16xi32>
        %gather3A_837 = tpu.vector_load_idx %arg5[%add3A_836] : memref<25600xi32, #tpu.memory_space<vmem>>[vector<16xi32>], vector<16xi32>,
        %swap3A_838 = arith.constant 0 : i32
        %swap3A_839 = arith.index_cast %swap3A_838 : i32 to index
        %swap3A_840 = arith.constant 240 : index
        %swap3A_841 = tpu.vector_load %arg6[%swap3A_839, %swap3A_840] {strides = array<i32>} : memref<2x512xi32, #tpu.memory_space<vmem>>, vector<16xi32>,
        tpu.vector_store %arg6[%swap3A_839, %swap3A_840], %gather3A_837 {strides = array<i32>} : memref<2x512xi32, #tpu.memory_space<vmem>>, vector<16xi32>,
        %add3A_842 = arith.constant 12800 : i32
        %add3A_843 = arith.addi %add3A_842, %add3A_693 : i32
        %add3A_844 = vector.broadcast %add3A_843 : i32 to vector<16xi32>
        %add3A_845 = arith.addi %mul3A_697, %add3A_844 : vector<16xi32>
        %gather3A_846 = tpu.vector_load_idx %arg5[%add3A_845] : memref<25600xi32, #tpu.memory_space<vmem>>[vector<16xi32>], vector<16xi32>,
        %swap3A_847 = arith.constant 0 : i32
        %swap3A_848 = arith.index_cast %swap3A_847 : i32 to index
        %swap3A_849 = arith.constant 256 : index
        %swap3A_850 = tpu.vector_load %arg6[%swap3A_848, %swap3A_849] {strides = array<i32>} : memref<2x512xi32, #tpu.memory_space<vmem>>, vector<16xi32>,
        tpu.vector_store %arg6[%swap3A_848, %swap3A_849], %gather3A_846 {strides = array<i32>} : memref<2x512xi32, #tpu.memory_space<vmem>>, vector<16xi32>,
        %add3A_851 = arith.constant 13600 : i32
        %add3A_852 = arith.addi %add3A_851, %add3A_693 : i32
        %add3A_853 = vector.broadcast %add3A_852 : i32 to vector<16xi32>
        %add3A_854 = arith.addi %mul3A_697, %add3A_853 : vector<16xi32>
        %gather3A_855 = tpu.vector_load_idx %arg5[%add3A_854] : memref<25600xi32, #tpu.memory_space<vmem>>[vector<16xi32>], vector<16xi32>,
        %swap3A_856 = arith.constant 0 : i32
        %swap3A_857 = arith.index_cast %swap3A_856 : i32 to index
        %swap3A_858 = arith.constant 272 : index
        %swap3A_859 = tpu.vector_load %arg6[%swap3A_857, %swap3A_858] {strides = array<i32>} : memref<2x512xi32, #tpu.memory_space<vmem>>, vector<16xi32>,
        tpu.vector_store %arg6[%swap3A_857, %swap3A_858], %gather3A_855 {strides = array<i32>} : memref<2x512xi32, #tpu.memory_space<vmem>>, vector<16xi32>,
        %add3A_860 = arith.constant 14400 : i32
        %add3A_861 = arith.addi %add3A_860, %add3A_693 : i32
        %add3A_862 = vector.broadcast %add3A_861 : i32 to vector<16xi32>
        %add3A_863 = arith.addi %mul3A_697, %add3A_862 : vector<16xi32>
        %gather3A_864 = tpu.vector_load_idx %arg5[%add3A_863] : memref<25600xi32, #tpu.memory_space<vmem>>[vector<16xi32>], vector<16xi32>,
        %swap3A_865 = arith.constant 0 : i32
        %swap3A_866 = arith.index_cast %swap3A_865 : i32 to index
        %swap3A_867 = arith.constant 288 : index
        %swap3A_868 = tpu.vector_load %arg6[%swap3A_866, %swap3A_867] {strides = array<i32>} : memref<2x512xi32, #tpu.memory_space<vmem>>, vector<16xi32>,
        tpu.vector_store %arg6[%swap3A_866, %swap3A_867], %gather3A_864 {strides = array<i32>} : memref<2x512xi32, #tpu.memory_space<vmem>>, vector<16xi32>,
        %add3A_869 = arith.constant 15200 : i32
        %add3A_870 = arith.addi %add3A_869, %add3A_693 : i32
        %add3A_871 = vector.broadcast %add3A_870 : i32 to vector<16xi32>
        %add3A_872 = arith.addi %mul3A_697, %add3A_871 : vector<16xi32>
        %gather3A_873 = tpu.vector_load_idx %arg5[%add3A_872] : memref<25600xi32, #tpu.memory_space<vmem>>[vector<16xi32>], vector<16xi32>,
        %swap3A_874 = arith.constant 0 : i32
        %swap3A_875 = arith.index_cast %swap3A_874 : i32 to index
        %swap3A_876 = arith.constant 304 : index
        %swap3A_877 = tpu.vector_load %arg6[%swap3A_875, %swap3A_876] {strides = array<i32>} : memref<2x512xi32, #tpu.memory_space<vmem>>, vector<16xi32>,
        tpu.vector_store %arg6[%swap3A_875, %swap3A_876], %gather3A_873 {strides = array<i32>} : memref<2x512xi32, #tpu.memory_space<vmem>>, vector<16xi32>,
        %add3A_878 = arith.constant 16000 : i32
        %add3A_879 = arith.addi %add3A_878, %add3A_693 : i32
        %add3A_880 = vector.broadcast %add3A_879 : i32 to vector<16xi32>
        %add3A_881 = arith.addi %mul3A_697, %add3A_880 : vector<16xi32>
        %gather3A_882 = tpu.vector_load_idx %arg5[%add3A_881] : memref<25600xi32, #tpu.memory_space<vmem>>[vector<16xi32>], vector<16xi32>,
        %swap3A_883 = arith.constant 0 : i32
        %swap3A_884 = arith.index_cast %swap3A_883 : i32 to index
        %swap3A_885 = arith.constant 320 : index
        %swap3A_886 = tpu.vector_load %arg6[%swap3A_884, %swap3A_885] {strides = array<i32>} : memref<2x512xi32, #tpu.memory_space<vmem>>, vector<16xi32>,
        tpu.vector_store %arg6[%swap3A_884, %swap3A_885], %gather3A_882 {strides = array<i32>} : memref<2x512xi32, #tpu.memory_space<vmem>>, vector<16xi32>,
        %add3A_887 = arith.constant 16800 : i32
        %add3A_888 = arith.addi %add3A_887, %add3A_693 : i32
        %add3A_889 = vector.broadcast %add3A_888 : i32 to vector<16xi32>
        %add3A_890 = arith.addi %mul3A_697, %add3A_889 : vector<16xi32>
        %gather3A_891 = tpu.vector_load_idx %arg5[%add3A_890] : memref<25600xi32, #tpu.memory_space<vmem>>[vector<16xi32>], vector<16xi32>,
        %swap3A_892 = arith.constant 0 : i32
        %swap3A_893 = arith.index_cast %swap3A_892 : i32 to index
        %swap3A_894 = arith.constant 336 : index
        %swap3A_895 = tpu.vector_load %arg6[%swap3A_893, %swap3A_894] {strides = array<i32>} : memref<2x512xi32, #tpu.memory_space<vmem>>, vector<16xi32>,
        tpu.vector_store %arg6[%swap3A_893, %swap3A_894], %gather3A_891 {strides = array<i32>} : memref<2x512xi32, #tpu.memory_space<vmem>>, vector<16xi32>,
        %add3A_896 = arith.constant 17600 : i32
        %add3A_897 = arith.addi %add3A_896, %add3A_693 : i32
        %add3A_898 = vector.broadcast %add3A_897 : i32 to vector<16xi32>
        %add3A_899 = arith.addi %mul3A_697, %add3A_898 : vector<16xi32>
        %gather3A_900 = tpu.vector_load_idx %arg5[%add3A_899] : memref<25600xi32, #tpu.memory_space<vmem>>[vector<16xi32>], vector<16xi32>,
        %swap3A_901 = arith.constant 0 : i32
        %swap3A_902 = arith.index_cast %swap3A_901 : i32 to index
        %swap3A_903 = arith.constant 352 : index
        %swap3A_904 = tpu.vector_load %arg6[%swap3A_902, %swap3A_903] {strides = array<i32>} : memref<2x512xi32, #tpu.memory_space<vmem>>, vector<16xi32>,
        tpu.vector_store %arg6[%swap3A_902, %swap3A_903], %gather3A_900 {strides = array<i32>} : memref<2x512xi32, #tpu.memory_space<vmem>>, vector<16xi32>,
        %add3A_905 = arith.constant 18400 : i32
        %add3A_906 = arith.addi %add3A_905, %add3A_693 : i32
        %add3A_907 = vector.broadcast %add3A_906 : i32 to vector<16xi32>
        %add3A_908 = arith.addi %mul3A_697, %add3A_907 : vector<16xi32>
        %gather3A_909 = tpu.vector_load_idx %arg5[%add3A_908] : memref<25600xi32, #tpu.memory_space<vmem>>[vector<16xi32>], vector<16xi32>,
        %swap3A_910 = arith.constant 0 : i32
        %swap3A_911 = arith.index_cast %swap3A_910 : i32 to index
        %swap3A_912 = arith.constant 368 : index
        %swap3A_913 = tpu.vector_load %arg6[%swap3A_911, %swap3A_912] {strides = array<i32>} : memref<2x512xi32, #tpu.memory_space<vmem>>, vector<16xi32>,
        tpu.vector_store %arg6[%swap3A_911, %swap3A_912], %gather3A_909 {strides = array<i32>} : memref<2x512xi32, #tpu.memory_space<vmem>>, vector<16xi32>,
        %add3A_914 = arith.constant 19200 : i32
        %add3A_915 = arith.addi %add3A_914, %add3A_693 : i32
        %add3A_916 = vector.broadcast %add3A_915 : i32 to vector<16xi32>
        %add3A_917 = arith.addi %mul3A_697, %add3A_916 : vector<16xi32>
        %gather3A_918 = tpu.vector_load_idx %arg5[%add3A_917] : memref<25600xi32, #tpu.memory_space<vmem>>[vector<16xi32>], vector<16xi32>,
        %swap3A_919 = arith.constant 0 : i32
        %swap3A_920 = arith.index_cast %swap3A_919 : i32 to index
        %swap3A_921 = arith.constant 384 : index
        %swap3A_922 = tpu.vector_load %arg6[%swap3A_920, %swap3A_921] {strides = array<i32>} : memref<2x512xi32, #tpu.memory_space<vmem>>, vector<16xi32>,
        tpu.vector_store %arg6[%swap3A_920, %swap3A_921], %gather3A_918 {strides = array<i32>} : memref<2x512xi32, #tpu.memory_space<vmem>>, vector<16xi32>,
        %add3A_923 = arith.constant 20000 : i32
        %add3A_924 = arith.addi %add3A_923, %add3A_693 : i32
        %add3A_925 = vector.broadcast %add3A_924 : i32 to vector<16xi32>
        %add3A_926 = arith.addi %mul3A_697, %add3A_925 : vector<16xi32>
        %gather3A_927 = tpu.vector_load_idx %arg5[%add3A_926] : memref<25600xi32, #tpu.memory_space<vmem>>[vector<16xi32>], vector<16xi32>,
        %swap3A_928 = arith.constant 0 : i32
        %swap3A_929 = arith.index_cast %swap3A_928 : i32 to index
        %swap3A_930 = arith.constant 400 : index
        %swap3A_931 = tpu.vector_load %arg6[%swap3A_929, %swap3A_930] {strides = array<i32>} : memref<2x512xi32, #tpu.memory_space<vmem>>, vector<16xi32>,
        tpu.vector_store %arg6[%swap3A_929, %swap3A_930], %gather3A_927 {strides = array<i32>} : memref<2x512xi32, #tpu.memory_space<vmem>>, vector<16xi32>,
        %add3A_932 = arith.constant 20800 : i32
        %add3A_933 = arith.addi %add3A_932, %add3A_693 : i32
        %add3A_934 = vector.broadcast %add3A_933 : i32 to vector<16xi32>
        %add3A_935 = arith.addi %mul3A_697, %add3A_934 : vector<16xi32>
        %gather3A_936 = tpu.vector_load_idx %arg5[%add3A_935] : memref<25600xi32, #tpu.memory_space<vmem>>[vector<16xi32>], vector<16xi32>,
        %swap3A_937 = arith.constant 0 : i32
        %swap3A_938 = arith.index_cast %swap3A_937 : i32 to index
        %swap3A_939 = arith.constant 416 : index
        %swap3A_940 = tpu.vector_load %arg6[%swap3A_938, %swap3A_939] {strides = array<i32>} : memref<2x512xi32, #tpu.memory_space<vmem>>, vector<16xi32>,
        tpu.vector_store %arg6[%swap3A_938, %swap3A_939], %gather3A_936 {strides = array<i32>} : memref<2x512xi32, #tpu.memory_space<vmem>>, vector<16xi32>,
        %add3A_941 = arith.constant 21600 : i32
        %add3A_942 = arith.addi %add3A_941, %add3A_693 : i32
        %add3A_943 = vector.broadcast %add3A_942 : i32 to vector<16xi32>
        %add3A_944 = arith.addi %mul3A_697, %add3A_943 : vector<16xi32>
        %gather3A_945 = tpu.vector_load_idx %arg5[%add3A_944] : memref<25600xi32, #tpu.memory_space<vmem>>[vector<16xi32>], vector<16xi32>,
        %swap3A_946 = arith.constant 0 : i32
        %swap3A_947 = arith.index_cast %swap3A_946 : i32 to index
        %swap3A_948 = arith.constant 432 : index
        %swap3A_949 = tpu.vector_load %arg6[%swap3A_947, %swap3A_948] {strides = array<i32>} : memref<2x512xi32, #tpu.memory_space<vmem>>, vector<16xi32>,
        tpu.vector_store %arg6[%swap3A_947, %swap3A_948], %gather3A_945 {strides = array<i32>} : memref<2x512xi32, #tpu.memory_space<vmem>>, vector<16xi32>,
        %add3A_950 = arith.constant 22400 : i32
        %add3A_951 = arith.addi %add3A_950, %add3A_693 : i32
        %add3A_952 = vector.broadcast %add3A_951 : i32 to vector<16xi32>
        %add3A_953 = arith.addi %mul3A_697, %add3A_952 : vector<16xi32>
        %gather3A_954 = tpu.vector_load_idx %arg5[%add3A_953] : memref<25600xi32, #tpu.memory_space<vmem>>[vector<16xi32>], vector<16xi32>,
        %swap3A_955 = arith.constant 0 : i32
        %swap3A_956 = arith.index_cast %swap3A_955 : i32 to index
        %swap3A_957 = arith.constant 448 : index
        %swap3A_958 = tpu.vector_load %arg6[%swap3A_956, %swap3A_957] {strides = array<i32>} : memref<2x512xi32, #tpu.memory_space<vmem>>, vector<16xi32>,
        tpu.vector_store %arg6[%swap3A_956, %swap3A_957], %gather3A_954 {strides = array<i32>} : memref<2x512xi32, #tpu.memory_space<vmem>>, vector<16xi32>,
        %add3A_959 = arith.constant 23200 : i32
        %add3A_960 = arith.addi %add3A_959, %add3A_693 : i32
        %add3A_961 = vector.broadcast %add3A_960 : i32 to vector<16xi32>
        %add3A_962 = arith.addi %mul3A_697, %add3A_961 : vector<16xi32>
        %gather3A_963 = tpu.vector_load_idx %arg5[%add3A_962] : memref<25600xi32, #tpu.memory_space<vmem>>[vector<16xi32>], vector<16xi32>,
        %swap3A_964 = arith.constant 0 : i32
        %swap3A_965 = arith.index_cast %swap3A_964 : i32 to index
        %swap3A_966 = arith.constant 464 : index
        %swap3A_967 = tpu.vector_load %arg6[%swap3A_965, %swap3A_966] {strides = array<i32>} : memref<2x512xi32, #tpu.memory_space<vmem>>, vector<16xi32>,
        tpu.vector_store %arg6[%swap3A_965, %swap3A_966], %gather3A_963 {strides = array<i32>} : memref<2x512xi32, #tpu.memory_space<vmem>>, vector<16xi32>,
        %add3A_968 = arith.constant 24000 : i32
        %add3A_969 = arith.addi %add3A_968, %add3A_693 : i32
        %add3A_970 = vector.broadcast %add3A_969 : i32 to vector<16xi32>
        %add3A_971 = arith.addi %mul3A_697, %add3A_970 : vector<16xi32>
        %gather3A_972 = tpu.vector_load_idx %arg5[%add3A_971] : memref<25600xi32, #tpu.memory_space<vmem>>[vector<16xi32>], vector<16xi32>,
        %swap3A_973 = arith.constant 0 : i32
        %swap3A_974 = arith.index_cast %swap3A_973 : i32 to index
        %swap3A_975 = arith.constant 480 : index
        %swap3A_976 = tpu.vector_load %arg6[%swap3A_974, %swap3A_975] {strides = array<i32>} : memref<2x512xi32, #tpu.memory_space<vmem>>, vector<16xi32>,
        tpu.vector_store %arg6[%swap3A_974, %swap3A_975], %gather3A_972 {strides = array<i32>} : memref<2x512xi32, #tpu.memory_space<vmem>>, vector<16xi32>,
        %add3A_977 = arith.constant 24800 : i32
        %add3A_978 = arith.addi %add3A_977, %add3A_693 : i32
        %add3A_979 = vector.broadcast %add3A_978 : i32 to vector<16xi32>
        %add3A_980 = arith.addi %mul3A_697, %add3A_979 : vector<16xi32>
        %gather3A_981 = tpu.vector_load_idx %arg5[%add3A_980] : memref<25600xi32, #tpu.memory_space<vmem>>[vector<16xi32>], vector<16xi32>,
        %swap3A_982 = arith.constant 0 : i32
        %swap3A_983 = arith.index_cast %swap3A_982 : i32 to index
        %swap3A_984 = arith.constant 496 : index
        %swap3A_985 = tpu.vector_load %arg6[%swap3A_983, %swap3A_984] {strides = array<i32>} : memref<2x512xi32, #tpu.memory_space<vmem>>, vector<16xi32>,
        tpu.vector_store %arg6[%swap3A_983, %swap3A_984], %gather3A_981 {strides = array<i32>} : memref<2x512xi32, #tpu.memory_space<vmem>>, vector<16xi32>,
        %add3A_986 = arith.constant 1 : i32
        %add3A_987 = arith.addi %add3A_565, %add3A_986 : i32
        %dma_start3A_988 = arith.constant 0 : i32
        %dma_start3A_989 = arith.constant 0 : i32
        %dma_start3A_990 = arith.constant 0 : i32
        %dma_start3A_991 = arith.constant 0 : i32
        %dma_start3A_992 = arith.constant 0 : i32
        %dma_start3A_993 = tpu.memref_slice %arg7[%dma_start3A_989, %dma_start3A_991, %dma_start3A_992] : memref<2x512x32xf32, #tpu.memory_space<vmem>> -> memref<1x512x32xf32, #tpu.memory_space<vmem>>
        %dma_start3A_994 = tpu.memref_squeeze %dma_start3A_993 : memref<1x512x32xf32, #tpu.memory_space<vmem>> -> memref<512x32xf32, #tpu.memory_space<vmem>>
        %dma_start3A_995 = arith.constant 0 : i32
        %dma_start3A_996 = tpu.memref_slice %arg6[%dma_start3A_988, %dma_start3A_995] : memref<2x512xi32, #tpu.memory_space<vmem>> -> memref<1x512xi32, #tpu.memory_space<vmem>>
        %dma_start3A_997 = tpu.memref_squeeze %dma_start3A_996 : memref<1x512xi32, #tpu.memory_space<vmem>> -> memref<512xi32, #tpu.memory_space<vmem>>
        %dma_start3A_998 = arith.constant 0 : i32
        %dma_start3A_999 = arith.constant 0 : i32
        %dma_start3A_1000 = tpu.memref_slice %arg3[%dma_start3A_998, %dma_start3A_999] : memref<1000000x32xf32, #tpu.memory_space<hbm>> -> memref<1000000x32xf32, #tpu.memory_space<hbm>>
        %dma_start3A_1001 = tpu.memref_slice %arg10[%dma_start3A_990] : memref<2x!tpu.dma_semaphore, #tpu.memory_space<semaphore_mem>> -> memref<1x!tpu.dma_semaphore, #tpu.memory_space<semaphore_mem>>
        %dma_start3A_1002 = tpu.memref_squeeze %dma_start3A_1001 : memref<1x!tpu.dma_semaphore, #tpu.memory_space<semaphore_mem>> -> memref<!tpu.dma_semaphore, #tpu.memory_space<semaphore_mem>>
        tpu.enqueue_indirect_dma source(%dma_start3A_1000 : memref<1000000x32xf32, #tpu.memory_space<hbm>>) target(%dma_start3A_994 : memref<512x32xf32, #tpu.memory_space<vmem>>) offsets(%dma_start3A_997 : memref<512xi32, #tpu.memory_space<vmem>>) semaphore(%dma_start3A_1002 : memref<!tpu.dma_semaphore, #tpu.memory_space<semaphore_mem>>)
      } else {
      }
      %ge3A_588 = arith.constant 2 : i32
      %ge3A_589 = arith.cmpi sge, %add3A_565, %ge3A_588 : i32
      %convert_element_type3A_590 = arith.extui %ge3A_589 : i1 to i32
      %cond3A_591 = arith.constant 0 : i32
      %cond3A_592 = arith.cmpi ne, %convert_element_type3A_590, %cond3A_591 : i32
      scf.if %cond3A_592 {
        %sub3A = arith.constant 2 : i32
        %sub3A_692 = arith.subi %add3A_565, %sub3A : i32
        %mul3A_693 = arith.constant 4 : i32
        %mul3A_694 = arith.muli %sub3A_692, %mul3A_693 : i32
        %add3A_695 = arith.constant 0 : i32
        %add3A_696 = arith.addi %mul3A_694, %add3A_695 : i32
        %mul3A_697 = arith.constant 32 : i32
        %mul3A_698 = arith.muli %add3A_696, %mul3A_697 : i32
        %add3A_699 = arith.addi %mul3A_698, %add3A : i32
        %dma_wait3A_700 = arith.constant 1 : i32
        %dma_wait3A_701 = arith.constant 0 : i32
        %dma_wait3A_702 = arith.constant 1 : i32
        %dma_wait3A_703 = arith.constant 0 : i32
        %dma_wait3A_704 = tpu.memref_slice %arg8[%dma_wait3A_700, %dma_wait3A_701, %dma_wait3A_703] : memref<2x4x4096xf32, #tpu.memory_space<vmem>> -> memref<1x1x4096xf32, #tpu.memory_space<vmem>>
        %dma_wait3A_705 = tpu.memref_squeeze %dma_wait3A_704 : memref<1x1x4096xf32, #tpu.memory_space<vmem>> -> memref<4096xf32, #tpu.memory_space<vmem>>
        %dma_wait3A_706 = arith.constant 0 : i32
        %dma_wait3A_707 = tpu.memref_slice %arg4[%add3A_699, %dma_wait3A_706] : memref<6400x4096xf32, #tpu.memory_space<hbm>> -> memref<1x4096xf32, #tpu.memory_space<hbm>>
        %dma_wait3A_708 = tpu.memref_squeeze %dma_wait3A_707 : memref<1x4096xf32, #tpu.memory_space<hbm>> -> memref<4096xf32, #tpu.memory_space<hbm>>
        %dma_wait3A_709 = tpu.memref_slice %arg11[%dma_wait3A_702] : memref<2x!tpu.dma_semaphore, #tpu.memory_space<semaphore_mem>> -> memref<1x!tpu.dma_semaphore, #tpu.memory_space<semaphore_mem>>
        %dma_wait3A_710 = tpu.memref_squeeze %dma_wait3A_709 : memref<1x!tpu.dma_semaphore, #tpu.memory_space<semaphore_mem>> -> memref<!tpu.dma_semaphore, #tpu.memory_space<semaphore_mem>>
        %dma_wait3A_711 = arith.constant 0 : i32
        %dma_wait3A_712 = tpu.memref_slice %arg4[%add3A_699, %dma_wait3A_711] : memref<6400x4096xf32, #tpu.memory_space<hbm>> -> memref<1x4096xf32, #tpu.memory_space<hbm>>
        %dma_wait3A_713 = tpu.memref_squeeze %dma_wait3A_712 : memref<1x4096xf32, #tpu.memory_space<hbm>> -> memref<4096xf32, #tpu.memory_space<hbm>>
        %dma_wait3A_714 = arith.constant 0 : i32
        %dma_wait3A_715 = tpu.memref_slice %arg8[%dma_wait3A_700, %dma_wait3A_701, %dma_wait3A_714] : memref<2x4x4096xf32, #tpu.memory_space<vmem>> -> memref<1x1x4096xf32, #tpu.memory_space<vmem>>
        %dma_wait3A_716 = tpu.memref_squeeze %dma_wait3A_715 : memref<1x1x4096xf32, #tpu.memory_space<vmem>> -> memref<4096xf32, #tpu.memory_space<vmem>>
        tpu.wait_dma2 semaphore(%dma_wait3A_710 : memref<!tpu.dma_semaphore, #tpu.memory_space<semaphore_mem>>) src(%dma_wait3A_716 : memref<4096xf32, #tpu.memory_space<vmem>>) dst(%dma_wait3A_713 : memref<4096xf32, #tpu.memory_space<hbm>>)
        %mul3A_717 = arith.constant 4 : i32
        %mul3A_718 = arith.muli %sub3A_692, %mul3A_717 : i32
        %add3A_719 = arith.constant 1 : i32
        %add3A_720 = arith.addi %mul3A_718, %add3A_719 : i32
        %mul3A_721 = arith.constant 32 : i32
        %mul3A_722 = arith.muli %add3A_720, %mul3A_721 : i32
        %add3A_723 = arith.addi %mul3A_722, %add3A : i32
        %dma_wait3A_724 = arith.constant 1 : i32
        %dma_wait3A_725 = arith.constant 1 : i32
        %dma_wait3A_726 = arith.constant 1 : i32
        %dma_wait3A_727 = arith.constant 0 : i32
        %dma_wait3A_728 = tpu.memref_slice %arg8[%dma_wait3A_724, %dma_wait3A_725, %dma_wait3A_727] : memref<2x4x4096xf32, #tpu.memory_space<vmem>> -> memref<1x1x4096xf32, #tpu.memory_space<vmem>>
        %dma_wait3A_729 = tpu.memref_squeeze %dma_wait3A_728 : memref<1x1x4096xf32, #tpu.memory_space<vmem>> -> memref<4096xf32, #tpu.memory_space<vmem>>
        %dma_wait3A_730 = arith.constant 0 : i32
        %dma_wait3A_731 = tpu.memref_slice %arg4[%add3A_723, %dma_wait3A_730] : memref<6400x4096xf32, #tpu.memory_space<hbm>> -> memref<1x4096xf32, #tpu.memory_space<hbm>>
        %dma_wait3A_732 = tpu.memref_squeeze %dma_wait3A_731 : memref<1x4096xf32, #tpu.memory_space<hbm>> -> memref<4096xf32, #tpu.memory_space<hbm>>
        %dma_wait3A_733 = tpu.memref_slice %arg11[%dma_wait3A_726] : memref<2x!tpu.dma_semaphore, #tpu.memory_space<semaphore_mem>> -> memref<1x!tpu.dma_semaphore, #tpu.memory_space<semaphore_mem>>
        %dma_wait3A_734 = tpu.memref_squeeze %dma_wait3A_733 : memref<1x!tpu.dma_semaphore, #tpu.memory_space<semaphore_mem>> -> memref<!tpu.dma_semaphore, #tpu.memory_space<semaphore_mem>>
        %dma_wait3A_735 = arith.constant 0 : i32
        %dma_wait3A_736 = tpu.memref_slice %arg4[%add3A_723, %dma_wait3A_735] : memref<6400x4096xf32, #tpu.memory_space<hbm>> -> memref<1x4096xf32, #tpu.memory_space<hbm>>
        %dma_wait3A_737 = tpu.memref_squeeze %dma_wait3A_736 : memref<1x4096xf32, #tpu.memory_space<hbm>> -> memref<4096xf32, #tpu.memory_space<hbm>>
        %dma_wait3A_738 = arith.constant 0 : i32
        %dma_wait3A_739 = tpu.memref_slice %arg8[%dma_wait3A_724, %dma_wait3A_725, %dma_wait3A_738] : memref<2x4x4096xf32, #tpu.memory_space<vmem>> -> memref<1x1x4096xf32, #tpu.memory_space<vmem>>
        %dma_wait3A_740 = tpu.memref_squeeze %dma_wait3A_739 : memref<1x1x4096xf32, #tpu.memory_space<vmem>> -> memref<4096xf32, #tpu.memory_space<vmem>>
        tpu.wait_dma2 semaphore(%dma_wait3A_734 : memref<!tpu.dma_semaphore, #tpu.memory_space<semaphore_mem>>) src(%dma_wait3A_740 : memref<4096xf32, #tpu.memory_space<vmem>>) dst(%dma_wait3A_737 : memref<4096xf32, #tpu.memory_space<hbm>>)
        %mul3A_741 = arith.constant 4 : i32
        %mul3A_742 = arith.muli %sub3A_692, %mul3A_741 : i32
        %add3A_743 = arith.constant 2 : i32
        %add3A_744 = arith.addi %mul3A_742, %add3A_743 : i32
        %mul3A_745 = arith.constant 32 : i32
        %mul3A_746 = arith.muli %add3A_744, %mul3A_745 : i32
        %add3A_747 = arith.addi %mul3A_746, %add3A : i32
        %dma_wait3A_748 = arith.constant 1 : i32
        %dma_wait3A_749 = arith.constant 2 : i32
        %dma_wait3A_750 = arith.constant 1 : i32
        %dma_wait3A_751 = arith.constant 0 : i32
        %dma_wait3A_752 = tpu.memref_slice %arg8[%dma_wait3A_748, %dma_wait3A_749, %dma_wait3A_751] : memref<2x4x4096xf32, #tpu.memory_space<vmem>> -> memref<1x1x4096xf32, #tpu.memory_space<vmem>>
        %dma_wait3A_753 = tpu.memref_squeeze %dma_wait3A_752 : memref<1x1x4096xf32, #tpu.memory_space<vmem>> -> memref<4096xf32, #tpu.memory_space<vmem>>
        %dma_wait3A_754 = arith.constant 0 : i32
        %dma_wait3A_755 = tpu.memref_slice %arg4[%add3A_747, %dma_wait3A_754] : memref<6400x4096xf32, #tpu.memory_space<hbm>> -> memref<1x4096xf32, #tpu.memory_space<hbm>>
        %dma_wait3A_756 = tpu.memref_squeeze %dma_wait3A_755 : memref<1x4096xf32, #tpu.memory_space<hbm>> -> memref<4096xf32, #tpu.memory_space<hbm>>
        %dma_wait3A_757 = tpu.memref_slice %arg11[%dma_wait3A_750] : memref<2x!tpu.dma_semaphore, #tpu.memory_space<semaphore_mem>> -> memref<1x!tpu.dma_semaphore, #tpu.memory_space<semaphore_mem>>
        %dma_wait3A_758 = tpu.memref_squeeze %dma_wait3A_757 : memref<1x!tpu.dma_semaphore, #tpu.memory_space<semaphore_mem>> -> memref<!tpu.dma_semaphore, #tpu.memory_space<semaphore_mem>>
        %dma_wait3A_759 = arith.constant 0 : i32
        %dma_wait3A_760 = tpu.memref_slice %arg4[%add3A_747, %dma_wait3A_759] : memref<6400x4096xf32, #tpu.memory_space<hbm>> -> memref<1x4096xf32, #tpu.memory_space<hbm>>
        %dma_wait3A_761 = tpu.memref_squeeze %dma_wait3A_760 : memref<1x4096xf32, #tpu.memory_space<hbm>> -> memref<4096xf32, #tpu.memory_space<hbm>>
        %dma_wait3A_762 = arith.constant 0 : i32
        %dma_wait3A_763 = tpu.memref_slice %arg8[%dma_wait3A_748, %dma_wait3A_749, %dma_wait3A_762] : memref<2x4x4096xf32, #tpu.memory_space<vmem>> -> memref<1x1x4096xf32, #tpu.memory_space<vmem>>
        %dma_wait3A_764 = tpu.memref_squeeze %dma_wait3A_763 : memref<1x1x4096xf32, #tpu.memory_space<vmem>> -> memref<4096xf32, #tpu.memory_space<vmem>>
        tpu.wait_dma2 semaphore(%dma_wait3A_758 : memref<!tpu.dma_semaphore, #tpu.memory_space<semaphore_mem>>) src(%dma_wait3A_764 : memref<4096xf32, #tpu.memory_space<vmem>>) dst(%dma_wait3A_761 : memref<4096xf32, #tpu.memory_space<hbm>>)
        %mul3A_765 = arith.constant 4 : i32
        %mul3A_766 = arith.muli %sub3A_692, %mul3A_765 : i32
        %add3A_767 = arith.constant 3 : i32
        %add3A_768 = arith.addi %mul3A_766, %add3A_767 : i32
        %mul3A_769 = arith.constant 32 : i32
        %mul3A_770 = arith.muli %add3A_768, %mul3A_769 : i32
        %add3A_771 = arith.addi %mul3A_770, %add3A : i32
        %dma_wait3A_772 = arith.constant 1 : i32
        %dma_wait3A_773 = arith.constant 3 : i32
        %dma_wait3A_774 = arith.constant 1 : i32
        %dma_wait3A_775 = arith.constant 0 : i32
        %dma_wait3A_776 = tpu.memref_slice %arg8[%dma_wait3A_772, %dma_wait3A_773, %dma_wait3A_775] : memref<2x4x4096xf32, #tpu.memory_space<vmem>> -> memref<1x1x4096xf32, #tpu.memory_space<vmem>>
        %dma_wait3A_777 = tpu.memref_squeeze %dma_wait3A_776 : memref<1x1x4096xf32, #tpu.memory_space<vmem>> -> memref<4096xf32, #tpu.memory_space<vmem>>
        %dma_wait3A_778 = arith.constant 0 : i32
        %dma_wait3A_779 = tpu.memref_slice %arg4[%add3A_771, %dma_wait3A_778] : memref<6400x4096xf32, #tpu.memory_space<hbm>> -> memref<1x4096xf32, #tpu.memory_space<hbm>>
        %dma_wait3A_780 = tpu.memref_squeeze %dma_wait3A_779 : memref<1x4096xf32, #tpu.memory_space<hbm>> -> memref<4096xf32, #tpu.memory_space<hbm>>
        %dma_wait3A_781 = tpu.memref_slice %arg11[%dma_wait3A_774] : memref<2x!tpu.dma_semaphore, #tpu.memory_space<semaphore_mem>> -> memref<1x!tpu.dma_semaphore, #tpu.memory_space<semaphore_mem>>
        %dma_wait3A_782 = tpu.memref_squeeze %dma_wait3A_781 : memref<1x!tpu.dma_semaphore, #tpu.memory_space<semaphore_mem>> -> memref<!tpu.dma_semaphore, #tpu.memory_space<semaphore_mem>>
        %dma_wait3A_783 = arith.constant 0 : i32
        %dma_wait3A_784 = tpu.memref_slice %arg4[%add3A_771, %dma_wait3A_783] : memref<6400x4096xf32, #tpu.memory_space<hbm>> -> memref<1x4096xf32, #tpu.memory_space<hbm>>
        %dma_wait3A_785 = tpu.memref_squeeze %dma_wait3A_784 : memref<1x4096xf32, #tpu.memory_space<hbm>> -> memref<4096xf32, #tpu.memory_space<hbm>>
        %dma_wait3A_786 = arith.constant 0 : i32
        %dma_wait3A_787 = tpu.memref_slice %arg8[%dma_wait3A_772, %dma_wait3A_773, %dma_wait3A_786] : memref<2x4x4096xf32, #tpu.memory_space<vmem>> -> memref<1x1x4096xf32, #tpu.memory_space<vmem>>
        %dma_wait3A_788 = tpu.memref_squeeze %dma_wait3A_787 : memref<1x1x4096xf32, #tpu.memory_space<vmem>> -> memref<4096xf32, #tpu.memory_space<vmem>>
        tpu.wait_dma2 semaphore(%dma_wait3A_782 : memref<!tpu.dma_semaphore, #tpu.memory_space<semaphore_mem>>) src(%dma_wait3A_788 : memref<4096xf32, #tpu.memory_space<vmem>>) dst(%dma_wait3A_785 : memref<4096xf32, #tpu.memory_space<hbm>>)
      } else {
      }
      %parallel_loop3A_593 = arith.constant 0 : i32
      %parallel_loop3A_594 = arith.constant 32 : i32
      %parallel_loop3A_595 = arith.constant 1 : i32
      scf.for %parallel_loop3A_692 = %parallel_loop3A_593 to %parallel_loop3A_594 step %parallel_loop3A_595  : i32 {
        %parallel_loop3A_693 = tpu.iota {dimensions = array<i32: 0>} : vector<16xi32>
        %parallel_loop3A_694 = vector.broadcast %parallel_loop3A_692 : i32 to vector<16xi32>
        %parallel_loop3A_695 = arith.constant 8 : i32
        %parallel_loop3A_696 = arith.divsi %parallel_loop3A_692, %parallel_loop3A_695 : i32
        %parallel_loop3A_697 = arith.constant 0 : i32
        %parallel_loop3A_698 = arith.cmpi sgt, %parallel_loop3A_692, %parallel_loop3A_697 : i32
        %parallel_loop3A_699 = arith.extui %parallel_loop3A_698 : i1 to i32
        %parallel_loop3A_700 = arith.constant 0 : i32
        %parallel_loop3A_701 = arith.cmpi slt, %parallel_loop3A_692, %parallel_loop3A_700 : i32
        %parallel_loop3A_702 = arith.extui %parallel_loop3A_701 : i1 to i32
        %parallel_loop3A_703 = arith.subi %parallel_loop3A_699, %parallel_loop3A_702 : i32
        %parallel_loop3A_704 = arith.constant 0 : i32
        %parallel_loop3A_705 = arith.cmpi sgt, %parallel_loop3A_695, %parallel_loop3A_704 : i32
        %parallel_loop3A_706 = arith.extui %parallel_loop3A_705 : i1 to i32
        %parallel_loop3A_707 = arith.constant 0 : i32
        %parallel_loop3A_708 = arith.cmpi slt, %parallel_loop3A_695, %parallel_loop3A_707 : i32
        %parallel_loop3A_709 = arith.extui %parallel_loop3A_708 : i1 to i32
        %parallel_loop3A_710 = arith.subi %parallel_loop3A_706, %parallel_loop3A_709 : i32
        %parallel_loop3A_711 = arith.cmpi ne, %parallel_loop3A_703, %parallel_loop3A_710 : i32
        %parallel_loop3A_712 = arith.remsi %parallel_loop3A_692, %parallel_loop3A_695 : i32
        %parallel_loop3A_713 = arith.constant 0 : i32
        %parallel_loop3A_714 = arith.cmpi ne, %parallel_loop3A_712, %parallel_loop3A_713 : i32
        %parallel_loop3A_715 = arith.andi %parallel_loop3A_711, %parallel_loop3A_714 : i1
        %parallel_loop3A_716 = arith.constant 1 : i32
        %parallel_loop3A_717 = arith.subi %parallel_loop3A_696, %parallel_loop3A_716 : i32
        %parallel_loop3A_718 = arith.select %parallel_loop3A_715, %parallel_loop3A_717, %parallel_loop3A_696 : i32
        %parallel_loop3A_719 = arith.constant 8 : i32
        %parallel_loop3A_720 = arith.constant 0 : i32
        %parallel_loop3A_721 = arith.cmpi eq, %parallel_loop3A_719, %parallel_loop3A_720 : i32
        %parallel_loop3A_722 = arith.constant 1 : i32
        %parallel_loop3A_723 = arith.select %parallel_loop3A_721, %parallel_loop3A_722, %parallel_loop3A_719 : i32
        %parallel_loop3A_724 = arith.remsi %parallel_loop3A_692, %parallel_loop3A_723 : i32
        %parallel_loop3A_725 = arith.constant 0 : i32
        %parallel_loop3A_726 = arith.cmpi ne, %parallel_loop3A_724, %parallel_loop3A_725 : i32
        %parallel_loop3A_727 = arith.constant 0 : i32
        %parallel_loop3A_728 = arith.cmpi slt, %parallel_loop3A_724, %parallel_loop3A_727 : i32
        %parallel_loop3A_729 = arith.constant 0 : i32
        %parallel_loop3A_730 = arith.cmpi slt, %parallel_loop3A_723, %parallel_loop3A_729 : i32
        %parallel_loop3A_731 = arith.xori %parallel_loop3A_728, %parallel_loop3A_730 : i1
        %parallel_loop3A_732 = arith.andi %parallel_loop3A_731, %parallel_loop3A_726 : i1
        %parallel_loop3A_733 = arith.addi %parallel_loop3A_724, %parallel_loop3A_723 : i32
        %parallel_loop3A_734 = arith.select %parallel_loop3A_732, %parallel_loop3A_733, %parallel_loop3A_724 : i32
        %parallel_loop3A_735 = arith.constant 128 : i32
        %parallel_loop3A_736 = arith.muli %parallel_loop3A_734, %parallel_loop3A_735 : i32
        %parallel_loop3A_737 = arith.constant 0 : i32
        %parallel_loop3A_738 = vector.broadcast %parallel_loop3A_737 : i32 to vector<16xi32>
        %parallel_loop3A_739 = arith.addi %parallel_loop3A_693, %parallel_loop3A_738 : vector<16xi32>
        %parallel_loop3A_740 = arith.constant 1 : i32
        %parallel_loop3A_741 = arith.constant 0 : i32
        %parallel_loop3A_742 = arith.constant 0 : i32
        %parallel_loop3A_743 = tpu.memref_slice %arg7[%parallel_loop3A_740, %parallel_loop3A_741, %parallel_loop3A_742] : memref<2x512x32xf32, #tpu.memory_space<vmem>> -> memref<1x512x32xf32, #tpu.memory_space<vmem>>
        %parallel_loop3A_744 = tpu.memref_squeeze %parallel_loop3A_743 : memref<1x512x32xf32, #tpu.memory_space<vmem>> -> memref<512x32xf32, #tpu.memory_space<vmem>>
        %parallel_loop3A_745 = tpu.vector_load_idx %parallel_loop3A_744[%parallel_loop3A_739, %parallel_loop3A_694] : memref<512x32xf32, #tpu.memory_space<vmem>>[vector<16xi32>, vector<16xi32>], vector<16xf32>,
        %parallel_loop3A_746 = arith.constant 0 : i32
        %parallel_loop3A_747 = arith.addi %parallel_loop3A_736, %parallel_loop3A_746 : i32
        %parallel_loop3A_748 = arith.constant 1 : i32
        %parallel_loop3A_749 = arith.index_cast %parallel_loop3A_748 : i32 to index
        %parallel_loop3A_750 = arith.index_cast %parallel_loop3A_718 : i32 to index
        %parallel_loop3A_751 = arith.index_cast %parallel_loop3A_747 : i32 to index
        %parallel_loop3A_752 = tpu.vector_load %arg8[%parallel_loop3A_749, %parallel_loop3A_750, %parallel_loop3A_751] {strides = array<i32>} : memref<2x4x4096xf32, #tpu.memory_space<vmem>>, vector<16xf32>,
        tpu.vector_store %arg8[%parallel_loop3A_749, %parallel_loop3A_750, %parallel_loop3A_751], %parallel_loop3A_745 {strides = array<i32>} : memref<2x4x4096xf32, #tpu.memory_space<vmem>>, vector<16xf32>,
        %parallel_loop3A_753 = arith.constant 16 : i32
        %parallel_loop3A_754 = vector.broadcast %parallel_loop3A_753 : i32 to vector<16xi32>
        %parallel_loop3A_755 = arith.addi %parallel_loop3A_693, %parallel_loop3A_754 : vector<16xi32>
        %parallel_loop3A_756 = arith.constant 1 : i32
        %parallel_loop3A_757 = arith.constant 0 : i32
        %parallel_loop3A_758 = arith.constant 0 : i32
        %parallel_loop3A_759 = tpu.memref_slice %arg7[%parallel_loop3A_756, %parallel_loop3A_757, %parallel_loop3A_758] : memref<2x512x32xf32, #tpu.memory_space<vmem>> -> memref<1x512x32xf32, #tpu.memory_space<vmem>>
        %parallel_loop3A_760 = tpu.memref_squeeze %parallel_loop3A_759 : memref<1x512x32xf32, #tpu.memory_space<vmem>> -> memref<512x32xf32, #tpu.memory_space<vmem>>
        %parallel_loop3A_761 = tpu.vector_load_idx %parallel_loop3A_760[%parallel_loop3A_755, %parallel_loop3A_694] : memref<512x32xf32, #tpu.memory_space<vmem>>[vector<16xi32>, vector<16xi32>], vector<16xf32>,
        %parallel_loop3A_762 = arith.constant 16 : i32
        %parallel_loop3A_763 = arith.addi %parallel_loop3A_736, %parallel_loop3A_762 : i32
        %parallel_loop3A_764 = arith.constant 1 : i32
        %parallel_loop3A_765 = arith.index_cast %parallel_loop3A_764 : i32 to index
        %parallel_loop3A_766 = arith.index_cast %parallel_loop3A_718 : i32 to index
        %parallel_loop3A_767 = arith.index_cast %parallel_loop3A_763 : i32 to index
        %parallel_loop3A_768 = tpu.vector_load %arg8[%parallel_loop3A_765, %parallel_loop3A_766, %parallel_loop3A_767] {strides = array<i32>} : memref<2x4x4096xf32, #tpu.memory_space<vmem>>, vector<16xf32>,
        tpu.vector_store %arg8[%parallel_loop3A_765, %parallel_loop3A_766, %parallel_loop3A_767], %parallel_loop3A_761 {strides = array<i32>} : memref<2x4x4096xf32, #tpu.memory_space<vmem>>, vector<16xf32>,
        %parallel_loop3A_769 = arith.constant 32 : i32
        %parallel_loop3A_770 = vector.broadcast %parallel_loop3A_769 : i32 to vector<16xi32>
        %parallel_loop3A_771 = arith.addi %parallel_loop3A_693, %parallel_loop3A_770 : vector<16xi32>
        %parallel_loop3A_772 = arith.constant 1 : i32
        %parallel_loop3A_773 = arith.constant 0 : i32
        %parallel_loop3A_774 = arith.constant 0 : i32
        %parallel_loop3A_775 = tpu.memref_slice %arg7[%parallel_loop3A_772, %parallel_loop3A_773, %parallel_loop3A_774] : memref<2x512x32xf32, #tpu.memory_space<vmem>> -> memref<1x512x32xf32, #tpu.memory_space<vmem>>
        %parallel_loop3A_776 = tpu.memref_squeeze %parallel_loop3A_775 : memref<1x512x32xf32, #tpu.memory_space<vmem>> -> memref<512x32xf32, #tpu.memory_space<vmem>>
        %parallel_loop3A_777 = tpu.vector_load_idx %parallel_loop3A_776[%parallel_loop3A_771, %parallel_loop3A_694] : memref<512x32xf32, #tpu.memory_space<vmem>>[vector<16xi32>, vector<16xi32>], vector<16xf32>,
        %parallel_loop3A_778 = arith.constant 32 : i32
        %parallel_loop3A_779 = arith.addi %parallel_loop3A_736, %parallel_loop3A_778 : i32
        %parallel_loop3A_780 = arith.constant 1 : i32
        %parallel_loop3A_781 = arith.index_cast %parallel_loop3A_780 : i32 to index
        %parallel_loop3A_782 = arith.index_cast %parallel_loop3A_718 : i32 to index
        %parallel_loop3A_783 = arith.index_cast %parallel_loop3A_779 : i32 to index
        %parallel_loop3A_784 = tpu.vector_load %arg8[%parallel_loop3A_781, %parallel_loop3A_782, %parallel_loop3A_783] {strides = array<i32>} : memref<2x4x4096xf32, #tpu.memory_space<vmem>>, vector<16xf32>,
        tpu.vector_store %arg8[%parallel_loop3A_781, %parallel_loop3A_782, %parallel_loop3A_783], %parallel_loop3A_777 {strides = array<i32>} : memref<2x4x4096xf32, #tpu.memory_space<vmem>>, vector<16xf32>,
        %parallel_loop3A_785 = arith.constant 48 : i32
        %parallel_loop3A_786 = vector.broadcast %parallel_loop3A_785 : i32 to vector<16xi32>
        %parallel_loop3A_787 = arith.addi %parallel_loop3A_693, %parallel_loop3A_786 : vector<16xi32>
        %parallel_loop3A_788 = arith.constant 1 : i32
        %parallel_loop3A_789 = arith.constant 0 : i32
        %parallel_loop3A_790 = arith.constant 0 : i32
        %parallel_loop3A_791 = tpu.memref_slice %arg7[%parallel_loop3A_788, %parallel_loop3A_789, %parallel_loop3A_790] : memref<2x512x32xf32, #tpu.memory_space<vmem>> -> memref<1x512x32xf32, #tpu.memory_space<vmem>>
        %parallel_loop3A_792 = tpu.memref_squeeze %parallel_loop3A_791 : memref<1x512x32xf32, #tpu.memory_space<vmem>> -> memref<512x32xf32, #tpu.memory_space<vmem>>
        %parallel_loop3A_793 = tpu.vector_load_idx %parallel_loop3A_792[%parallel_loop3A_787, %parallel_loop3A_694] : memref<512x32xf32, #tpu.memory_space<vmem>>[vector<16xi32>, vector<16xi32>], vector<16xf32>,
        %parallel_loop3A_794 = arith.constant 48 : i32
        %parallel_loop3A_795 = arith.addi %parallel_loop3A_736, %parallel_loop3A_794 : i32
        %parallel_loop3A_796 = arith.constant 1 : i32
        %parallel_loop3A_797 = arith.index_cast %parallel_loop3A_796 : i32 to index
        %parallel_loop3A_798 = arith.index_cast %parallel_loop3A_718 : i32 to index
        %parallel_loop3A_799 = arith.index_cast %parallel_loop3A_795 : i32 to index
        %parallel_loop3A_800 = tpu.vector_load %arg8[%parallel_loop3A_797, %parallel_loop3A_798, %parallel_loop3A_799] {strides = array<i32>} : memref<2x4x4096xf32, #tpu.memory_space<vmem>>, vector<16xf32>,
        tpu.vector_store %arg8[%parallel_loop3A_797, %parallel_loop3A_798, %parallel_loop3A_799], %parallel_loop3A_793 {strides = array<i32>} : memref<2x4x4096xf32, #tpu.memory_space<vmem>>, vector<16xf32>,
        %parallel_loop3A_801 = arith.constant 64 : i32
        %parallel_loop3A_802 = vector.broadcast %parallel_loop3A_801 : i32 to vector<16xi32>
        %parallel_loop3A_803 = arith.addi %parallel_loop3A_693, %parallel_loop3A_802 : vector<16xi32>
        %parallel_loop3A_804 = arith.constant 1 : i32
        %parallel_loop3A_805 = arith.constant 0 : i32
        %parallel_loop3A_806 = arith.constant 0 : i32
        %parallel_loop3A_807 = tpu.memref_slice %arg7[%parallel_loop3A_804, %parallel_loop3A_805, %parallel_loop3A_806] : memref<2x512x32xf32, #tpu.memory_space<vmem>> -> memref<1x512x32xf32, #tpu.memory_space<vmem>>
        %parallel_loop3A_808 = tpu.memref_squeeze %parallel_loop3A_807 : memref<1x512x32xf32, #tpu.memory_space<vmem>> -> memref<512x32xf32, #tpu.memory_space<vmem>>
        %parallel_loop3A_809 = tpu.vector_load_idx %parallel_loop3A_808[%parallel_loop3A_803, %parallel_loop3A_694] : memref<512x32xf32, #tpu.memory_space<vmem>>[vector<16xi32>, vector<16xi32>], vector<16xf32>,
        %parallel_loop3A_810 = arith.constant 64 : i32
        %parallel_loop3A_811 = arith.addi %parallel_loop3A_736, %parallel_loop3A_810 : i32
        %parallel_loop3A_812 = arith.constant 1 : i32
        %parallel_loop3A_813 = arith.index_cast %parallel_loop3A_812 : i32 to index
        %parallel_loop3A_814 = arith.index_cast %parallel_loop3A_718 : i32 to index
        %parallel_loop3A_815 = arith.index_cast %parallel_loop3A_811 : i32 to index
        %parallel_loop3A_816 = tpu.vector_load %arg8[%parallel_loop3A_813, %parallel_loop3A_814, %parallel_loop3A_815] {strides = array<i32>} : memref<2x4x4096xf32, #tpu.memory_space<vmem>>, vector<16xf32>,
        tpu.vector_store %arg8[%parallel_loop3A_813, %parallel_loop3A_814, %parallel_loop3A_815], %parallel_loop3A_809 {strides = array<i32>} : memref<2x4x4096xf32, #tpu.memory_space<vmem>>, vector<16xf32>,
        %parallel_loop3A_817 = arith.constant 80 : i32
        %parallel_loop3A_818 = vector.broadcast %parallel_loop3A_817 : i32 to vector<16xi32>
        %parallel_loop3A_819 = arith.addi %parallel_loop3A_693, %parallel_loop3A_818 : vector<16xi32>
        %parallel_loop3A_820 = arith.constant 1 : i32
        %parallel_loop3A_821 = arith.constant 0 : i32
        %parallel_loop3A_822 = arith.constant 0 : i32
        %parallel_loop3A_823 = tpu.memref_slice %arg7[%parallel_loop3A_820, %parallel_loop3A_821, %parallel_loop3A_822] : memref<2x512x32xf32, #tpu.memory_space<vmem>> -> memref<1x512x32xf32, #tpu.memory_space<vmem>>
        %parallel_loop3A_824 = tpu.memref_squeeze %parallel_loop3A_823 : memref<1x512x32xf32, #tpu.memory_space<vmem>> -> memref<512x32xf32, #tpu.memory_space<vmem>>
        %parallel_loop3A_825 = tpu.vector_load_idx %parallel_loop3A_824[%parallel_loop3A_819, %parallel_loop3A_694] : memref<512x32xf32, #tpu.memory_space<vmem>>[vector<16xi32>, vector<16xi32>], vector<16xf32>,
        %parallel_loop3A_826 = arith.constant 80 : i32
        %parallel_loop3A_827 = arith.addi %parallel_loop3A_736, %parallel_loop3A_826 : i32
        %parallel_loop3A_828 = arith.constant 1 : i32
        %parallel_loop3A_829 = arith.index_cast %parallel_loop3A_828 : i32 to index
        %parallel_loop3A_830 = arith.index_cast %parallel_loop3A_718 : i32 to index
        %parallel_loop3A_831 = arith.index_cast %parallel_loop3A_827 : i32 to index
        %parallel_loop3A_832 = tpu.vector_load %arg8[%parallel_loop3A_829, %parallel_loop3A_830, %parallel_loop3A_831] {strides = array<i32>} : memref<2x4x4096xf32, #tpu.memory_space<vmem>>, vector<16xf32>,
        tpu.vector_store %arg8[%parallel_loop3A_829, %parallel_loop3A_830, %parallel_loop3A_831], %parallel_loop3A_825 {strides = array<i32>} : memref<2x4x4096xf32, #tpu.memory_space<vmem>>, vector<16xf32>,
        %parallel_loop3A_833 = arith.constant 96 : i32
        %parallel_loop3A_834 = vector.broadcast %parallel_loop3A_833 : i32 to vector<16xi32>
        %parallel_loop3A_835 = arith.addi %parallel_loop3A_693, %parallel_loop3A_834 : vector<16xi32>
        %parallel_loop3A_836 = arith.constant 1 : i32
        %parallel_loop3A_837 = arith.constant 0 : i32
        %parallel_loop3A_838 = arith.constant 0 : i32
        %parallel_loop3A_839 = tpu.memref_slice %arg7[%parallel_loop3A_836, %parallel_loop3A_837, %parallel_loop3A_838] : memref<2x512x32xf32, #tpu.memory_space<vmem>> -> memref<1x512x32xf32, #tpu.memory_space<vmem>>
        %parallel_loop3A_840 = tpu.memref_squeeze %parallel_loop3A_839 : memref<1x512x32xf32, #tpu.memory_space<vmem>> -> memref<512x32xf32, #tpu.memory_space<vmem>>
        %parallel_loop3A_841 = tpu.vector_load_idx %parallel_loop3A_840[%parallel_loop3A_835, %parallel_loop3A_694] : memref<512x32xf32, #tpu.memory_space<vmem>>[vector<16xi32>, vector<16xi32>], vector<16xf32>,
        %parallel_loop3A_842 = arith.constant 96 : i32
        %parallel_loop3A_843 = arith.addi %parallel_loop3A_736, %parallel_loop3A_842 : i32
        %parallel_loop3A_844 = arith.constant 1 : i32
        %parallel_loop3A_845 = arith.index_cast %parallel_loop3A_844 : i32 to index
        %parallel_loop3A_846 = arith.index_cast %parallel_loop3A_718 : i32 to index
        %parallel_loop3A_847 = arith.index_cast %parallel_loop3A_843 : i32 to index
        %parallel_loop3A_848 = tpu.vector_load %arg8[%parallel_loop3A_845, %parallel_loop3A_846, %parallel_loop3A_847] {strides = array<i32>} : memref<2x4x4096xf32, #tpu.memory_space<vmem>>, vector<16xf32>,
        tpu.vector_store %arg8[%parallel_loop3A_845, %parallel_loop3A_846, %parallel_loop3A_847], %parallel_loop3A_841 {strides = array<i32>} : memref<2x4x4096xf32, #tpu.memory_space<vmem>>, vector<16xf32>,
        %parallel_loop3A_849 = arith.constant 112 : i32
        %parallel_loop3A_850 = vector.broadcast %parallel_loop3A_849 : i32 to vector<16xi32>
        %parallel_loop3A_851 = arith.addi %parallel_loop3A_693, %parallel_loop3A_850 : vector<16xi32>
        %parallel_loop3A_852 = arith.constant 1 : i32
        %parallel_loop3A_853 = arith.constant 0 : i32
        %parallel_loop3A_854 = arith.constant 0 : i32
        %parallel_loop3A_855 = tpu.memref_slice %arg7[%parallel_loop3A_852, %parallel_loop3A_853, %parallel_loop3A_854] : memref<2x512x32xf32, #tpu.memory_space<vmem>> -> memref<1x512x32xf32, #tpu.memory_space<vmem>>
        %parallel_loop3A_856 = tpu.memref_squeeze %parallel_loop3A_855 : memref<1x512x32xf32, #tpu.memory_space<vmem>> -> memref<512x32xf32, #tpu.memory_space<vmem>>
        %parallel_loop3A_857 = tpu.vector_load_idx %parallel_loop3A_856[%parallel_loop3A_851, %parallel_loop3A_694] : memref<512x32xf32, #tpu.memory_space<vmem>>[vector<16xi32>, vector<16xi32>], vector<16xf32>,
        %parallel_loop3A_858 = arith.constant 112 : i32
        %parallel_loop3A_859 = arith.addi %parallel_loop3A_736, %parallel_loop3A_858 : i32
        %parallel_loop3A_860 = arith.constant 1 : i32
        %parallel_loop3A_861 = arith.index_cast %parallel_loop3A_860 : i32 to index
        %parallel_loop3A_862 = arith.index_cast %parallel_loop3A_718 : i32 to index
        %parallel_loop3A_863 = arith.index_cast %parallel_loop3A_859 : i32 to index
        %parallel_loop3A_864 = tpu.vector_load %arg8[%parallel_loop3A_861, %parallel_loop3A_862, %parallel_loop3A_863] {strides = array<i32>} : memref<2x4x4096xf32, #tpu.memory_space<vmem>>, vector<16xf32>,
        tpu.vector_store %arg8[%parallel_loop3A_861, %parallel_loop3A_862, %parallel_loop3A_863], %parallel_loop3A_857 {strides = array<i32>} : memref<2x4x4096xf32, #tpu.memory_space<vmem>>, vector<16xf32>,
        %parallel_loop3A_865 = arith.constant 128 : i32
        %parallel_loop3A_866 = vector.broadcast %parallel_loop3A_865 : i32 to vector<16xi32>
        %parallel_loop3A_867 = arith.addi %parallel_loop3A_693, %parallel_loop3A_866 : vector<16xi32>
        %parallel_loop3A_868 = arith.constant 1 : i32
        %parallel_loop3A_869 = arith.constant 0 : i32
        %parallel_loop3A_870 = arith.constant 0 : i32
        %parallel_loop3A_871 = tpu.memref_slice %arg7[%parallel_loop3A_868, %parallel_loop3A_869, %parallel_loop3A_870] : memref<2x512x32xf32, #tpu.memory_space<vmem>> -> memref<1x512x32xf32, #tpu.memory_space<vmem>>
        %parallel_loop3A_872 = tpu.memref_squeeze %parallel_loop3A_871 : memref<1x512x32xf32, #tpu.memory_space<vmem>> -> memref<512x32xf32, #tpu.memory_space<vmem>>
        %parallel_loop3A_873 = tpu.vector_load_idx %parallel_loop3A_872[%parallel_loop3A_867, %parallel_loop3A_694] : memref<512x32xf32, #tpu.memory_space<vmem>>[vector<16xi32>, vector<16xi32>], vector<16xf32>,
        %parallel_loop3A_874 = arith.constant 1024 : i32
        %parallel_loop3A_875 = arith.addi %parallel_loop3A_736, %parallel_loop3A_874 : i32
        %parallel_loop3A_876 = arith.constant 1 : i32
        %parallel_loop3A_877 = arith.index_cast %parallel_loop3A_876 : i32 to index
        %parallel_loop3A_878 = arith.index_cast %parallel_loop3A_718 : i32 to index
        %parallel_loop3A_879 = arith.index_cast %parallel_loop3A_875 : i32 to index
        %parallel_loop3A_880 = tpu.vector_load %arg8[%parallel_loop3A_877, %parallel_loop3A_878, %parallel_loop3A_879] {strides = array<i32>} : memref<2x4x4096xf32, #tpu.memory_space<vmem>>, vector<16xf32>,
        tpu.vector_store %arg8[%parallel_loop3A_877, %parallel_loop3A_878, %parallel_loop3A_879], %parallel_loop3A_873 {strides = array<i32>} : memref<2x4x4096xf32, #tpu.memory_space<vmem>>, vector<16xf32>,
        %parallel_loop3A_881 = arith.constant 144 : i32
        %parallel_loop3A_882 = vector.broadcast %parallel_loop3A_881 : i32 to vector<16xi32>
        %parallel_loop3A_883 = arith.addi %parallel_loop3A_693, %parallel_loop3A_882 : vector<16xi32>
        %parallel_loop3A_884 = arith.constant 1 : i32
        %parallel_loop3A_885 = arith.constant 0 : i32
        %parallel_loop3A_886 = arith.constant 0 : i32
        %parallel_loop3A_887 = tpu.memref_slice %arg7[%parallel_loop3A_884, %parallel_loop3A_885, %parallel_loop3A_886] : memref<2x512x32xf32, #tpu.memory_space<vmem>> -> memref<1x512x32xf32, #tpu.memory_space<vmem>>
        %parallel_loop3A_888 = tpu.memref_squeeze %parallel_loop3A_887 : memref<1x512x32xf32, #tpu.memory_space<vmem>> -> memref<512x32xf32, #tpu.memory_space<vmem>>
        %parallel_loop3A_889 = tpu.vector_load_idx %parallel_loop3A_888[%parallel_loop3A_883, %parallel_loop3A_694] : memref<512x32xf32, #tpu.memory_space<vmem>>[vector<16xi32>, vector<16xi32>], vector<16xf32>,
        %parallel_loop3A_890 = arith.constant 1040 : i32
        %parallel_loop3A_891 = arith.addi %parallel_loop3A_736, %parallel_loop3A_890 : i32
        %parallel_loop3A_892 = arith.constant 1 : i32
        %parallel_loop3A_893 = arith.index_cast %parallel_loop3A_892 : i32 to index
        %parallel_loop3A_894 = arith.index_cast %parallel_loop3A_718 : i32 to index
        %parallel_loop3A_895 = arith.index_cast %parallel_loop3A_891 : i32 to index
        %parallel_loop3A_896 = tpu.vector_load %arg8[%parallel_loop3A_893, %parallel_loop3A_894, %parallel_loop3A_895] {strides = array<i32>} : memref<2x4x4096xf32, #tpu.memory_space<vmem>>, vector<16xf32>,
        tpu.vector_store %arg8[%parallel_loop3A_893, %parallel_loop3A_894, %parallel_loop3A_895], %parallel_loop3A_889 {strides = array<i32>} : memref<2x4x4096xf32, #tpu.memory_space<vmem>>, vector<16xf32>,
        %parallel_loop3A_897 = arith.constant 160 : i32
        %parallel_loop3A_898 = vector.broadcast %parallel_loop3A_897 : i32 to vector<16xi32>
        %parallel_loop3A_899 = arith.addi %parallel_loop3A_693, %parallel_loop3A_898 : vector<16xi32>
        %parallel_loop3A_900 = arith.constant 1 : i32
        %parallel_loop3A_901 = arith.constant 0 : i32
        %parallel_loop3A_902 = arith.constant 0 : i32
        %parallel_loop3A_903 = tpu.memref_slice %arg7[%parallel_loop3A_900, %parallel_loop3A_901, %parallel_loop3A_902] : memref<2x512x32xf32, #tpu.memory_space<vmem>> -> memref<1x512x32xf32, #tpu.memory_space<vmem>>
        %parallel_loop3A_904 = tpu.memref_squeeze %parallel_loop3A_903 : memref<1x512x32xf32, #tpu.memory_space<vmem>> -> memref<512x32xf32, #tpu.memory_space<vmem>>
        %parallel_loop3A_905 = tpu.vector_load_idx %parallel_loop3A_904[%parallel_loop3A_899, %parallel_loop3A_694] : memref<512x32xf32, #tpu.memory_space<vmem>>[vector<16xi32>, vector<16xi32>], vector<16xf32>,
        %parallel_loop3A_906 = arith.constant 1056 : i32
        %parallel_loop3A_907 = arith.addi %parallel_loop3A_736, %parallel_loop3A_906 : i32
        %parallel_loop3A_908 = arith.constant 1 : i32
        %parallel_loop3A_909 = arith.index_cast %parallel_loop3A_908 : i32 to index
        %parallel_loop3A_910 = arith.index_cast %parallel_loop3A_718 : i32 to index
        %parallel_loop3A_911 = arith.index_cast %parallel_loop3A_907 : i32 to index
        %parallel_loop3A_912 = tpu.vector_load %arg8[%parallel_loop3A_909, %parallel_loop3A_910, %parallel_loop3A_911] {strides = array<i32>} : memref<2x4x4096xf32, #tpu.memory_space<vmem>>, vector<16xf32>,
        tpu.vector_store %arg8[%parallel_loop3A_909, %parallel_loop3A_910, %parallel_loop3A_911], %parallel_loop3A_905 {strides = array<i32>} : memref<2x4x4096xf32, #tpu.memory_space<vmem>>, vector<16xf32>,
        %parallel_loop3A_913 = arith.constant 176 : i32
        %parallel_loop3A_914 = vector.broadcast %parallel_loop3A_913 : i32 to vector<16xi32>
        %parallel_loop3A_915 = arith.addi %parallel_loop3A_693, %parallel_loop3A_914 : vector<16xi32>
        %parallel_loop3A_916 = arith.constant 1 : i32
        %parallel_loop3A_917 = arith.constant 0 : i32
        %parallel_loop3A_918 = arith.constant 0 : i32
        %parallel_loop3A_919 = tpu.memref_slice %arg7[%parallel_loop3A_916, %parallel_loop3A_917, %parallel_loop3A_918] : memref<2x512x32xf32, #tpu.memory_space<vmem>> -> memref<1x512x32xf32, #tpu.memory_space<vmem>>
        %parallel_loop3A_920 = tpu.memref_squeeze %parallel_loop3A_919 : memref<1x512x32xf32, #tpu.memory_space<vmem>> -> memref<512x32xf32, #tpu.memory_space<vmem>>
        %parallel_loop3A_921 = tpu.vector_load_idx %parallel_loop3A_920[%parallel_loop3A_915, %parallel_loop3A_694] : memref<512x32xf32, #tpu.memory_space<vmem>>[vector<16xi32>, vector<16xi32>], vector<16xf32>,
        %parallel_loop3A_922 = arith.constant 1072 : i32
        %parallel_loop3A_923 = arith.addi %parallel_loop3A_736, %parallel_loop3A_922 : i32
        %parallel_loop3A_924 = arith.constant 1 : i32
        %parallel_loop3A_925 = arith.index_cast %parallel_loop3A_924 : i32 to index
        %parallel_loop3A_926 = arith.index_cast %parallel_loop3A_718 : i32 to index
        %parallel_loop3A_927 = arith.index_cast %parallel_loop3A_923 : i32 to index
        %parallel_loop3A_928 = tpu.vector_load %arg8[%parallel_loop3A_925, %parallel_loop3A_926, %parallel_loop3A_927] {strides = array<i32>} : memref<2x4x4096xf32, #tpu.memory_space<vmem>>, vector<16xf32>,
        tpu.vector_store %arg8[%parallel_loop3A_925, %parallel_loop3A_926, %parallel_loop3A_927], %parallel_loop3A_921 {strides = array<i32>} : memref<2x4x4096xf32, #tpu.memory_space<vmem>>, vector<16xf32>,
        %parallel_loop3A_929 = arith.constant 192 : i32
        %parallel_loop3A_930 = vector.broadcast %parallel_loop3A_929 : i32 to vector<16xi32>
        %parallel_loop3A_931 = arith.addi %parallel_loop3A_693, %parallel_loop3A_930 : vector<16xi32>
        %parallel_loop3A_932 = arith.constant 1 : i32
        %parallel_loop3A_933 = arith.constant 0 : i32
        %parallel_loop3A_934 = arith.constant 0 : i32
        %parallel_loop3A_935 = tpu.memref_slice %arg7[%parallel_loop3A_932, %parallel_loop3A_933, %parallel_loop3A_934] : memref<2x512x32xf32, #tpu.memory_space<vmem>> -> memref<1x512x32xf32, #tpu.memory_space<vmem>>
        %parallel_loop3A_936 = tpu.memref_squeeze %parallel_loop3A_935 : memref<1x512x32xf32, #tpu.memory_space<vmem>> -> memref<512x32xf32, #tpu.memory_space<vmem>>
        %parallel_loop3A_937 = tpu.vector_load_idx %parallel_loop3A_936[%parallel_loop3A_931, %parallel_loop3A_694] : memref<512x32xf32, #tpu.memory_space<vmem>>[vector<16xi32>, vector<16xi32>], vector<16xf32>,
        %parallel_loop3A_938 = arith.constant 1088 : i32
        %parallel_loop3A_939 = arith.addi %parallel_loop3A_736, %parallel_loop3A_938 : i32
        %parallel_loop3A_940 = arith.constant 1 : i32
        %parallel_loop3A_941 = arith.index_cast %parallel_loop3A_940 : i32 to index
        %parallel_loop3A_942 = arith.index_cast %parallel_loop3A_718 : i32 to index
        %parallel_loop3A_943 = arith.index_cast %parallel_loop3A_939 : i32 to index
        %parallel_loop3A_944 = tpu.vector_load %arg8[%parallel_loop3A_941, %parallel_loop3A_942, %parallel_loop3A_943] {strides = array<i32>} : memref<2x4x4096xf32, #tpu.memory_space<vmem>>, vector<16xf32>,
        tpu.vector_store %arg8[%parallel_loop3A_941, %parallel_loop3A_942, %parallel_loop3A_943], %parallel_loop3A_937 {strides = array<i32>} : memref<2x4x4096xf32, #tpu.memory_space<vmem>>, vector<16xf32>,
        %parallel_loop3A_945 = arith.constant 208 : i32
        %parallel_loop3A_946 = vector.broadcast %parallel_loop3A_945 : i32 to vector<16xi32>
        %parallel_loop3A_947 = arith.addi %parallel_loop3A_693, %parallel_loop3A_946 : vector<16xi32>
        %parallel_loop3A_948 = arith.constant 1 : i32
        %parallel_loop3A_949 = arith.constant 0 : i32
        %parallel_loop3A_950 = arith.constant 0 : i32
        %parallel_loop3A_951 = tpu.memref_slice %arg7[%parallel_loop3A_948, %parallel_loop3A_949, %parallel_loop3A_950] : memref<2x512x32xf32, #tpu.memory_space<vmem>> -> memref<1x512x32xf32, #tpu.memory_space<vmem>>
        %parallel_loop3A_952 = tpu.memref_squeeze %parallel_loop3A_951 : memref<1x512x32xf32, #tpu.memory_space<vmem>> -> memref<512x32xf32, #tpu.memory_space<vmem>>
        %parallel_loop3A_953 = tpu.vector_load_idx %parallel_loop3A_952[%parallel_loop3A_947, %parallel_loop3A_694] : memref<512x32xf32, #tpu.memory_space<vmem>>[vector<16xi32>, vector<16xi32>], vector<16xf32>,
        %parallel_loop3A_954 = arith.constant 1104 : i32
        %parallel_loop3A_955 = arith.addi %parallel_loop3A_736, %parallel_loop3A_954 : i32
        %parallel_loop3A_956 = arith.constant 1 : i32
        %parallel_loop3A_957 = arith.index_cast %parallel_loop3A_956 : i32 to index
        %parallel_loop3A_958 = arith.index_cast %parallel_loop3A_718 : i32 to index
        %parallel_loop3A_959 = arith.index_cast %parallel_loop3A_955 : i32 to index
        %parallel_loop3A_960 = tpu.vector_load %arg8[%parallel_loop3A_957, %parallel_loop3A_958, %parallel_loop3A_959] {strides = array<i32>} : memref<2x4x4096xf32, #tpu.memory_space<vmem>>, vector<16xf32>,
        tpu.vector_store %arg8[%parallel_loop3A_957, %parallel_loop3A_958, %parallel_loop3A_959], %parallel_loop3A_953 {strides = array<i32>} : memref<2x4x4096xf32, #tpu.memory_space<vmem>>, vector<16xf32>,
        %parallel_loop3A_961 = arith.constant 224 : i32
        %parallel_loop3A_962 = vector.broadcast %parallel_loop3A_961 : i32 to vector<16xi32>
        %parallel_loop3A_963 = arith.addi %parallel_loop3A_693, %parallel_loop3A_962 : vector<16xi32>
        %parallel_loop3A_964 = arith.constant 1 : i32
        %parallel_loop3A_965 = arith.constant 0 : i32
        %parallel_loop3A_966 = arith.constant 0 : i32
        %parallel_loop3A_967 = tpu.memref_slice %arg7[%parallel_loop3A_964, %parallel_loop3A_965, %parallel_loop3A_966] : memref<2x512x32xf32, #tpu.memory_space<vmem>> -> memref<1x512x32xf32, #tpu.memory_space<vmem>>
        %parallel_loop3A_968 = tpu.memref_squeeze %parallel_loop3A_967 : memref<1x512x32xf32, #tpu.memory_space<vmem>> -> memref<512x32xf32, #tpu.memory_space<vmem>>
        %parallel_loop3A_969 = tpu.vector_load_idx %parallel_loop3A_968[%parallel_loop3A_963, %parallel_loop3A_694] : memref<512x32xf32, #tpu.memory_space<vmem>>[vector<16xi32>, vector<16xi32>], vector<16xf32>,
        %parallel_loop3A_970 = arith.constant 1120 : i32
        %parallel_loop3A_971 = arith.addi %parallel_loop3A_736, %parallel_loop3A_970 : i32
        %parallel_loop3A_972 = arith.constant 1 : i32
        %parallel_loop3A_973 = arith.index_cast %parallel_loop3A_972 : i32 to index
        %parallel_loop3A_974 = arith.index_cast %parallel_loop3A_718 : i32 to index
        %parallel_loop3A_975 = arith.index_cast %parallel_loop3A_971 : i32 to index
        %parallel_loop3A_976 = tpu.vector_load %arg8[%parallel_loop3A_973, %parallel_loop3A_974, %parallel_loop3A_975] {strides = array<i32>} : memref<2x4x4096xf32, #tpu.memory_space<vmem>>, vector<16xf32>,
        tpu.vector_store %arg8[%parallel_loop3A_973, %parallel_loop3A_974, %parallel_loop3A_975], %parallel_loop3A_969 {strides = array<i32>} : memref<2x4x4096xf32, #tpu.memory_space<vmem>>, vector<16xf32>,
        %parallel_loop3A_977 = arith.constant 240 : i32
        %parallel_loop3A_978 = vector.broadcast %parallel_loop3A_977 : i32 to vector<16xi32>
        %parallel_loop3A_979 = arith.addi %parallel_loop3A_693, %parallel_loop3A_978 : vector<16xi32>
        %parallel_loop3A_980 = arith.constant 1 : i32
        %parallel_loop3A_981 = arith.constant 0 : i32
        %parallel_loop3A_982 = arith.constant 0 : i32
        %parallel_loop3A_983 = tpu.memref_slice %arg7[%parallel_loop3A_980, %parallel_loop3A_981, %parallel_loop3A_982] : memref<2x512x32xf32, #tpu.memory_space<vmem>> -> memref<1x512x32xf32, #tpu.memory_space<vmem>>
        %parallel_loop3A_984 = tpu.memref_squeeze %parallel_loop3A_983 : memref<1x512x32xf32, #tpu.memory_space<vmem>> -> memref<512x32xf32, #tpu.memory_space<vmem>>
        %parallel_loop3A_985 = tpu.vector_load_idx %parallel_loop3A_984[%parallel_loop3A_979, %parallel_loop3A_694] : memref<512x32xf32, #tpu.memory_space<vmem>>[vector<16xi32>, vector<16xi32>], vector<16xf32>,
        %parallel_loop3A_986 = arith.constant 1136 : i32
        %parallel_loop3A_987 = arith.addi %parallel_loop3A_736, %parallel_loop3A_986 : i32
        %parallel_loop3A_988 = arith.constant 1 : i32
        %parallel_loop3A_989 = arith.index_cast %parallel_loop3A_988 : i32 to index
        %parallel_loop3A_990 = arith.index_cast %parallel_loop3A_718 : i32 to index
        %parallel_loop3A_991 = arith.index_cast %parallel_loop3A_987 : i32 to index
        %parallel_loop3A_992 = tpu.vector_load %arg8[%parallel_loop3A_989, %parallel_loop3A_990, %parallel_loop3A_991] {strides = array<i32>} : memref<2x4x4096xf32, #tpu.memory_space<vmem>>, vector<16xf32>,
        tpu.vector_store %arg8[%parallel_loop3A_989, %parallel_loop3A_990, %parallel_loop3A_991], %parallel_loop3A_985 {strides = array<i32>} : memref<2x4x4096xf32, #tpu.memory_space<vmem>>, vector<16xf32>,
        %parallel_loop3A_993 = arith.constant 256 : i32
        %parallel_loop3A_994 = vector.broadcast %parallel_loop3A_993 : i32 to vector<16xi32>
        %parallel_loop3A_995 = arith.addi %parallel_loop3A_693, %parallel_loop3A_994 : vector<16xi32>
        %parallel_loop3A_996 = arith.constant 1 : i32
        %parallel_loop3A_997 = arith.constant 0 : i32
        %parallel_loop3A_998 = arith.constant 0 : i32
        %parallel_loop3A_999 = tpu.memref_slice %arg7[%parallel_loop3A_996, %parallel_loop3A_997, %parallel_loop3A_998] : memref<2x512x32xf32, #tpu.memory_space<vmem>> -> memref<1x512x32xf32, #tpu.memory_space<vmem>>
        %parallel_loop3A_1000 = tpu.memref_squeeze %parallel_loop3A_999 : memref<1x512x32xf32, #tpu.memory_space<vmem>> -> memref<512x32xf32, #tpu.memory_space<vmem>>
        %parallel_loop3A_1001 = tpu.vector_load_idx %parallel_loop3A_1000[%parallel_loop3A_995, %parallel_loop3A_694] : memref<512x32xf32, #tpu.memory_space<vmem>>[vector<16xi32>, vector<16xi32>], vector<16xf32>,
        %parallel_loop3A_1002 = arith.constant 2048 : i32
        %parallel_loop3A_1003 = arith.addi %parallel_loop3A_736, %parallel_loop3A_1002 : i32
        %parallel_loop3A_1004 = arith.constant 1 : i32
        %parallel_loop3A_1005 = arith.index_cast %parallel_loop3A_1004 : i32 to index
        %parallel_loop3A_1006 = arith.index_cast %parallel_loop3A_718 : i32 to index
        %parallel_loop3A_1007 = arith.index_cast %parallel_loop3A_1003 : i32 to index
        %parallel_loop3A_1008 = tpu.vector_load %arg8[%parallel_loop3A_1005, %parallel_loop3A_1006, %parallel_loop3A_1007] {strides = array<i32>} : memref<2x4x4096xf32, #tpu.memory_space<vmem>>, vector<16xf32>,
        tpu.vector_store %arg8[%parallel_loop3A_1005, %parallel_loop3A_1006, %parallel_loop3A_1007], %parallel_loop3A_1001 {strides = array<i32>} : memref<2x4x4096xf32, #tpu.memory_space<vmem>>, vector<16xf32>,
        %parallel_loop3A_1009 = arith.constant 272 : i32
        %parallel_loop3A_1010 = vector.broadcast %parallel_loop3A_1009 : i32 to vector<16xi32>
        %parallel_loop3A_1011 = arith.addi %parallel_loop3A_693, %parallel_loop3A_1010 : vector<16xi32>
        %parallel_loop3A_1012 = arith.constant 1 : i32
        %parallel_loop3A_1013 = arith.constant 0 : i32
        %parallel_loop3A_1014 = arith.constant 0 : i32
        %parallel_loop3A_1015 = tpu.memref_slice %arg7[%parallel_loop3A_1012, %parallel_loop3A_1013, %parallel_loop3A_1014] : memref<2x512x32xf32, #tpu.memory_space<vmem>> -> memref<1x512x32xf32, #tpu.memory_space<vmem>>
        %parallel_loop3A_1016 = tpu.memref_squeeze %parallel_loop3A_1015 : memref<1x512x32xf32, #tpu.memory_space<vmem>> -> memref<512x32xf32, #tpu.memory_space<vmem>>
        %parallel_loop3A_1017 = tpu.vector_load_idx %parallel_loop3A_1016[%parallel_loop3A_1011, %parallel_loop3A_694] : memref<512x32xf32, #tpu.memory_space<vmem>>[vector<16xi32>, vector<16xi32>], vector<16xf32>,
        %parallel_loop3A_1018 = arith.constant 2064 : i32
        %parallel_loop3A_1019 = arith.addi %parallel_loop3A_736, %parallel_loop3A_1018 : i32
        %parallel_loop3A_1020 = arith.constant 1 : i32
        %parallel_loop3A_1021 = arith.index_cast %parallel_loop3A_1020 : i32 to index
        %parallel_loop3A_1022 = arith.index_cast %parallel_loop3A_718 : i32 to index
        %parallel_loop3A_1023 = arith.index_cast %parallel_loop3A_1019 : i32 to index
        %parallel_loop3A_1024 = tpu.vector_load %arg8[%parallel_loop3A_1021, %parallel_loop3A_1022, %parallel_loop3A_1023] {strides = array<i32>} : memref<2x4x4096xf32, #tpu.memory_space<vmem>>, vector<16xf32>,
        tpu.vector_store %arg8[%parallel_loop3A_1021, %parallel_loop3A_1022, %parallel_loop3A_1023], %parallel_loop3A_1017 {strides = array<i32>} : memref<2x4x4096xf32, #tpu.memory_space<vmem>>, vector<16xf32>,
        %parallel_loop3A_1025 = arith.constant 288 : i32
        %parallel_loop3A_1026 = vector.broadcast %parallel_loop3A_1025 : i32 to vector<16xi32>
        %parallel_loop3A_1027 = arith.addi %parallel_loop3A_693, %parallel_loop3A_1026 : vector<16xi32>
        %parallel_loop3A_1028 = arith.constant 1 : i32
        %parallel_loop3A_1029 = arith.constant 0 : i32
        %parallel_loop3A_1030 = arith.constant 0 : i32
        %parallel_loop3A_1031 = tpu.memref_slice %arg7[%parallel_loop3A_1028, %parallel_loop3A_1029, %parallel_loop3A_1030] : memref<2x512x32xf32, #tpu.memory_space<vmem>> -> memref<1x512x32xf32, #tpu.memory_space<vmem>>
        %parallel_loop3A_1032 = tpu.memref_squeeze %parallel_loop3A_1031 : memref<1x512x32xf32, #tpu.memory_space<vmem>> -> memref<512x32xf32, #tpu.memory_space<vmem>>
        %parallel_loop3A_1033 = tpu.vector_load_idx %parallel_loop3A_1032[%parallel_loop3A_1027, %parallel_loop3A_694] : memref<512x32xf32, #tpu.memory_space<vmem>>[vector<16xi32>, vector<16xi32>], vector<16xf32>,
        %parallel_loop3A_1034 = arith.constant 2080 : i32
        %parallel_loop3A_1035 = arith.addi %parallel_loop3A_736, %parallel_loop3A_1034 : i32
        %parallel_loop3A_1036 = arith.constant 1 : i32
        %parallel_loop3A_1037 = arith.index_cast %parallel_loop3A_1036 : i32 to index
        %parallel_loop3A_1038 = arith.index_cast %parallel_loop3A_718 : i32 to index
        %parallel_loop3A_1039 = arith.index_cast %parallel_loop3A_1035 : i32 to index
        %parallel_loop3A_1040 = tpu.vector_load %arg8[%parallel_loop3A_1037, %parallel_loop3A_1038, %parallel_loop3A_1039] {strides = array<i32>} : memref<2x4x4096xf32, #tpu.memory_space<vmem>>, vector<16xf32>,
        tpu.vector_store %arg8[%parallel_loop3A_1037, %parallel_loop3A_1038, %parallel_loop3A_1039], %parallel_loop3A_1033 {strides = array<i32>} : memref<2x4x4096xf32, #tpu.memory_space<vmem>>, vector<16xf32>,
        %parallel_loop3A_1041 = arith.constant 304 : i32
        %parallel_loop3A_1042 = vector.broadcast %parallel_loop3A_1041 : i32 to vector<16xi32>
        %parallel_loop3A_1043 = arith.addi %parallel_loop3A_693, %parallel_loop3A_1042 : vector<16xi32>
        %parallel_loop3A_1044 = arith.constant 1 : i32
        %parallel_loop3A_1045 = arith.constant 0 : i32
        %parallel_loop3A_1046 = arith.constant 0 : i32
        %parallel_loop3A_1047 = tpu.memref_slice %arg7[%parallel_loop3A_1044, %parallel_loop3A_1045, %parallel_loop3A_1046] : memref<2x512x32xf32, #tpu.memory_space<vmem>> -> memref<1x512x32xf32, #tpu.memory_space<vmem>>
        %parallel_loop3A_1048 = tpu.memref_squeeze %parallel_loop3A_1047 : memref<1x512x32xf32, #tpu.memory_space<vmem>> -> memref<512x32xf32, #tpu.memory_space<vmem>>
        %parallel_loop3A_1049 = tpu.vector_load_idx %parallel_loop3A_1048[%parallel_loop3A_1043, %parallel_loop3A_694] : memref<512x32xf32, #tpu.memory_space<vmem>>[vector<16xi32>, vector<16xi32>], vector<16xf32>,
        %parallel_loop3A_1050 = arith.constant 2096 : i32
        %parallel_loop3A_1051 = arith.addi %parallel_loop3A_736, %parallel_loop3A_1050 : i32
        %parallel_loop3A_1052 = arith.constant 1 : i32
        %parallel_loop3A_1053 = arith.index_cast %parallel_loop3A_1052 : i32 to index
        %parallel_loop3A_1054 = arith.index_cast %parallel_loop3A_718 : i32 to index
        %parallel_loop3A_1055 = arith.index_cast %parallel_loop3A_1051 : i32 to index
        %parallel_loop3A_1056 = tpu.vector_load %arg8[%parallel_loop3A_1053, %parallel_loop3A_1054, %parallel_loop3A_1055] {strides = array<i32>} : memref<2x4x4096xf32, #tpu.memory_space<vmem>>, vector<16xf32>,
        tpu.vector_store %arg8[%parallel_loop3A_1053, %parallel_loop3A_1054, %parallel_loop3A_1055], %parallel_loop3A_1049 {strides = array<i32>} : memref<2x4x4096xf32, #tpu.memory_space<vmem>>, vector<16xf32>,
        %parallel_loop3A_1057 = arith.constant 320 : i32
        %parallel_loop3A_1058 = vector.broadcast %parallel_loop3A_1057 : i32 to vector<16xi32>
        %parallel_loop3A_1059 = arith.addi %parallel_loop3A_693, %parallel_loop3A_1058 : vector<16xi32>
        %parallel_loop3A_1060 = arith.constant 1 : i32
        %parallel_loop3A_1061 = arith.constant 0 : i32
        %parallel_loop3A_1062 = arith.constant 0 : i32
        %parallel_loop3A_1063 = tpu.memref_slice %arg7[%parallel_loop3A_1060, %parallel_loop3A_1061, %parallel_loop3A_1062] : memref<2x512x32xf32, #tpu.memory_space<vmem>> -> memref<1x512x32xf32, #tpu.memory_space<vmem>>
        %parallel_loop3A_1064 = tpu.memref_squeeze %parallel_loop3A_1063 : memref<1x512x32xf32, #tpu.memory_space<vmem>> -> memref<512x32xf32, #tpu.memory_space<vmem>>
        %parallel_loop3A_1065 = tpu.vector_load_idx %parallel_loop3A_1064[%parallel_loop3A_1059, %parallel_loop3A_694] : memref<512x32xf32, #tpu.memory_space<vmem>>[vector<16xi32>, vector<16xi32>], vector<16xf32>,
        %parallel_loop3A_1066 = arith.constant 2112 : i32
        %parallel_loop3A_1067 = arith.addi %parallel_loop3A_736, %parallel_loop3A_1066 : i32
        %parallel_loop3A_1068 = arith.constant 1 : i32
        %parallel_loop3A_1069 = arith.index_cast %parallel_loop3A_1068 : i32 to index
        %parallel_loop3A_1070 = arith.index_cast %parallel_loop3A_718 : i32 to index
        %parallel_loop3A_1071 = arith.index_cast %parallel_loop3A_1067 : i32 to index
        %parallel_loop3A_1072 = tpu.vector_load %arg8[%parallel_loop3A_1069, %parallel_loop3A_1070, %parallel_loop3A_1071] {strides = array<i32>} : memref<2x4x4096xf32, #tpu.memory_space<vmem>>, vector<16xf32>,
        tpu.vector_store %arg8[%parallel_loop3A_1069, %parallel_loop3A_1070, %parallel_loop3A_1071], %parallel_loop3A_1065 {strides = array<i32>} : memref<2x4x4096xf32, #tpu.memory_space<vmem>>, vector<16xf32>,
        %parallel_loop3A_1073 = arith.constant 336 : i32
        %parallel_loop3A_1074 = vector.broadcast %parallel_loop3A_1073 : i32 to vector<16xi32>
        %parallel_loop3A_1075 = arith.addi %parallel_loop3A_693, %parallel_loop3A_1074 : vector<16xi32>
        %parallel_loop3A_1076 = arith.constant 1 : i32
        %parallel_loop3A_1077 = arith.constant 0 : i32
        %parallel_loop3A_1078 = arith.constant 0 : i32
        %parallel_loop3A_1079 = tpu.memref_slice %arg7[%parallel_loop3A_1076, %parallel_loop3A_1077, %parallel_loop3A_1078] : memref<2x512x32xf32, #tpu.memory_space<vmem>> -> memref<1x512x32xf32, #tpu.memory_space<vmem>>
        %parallel_loop3A_1080 = tpu.memref_squeeze %parallel_loop3A_1079 : memref<1x512x32xf32, #tpu.memory_space<vmem>> -> memref<512x32xf32, #tpu.memory_space<vmem>>
        %parallel_loop3A_1081 = tpu.vector_load_idx %parallel_loop3A_1080[%parallel_loop3A_1075, %parallel_loop3A_694] : memref<512x32xf32, #tpu.memory_space<vmem>>[vector<16xi32>, vector<16xi32>], vector<16xf32>,
        %parallel_loop3A_1082 = arith.constant 2128 : i32
        %parallel_loop3A_1083 = arith.addi %parallel_loop3A_736, %parallel_loop3A_1082 : i32
        %parallel_loop3A_1084 = arith.constant 1 : i32
        %parallel_loop3A_1085 = arith.index_cast %parallel_loop3A_1084 : i32 to index
        %parallel_loop3A_1086 = arith.index_cast %parallel_loop3A_718 : i32 to index
        %parallel_loop3A_1087 = arith.index_cast %parallel_loop3A_1083 : i32 to index
        %parallel_loop3A_1088 = tpu.vector_load %arg8[%parallel_loop3A_1085, %parallel_loop3A_1086, %parallel_loop3A_1087] {strides = array<i32>} : memref<2x4x4096xf32, #tpu.memory_space<vmem>>, vector<16xf32>,
        tpu.vector_store %arg8[%parallel_loop3A_1085, %parallel_loop3A_1086, %parallel_loop3A_1087], %parallel_loop3A_1081 {strides = array<i32>} : memref<2x4x4096xf32, #tpu.memory_space<vmem>>, vector<16xf32>,
        %parallel_loop3A_1089 = arith.constant 352 : i32
        %parallel_loop3A_1090 = vector.broadcast %parallel_loop3A_1089 : i32 to vector<16xi32>
        %parallel_loop3A_1091 = arith.addi %parallel_loop3A_693, %parallel_loop3A_1090 : vector<16xi32>
        %parallel_loop3A_1092 = arith.constant 1 : i32
        %parallel_loop3A_1093 = arith.constant 0 : i32
        %parallel_loop3A_1094 = arith.constant 0 : i32
        %parallel_loop3A_1095 = tpu.memref_slice %arg7[%parallel_loop3A_1092, %parallel_loop3A_1093, %parallel_loop3A_1094] : memref<2x512x32xf32, #tpu.memory_space<vmem>> -> memref<1x512x32xf32, #tpu.memory_space<vmem>>
        %parallel_loop3A_1096 = tpu.memref_squeeze %parallel_loop3A_1095 : memref<1x512x32xf32, #tpu.memory_space<vmem>> -> memref<512x32xf32, #tpu.memory_space<vmem>>
        %parallel_loop3A_1097 = tpu.vector_load_idx %parallel_loop3A_1096[%parallel_loop3A_1091, %parallel_loop3A_694] : memref<512x32xf32, #tpu.memory_space<vmem>>[vector<16xi32>, vector<16xi32>], vector<16xf32>,
        %parallel_loop3A_1098 = arith.constant 2144 : i32
        %parallel_loop3A_1099 = arith.addi %parallel_loop3A_736, %parallel_loop3A_1098 : i32
        %parallel_loop3A_1100 = arith.constant 1 : i32
        %parallel_loop3A_1101 = arith.index_cast %parallel_loop3A_1100 : i32 to index
        %parallel_loop3A_1102 = arith.index_cast %parallel_loop3A_718 : i32 to index
        %parallel_loop3A_1103 = arith.index_cast %parallel_loop3A_1099 : i32 to index
        %parallel_loop3A_1104 = tpu.vector_load %arg8[%parallel_loop3A_1101, %parallel_loop3A_1102, %parallel_loop3A_1103] {strides = array<i32>} : memref<2x4x4096xf32, #tpu.memory_space<vmem>>, vector<16xf32>,
        tpu.vector_store %arg8[%parallel_loop3A_1101, %parallel_loop3A_1102, %parallel_loop3A_1103], %parallel_loop3A_1097 {strides = array<i32>} : memref<2x4x4096xf32, #tpu.memory_space<vmem>>, vector<16xf32>,
        %parallel_loop3A_1105 = arith.constant 368 : i32
        %parallel_loop3A_1106 = vector.broadcast %parallel_loop3A_1105 : i32 to vector<16xi32>
        %parallel_loop3A_1107 = arith.addi %parallel_loop3A_693, %parallel_loop3A_1106 : vector<16xi32>
        %parallel_loop3A_1108 = arith.constant 1 : i32
        %parallel_loop3A_1109 = arith.constant 0 : i32
        %parallel_loop3A_1110 = arith.constant 0 : i32
        %parallel_loop3A_1111 = tpu.memref_slice %arg7[%parallel_loop3A_1108, %parallel_loop3A_1109, %parallel_loop3A_1110] : memref<2x512x32xf32, #tpu.memory_space<vmem>> -> memref<1x512x32xf32, #tpu.memory_space<vmem>>
        %parallel_loop3A_1112 = tpu.memref_squeeze %parallel_loop3A_1111 : memref<1x512x32xf32, #tpu.memory_space<vmem>> -> memref<512x32xf32, #tpu.memory_space<vmem>>
        %parallel_loop3A_1113 = tpu.vector_load_idx %parallel_loop3A_1112[%parallel_loop3A_1107, %parallel_loop3A_694] : memref<512x32xf32, #tpu.memory_space<vmem>>[vector<16xi32>, vector<16xi32>], vector<16xf32>,
        %parallel_loop3A_1114 = arith.constant 2160 : i32
        %parallel_loop3A_1115 = arith.addi %parallel_loop3A_736, %parallel_loop3A_1114 : i32
        %parallel_loop3A_1116 = arith.constant 1 : i32
        %parallel_loop3A_1117 = arith.index_cast %parallel_loop3A_1116 : i32 to index
        %parallel_loop3A_1118 = arith.index_cast %parallel_loop3A_718 : i32 to index
        %parallel_loop3A_1119 = arith.index_cast %parallel_loop3A_1115 : i32 to index
        %parallel_loop3A_1120 = tpu.vector_load %arg8[%parallel_loop3A_1117, %parallel_loop3A_1118, %parallel_loop3A_1119] {strides = array<i32>} : memref<2x4x4096xf32, #tpu.memory_space<vmem>>, vector<16xf32>,
        tpu.vector_store %arg8[%parallel_loop3A_1117, %parallel_loop3A_1118, %parallel_loop3A_1119], %parallel_loop3A_1113 {strides = array<i32>} : memref<2x4x4096xf32, #tpu.memory_space<vmem>>, vector<16xf32>,
        %parallel_loop3A_1121 = arith.constant 384 : i32
        %parallel_loop3A_1122 = vector.broadcast %parallel_loop3A_1121 : i32 to vector<16xi32>
        %parallel_loop3A_1123 = arith.addi %parallel_loop3A_693, %parallel_loop3A_1122 : vector<16xi32>
        %parallel_loop3A_1124 = arith.constant 1 : i32
        %parallel_loop3A_1125 = arith.constant 0 : i32
        %parallel_loop3A_1126 = arith.constant 0 : i32
        %parallel_loop3A_1127 = tpu.memref_slice %arg7[%parallel_loop3A_1124, %parallel_loop3A_1125, %parallel_loop3A_1126] : memref<2x512x32xf32, #tpu.memory_space<vmem>> -> memref<1x512x32xf32, #tpu.memory_space<vmem>>
        %parallel_loop3A_1128 = tpu.memref_squeeze %parallel_loop3A_1127 : memref<1x512x32xf32, #tpu.memory_space<vmem>> -> memref<512x32xf32, #tpu.memory_space<vmem>>
        %parallel_loop3A_1129 = tpu.vector_load_idx %parallel_loop3A_1128[%parallel_loop3A_1123, %parallel_loop3A_694] : memref<512x32xf32, #tpu.memory_space<vmem>>[vector<16xi32>, vector<16xi32>], vector<16xf32>,
        %parallel_loop3A_1130 = arith.constant 3072 : i32
        %parallel_loop3A_1131 = arith.addi %parallel_loop3A_736, %parallel_loop3A_1130 : i32
        %parallel_loop3A_1132 = arith.constant 1 : i32
        %parallel_loop3A_1133 = arith.index_cast %parallel_loop3A_1132 : i32 to index
        %parallel_loop3A_1134 = arith.index_cast %parallel_loop3A_718 : i32 to index
        %parallel_loop3A_1135 = arith.index_cast %parallel_loop3A_1131 : i32 to index
        %parallel_loop3A_1136 = tpu.vector_load %arg8[%parallel_loop3A_1133, %parallel_loop3A_1134, %parallel_loop3A_1135] {strides = array<i32>} : memref<2x4x4096xf32, #tpu.memory_space<vmem>>, vector<16xf32>,
        tpu.vector_store %arg8[%parallel_loop3A_1133, %parallel_loop3A_1134, %parallel_loop3A_1135], %parallel_loop3A_1129 {strides = array<i32>} : memref<2x4x4096xf32, #tpu.memory_space<vmem>>, vector<16xf32>,
        %parallel_loop3A_1137 = arith.constant 400 : i32
        %parallel_loop3A_1138 = vector.broadcast %parallel_loop3A_1137 : i32 to vector<16xi32>
        %parallel_loop3A_1139 = arith.addi %parallel_loop3A_693, %parallel_loop3A_1138 : vector<16xi32>
        %parallel_loop3A_1140 = arith.constant 1 : i32
        %parallel_loop3A_1141 = arith.constant 0 : i32
        %parallel_loop3A_1142 = arith.constant 0 : i32
        %parallel_loop3A_1143 = tpu.memref_slice %arg7[%parallel_loop3A_1140, %parallel_loop3A_1141, %parallel_loop3A_1142] : memref<2x512x32xf32, #tpu.memory_space<vmem>> -> memref<1x512x32xf32, #tpu.memory_space<vmem>>
        %parallel_loop3A_1144 = tpu.memref_squeeze %parallel_loop3A_1143 : memref<1x512x32xf32, #tpu.memory_space<vmem>> -> memref<512x32xf32, #tpu.memory_space<vmem>>
        %parallel_loop3A_1145 = tpu.vector_load_idx %parallel_loop3A_1144[%parallel_loop3A_1139, %parallel_loop3A_694] : memref<512x32xf32, #tpu.memory_space<vmem>>[vector<16xi32>, vector<16xi32>], vector<16xf32>,
        %parallel_loop3A_1146 = arith.constant 3088 : i32
        %parallel_loop3A_1147 = arith.addi %parallel_loop3A_736, %parallel_loop3A_1146 : i32
        %parallel_loop3A_1148 = arith.constant 1 : i32
        %parallel_loop3A_1149 = arith.index_cast %parallel_loop3A_1148 : i32 to index
        %parallel_loop3A_1150 = arith.index_cast %parallel_loop3A_718 : i32 to index
        %parallel_loop3A_1151 = arith.index_cast %parallel_loop3A_1147 : i32 to index
        %parallel_loop3A_1152 = tpu.vector_load %arg8[%parallel_loop3A_1149, %parallel_loop3A_1150, %parallel_loop3A_1151] {strides = array<i32>} : memref<2x4x4096xf32, #tpu.memory_space<vmem>>, vector<16xf32>,
        tpu.vector_store %arg8[%parallel_loop3A_1149, %parallel_loop3A_1150, %parallel_loop3A_1151], %parallel_loop3A_1145 {strides = array<i32>} : memref<2x4x4096xf32, #tpu.memory_space<vmem>>, vector<16xf32>,
        %parallel_loop3A_1153 = arith.constant 416 : i32
        %parallel_loop3A_1154 = vector.broadcast %parallel_loop3A_1153 : i32 to vector<16xi32>
        %parallel_loop3A_1155 = arith.addi %parallel_loop3A_693, %parallel_loop3A_1154 : vector<16xi32>
        %parallel_loop3A_1156 = arith.constant 1 : i32
        %parallel_loop3A_1157 = arith.constant 0 : i32
        %parallel_loop3A_1158 = arith.constant 0 : i32
        %parallel_loop3A_1159 = tpu.memref_slice %arg7[%parallel_loop3A_1156, %parallel_loop3A_1157, %parallel_loop3A_1158] : memref<2x512x32xf32, #tpu.memory_space<vmem>> -> memref<1x512x32xf32, #tpu.memory_space<vmem>>
        %parallel_loop3A_1160 = tpu.memref_squeeze %parallel_loop3A_1159 : memref<1x512x32xf32, #tpu.memory_space<vmem>> -> memref<512x32xf32, #tpu.memory_space<vmem>>
        %parallel_loop3A_1161 = tpu.vector_load_idx %parallel_loop3A_1160[%parallel_loop3A_1155, %parallel_loop3A_694] : memref<512x32xf32, #tpu.memory_space<vmem>>[vector<16xi32>, vector<16xi32>], vector<16xf32>,
        %parallel_loop3A_1162 = arith.constant 3104 : i32
        %parallel_loop3A_1163 = arith.addi %parallel_loop3A_736, %parallel_loop3A_1162 : i32
        %parallel_loop3A_1164 = arith.constant 1 : i32
        %parallel_loop3A_1165 = arith.index_cast %parallel_loop3A_1164 : i32 to index
        %parallel_loop3A_1166 = arith.index_cast %parallel_loop3A_718 : i32 to index
        %parallel_loop3A_1167 = arith.index_cast %parallel_loop3A_1163 : i32 to index
        %parallel_loop3A_1168 = tpu.vector_load %arg8[%parallel_loop3A_1165, %parallel_loop3A_1166, %parallel_loop3A_1167] {strides = array<i32>} : memref<2x4x4096xf32, #tpu.memory_space<vmem>>, vector<16xf32>,
        tpu.vector_store %arg8[%parallel_loop3A_1165, %parallel_loop3A_1166, %parallel_loop3A_1167], %parallel_loop3A_1161 {strides = array<i32>} : memref<2x4x4096xf32, #tpu.memory_space<vmem>>, vector<16xf32>,
        %parallel_loop3A_1169 = arith.constant 432 : i32
        %parallel_loop3A_1170 = vector.broadcast %parallel_loop3A_1169 : i32 to vector<16xi32>
        %parallel_loop3A_1171 = arith.addi %parallel_loop3A_693, %parallel_loop3A_1170 : vector<16xi32>
        %parallel_loop3A_1172 = arith.constant 1 : i32
        %parallel_loop3A_1173 = arith.constant 0 : i32
        %parallel_loop3A_1174 = arith.constant 0 : i32
        %parallel_loop3A_1175 = tpu.memref_slice %arg7[%parallel_loop3A_1172, %parallel_loop3A_1173, %parallel_loop3A_1174] : memref<2x512x32xf32, #tpu.memory_space<vmem>> -> memref<1x512x32xf32, #tpu.memory_space<vmem>>
        %parallel_loop3A_1176 = tpu.memref_squeeze %parallel_loop3A_1175 : memref<1x512x32xf32, #tpu.memory_space<vmem>> -> memref<512x32xf32, #tpu.memory_space<vmem>>
        %parallel_loop3A_1177 = tpu.vector_load_idx %parallel_loop3A_1176[%parallel_loop3A_1171, %parallel_loop3A_694] : memref<512x32xf32, #tpu.memory_space<vmem>>[vector<16xi32>, vector<16xi32>], vector<16xf32>,
        %parallel_loop3A_1178 = arith.constant 3120 : i32
        %parallel_loop3A_1179 = arith.addi %parallel_loop3A_736, %parallel_loop3A_1178 : i32
        %parallel_loop3A_1180 = arith.constant 1 : i32
        %parallel_loop3A_1181 = arith.index_cast %parallel_loop3A_1180 : i32 to index
        %parallel_loop3A_1182 = arith.index_cast %parallel_loop3A_718 : i32 to index
        %parallel_loop3A_1183 = arith.index_cast %parallel_loop3A_1179 : i32 to index
        %parallel_loop3A_1184 = tpu.vector_load %arg8[%parallel_loop3A_1181, %parallel_loop3A_1182, %parallel_loop3A_1183] {strides = array<i32>} : memref<2x4x4096xf32, #tpu.memory_space<vmem>>, vector<16xf32>,
        tpu.vector_store %arg8[%parallel_loop3A_1181, %parallel_loop3A_1182, %parallel_loop3A_1183], %parallel_loop3A_1177 {strides = array<i32>} : memref<2x4x4096xf32, #tpu.memory_space<vmem>>, vector<16xf32>,
        %parallel_loop3A_1185 = arith.constant 448 : i32
        %parallel_loop3A_1186 = vector.broadcast %parallel_loop3A_1185 : i32 to vector<16xi32>
        %parallel_loop3A_1187 = arith.addi %parallel_loop3A_693, %parallel_loop3A_1186 : vector<16xi32>
        %parallel_loop3A_1188 = arith.constant 1 : i32
        %parallel_loop3A_1189 = arith.constant 0 : i32
        %parallel_loop3A_1190 = arith.constant 0 : i32
        %parallel_loop3A_1191 = tpu.memref_slice %arg7[%parallel_loop3A_1188, %parallel_loop3A_1189, %parallel_loop3A_1190] : memref<2x512x32xf32, #tpu.memory_space<vmem>> -> memref<1x512x32xf32, #tpu.memory_space<vmem>>
        %parallel_loop3A_1192 = tpu.memref_squeeze %parallel_loop3A_1191 : memref<1x512x32xf32, #tpu.memory_space<vmem>> -> memref<512x32xf32, #tpu.memory_space<vmem>>
        %parallel_loop3A_1193 = tpu.vector_load_idx %parallel_loop3A_1192[%parallel_loop3A_1187, %parallel_loop3A_694] : memref<512x32xf32, #tpu.memory_space<vmem>>[vector<16xi32>, vector<16xi32>], vector<16xf32>,
        %parallel_loop3A_1194 = arith.constant 3136 : i32
        %parallel_loop3A_1195 = arith.addi %parallel_loop3A_736, %parallel_loop3A_1194 : i32
        %parallel_loop3A_1196 = arith.constant 1 : i32
        %parallel_loop3A_1197 = arith.index_cast %parallel_loop3A_1196 : i32 to index
        %parallel_loop3A_1198 = arith.index_cast %parallel_loop3A_718 : i32 to index
        %parallel_loop3A_1199 = arith.index_cast %parallel_loop3A_1195 : i32 to index
        %parallel_loop3A_1200 = tpu.vector_load %arg8[%parallel_loop3A_1197, %parallel_loop3A_1198, %parallel_loop3A_1199] {strides = array<i32>} : memref<2x4x4096xf32, #tpu.memory_space<vmem>>, vector<16xf32>,
        tpu.vector_store %arg8[%parallel_loop3A_1197, %parallel_loop3A_1198, %parallel_loop3A_1199], %parallel_loop3A_1193 {strides = array<i32>} : memref<2x4x4096xf32, #tpu.memory_space<vmem>>, vector<16xf32>,
        %parallel_loop3A_1201 = arith.constant 464 : i32
        %parallel_loop3A_1202 = vector.broadcast %parallel_loop3A_1201 : i32 to vector<16xi32>
        %parallel_loop3A_1203 = arith.addi %parallel_loop3A_693, %parallel_loop3A_1202 : vector<16xi32>
        %parallel_loop3A_1204 = arith.constant 1 : i32
        %parallel_loop3A_1205 = arith.constant 0 : i32
        %parallel_loop3A_1206 = arith.constant 0 : i32
        %parallel_loop3A_1207 = tpu.memref_slice %arg7[%parallel_loop3A_1204, %parallel_loop3A_1205, %parallel_loop3A_1206] : memref<2x512x32xf32, #tpu.memory_space<vmem>> -> memref<1x512x32xf32, #tpu.memory_space<vmem>>
        %parallel_loop3A_1208 = tpu.memref_squeeze %parallel_loop3A_1207 : memref<1x512x32xf32, #tpu.memory_space<vmem>> -> memref<512x32xf32, #tpu.memory_space<vmem>>
        %parallel_loop3A_1209 = tpu.vector_load_idx %parallel_loop3A_1208[%parallel_loop3A_1203, %parallel_loop3A_694] : memref<512x32xf32, #tpu.memory_space<vmem>>[vector<16xi32>, vector<16xi32>], vector<16xf32>,
        %parallel_loop3A_1210 = arith.constant 3152 : i32
        %parallel_loop3A_1211 = arith.addi %parallel_loop3A_736, %parallel_loop3A_1210 : i32
        %parallel_loop3A_1212 = arith.constant 1 : i32
        %parallel_loop3A_1213 = arith.index_cast %parallel_loop3A_1212 : i32 to index
        %parallel_loop3A_1214 = arith.index_cast %parallel_loop3A_718 : i32 to index
        %parallel_loop3A_1215 = arith.index_cast %parallel_loop3A_1211 : i32 to index
        %parallel_loop3A_1216 = tpu.vector_load %arg8[%parallel_loop3A_1213, %parallel_loop3A_1214, %parallel_loop3A_1215] {strides = array<i32>} : memref<2x4x4096xf32, #tpu.memory_space<vmem>>, vector<16xf32>,
        tpu.vector_store %arg8[%parallel_loop3A_1213, %parallel_loop3A_1214, %parallel_loop3A_1215], %parallel_loop3A_1209 {strides = array<i32>} : memref<2x4x4096xf32, #tpu.memory_space<vmem>>, vector<16xf32>,
        %parallel_loop3A_1217 = arith.constant 480 : i32
        %parallel_loop3A_1218 = vector.broadcast %parallel_loop3A_1217 : i32 to vector<16xi32>
        %parallel_loop3A_1219 = arith.addi %parallel_loop3A_693, %parallel_loop3A_1218 : vector<16xi32>
        %parallel_loop3A_1220 = arith.constant 1 : i32
        %parallel_loop3A_1221 = arith.constant 0 : i32
        %parallel_loop3A_1222 = arith.constant 0 : i32
        %parallel_loop3A_1223 = tpu.memref_slice %arg7[%parallel_loop3A_1220, %parallel_loop3A_1221, %parallel_loop3A_1222] : memref<2x512x32xf32, #tpu.memory_space<vmem>> -> memref<1x512x32xf32, #tpu.memory_space<vmem>>
        %parallel_loop3A_1224 = tpu.memref_squeeze %parallel_loop3A_1223 : memref<1x512x32xf32, #tpu.memory_space<vmem>> -> memref<512x32xf32, #tpu.memory_space<vmem>>
        %parallel_loop3A_1225 = tpu.vector_load_idx %parallel_loop3A_1224[%parallel_loop3A_1219, %parallel_loop3A_694] : memref<512x32xf32, #tpu.memory_space<vmem>>[vector<16xi32>, vector<16xi32>], vector<16xf32>,
        %parallel_loop3A_1226 = arith.constant 3168 : i32
        %parallel_loop3A_1227 = arith.addi %parallel_loop3A_736, %parallel_loop3A_1226 : i32
        %parallel_loop3A_1228 = arith.constant 1 : i32
        %parallel_loop3A_1229 = arith.index_cast %parallel_loop3A_1228 : i32 to index
        %parallel_loop3A_1230 = arith.index_cast %parallel_loop3A_718 : i32 to index
        %parallel_loop3A_1231 = arith.index_cast %parallel_loop3A_1227 : i32 to index
        %parallel_loop3A_1232 = tpu.vector_load %arg8[%parallel_loop3A_1229, %parallel_loop3A_1230, %parallel_loop3A_1231] {strides = array<i32>} : memref<2x4x4096xf32, #tpu.memory_space<vmem>>, vector<16xf32>,
        tpu.vector_store %arg8[%parallel_loop3A_1229, %parallel_loop3A_1230, %parallel_loop3A_1231], %parallel_loop3A_1225 {strides = array<i32>} : memref<2x4x4096xf32, #tpu.memory_space<vmem>>, vector<16xf32>,
        %parallel_loop3A_1233 = arith.constant 496 : i32
        %parallel_loop3A_1234 = vector.broadcast %parallel_loop3A_1233 : i32 to vector<16xi32>
        %parallel_loop3A_1235 = arith.addi %parallel_loop3A_693, %parallel_loop3A_1234 : vector<16xi32>
        %parallel_loop3A_1236 = arith.constant 1 : i32
        %parallel_loop3A_1237 = arith.constant 0 : i32
        %parallel_loop3A_1238 = arith.constant 0 : i32
        %parallel_loop3A_1239 = tpu.memref_slice %arg7[%parallel_loop3A_1236, %parallel_loop3A_1237, %parallel_loop3A_1238] : memref<2x512x32xf32, #tpu.memory_space<vmem>> -> memref<1x512x32xf32, #tpu.memory_space<vmem>>
        %parallel_loop3A_1240 = tpu.memref_squeeze %parallel_loop3A_1239 : memref<1x512x32xf32, #tpu.memory_space<vmem>> -> memref<512x32xf32, #tpu.memory_space<vmem>>
        %parallel_loop3A_1241 = tpu.vector_load_idx %parallel_loop3A_1240[%parallel_loop3A_1235, %parallel_loop3A_694] : memref<512x32xf32, #tpu.memory_space<vmem>>[vector<16xi32>, vector<16xi32>], vector<16xf32>,
        %parallel_loop3A_1242 = arith.constant 3184 : i32
        %parallel_loop3A_1243 = arith.addi %parallel_loop3A_736, %parallel_loop3A_1242 : i32
        %parallel_loop3A_1244 = arith.constant 1 : i32
        %parallel_loop3A_1245 = arith.index_cast %parallel_loop3A_1244 : i32 to index
        %parallel_loop3A_1246 = arith.index_cast %parallel_loop3A_718 : i32 to index
        %parallel_loop3A_1247 = arith.index_cast %parallel_loop3A_1243 : i32 to index
        %parallel_loop3A_1248 = tpu.vector_load %arg8[%parallel_loop3A_1245, %parallel_loop3A_1246, %parallel_loop3A_1247] {strides = array<i32>} : memref<2x4x4096xf32, #tpu.memory_space<vmem>>, vector<16xf32>,
        tpu.vector_store %arg8[%parallel_loop3A_1245, %parallel_loop3A_1246, %parallel_loop3A_1247], %parallel_loop3A_1241 {strides = array<i32>} : memref<2x4x4096xf32, #tpu.memory_space<vmem>>, vector<16xf32>,
      } {sc.loop_unroll_factor = 4 : i64, sc.parallel_access}
      %mul3A_596 = arith.constant 4 : i32
      %mul3A_597 = arith.muli %add3A_565, %mul3A_596 : i32
      %add3A_598 = arith.constant 0 : i32
      %add3A_599 = arith.addi %mul3A_597, %add3A_598 : i32
      %mul3A_600 = arith.constant 32 : i32
      %mul3A_601 = arith.muli %add3A_599, %mul3A_600 : i32
      %add3A_602 = arith.addi %mul3A_601, %add3A : i32
      %dma_start3A_603 = arith.constant 1 : i32
      %dma_start3A_604 = arith.constant 0 : i32
      %dma_start3A_605 = arith.constant 1 : i32
      %dma_start3A_606 = arith.constant 0 : i32
      %dma_start3A_607 = tpu.memref_slice %arg8[%dma_start3A_603, %dma_start3A_604, %dma_start3A_606] : memref<2x4x4096xf32, #tpu.memory_space<vmem>> -> memref<1x1x4096xf32, #tpu.memory_space<vmem>>
      %dma_start3A_608 = tpu.memref_squeeze %dma_start3A_607 : memref<1x1x4096xf32, #tpu.memory_space<vmem>> -> memref<4096xf32, #tpu.memory_space<vmem>>
      %dma_start3A_609 = arith.constant 0 : i32
      %dma_start3A_610 = tpu.memref_slice %arg4[%add3A_602, %dma_start3A_609] : memref<6400x4096xf32, #tpu.memory_space<hbm>> -> memref<1x4096xf32, #tpu.memory_space<hbm>>
      %dma_start3A_611 = tpu.memref_squeeze %dma_start3A_610 : memref<1x4096xf32, #tpu.memory_space<hbm>> -> memref<4096xf32, #tpu.memory_space<hbm>>
      %dma_start3A_612 = tpu.memref_slice %arg11[%dma_start3A_605] : memref<2x!tpu.dma_semaphore, #tpu.memory_space<semaphore_mem>> -> memref<1x!tpu.dma_semaphore, #tpu.memory_space<semaphore_mem>>
      %dma_start3A_613 = tpu.memref_squeeze %dma_start3A_612 : memref<1x!tpu.dma_semaphore, #tpu.memory_space<semaphore_mem>> -> memref<!tpu.dma_semaphore, #tpu.memory_space<semaphore_mem>>
      %dma_start3A_614 = arith.constant 0 : i32
      %dma_start3A_615 = tpu.memref_slice %arg4[%add3A_602, %dma_start3A_614] : memref<6400x4096xf32, #tpu.memory_space<hbm>> -> memref<1x4096xf32, #tpu.memory_space<hbm>>
      %dma_start3A_616 = tpu.memref_squeeze %dma_start3A_615 : memref<1x4096xf32, #tpu.memory_space<hbm>> -> memref<4096xf32, #tpu.memory_space<hbm>>
      %dma_start3A_617 = arith.constant 0 : i32
      %dma_start3A_618 = tpu.memref_slice %arg8[%dma_start3A_603, %dma_start3A_604, %dma_start3A_617] : memref<2x4x4096xf32, #tpu.memory_space<vmem>> -> memref<1x1x4096xf32, #tpu.memory_space<vmem>>
      %dma_start3A_619 = tpu.memref_squeeze %dma_start3A_618 : memref<1x1x4096xf32, #tpu.memory_space<vmem>> -> memref<4096xf32, #tpu.memory_space<vmem>>
      tpu.enqueue_dma source(%dma_start3A_619 : memref<4096xf32, #tpu.memory_space<vmem>>) target(%dma_start3A_616 : memref<4096xf32, #tpu.memory_space<hbm>>) target_semaphore(%dma_start3A_613 : memref<!tpu.dma_semaphore, #tpu.memory_space<semaphore_mem>>)
      %mul3A_620 = arith.constant 4 : i32
      %mul3A_621 = arith.muli %add3A_565, %mul3A_620 : i32
      %add3A_622 = arith.constant 1 : i32
      %add3A_623 = arith.addi %mul3A_621, %add3A_622 : i32
      %mul3A_624 = arith.constant 32 : i32
      %mul3A_625 = arith.muli %add3A_623, %mul3A_624 : i32
      %add3A_626 = arith.addi %mul3A_625, %add3A : i32
      %dma_start3A_627 = arith.constant 1 : i32
      %dma_start3A_628 = arith.constant 1 : i32
      %dma_start3A_629 = arith.constant 1 : i32
      %dma_start3A_630 = arith.constant 0 : i32
      %dma_start3A_631 = tpu.memref_slice %arg8[%dma_start3A_627, %dma_start3A_628, %dma_start3A_630] : memref<2x4x4096xf32, #tpu.memory_space<vmem>> -> memref<1x1x4096xf32, #tpu.memory_space<vmem>>
      %dma_start3A_632 = tpu.memref_squeeze %dma_start3A_631 : memref<1x1x4096xf32, #tpu.memory_space<vmem>> -> memref<4096xf32, #tpu.memory_space<vmem>>
      %dma_start3A_633 = arith.constant 0 : i32
      %dma_start3A_634 = tpu.memref_slice %arg4[%add3A_626, %dma_start3A_633] : memref<6400x4096xf32, #tpu.memory_space<hbm>> -> memref<1x4096xf32, #tpu.memory_space<hbm>>
      %dma_start3A_635 = tpu.memref_squeeze %dma_start3A_634 : memref<1x4096xf32, #tpu.memory_space<hbm>> -> memref<4096xf32, #tpu.memory_space<hbm>>
      %dma_start3A_636 = tpu.memref_slice %arg11[%dma_start3A_629] : memref<2x!tpu.dma_semaphore, #tpu.memory_space<semaphore_mem>> -> memref<1x!tpu.dma_semaphore, #tpu.memory_space<semaphore_mem>>
      %dma_start3A_637 = tpu.memref_squeeze %dma_start3A_636 : memref<1x!tpu.dma_semaphore, #tpu.memory_space<semaphore_mem>> -> memref<!tpu.dma_semaphore, #tpu.memory_space<semaphore_mem>>
      %dma_start3A_638 = arith.constant 0 : i32
      %dma_start3A_639 = tpu.memref_slice %arg4[%add3A_626, %dma_start3A_638] : memref<6400x4096xf32, #tpu.memory_space<hbm>> -> memref<1x4096xf32, #tpu.memory_space<hbm>>
      %dma_start3A_640 = tpu.memref_squeeze %dma_start3A_639 : memref<1x4096xf32, #tpu.memory_space<hbm>> -> memref<4096xf32, #tpu.memory_space<hbm>>
      %dma_start3A_641 = arith.constant 0 : i32
      %dma_start3A_642 = tpu.memref_slice %arg8[%dma_start3A_627, %dma_start3A_628, %dma_start3A_641] : memref<2x4x4096xf32, #tpu.memory_space<vmem>> -> memref<1x1x4096xf32, #tpu.memory_space<vmem>>
      %dma_start3A_643 = tpu.memref_squeeze %dma_start3A_642 : memref<1x1x4096xf32, #tpu.memory_space<vmem>> -> memref<4096xf32, #tpu.memory_space<vmem>>
      tpu.enqueue_dma source(%dma_start3A_643 : memref<4096xf32, #tpu.memory_space<vmem>>) target(%dma_start3A_640 : memref<4096xf32, #tpu.memory_space<hbm>>) target_semaphore(%dma_start3A_637 : memref<!tpu.dma_semaphore, #tpu.memory_space<semaphore_mem>>)
      %mul3A_644 = arith.constant 4 : i32
      %mul3A_645 = arith.muli %add3A_565, %mul3A_644 : i32
      %add3A_646 = arith.constant 2 : i32
      %add3A_647 = arith.addi %mul3A_645, %add3A_646 : i32
      %mul3A_648 = arith.constant 32 : i32
      %mul3A_649 = arith.muli %add3A_647, %mul3A_648 : i32
      %add3A_650 = arith.addi %mul3A_649, %add3A : i32
      %dma_start3A_651 = arith.constant 1 : i32
      %dma_start3A_652 = arith.constant 2 : i32
      %dma_start3A_653 = arith.constant 1 : i32
      %dma_start3A_654 = arith.constant 0 : i32
      %dma_start3A_655 = tpu.memref_slice %arg8[%dma_start3A_651, %dma_start3A_652, %dma_start3A_654] : memref<2x4x4096xf32, #tpu.memory_space<vmem>> -> memref<1x1x4096xf32, #tpu.memory_space<vmem>>
      %dma_start3A_656 = tpu.memref_squeeze %dma_start3A_655 : memref<1x1x4096xf32, #tpu.memory_space<vmem>> -> memref<4096xf32, #tpu.memory_space<vmem>>
      %dma_start3A_657 = arith.constant 0 : i32
      %dma_start3A_658 = tpu.memref_slice %arg4[%add3A_650, %dma_start3A_657] : memref<6400x4096xf32, #tpu.memory_space<hbm>> -> memref<1x4096xf32, #tpu.memory_space<hbm>>
      %dma_start3A_659 = tpu.memref_squeeze %dma_start3A_658 : memref<1x4096xf32, #tpu.memory_space<hbm>> -> memref<4096xf32, #tpu.memory_space<hbm>>
      %dma_start3A_660 = tpu.memref_slice %arg11[%dma_start3A_653] : memref<2x!tpu.dma_semaphore, #tpu.memory_space<semaphore_mem>> -> memref<1x!tpu.dma_semaphore, #tpu.memory_space<semaphore_mem>>
      %dma_start3A_661 = tpu.memref_squeeze %dma_start3A_660 : memref<1x!tpu.dma_semaphore, #tpu.memory_space<semaphore_mem>> -> memref<!tpu.dma_semaphore, #tpu.memory_space<semaphore_mem>>
      %dma_start3A_662 = arith.constant 0 : i32
      %dma_start3A_663 = tpu.memref_slice %arg4[%add3A_650, %dma_start3A_662] : memref<6400x4096xf32, #tpu.memory_space<hbm>> -> memref<1x4096xf32, #tpu.memory_space<hbm>>
      %dma_start3A_664 = tpu.memref_squeeze %dma_start3A_663 : memref<1x4096xf32, #tpu.memory_space<hbm>> -> memref<4096xf32, #tpu.memory_space<hbm>>
      %dma_start3A_665 = arith.constant 0 : i32
      %dma_start3A_666 = tpu.memref_slice %arg8[%dma_start3A_651, %dma_start3A_652, %dma_start3A_665] : memref<2x4x4096xf32, #tpu.memory_space<vmem>> -> memref<1x1x4096xf32, #tpu.memory_space<vmem>>
      %dma_start3A_667 = tpu.memref_squeeze %dma_start3A_666 : memref<1x1x4096xf32, #tpu.memory_space<vmem>> -> memref<4096xf32, #tpu.memory_space<vmem>>
      tpu.enqueue_dma source(%dma_start3A_667 : memref<4096xf32, #tpu.memory_space<vmem>>) target(%dma_start3A_664 : memref<4096xf32, #tpu.memory_space<hbm>>) target_semaphore(%dma_start3A_661 : memref<!tpu.dma_semaphore, #tpu.memory_space<semaphore_mem>>)
      %mul3A_668 = arith.constant 4 : i32
      %mul3A_669 = arith.muli %add3A_565, %mul3A_668 : i32
      %add3A_670 = arith.constant 3 : i32
      %add3A_671 = arith.addi %mul3A_669, %add3A_670 : i32
      %mul3A_672 = arith.constant 32 : i32
      %mul3A_673 = arith.muli %add3A_671, %mul3A_672 : i32
      %add3A_674 = arith.addi %mul3A_673, %add3A : i32
      %dma_start3A_675 = arith.constant 1 : i32
      %dma_start3A_676 = arith.constant 3 : i32
      %dma_start3A_677 = arith.constant 1 : i32
      %dma_start3A_678 = arith.constant 0 : i32
      %dma_start3A_679 = tpu.memref_slice %arg8[%dma_start3A_675, %dma_start3A_676, %dma_start3A_678] : memref<2x4x4096xf32, #tpu.memory_space<vmem>> -> memref<1x1x4096xf32, #tpu.memory_space<vmem>>
      %dma_start3A_680 = tpu.memref_squeeze %dma_start3A_679 : memref<1x1x4096xf32, #tpu.memory_space<vmem>> -> memref<4096xf32, #tpu.memory_space<vmem>>
      %dma_start3A_681 = arith.constant 0 : i32
      %dma_start3A_682 = tpu.memref_slice %arg4[%add3A_674, %dma_start3A_681] : memref<6400x4096xf32, #tpu.memory_space<hbm>> -> memref<1x4096xf32, #tpu.memory_space<hbm>>
      %dma_start3A_683 = tpu.memref_squeeze %dma_start3A_682 : memref<1x4096xf32, #tpu.memory_space<hbm>> -> memref<4096xf32, #tpu.memory_space<hbm>>
      %dma_start3A_684 = tpu.memref_slice %arg11[%dma_start3A_677] : memref<2x!tpu.dma_semaphore, #tpu.memory_space<semaphore_mem>> -> memref<1x!tpu.dma_semaphore, #tpu.memory_space<semaphore_mem>>
      %dma_start3A_685 = tpu.memref_squeeze %dma_start3A_684 : memref<1x!tpu.dma_semaphore, #tpu.memory_space<semaphore_mem>> -> memref<!tpu.dma_semaphore, #tpu.memory_space<semaphore_mem>>
      %dma_start3A_686 = arith.constant 0 : i32
      %dma_start3A_687 = tpu.memref_slice %arg4[%add3A_674, %dma_start3A_686] : memref<6400x4096xf32, #tpu.memory_space<hbm>> -> memref<1x4096xf32, #tpu.memory_space<hbm>>
      %dma_start3A_688 = tpu.memref_squeeze %dma_start3A_687 : memref<1x4096xf32, #tpu.memory_space<hbm>> -> memref<4096xf32, #tpu.memory_space<hbm>>
      %dma_start3A_689 = arith.constant 0 : i32
      %dma_start3A_690 = tpu.memref_slice %arg8[%dma_start3A_675, %dma_start3A_676, %dma_start3A_689] : memref<2x4x4096xf32, #tpu.memory_space<vmem>> -> memref<1x1x4096xf32, #tpu.memory_space<vmem>>
      %dma_start3A_691 = tpu.memref_squeeze %dma_start3A_690 : memref<1x1x4096xf32, #tpu.memory_space<vmem>> -> memref<4096xf32, #tpu.memory_space<vmem>>
      tpu.enqueue_dma source(%dma_start3A_691 : memref<4096xf32, #tpu.memory_space<vmem>>) target(%dma_start3A_688 : memref<4096xf32, #tpu.memory_space<hbm>>) target_semaphore(%dma_start3A_685 : memref<!tpu.dma_semaphore, #tpu.memory_space<semaphore_mem>>)
    }
    %scan3A_283 = arith.constant 25 : i32
    %add3A_284 = arith.constant 6144 : i32
    %add3A_285 = arith.addi %add3A_284, %add3A : i32
    %dma_wait3A_286 = arith.constant 0 : i32
    %dma_wait3A_287 = arith.constant 0 : i32
    %dma_wait3A_288 = arith.constant 0 : i32
    %dma_wait3A_289 = arith.constant 0 : i32
    %dma_wait3A_290 = tpu.memref_slice %arg8[%dma_wait3A_286, %dma_wait3A_287, %dma_wait3A_289] : memref<2x4x4096xf32, #tpu.memory_space<vmem>> -> memref<1x1x4096xf32, #tpu.memory_space<vmem>>
    %dma_wait3A_291 = tpu.memref_squeeze %dma_wait3A_290 : memref<1x1x4096xf32, #tpu.memory_space<vmem>> -> memref<4096xf32, #tpu.memory_space<vmem>>
    %dma_wait3A_292 = arith.constant 0 : i32
    %dma_wait3A_293 = tpu.memref_slice %arg4[%add3A_285, %dma_wait3A_292] : memref<6400x4096xf32, #tpu.memory_space<hbm>> -> memref<1x4096xf32, #tpu.memory_space<hbm>>
    %dma_wait3A_294 = tpu.memref_squeeze %dma_wait3A_293 : memref<1x4096xf32, #tpu.memory_space<hbm>> -> memref<4096xf32, #tpu.memory_space<hbm>>
    %dma_wait3A_295 = tpu.memref_slice %arg11[%dma_wait3A_288] : memref<2x!tpu.dma_semaphore, #tpu.memory_space<semaphore_mem>> -> memref<1x!tpu.dma_semaphore, #tpu.memory_space<semaphore_mem>>
    %dma_wait3A_296 = tpu.memref_squeeze %dma_wait3A_295 : memref<1x!tpu.dma_semaphore, #tpu.memory_space<semaphore_mem>> -> memref<!tpu.dma_semaphore, #tpu.memory_space<semaphore_mem>>
    %dma_wait3A_297 = arith.constant 0 : i32
    %dma_wait3A_298 = tpu.memref_slice %arg4[%add3A_285, %dma_wait3A_297] : memref<6400x4096xf32, #tpu.memory_space<hbm>> -> memref<1x4096xf32, #tpu.memory_space<hbm>>
    %dma_wait3A_299 = tpu.memref_squeeze %dma_wait3A_298 : memref<1x4096xf32, #tpu.memory_space<hbm>> -> memref<4096xf32, #tpu.memory_space<hbm>>
    %dma_wait3A_300 = arith.constant 0 : i32
    %dma_wait3A_301 = tpu.memref_slice %arg8[%dma_wait3A_286, %dma_wait3A_287, %dma_wait3A_300] : memref<2x4x4096xf32, #tpu.memory_space<vmem>> -> memref<1x1x4096xf32, #tpu.memory_space<vmem>>
    %dma_wait3A_302 = tpu.memref_squeeze %dma_wait3A_301 : memref<1x1x4096xf32, #tpu.memory_space<vmem>> -> memref<4096xf32, #tpu.memory_space<vmem>>
    tpu.wait_dma2 semaphore(%dma_wait3A_296 : memref<!tpu.dma_semaphore, #tpu.memory_space<semaphore_mem>>) src(%dma_wait3A_302 : memref<4096xf32, #tpu.memory_space<vmem>>) dst(%dma_wait3A_299 : memref<4096xf32, #tpu.memory_space<hbm>>)
    %add3A_303 = arith.constant 6176 : i32
    %add3A_304 = arith.addi %add3A_303, %add3A : i32
    %dma_wait3A_305 = arith.constant 0 : i32
    %dma_wait3A_306 = arith.constant 1 : i32
    %dma_wait3A_307 = arith.constant 0 : i32
    %dma_wait3A_308 = arith.constant 0 : i32
    %dma_wait3A_309 = tpu.memref_slice %arg8[%dma_wait3A_305, %dma_wait3A_306, %dma_wait3A_308] : memref<2x4x4096xf32, #tpu.memory_space<vmem>> -> memref<1x1x4096xf32, #tpu.memory_space<vmem>>
    %dma_wait3A_310 = tpu.memref_squeeze %dma_wait3A_309 : memref<1x1x4096xf32, #tpu.memory_space<vmem>> -> memref<4096xf32, #tpu.memory_space<vmem>>
    %dma_wait3A_311 = arith.constant 0 : i32
    %dma_wait3A_312 = tpu.memref_slice %arg4[%add3A_304, %dma_wait3A_311] : memref<6400x4096xf32, #tpu.memory_space<hbm>> -> memref<1x4096xf32, #tpu.memory_space<hbm>>
    %dma_wait3A_313 = tpu.memref_squeeze %dma_wait3A_312 : memref<1x4096xf32, #tpu.memory_space<hbm>> -> memref<4096xf32, #tpu.memory_space<hbm>>
    %dma_wait3A_314 = tpu.memref_slice %arg11[%dma_wait3A_307] : memref<2x!tpu.dma_semaphore, #tpu.memory_space<semaphore_mem>> -> memref<1x!tpu.dma_semaphore, #tpu.memory_space<semaphore_mem>>
    %dma_wait3A_315 = tpu.memref_squeeze %dma_wait3A_314 : memref<1x!tpu.dma_semaphore, #tpu.memory_space<semaphore_mem>> -> memref<!tpu.dma_semaphore, #tpu.memory_space<semaphore_mem>>
    %dma_wait3A_316 = arith.constant 0 : i32
    %dma_wait3A_317 = tpu.memref_slice %arg4[%add3A_304, %dma_wait3A_316] : memref<6400x4096xf32, #tpu.memory_space<hbm>> -> memref<1x4096xf32, #tpu.memory_space<hbm>>
    %dma_wait3A_318 = tpu.memref_squeeze %dma_wait3A_317 : memref<1x4096xf32, #tpu.memory_space<hbm>> -> memref<4096xf32, #tpu.memory_space<hbm>>
    %dma_wait3A_319 = arith.constant 0 : i32
    %dma_wait3A_320 = tpu.memref_slice %arg8[%dma_wait3A_305, %dma_wait3A_306, %dma_wait3A_319] : memref<2x4x4096xf32, #tpu.memory_space<vmem>> -> memref<1x1x4096xf32, #tpu.memory_space<vmem>>
    %dma_wait3A_321 = tpu.memref_squeeze %dma_wait3A_320 : memref<1x1x4096xf32, #tpu.memory_space<vmem>> -> memref<4096xf32, #tpu.memory_space<vmem>>
    tpu.wait_dma2 semaphore(%dma_wait3A_315 : memref<!tpu.dma_semaphore, #tpu.memory_space<semaphore_mem>>) src(%dma_wait3A_321 : memref<4096xf32, #tpu.memory_space<vmem>>) dst(%dma_wait3A_318 : memref<4096xf32, #tpu.memory_space<hbm>>)
    %add3A_322 = arith.constant 6208 : i32
    %add3A_323 = arith.addi %add3A_322, %add3A : i32
    %dma_wait3A_324 = arith.constant 0 : i32
    %dma_wait3A_325 = arith.constant 2 : i32
    %dma_wait3A_326 = arith.constant 0 : i32
    %dma_wait3A_327 = arith.constant 0 : i32
    %dma_wait3A_328 = tpu.memref_slice %arg8[%dma_wait3A_324, %dma_wait3A_325, %dma_wait3A_327] : memref<2x4x4096xf32, #tpu.memory_space<vmem>> -> memref<1x1x4096xf32, #tpu.memory_space<vmem>>
    %dma_wait3A_329 = tpu.memref_squeeze %dma_wait3A_328 : memref<1x1x4096xf32, #tpu.memory_space<vmem>> -> memref<4096xf32, #tpu.memory_space<vmem>>
    %dma_wait3A_330 = arith.constant 0 : i32
    %dma_wait3A_331 = tpu.memref_slice %arg4[%add3A_323, %dma_wait3A_330] : memref<6400x4096xf32, #tpu.memory_space<hbm>> -> memref<1x4096xf32, #tpu.memory_space<hbm>>
    %dma_wait3A_332 = tpu.memref_squeeze %dma_wait3A_331 : memref<1x4096xf32, #tpu.memory_space<hbm>> -> memref<4096xf32, #tpu.memory_space<hbm>>
    %dma_wait3A_333 = tpu.memref_slice %arg11[%dma_wait3A_326] : memref<2x!tpu.dma_semaphore, #tpu.memory_space<semaphore_mem>> -> memref<1x!tpu.dma_semaphore, #tpu.memory_space<semaphore_mem>>
    %dma_wait3A_334 = tpu.memref_squeeze %dma_wait3A_333 : memref<1x!tpu.dma_semaphore, #tpu.memory_space<semaphore_mem>> -> memref<!tpu.dma_semaphore, #tpu.memory_space<semaphore_mem>>
    %dma_wait3A_335 = arith.constant 0 : i32
    %dma_wait3A_336 = tpu.memref_slice %arg4[%add3A_323, %dma_wait3A_335] : memref<6400x4096xf32, #tpu.memory_space<hbm>> -> memref<1x4096xf32, #tpu.memory_space<hbm>>
    %dma_wait3A_337 = tpu.memref_squeeze %dma_wait3A_336 : memref<1x4096xf32, #tpu.memory_space<hbm>> -> memref<4096xf32, #tpu.memory_space<hbm>>
    %dma_wait3A_338 = arith.constant 0 : i32
    %dma_wait3A_339 = tpu.memref_slice %arg8[%dma_wait3A_324, %dma_wait3A_325, %dma_wait3A_338] : memref<2x4x4096xf32, #tpu.memory_space<vmem>> -> memref<1x1x4096xf32, #tpu.memory_space<vmem>>
    %dma_wait3A_340 = tpu.memref_squeeze %dma_wait3A_339 : memref<1x1x4096xf32, #tpu.memory_space<vmem>> -> memref<4096xf32, #tpu.memory_space<vmem>>
    tpu.wait_dma2 semaphore(%dma_wait3A_334 : memref<!tpu.dma_semaphore, #tpu.memory_space<semaphore_mem>>) src(%dma_wait3A_340 : memref<4096xf32, #tpu.memory_space<vmem>>) dst(%dma_wait3A_337 : memref<4096xf32, #tpu.memory_space<hbm>>)
    %add3A_341 = arith.constant 6240 : i32
    %add3A_342 = arith.addi %add3A_341, %add3A : i32
    %dma_wait3A_343 = arith.constant 0 : i32
    %dma_wait3A_344 = arith.constant 3 : i32
    %dma_wait3A_345 = arith.constant 0 : i32
    %dma_wait3A_346 = arith.constant 0 : i32
    %dma_wait3A_347 = tpu.memref_slice %arg8[%dma_wait3A_343, %dma_wait3A_344, %dma_wait3A_346] : memref<2x4x4096xf32, #tpu.memory_space<vmem>> -> memref<1x1x4096xf32, #tpu.memory_space<vmem>>
    %dma_wait3A_348 = tpu.memref_squeeze %dma_wait3A_347 : memref<1x1x4096xf32, #tpu.memory_space<vmem>> -> memref<4096xf32, #tpu.memory_space<vmem>>
    %dma_wait3A_349 = arith.constant 0 : i32
    %dma_wait3A_350 = tpu.memref_slice %arg4[%add3A_342, %dma_wait3A_349] : memref<6400x4096xf32, #tpu.memory_space<hbm>> -> memref<1x4096xf32, #tpu.memory_space<hbm>>
    %dma_wait3A_351 = tpu.memref_squeeze %dma_wait3A_350 : memref<1x4096xf32, #tpu.memory_space<hbm>> -> memref<4096xf32, #tpu.memory_space<hbm>>
    %dma_wait3A_352 = tpu.memref_slice %arg11[%dma_wait3A_345] : memref<2x!tpu.dma_semaphore, #tpu.memory_space<semaphore_mem>> -> memref<1x!tpu.dma_semaphore, #tpu.memory_space<semaphore_mem>>
    %dma_wait3A_353 = tpu.memref_squeeze %dma_wait3A_352 : memref<1x!tpu.dma_semaphore, #tpu.memory_space<semaphore_mem>> -> memref<!tpu.dma_semaphore, #tpu.memory_space<semaphore_mem>>
    %dma_wait3A_354 = arith.constant 0 : i32
    %dma_wait3A_355 = tpu.memref_slice %arg4[%add3A_342, %dma_wait3A_354] : memref<6400x4096xf32, #tpu.memory_space<hbm>> -> memref<1x4096xf32, #tpu.memory_space<hbm>>
    %dma_wait3A_356 = tpu.memref_squeeze %dma_wait3A_355 : memref<1x4096xf32, #tpu.memory_space<hbm>> -> memref<4096xf32, #tpu.memory_space<hbm>>
    %dma_wait3A_357 = arith.constant 0 : i32
    %dma_wait3A_358 = tpu.memref_slice %arg8[%dma_wait3A_343, %dma_wait3A_344, %dma_wait3A_357] : memref<2x4x4096xf32, #tpu.memory_space<vmem>> -> memref<1x1x4096xf32, #tpu.memory_space<vmem>>
    %dma_wait3A_359 = tpu.memref_squeeze %dma_wait3A_358 : memref<1x1x4096xf32, #tpu.memory_space<vmem>> -> memref<4096xf32, #tpu.memory_space<vmem>>
    tpu.wait_dma2 semaphore(%dma_wait3A_353 : memref<!tpu.dma_semaphore, #tpu.memory_space<semaphore_mem>>) src(%dma_wait3A_359 : memref<4096xf32, #tpu.memory_space<vmem>>) dst(%dma_wait3A_356 : memref<4096xf32, #tpu.memory_space<hbm>>)
    %add3A_360 = arith.constant 6272 : i32
    %add3A_361 = arith.addi %add3A_360, %add3A : i32
    %dma_wait3A_362 = arith.constant 1 : i32
    %dma_wait3A_363 = arith.constant 0 : i32
    %dma_wait3A_364 = arith.constant 1 : i32
    %dma_wait3A_365 = arith.constant 0 : i32
    %dma_wait3A_366 = tpu.memref_slice %arg8[%dma_wait3A_362, %dma_wait3A_363, %dma_wait3A_365] : memref<2x4x4096xf32, #tpu.memory_space<vmem>> -> memref<1x1x4096xf32, #tpu.memory_space<vmem>>
    %dma_wait3A_367 = tpu.memref_squeeze %dma_wait3A_366 : memref<1x1x4096xf32, #tpu.memory_space<vmem>> -> memref<4096xf32, #tpu.memory_space<vmem>>
    %dma_wait3A_368 = arith.constant 0 : i32
    %dma_wait3A_369 = tpu.memref_slice %arg4[%add3A_361, %dma_wait3A_368] : memref<6400x4096xf32, #tpu.memory_space<hbm>> -> memref<1x4096xf32, #tpu.memory_space<hbm>>
    %dma_wait3A_370 = tpu.memref_squeeze %dma_wait3A_369 : memref<1x4096xf32, #tpu.memory_space<hbm>> -> memref<4096xf32, #tpu.memory_space<hbm>>
    %dma_wait3A_371 = tpu.memref_slice %arg11[%dma_wait3A_364] : memref<2x!tpu.dma_semaphore, #tpu.memory_space<semaphore_mem>> -> memref<1x!tpu.dma_semaphore, #tpu.memory_space<semaphore_mem>>
    %dma_wait3A_372 = tpu.memref_squeeze %dma_wait3A_371 : memref<1x!tpu.dma_semaphore, #tpu.memory_space<semaphore_mem>> -> memref<!tpu.dma_semaphore, #tpu.memory_space<semaphore_mem>>
    %dma_wait3A_373 = arith.constant 0 : i32
    %dma_wait3A_374 = tpu.memref_slice %arg4[%add3A_361, %dma_wait3A_373] : memref<6400x4096xf32, #tpu.memory_space<hbm>> -> memref<1x4096xf32, #tpu.memory_space<hbm>>
    %dma_wait3A_375 = tpu.memref_squeeze %dma_wait3A_374 : memref<1x4096xf32, #tpu.memory_space<hbm>> -> memref<4096xf32, #tpu.memory_space<hbm>>
    %dma_wait3A_376 = arith.constant 0 : i32
    %dma_wait3A_377 = tpu.memref_slice %arg8[%dma_wait3A_362, %dma_wait3A_363, %dma_wait3A_376] : memref<2x4x4096xf32, #tpu.memory_space<vmem>> -> memref<1x1x4096xf32, #tpu.memory_space<vmem>>
    %dma_wait3A_378 = tpu.memref_squeeze %dma_wait3A_377 : memref<1x1x4096xf32, #tpu.memory_space<vmem>> -> memref<4096xf32, #tpu.memory_space<vmem>>
    tpu.wait_dma2 semaphore(%dma_wait3A_372 : memref<!tpu.dma_semaphore, #tpu.memory_space<semaphore_mem>>) src(%dma_wait3A_378 : memref<4096xf32, #tpu.memory_space<vmem>>) dst(%dma_wait3A_375 : memref<4096xf32, #tpu.memory_space<hbm>>)
    %add3A_379 = arith.constant 6304 : i32
    %add3A_380 = arith.addi %add3A_379, %add3A : i32
    %dma_wait3A_381 = arith.constant 1 : i32
    %dma_wait3A_382 = arith.constant 1 : i32
    %dma_wait3A_383 = arith.constant 1 : i32
    %dma_wait3A_384 = arith.constant 0 : i32
    %dma_wait3A_385 = tpu.memref_slice %arg8[%dma_wait3A_381, %dma_wait3A_382, %dma_wait3A_384] : memref<2x4x4096xf32, #tpu.memory_space<vmem>> -> memref<1x1x4096xf32, #tpu.memory_space<vmem>>
    %dma_wait3A_386 = tpu.memref_squeeze %dma_wait3A_385 : memref<1x1x4096xf32, #tpu.memory_space<vmem>> -> memref<4096xf32, #tpu.memory_space<vmem>>
    %dma_wait3A_387 = arith.constant 0 : i32
    %dma_wait3A_388 = tpu.memref_slice %arg4[%add3A_380, %dma_wait3A_387] : memref<6400x4096xf32, #tpu.memory_space<hbm>> -> memref<1x4096xf32, #tpu.memory_space<hbm>>
    %dma_wait3A_389 = tpu.memref_squeeze %dma_wait3A_388 : memref<1x4096xf32, #tpu.memory_space<hbm>> -> memref<4096xf32, #tpu.memory_space<hbm>>
    %dma_wait3A_390 = tpu.memref_slice %arg11[%dma_wait3A_383] : memref<2x!tpu.dma_semaphore, #tpu.memory_space<semaphore_mem>> -> memref<1x!tpu.dma_semaphore, #tpu.memory_space<semaphore_mem>>
    %dma_wait3A_391 = tpu.memref_squeeze %dma_wait3A_390 : memref<1x!tpu.dma_semaphore, #tpu.memory_space<semaphore_mem>> -> memref<!tpu.dma_semaphore, #tpu.memory_space<semaphore_mem>>
    %dma_wait3A_392 = arith.constant 0 : i32
    %dma_wait3A_393 = tpu.memref_slice %arg4[%add3A_380, %dma_wait3A_392] : memref<6400x4096xf32, #tpu.memory_space<hbm>> -> memref<1x4096xf32, #tpu.memory_space<hbm>>
    %dma_wait3A_394 = tpu.memref_squeeze %dma_wait3A_393 : memref<1x4096xf32, #tpu.memory_space<hbm>> -> memref<4096xf32, #tpu.memory_space<hbm>>
    %dma_wait3A_395 = arith.constant 0 : i32
    %dma_wait3A_396 = tpu.memref_slice %arg8[%dma_wait3A_381, %dma_wait3A_382, %dma_wait3A_395] : memref<2x4x4096xf32, #tpu.memory_space<vmem>> -> memref<1x1x4096xf32, #tpu.memory_space<vmem>>
    %dma_wait3A_397 = tpu.memref_squeeze %dma_wait3A_396 : memref<1x1x4096xf32, #tpu.memory_space<vmem>> -> memref<4096xf32, #tpu.memory_space<vmem>>
    tpu.wait_dma2 semaphore(%dma_wait3A_391 : memref<!tpu.dma_semaphore, #tpu.memory_space<semaphore_mem>>) src(%dma_wait3A_397 : memref<4096xf32, #tpu.memory_space<vmem>>) dst(%dma_wait3A_394 : memref<4096xf32, #tpu.memory_space<hbm>>)
    %add3A_398 = arith.constant 6336 : i32
    %add3A_399 = arith.addi %add3A_398, %add3A : i32
    %dma_wait3A_400 = arith.constant 1 : i32
    %dma_wait3A_401 = arith.constant 2 : i32
    %dma_wait3A_402 = arith.constant 1 : i32
    %dma_wait3A_403 = arith.constant 0 : i32
    %dma_wait3A_404 = tpu.memref_slice %arg8[%dma_wait3A_400, %dma_wait3A_401, %dma_wait3A_403] : memref<2x4x4096xf32, #tpu.memory_space<vmem>> -> memref<1x1x4096xf32, #tpu.memory_space<vmem>>
    %dma_wait3A_405 = tpu.memref_squeeze %dma_wait3A_404 : memref<1x1x4096xf32, #tpu.memory_space<vmem>> -> memref<4096xf32, #tpu.memory_space<vmem>>
    %dma_wait3A_406 = arith.constant 0 : i32
    %dma_wait3A_407 = tpu.memref_slice %arg4[%add3A_399, %dma_wait3A_406] : memref<6400x4096xf32, #tpu.memory_space<hbm>> -> memref<1x4096xf32, #tpu.memory_space<hbm>>
    %dma_wait3A_408 = tpu.memref_squeeze %dma_wait3A_407 : memref<1x4096xf32, #tpu.memory_space<hbm>> -> memref<4096xf32, #tpu.memory_space<hbm>>
    %dma_wait3A_409 = tpu.memref_slice %arg11[%dma_wait3A_402] : memref<2x!tpu.dma_semaphore, #tpu.memory_space<semaphore_mem>> -> memref<1x!tpu.dma_semaphore, #tpu.memory_space<semaphore_mem>>
    %dma_wait3A_410 = tpu.memref_squeeze %dma_wait3A_409 : memref<1x!tpu.dma_semaphore, #tpu.memory_space<semaphore_mem>> -> memref<!tpu.dma_semaphore, #tpu.memory_space<semaphore_mem>>
    %dma_wait3A_411 = arith.constant 0 : i32
    %dma_wait3A_412 = tpu.memref_slice %arg4[%add3A_399, %dma_wait3A_411] : memref<6400x4096xf32, #tpu.memory_space<hbm>> -> memref<1x4096xf32, #tpu.memory_space<hbm>>
    %dma_wait3A_413 = tpu.memref_squeeze %dma_wait3A_412 : memref<1x4096xf32, #tpu.memory_space<hbm>> -> memref<4096xf32, #tpu.memory_space<hbm>>
    %dma_wait3A_414 = arith.constant 0 : i32
    %dma_wait3A_415 = tpu.memref_slice %arg8[%dma_wait3A_400, %dma_wait3A_401, %dma_wait3A_414] : memref<2x4x4096xf32, #tpu.memory_space<vmem>> -> memref<1x1x4096xf32, #tpu.memory_space<vmem>>
    %dma_wait3A_416 = tpu.memref_squeeze %dma_wait3A_415 : memref<1x1x4096xf32, #tpu.memory_space<vmem>> -> memref<4096xf32, #tpu.memory_space<vmem>>
    tpu.wait_dma2 semaphore(%dma_wait3A_410 : memref<!tpu.dma_semaphore, #tpu.memory_space<semaphore_mem>>) src(%dma_wait3A_416 : memref<4096xf32, #tpu.memory_space<vmem>>) dst(%dma_wait3A_413 : memref<4096xf32, #tpu.memory_space<hbm>>)
    %add3A_417 = arith.constant 6368 : i32
    %add3A_418 = arith.addi %add3A_417, %add3A : i32
    %dma_wait3A_419 = arith.constant 1 : i32
    %dma_wait3A_420 = arith.constant 3 : i32
    %dma_wait3A_421 = arith.constant 1 : i32
    %dma_wait3A_422 = arith.constant 0 : i32
    %dma_wait3A_423 = tpu.memref_slice %arg8[%dma_wait3A_419, %dma_wait3A_420, %dma_wait3A_422] : memref<2x4x4096xf32, #tpu.memory_space<vmem>> -> memref<1x1x4096xf32, #tpu.memory_space<vmem>>
    %dma_wait3A_424 = tpu.memref_squeeze %dma_wait3A_423 : memref<1x1x4096xf32, #tpu.memory_space<vmem>> -> memref<4096xf32, #tpu.memory_space<vmem>>
    %dma_wait3A_425 = arith.constant 0 : i32
    %dma_wait3A_426 = tpu.memref_slice %arg4[%add3A_418, %dma_wait3A_425] : memref<6400x4096xf32, #tpu.memory_space<hbm>> -> memref<1x4096xf32, #tpu.memory_space<hbm>>
    %dma_wait3A_427 = tpu.memref_squeeze %dma_wait3A_426 : memref<1x4096xf32, #tpu.memory_space<hbm>> -> memref<4096xf32, #tpu.memory_space<hbm>>
    %dma_wait3A_428 = tpu.memref_slice %arg11[%dma_wait3A_421] : memref<2x!tpu.dma_semaphore, #tpu.memory_space<semaphore_mem>> -> memref<1x!tpu.dma_semaphore, #tpu.memory_space<semaphore_mem>>
    %dma_wait3A_429 = tpu.memref_squeeze %dma_wait3A_428 : memref<1x!tpu.dma_semaphore, #tpu.memory_space<semaphore_mem>> -> memref<!tpu.dma_semaphore, #tpu.memory_space<semaphore_mem>>
    %dma_wait3A_430 = arith.constant 0 : i32
    %dma_wait3A_431 = tpu.memref_slice %arg4[%add3A_418, %dma_wait3A_430] : memref<6400x4096xf32, #tpu.memory_space<hbm>> -> memref<1x4096xf32, #tpu.memory_space<hbm>>
    %dma_wait3A_432 = tpu.memref_squeeze %dma_wait3A_431 : memref<1x4096xf32, #tpu.memory_space<hbm>> -> memref<4096xf32, #tpu.memory_space<hbm>>
    %dma_wait3A_433 = arith.constant 0 : i32
    %dma_wait3A_434 = tpu.memref_slice %arg8[%dma_wait3A_419, %dma_wait3A_420, %dma_wait3A_433] : memref<2x4x4096xf32, #tpu.memory_space<vmem>> -> memref<1x1x4096xf32, #tpu.memory_space<vmem>>
    %dma_wait3A_435 = tpu.memref_squeeze %dma_wait3A_434 : memref<1x1x4096xf32, #tpu.memory_space<vmem>> -> memref<4096xf32, #tpu.memory_space<vmem>>
    tpu.wait_dma2 semaphore(%dma_wait3A_429 : memref<!tpu.dma_semaphore, #tpu.memory_space<semaphore_mem>>) src(%dma_wait3A_435 : memref<4096xf32, #tpu.memory_space<vmem>>) dst(%dma_wait3A_432 : memref<4096xf32, #tpu.memory_space<hbm>>)
    return
  }
}

</mosaic_0001>

<sc_bundles>
// kernel: kernel.3.cloned.1.call-start
scs
__scs_entry_jumppad:
0x0: {  	(pc) =	sbr.rel $0x88, $3  }
0x1: {  	(tag) =	ssettag $0x0;
	lr =	simm.s32 $0x1  }
0x2: {  	[smem:$0x3F9F] =	sst lr;
	_ =	strace $0xD0000000  }
0x3: {  	_ = 	snop  }
0x4: {  	_ = 	snop  }
0x5: {  	_ = 	snop  }
0x6: {  	_ = 	snop  }
0x7: {  	_ = 	snop  }
__scs_overlays_trampoline_lowered:
0x8: {  	[smem:$0x3FAE] =	sst s0  }
0x9: {  	[smem:$0x3FAF] =	sst s1  }
0xa: {  	[smem:$0x3FB0] =	sst s2  }
0xb: {  	[smem:$0x3FB1] =	sst s3  }
0xc: {  	[smem:$0x3FB2] =	sst s4  }
0xd: {  	[smem:$0x3FB3] =	sst s5  }
0xe: {  	[smem:$0x3FB4] =	sst s6  }
0xf: {  	[smem:$0x3FB5] =	sst s7  }
0x10: {  	[smem:$0x3FB6] =	sst s8  }
0x11: {  	[smem:$0x3FB7] =	sst s9;
	s0 =	simm.s32 @!p0 $0x0  }
0x12: {  	s1 =	sld [smem:$0x3F9D];
	s0 =	simm.s32 @p0 $0x1  }
0x13: {  	[smem:$0x3FB8] =	sst s0;
	s0 =	simm.s32 @!p1 $0x0  }
0x14: {  	s2 =	sld [smem:$0x3F9C];
	s0 =	simm.s32 @p1 $0x1  }
0x15: {  	[smem:$0x3FB9] =	sst s0;
	s0 =	simm.s32 @!p2 $0x0  }
0x16: {  	s3 =	sld [smem:$0x3FDB];
	s0 =	simm.s32 @p2 $0x1  }
0x17: {  	s4 =	simm.s32 $0x1BF5;
	[smem:$0x3FBB] =	sst s0  }
0x18: {  	s0 =	sld [smem:$0x3F9E];
	_ =	swait.ge [sflag:s4], $0x0  }
0x19: {  	s7 =	sld [smem:$0x3F9F]  }
0x1a: {  	s8 =	sadd.s32 $0xFFFFE003, lr  }
0x1b: {  	s9 =	sadd.s32 $0xFFFFFEF7, lr;
	s5 =	simm.s32 $0xFFFFFFFF;
	p2 =	slt.u32 s8, $0xFFFFF086  }
0x1c: {  	p1 =	slt.u32 s9, $0xF7A;
	s5 =	simm.s32 @!p2 $0x0  }
0x1d: {  	s5 =	simm.s32 @p1 $0x1;
	p0 =	seq.s32 s7, s2  }
0x1e: {  	s7 =	smul.u32 @!p0 $0xF7A, s2;
	p2 =	seq.s32 @!p0 s5, $0x0  }
0x1f: {  	s9 =	smul.u32 $0xF7A, s1;
	s8 =	simm.s32 @!p0 $0x1BF5;
	p2 =	por !p2, p0  }
0x20: {  	[sflag:s8] =	ssyncset.s32 @!p0 $0xFFFFF086;
	s6 =	sadd.s32 @!p0 s3, s7;
	s7 =	simm.s32 @!p0 $0x108  }
0x21: {  	s3 =	sadd.s32 s3, s9;
	s6 =	sadd.s32 @!p0 $0x88, s6;
	s7 =	simm.s32 @p2 $0x1082  }
0x22: {  	[simem:s7], [sflag:s8] =	dma.local @!p0 [hbm:s6], $0xF7A  }
0x23: {  	s9 =	sor.u32 $0xD0000000, s2;
	s6 =	simm.s32 $0x108;
	_ =	swait.ge @!p0 [sflag:s8], $0x0  }
0x24: {  	s3 =	sadd.s32 $0x88, s3;
	s6 =	simm.s32 @!p1 $0x1082;
	[sflag:s4] =	ssyncset.s32 $0xFFFFF086  }
0x25: {  	[simem:s6], [sflag:s4] =	dma.local [hbm:s3], $0xF7A  }
0x26: {  	[smem:$0x3F9F] =	sst s1;
	(tag) =	ssettag s2;
	_ =	strace s9  }
0x27: {  	s1 =	sld [smem:$0x3FAF]  }
0x28: {  	s2 =	sld [smem:$0x3FB0]  }
0x29: {  	s4 =	sld [smem:$0x3FB2]  }
0x2a: {  	p0 =	seq.s32 s5, $0x0;
	s5 =	sld [smem:$0x3FB3]  }
0x2b: {  	s6 =	sld [smem:$0x3FB4]  }
0x2c: {  	s7 =	sld [smem:$0x3FB5]  }
0x2d: {  	s3 =	simm.s32 $0x108;
	s8 =	sld [smem:$0x3FB6]  }
0x2e: {  	s3 =	simm.s32 @!p0 $0x1082;
	s9 =	sld [smem:$0x3FB7]  }
0x2f: {  	lr =	sadd.s32 s0, s3;
	s0 =	sld [smem:$0x3FAE]  }
0x30: {  	s3 =	sld [smem:$0x3FB1]  }
0x31: {  	[smem:$0x3FBA] =	sst s10  }
0x32: {  	s10 =	sld [smem:$0x3FB8];
	_ =	sdelay $0x3  }
0x33: {  	p0 =	seq.s32 s10, $0x1;
	s10 =	sld [smem:$0x3FBA];
	_ =	sdelay $0x3  }
0x34: {  	[smem:$0x3FBA] =	sst s10  }
0x35: {  	s10 =	sld [smem:$0x3FB9];
	_ =	sdelay $0x3  }
0x36: {  	p1 =	seq.s32 s10, $0x1;
	s10 =	sld [smem:$0x3FBA];
	_ =	sdelay $0x3  }
0x37: {  	[smem:$0x3FBA] =	sst s10  }
0x38: {  	s10 =	sld [smem:$0x3FBB]  }
0x39: {  	_ = 	snop;
	(pc) =	sbr.ind lr, $3  }
0x3a: {  	_ = 	snop  }
0x3b: {  	_ = 	snop  }
0x3c: {  	p2 =	seq.s32 s10, $0x1;
	s10 =	sld [smem:$0x3FBA]  }
0x3d: {  	_ =	shalt  }
0x3e: {  	_ =	shalt  }
0x3f: {  	_ =	shalt  }
0x40: {  	_ =	shalt  }
0x41: {  	_ =	shalt  }
0x42: {  	_ =	shalt  }
0x43: {  	_ =	shalt  }
0x44: {  	_ =	shalt  }
0x45: {  	_ =	shalt  }
0x46: {  	_ =	shalt  }
0x47: {  	_ =	shalt  }
0x48: {  	_ =	shalt  }
0x49: {  	_ =	shalt  }
0x4a: {  	_ =	shalt  }
0x4b: {  	_ =	shalt  }
0x4c: {  	_ =	shalt  }
0x4d: {  	_ =	shalt  }
0x4e: {  	_ =	shalt  }
0x4f: {  	_ =	shalt  }
0x50: {  	_ =	shalt  }
0x51: {  	_ =	shalt  }
0x52: {  	_ =	shalt  }
0x53: {  	_ =	shalt  }
0x54: {  	_ =	shalt  }
0x55: {  	_ =	shalt  }
0x56: {  	_ =	shalt  }
0x57: {  	_ =	shalt  }
0x58: {  	_ =	shalt  }
0x59: {  	_ =	shalt  }
0x5a: {  	_ =	shalt  }
0x5b: {  	_ =	shalt  }
0x5c: {  	_ =	shalt  }
0x5d: {  	_ =	shalt  }
0x5e: {  	_ =	shalt  }
0x5f: {  	_ =	shalt  }
0x60: {  	_ =	shalt  }
0x61: {  	_ =	shalt  }
0x62: {  	_ =	shalt  }
0x63: {  	_ =	shalt  }
0x64: {  	_ =	shalt  }
0x65: {  	_ =	shalt  }
0x66: {  	_ =	shalt  }
0x67: {  	_ =	shalt  }
0x68: {  	_ =	shalt  }
0x69: {  	_ =	shalt  }
0x6a: {  	_ =	shalt  }
0x6b: {  	_ =	shalt  }
0x6c: {  	_ =	shalt  }
0x6d: {  	_ =	shalt  }
0x6e: {  	_ =	shalt  }
0x6f: {  	_ =	shalt  }
0x70: {  	_ =	shalt  }
0x71: {  	_ =	shalt  }
0x72: {  	_ =	shalt  }
0x73: {  	_ =	shalt  }
0x74: {  	_ =	shalt  }
0x75: {  	_ =	shalt  }
0x76: {  	_ =	shalt  }
0x77: {  	_ =	shalt  }
0x78: {  	_ =	shalt  }
0x79: {  	_ =	shalt  }
0x7a: {  	_ =	shalt  }
0x7b: {  	_ =	shalt  }
0x7c: {  	_ =	shalt  }
0x7d: {  	_ =	shalt  }
0x7e: {  	_ =	shalt  }
0x7f: {  	_ =	shalt  }
0x80: {  	_ =	shalt  }
0x81: {  	_ =	shalt  }
0x82: {  	_ =	shalt  }
0x83: {  	_ =	shalt  }
0x84: {  	_ =	shalt  }
0x85: {  	_ =	shalt  }
0x86: {  	_ =	shalt  }
0x87: {  	_ =	shalt  }
.Lfunc_end0:
.L_simem_size_0:
called_computation_lowered:
.L_overlay_start_0:
0x88: {  	s2 =	sld [smem:$0x3FD9]  }
0x89: {  	s3 =	sld [smem:$0x3FFE];
	_ =	sdelay $0x1  }
0x8a: {  	s1 =	srdreg.scid  }
0x8b: {  	s0 =	sand.u32 $0x1, s1  }
0x8c: {  	s17 =	sshll.u32 s0, $0xA;
	s2 =	sadd.s32 s3, s2  }
0x8d: {  	s2 =	sadd.s32 s2, s17  }
0x8e: {  	[smem:$0x3FC6] =	sst s2  }
0x8f: {  	_ = 	snop  }
0x90: {  	s2 =	sld [smem:$0x3FD0];
	(tm) =	ssettm $0x1  }
0x91: {  	s18 =	sld [smem:$0x3FFB];
	_ =	sdelay $0x3  }
0x92: {  	_ =	strace s18  }
0x93: {  	s3 =	sld [smem:$0x3FFC];
	_ =	sdelay $0x3  }
0x94: {  	_ =	strace s3  }
0x95: {  	s3 =	sld [smem:$0x3FFD];
	_ =	sdelay $0x3  }
0x96: {  	_ =	strace s3  }
0x97: {  	_ =	strace $0x8FFFFFFF  }
0x98: {  	s19 =	sld [smem:$0x3FDB];
	_ =	sdelay $0x1  }
0x99: {  	s4 =	simm.s32 $_scs_section_size  }
0x9a: {  	s5 =	simm.s32 $_size__tile_overlayer_lowered;
	s6 =	simm.s32 $_tile_overlayer_lowered  }
0x9b: {  	s22 =	simm.s32 $0x1BFF;
	s21 =	sshll.u32 s6, $0x1;
	s3 =	sadd.s32 s4, s19  }
0x9c: {  	s7 =	simm.s32 $0x0;
	s20 =	sshll.u32 s5, $0x1;
	s5 =	sadd.s32 s21, s3  }
0x9d: {  	[timem:s7], [sflag:s22] =	dma.local [hbm:s5], s20  }
0x9e: {  	_ =	swait.ge [sflag:s22], s20  }
0x9f: {  	s4 =	ssub.s32 $0x0, s20;
	[sflag:s22] =	ssyncset.done $0x0  }
0xa0: {  	[sflag:s22] =	ssyncadd.s32 s4;
	_ =	sdelay $0x1  }
0xa1: {  	s23 =	simm.s32 $0x1B8B  }
0xa2: {  	_ =	swait.ge [sflag:s23], $0x1  }
0xa3: {  	[sflag:s23] =	ssyncset.done $0x0  }
0xa4: {  	s25 =	simm.s32 $0x1B8E;
	s24 =	sld [smem:$0x3FFE];
	[sflag:s23] =	ssyncadd.s32 $0xFFFFFFFF  }
0xa5: {  	s26 =	simm.s32 $execute0_lowered;
	[smem:$0x3FD2] =	sst s25  }
0xa6: {  	s5 =	sshll.u32 s26, $0x1;
	_ =	strace $0x80000046;
	[dreg:$0x1] =	wrdreg $0xFFFFFFFF  }
0xa7: {  	s28 =	simm.s32 $_size_execute0_lowered;
	s3 =	sadd.s32 s3, s5;
	[dreg:$0x0] =	wrdreg $0x0  }
0xa8: {  	s5 =	sshll.u32 s28, $0x1;
	[dreg:$0x2] =	wrdreg s3  }
0xa9: {  	[dreg:$0x3] =	wrdreg s5  }
0xaa: {  	[dreg:$0x4] =	wrdreg $0xC0  }
0xab: {  	_ =	task [dreg:s7], $0x5FFFF  }
0xac: {  	[dreg:$0x1] =	wrdreg $0xFFFFFFFF  }
0xad: {  	[dreg:$0x0] =	wrdreg $0x60  }
0xae: {  	[dreg:$0x2] =	wrdreg s24  }
0xaf: {  	[dreg:$0x3] =	wrdreg s2  }
0xb0: {  	[dreg:$0x4] =	wrdreg $0x9  }
0xb1: {  	_ =	task.clear_ibuf [dreg:s7], $0x5FFFF;
	_ =	strace $0x90000046  }
0xb2: {  	s29 =	simm.s32 $0x9;
	_ =	strace $0x80000048  }
0xb3: {  	_ =	swait.ge [sflag:s29], $0x1  }
0xb4: {  	[sflag:s29] =	ssyncadd.s32 $0xFFFFFFFF  }
0xb5: {  	_ =	strace $0x90000048  }
0xb6: {  	_ =	sfence  }
0xb7: {  	s30 =	sld [smem:$0x0];
	_ =	sdelay $0x2  }
0xb8: {  	s31 =	sshll.u32 s1, $0xD;
	s1 =	sshrl.u32 s1, $0x2  }
0xb9: {  	s3 =	sand.u32 $0x4000, s31;
	s1 =	sadd.s32 s1, s30  }
0xba: {  	s0 =	sor.u32 s3, s0;
	s1 =	sshll.u32 s1, $0x11  }
0xbb: {  	s0 =	sor.u32 s1, s0  }
0xbc: {  	s0 =	sadd.s32 $0x8F2B, s0  }
0xbd: {  	[sflag:s0] =	ssyncadd.remote.s32 $0x1  }
0xbe: {  	_ =	sfence.sel $0xFFFF  }
0xbf: {  	[dreg:$0x0] =	wrdreg $0xFFFFFFFF;
	(pc) =	sbr.abs _section_cstart, $3  }
0xc0: {  	[dreg:$0x1] =	wrdreg $0xFFFFFFFF  }
0xc1: {  	_ =	task.clear_ibuf [dreg:s7], $0x2FFFF;
	_ =	strace $0x9FFFFFFF  }
0xc2: {  	(tm) =	ssettm $0x7FFFFFFF  }
0xc3: {  	_ =	shalt  }
tec
execute0_lowered:
.L_overlay_start_1:
0x0: {  	(tag) =	ssettag $0x1  }
0x1: {  	v1 =	vlaneseq.u32  }
0x2: {  	v0 =	vmul.u32 $0x32, v1;
	_ =	sdelay $0x1  }
0x3: {  	v2 =	vadd.s32 $0x320, v0  }
0x4: {  	v27 =	vmul.u32 $0x20, v1;
	v1 =	vadd.s32 $0x5460, v0;
	[tilespmem:$0x1FE50] =	vst v2  }
0x5: {  	v2 =	vadd.s32 $0x640, v0;
	[tilespmem:$0x1FFF0] =	vst v1  }
0x6: {  	[tilespmem:$0x1FE60] =	vst v2;
	v2 =	vadd.s32 $0x960, v0  }
0x7: {  	[tilespmem:$0x1FE70] =	vst v2;
	v2 =	vadd.s32 $0xC80, v0  }
0x8: {  	[tilespmem:$0x1FE80] =	vst v2;
	v2 =	vadd.s32 $0xFA0, v0  }
0x9: {  	[tilespmem:$0x1FE90] =	vst v2;
	v2 =	vadd.s32 $0x12C0, v0  }
0xa: {  	[tilespmem:$0x1FEA0] =	vst v2;
	v2 =	vadd.s32 $0x15E0, v0  }
0xb: {  	[tilespmem:$0x1FEB0] =	vst v2;
	v2 =	vadd.s32 $0x1900, v0  }
0xc: {  	[tilespmem:$0x1FEC0] =	vst v2;
	v2 =	vadd.s32 $0x1C20, v0  }
0xd: {  	[tilespmem:$0x1FED0] =	vst v2;
	v2 =	vadd.s32 $0x1F40, v0  }
0xe: {  	[tilespmem:$0x1FEE0] =	vst v2;
	v2 =	vadd.s32 $0x2260, v0  }
0xf: {  	[tilespmem:$0x1FEF0] =	vst v2;
	v2 =	vadd.s32 $0x2580, v0  }
0x10: {  	[tilespmem:$0x1FF00] =	vst v2;
	v2 =	vadd.s32 $0x28A0, v0  }
0x11: {  	v29 =	vadd.s32 $0x5780, v0;
	v30 =	vadd.s32 $0x5AA0, v0;
	[tilespmem:$0x1FF10] =	vst v2;
	v2 =	vadd.s32 $0x2BC0, v0  }
0x12: {  	v31 =	vadd.s32 $0x5DC0, v0;
	v32 =	vadd.s32 $0x60E0, v0;
	[tilespmem:$0x1FF20] =	vst v2;
	v2 =	vadd.s32 $0x2EE0, v0  }
0x13: {  	v33 =	vor.u32 $0x200, v27;
	v34 =	vor.u32 $0x400, v27;
	[tilespmem:$0x1FF30] =	vst v2;
	v2 =	vadd.s32 $0x3200, v0  }
0x14: {  	v36 =	vor.u32 $0x800, v27;
	v37 =	vor.u32 $0xA00, v27;
	[tilespmem:$0x1FF40] =	vst v2;
	v2 =	vadd.s32 $0x3520, v0  }
0x15: {  	v38 =	vor.u32 $0xC00, v27;
	v39 =	vor.u32 $0xE00, v27;
	[tilespmem:$0x1FF50] =	vst v2;
	v2 =	vadd.s32 $0x3840, v0  }
0x16: {  	s0 =	srdreg.scid;
	v40 =	vor.u32 $0x1000, v27;
	v41 =	vor.u32 $0x1200, v27;
	[tilespmem:$0x1FF60] =	vst v2;
	v2 =	vadd.s32 $0x3B60, v0  }
0x17: {  	s2 =	stileid.u32;
	s1 =	rddreg [dreg:$0x0];
	s12 =	simm.s32 $0x200;
	v42 =	vor.u32 $0x1400, v27;
	v43 =	vor.u32 $0x1600, v27;
	[tilespmem:$0x1FF70] =	vst v2;
	v2 =	vadd.s32 $0x3E80, v0  }
0x18: {  	s14 =	simm.s32 $0x6800;
	s15 =	simm.s32 $0x2;
	s17 =	simm.s32 $0xA800;
	v44 =	vor.u32 $0x1800, v27;
	v45 =	vor.u32 $0x1A00, v27;
	[tilespmem:$0x1FF80] =	vst v2;
	v2 =	vadd.s32 $0x41A0, v0  }
0x19: {  	s22 =	simm.s32 $0x3;
	s0 =	sand.u32 $0x1, s0;
	s3 =	sshll.u32 s2, $0x1;
	v46 =	vor.u32 $0x1C00, v27;
	v47 =	vor.u32 $0x1E00, v27;
	[tilespmem:$0x1FF90] =	vst v2;
	v2 =	vadd.s32 $0x44C0, v0  }
0x1a: {  	s29 =	simm.s32 $0x5;
	s2 =	rddreg [dreg:$0x1];
	s5 =	sor.u32 s0, s3;
	v48 =	vor.u32 $0x2000, v27;
	v49 =	vor.u32 $0x2200, v27;
	[tilespmem:$0x1FFA0] =	vst v2;
	v2 =	vadd.s32 $0x47E0, v0  }
0x1b: {  	s3 =	simm.s32 $0x0;
	s0 =	ssub.s32 $0x2, s0;
	s4 =	smul.u32 $0xC80, s5;
	v50 =	vor.u32 $0x2400, v27;
	v51 =	vor.u32 $0x2600, v27;
	[tilespmem:$0x1FFB0] =	vst v2;
	v2 =	vadd.s32 $0x4B00, v0  }
0x1c: {  	s8 =	sadd.s32 $0x8000, s2;
	s9 =	sadd.s32 $0xC000, s2;
	s7 =	sshrl.u32 s0, $0x1;
	v52 =	vor.u32 $0x2800, v27;
	v54 =	vor.u32 $0x2C00, v27;
	[tilespmem:$0x1FFC0] =	vst v2;
	v2 =	vadd.s32 $0x4E20, v0  }
0x1d: {  	[smem:$0x7FF] =	sst s3;
	v55 =	vor.u32 $0x2E00, v27;
	v56 =	vor.u32 $0x3000, v27;
	s0 =	ssub.s32 s0, s7;
	s6 =	sadd.s32 s4, s1;
	[tilespmem:$0x1FFD0] =	vst v2;
	v2 =	vadd.s32 $0x5140, v0  }
0x1e: {  	v35 =	vor.u32 $0x600, v27;
	v53 =	vor.u32 $0x2A00, v27;
	v57 =	vor.u32 $0x3200, v27;
	s7 =	sadd.s32 $0x4000, s2;
	s4 =	sadd.s32 $0xF42A00, s1;
	s31 =	sadd.s32 $0x600, s6;
	[tilespmem:$0x1FFE0] =	vst v2  }
0x1f: {  	v58 =	vor.u32 $0x3400, v27;
	v59 =	vor.u32 $0x3600, v27;
	v60 =	vor.u32 $0x3800, v27;
	s0 =	smax.u32 s0, $0x1;
	_ =	strace $0x80000047;
	[dreg:$0x3] =	wrdreg s31  }
0x20: {  	v61 =	vor.u32 $0x3A00, v27;
	v62 =	vor.u32 $0x3C00, v27;
	v63 =	vor.u32 $0x3E00, v27;
	s1 =	simm.s32 $0x0;
	s6 =	sshll.u32 s5, $0x9;
	[dreg:$0x4] =	wrdreg s0  }
.LBB2_1:
0x21: {  	[dreg:$0x5] =	wrdreg s1  }
0x22: {  	s0 =	rddreg [dreg:$0x3];
	s28 =	simm.s32 $0x1  }
0x23: {  	[tilespmem:s3], [sflag:$0x1] =	stream.linear.gather [hbm4b:s0+s3], $0x6400, $0x38;
	[tilespmem:$0x16800] =	vst v63  }
0x24: {  	_ =	swait.ge [sflag:s28], $0x6400  }
0x25: {  	[sflag:s28] =	ssyncset.done $0x0  }
0x26: {  	[sflag:s28] =	ssyncadd.s32 $0xFFFF9C00  }
0x27: {  	v1 =	vld.idx.msk [tilespmem:v0+s3+$0x0], $0xffff;
	_ =	sdelay $0x4  }
0x28: {  	[tilespmem:$0x6400] =	vst v1;
	v1 =	vld [tilespmem:$0x1FE50];
	_ =	sdelay $0x7  }
0x29: {  	v1 =	vld.idx.msk [tilespmem:v1+s3+$0x0], $0xffff;
	_ =	sdelay $0x4  }
0x2a: {  	[tilespmem:$0x6410] =	vst v1;
	v1 =	vld [tilespmem:$0x1FE60];
	_ =	sdelay $0x7  }
0x2b: {  	v1 =	vld.idx.msk [tilespmem:v1+s3+$0x0], $0xffff;
	_ =	sdelay $0x4  }
0x2c: {  	[tilespmem:$0x6420] =	vst v1;
	v1 =	vld [tilespmem:$0x1FE70];
	_ =	sdelay $0x7  }
0x2d: {  	v1 =	vld.idx.msk [tilespmem:v1+s3+$0x0], $0xffff;
	_ =	sdelay $0x4  }
0x2e: {  	[tilespmem:$0x6430] =	vst v1;
	v1 =	vld [tilespmem:$0x1FE80];
	_ =	sdelay $0x7  }
0x2f: {  	v1 =	vld.idx.msk [tilespmem:v1+s3+$0x0], $0xffff;
	_ =	sdelay $0x4  }
0x30: {  	[tilespmem:$0x6440] =	vst v1;
	v1 =	vld [tilespmem:$0x1FE90];
	_ =	sdelay $0x7  }
0x31: {  	v1 =	vld.idx.msk [tilespmem:v1+s3+$0x0], $0xffff;
	_ =	sdelay $0x4  }
0x32: {  	[tilespmem:$0x6450] =	vst v1;
	v1 =	vld [tilespmem:$0x1FEA0];
	_ =	sdelay $0x7  }
0x33: {  	v1 =	vld.idx.msk [tilespmem:v1+s3+$0x0], $0xffff;
	_ =	sdelay $0x4  }
0x34: {  	[tilespmem:$0x6460] =	vst v1;
	v1 =	vld [tilespmem:$0x1FEB0];
	_ =	sdelay $0x7  }
0x35: {  	v1 =	vld.idx.msk [tilespmem:v1+s3+$0x0], $0xffff;
	_ =	sdelay $0x4  }
0x36: {  	[tilespmem:$0x6470] =	vst v1;
	v1 =	vld [tilespmem:$0x1FEC0];
	_ =	sdelay $0x7  }
0x37: {  	v1 =	vld.idx.msk [tilespmem:v1+s3+$0x0], $0xffff;
	_ =	sdelay $0x4  }
0x38: {  	[tilespmem:$0x6480] =	vst v1;
	v1 =	vld [tilespmem:$0x1FED0];
	_ =	sdelay $0x7  }
0x39: {  	v1 =	vld.idx.msk [tilespmem:v1+s3+$0x0], $0xffff;
	_ =	sdelay $0x4  }
0x3a: {  	[tilespmem:$0x6490] =	vst v1;
	v1 =	vld [tilespmem:$0x1FEE0];
	_ =	sdelay $0x7  }
0x3b: {  	v1 =	vld.idx.msk [tilespmem:v1+s3+$0x0], $0xffff;
	_ =	sdelay $0x4  }
0x3c: {  	[tilespmem:$0x64A0] =	vst v1;
	v1 =	vld [tilespmem:$0x1FEF0];
	_ =	sdelay $0x7  }
0x3d: {  	v1 =	vld.idx.msk [tilespmem:v1+s3+$0x0], $0xffff;
	_ =	sdelay $0x4  }
0x3e: {  	[tilespmem:$0x64B0] =	vst v1;
	v1 =	vld [tilespmem:$0x1FF00];
	_ =	sdelay $0x7  }
0x3f: {  	v1 =	vld.idx.msk [tilespmem:v1+s3+$0x0], $0xffff;
	_ =	sdelay $0x4  }
0x40: {  	[tilespmem:$0x64C0] =	vst v1;
	v1 =	vld [tilespmem:$0x1FF10];
	_ =	sdelay $0x7  }
0x41: {  	v1 =	vld.idx.msk [tilespmem:v1+s3+$0x0], $0xffff;
	_ =	sdelay $0x4  }
0x42: {  	[tilespmem:$0x64D0] =	vst v1;
	v1 =	vld [tilespmem:$0x1FF20];
	_ =	sdelay $0x7  }
0x43: {  	v1 =	vld.idx.msk [tilespmem:v1+s3+$0x0], $0xffff;
	_ =	sdelay $0x4  }
0x44: {  	[tilespmem:$0x64E0] =	vst v1;
	v1 =	vld [tilespmem:$0x1FF30];
	_ =	sdelay $0x7  }
0x45: {  	v1 =	vld.idx.msk [tilespmem:v1+s3+$0x0], $0xffff;
	_ =	sdelay $0x4  }
0x46: {  	[tilespmem:$0x64F0] =	vst v1;
	v1 =	vld [tilespmem:$0x1FF40];
	_ =	sdelay $0x7  }
0x47: {  	v1 =	vld.idx.msk [tilespmem:v1+s3+$0x0], $0xffff;
	_ =	sdelay $0x4  }
0x48: {  	[tilespmem:$0x6500] =	vst v1;
	v1 =	vld [tilespmem:$0x1FF50];
	_ =	sdelay $0x7  }
0x49: {  	v1 =	vld.idx.msk [tilespmem:v1+s3+$0x0], $0xffff;
	_ =	sdelay $0x4  }
0x4a: {  	[tilespmem:$0x6510] =	vst v1;
	v1 =	vld [tilespmem:$0x1FF60];
	_ =	sdelay $0x7  }
0x4b: {  	v1 =	vld.idx.msk [tilespmem:v1+s3+$0x0], $0xffff;
	_ =	sdelay $0x4  }
0x4c: {  	[tilespmem:$0x6520] =	vst v1;
	v1 =	vld [tilespmem:$0x1FF70];
	_ =	sdelay $0x7  }
0x4d: {  	v1 =	vld.idx.msk [tilespmem:v1+s3+$0x0], $0xffff;
	_ =	sdelay $0x4  }
0x4e: {  	[tilespmem:$0x6530] =	vst v1;
	v1 =	vld [tilespmem:$0x1FF80];
	_ =	sdelay $0x7  }
0x4f: {  	v1 =	vld.idx.msk [tilespmem:v1+s3+$0x0], $0xffff;
	_ =	sdelay $0x4  }
0x50: {  	[tilespmem:$0x6540] =	vst v1;
	v1 =	vld [tilespmem:$0x1FF90];
	_ =	sdelay $0x7  }
0x51: {  	v1 =	vld.idx.msk [tilespmem:v1+s3+$0x0], $0xffff;
	_ =	sdelay $0x4  }
0x52: {  	[tilespmem:$0x6550] =	vst v1;
	v1 =	vld [tilespmem:$0x1FFA0];
	_ =	sdelay $0x7  }
0x53: {  	v1 =	vld.idx.msk [tilespmem:v1+s3+$0x0], $0xffff;
	_ =	sdelay $0x4  }
0x54: {  	[tilespmem:$0x6560] =	vst v1;
	v1 =	vld [tilespmem:$0x1FFB0];
	_ =	sdelay $0x7  }
0x55: {  	v1 =	vld.idx.msk [tilespmem:v1+s3+$0x0], $0xffff;
	_ =	sdelay $0x4  }
0x56: {  	[tilespmem:$0x6570] =	vst v1;
	v1 =	vld [tilespmem:$0x1FFC0];
	_ =	sdelay $0x7  }
0x57: {  	v1 =	vld.idx.msk [tilespmem:v1+s3+$0x0], $0xffff;
	_ =	sdelay $0x4  }
0x58: {  	[tilespmem:$0x6580] =	vst v1;
	v1 =	vld [tilespmem:$0x1FFD0];
	_ =	sdelay $0x7  }
0x59: {  	v1 =	vld.idx.msk [tilespmem:v1+s3+$0x0], $0xffff;
	_ =	sdelay $0x4  }
0x5a: {  	[tilespmem:$0x6590] =	vst v1;
	v1 =	vld [tilespmem:$0x1FFE0];
	_ =	sdelay $0x7  }
0x5b: {  	v1 =	vld.idx.msk [tilespmem:v1+s3+$0x0], $0xffff;
	_ =	sdelay $0x4  }
0x5c: {  	[tilespmem:$0x65A0] =	vst v1;
	v1 =	vld [tilespmem:$0x1FFF0];
	_ =	sdelay $0x7  }
0x5d: {  	v1 =	vld.idx.msk [tilespmem:v1+s3+$0x0], $0xffff;
	_ =	sdelay $0x4  }
0x5e: {  	[tilespmem:$0x65B0] =	vst v1  }
0x5f: {  	v1 =	vld.idx.msk [tilespmem:v29+s3+$0x0], $0xffff;
	_ =	sdelay $0x4  }
0x60: {  	[tilespmem:$0x65C0] =	vst v1  }
0x61: {  	v1 =	vld.idx.msk [tilespmem:v30+s3+$0x0], $0xffff;
	_ =	sdelay $0x4  }
0x62: {  	[tilespmem:$0x65D0] =	vst v1  }
0x63: {  	v1 =	vld.idx.msk [tilespmem:v31+s3+$0x0], $0xffff;
	_ =	sdelay $0x4  }
0x64: {  	[tilespmem:$0x65E0] =	vst v1  }
0x65: {  	v1 =	vld.idx.msk [tilespmem:v32+s3+$0x0], $0xffff;
	_ =	sdelay $0x4  }
0x66: {  	s30 =	simm.s32 $0x6400;
	s31 =	simm.s32 $0x0;
	[tilespmem:$0x65F0] =	vst v1  }
0x67: {  	[tilespmem:s14], [sflag:$0x2] =	stream.indirect.gather [hbm4b:s4+s12], $0x20, s30, s12, $0xb8;
	[tilespmem:$0x16800] =	vst v63  }
.LBB2_2:
0x68: {  	s1 =	sshllo.u32 s31, $0x1  }
0x69: {  	v1 =	vadd.s32 s1, v0;
	_ =	sdelay $0x1  }
0x6a: {  	_ =	swait.ge [sflag:s15], $0x4000  }
0x6b: {  	[sflag:s15] =	ssyncset.done $0x0  }
0x6c: {  	s0 =	sshll.u32 s31, $0x1;
	[sflag:s15] =	ssyncadd.s32 $0xFFFFC000  }
0x6d: {  	s5 =	sadd.s32 $0x321, s0;
	v1 =	vld.idx.msk [tilespmem:v1+s3+$0x0], $0xffff  }
0x6e: {  	v2 =	vadd.s32 s5, v0;
	_ =	sdelay $0x3  }
0x6f: {  	[tilespmem:$0x6600] =	vst v1  }
0x70: {  	s26 =	sor.u32 $0x641, s0;
	v1 =	vld.idx.msk [tilespmem:v2+s3+$0x0], $0xffff  }
0x71: {  	v2 =	vadd.s32 s26, v0;
	_ =	sdelay $0x3  }
0x72: {  	[tilespmem:$0x6610] =	vst v1  }
0x73: {  	s10 =	sadd.s32 $0x961, s0;
	v1 =	vld.idx.msk [tilespmem:v2+s3+$0x0], $0xffff  }
0x74: {  	v2 =	vadd.s32 s10, v0;
	_ =	sdelay $0x3  }
0x75: {  	[tilespmem:$0x6620] =	vst v1  }
0x76: {  	s11 =	sor.u32 $0xC81, s0;
	v1 =	vld.idx.msk [tilespmem:v2+s3+$0x0], $0xffff  }
0x77: {  	v2 =	vadd.s32 s11, v0;
	_ =	sdelay $0x3  }
0x78: {  	[tilespmem:$0x6630] =	vst v1  }
0x79: {  	s13 =	sadd.s32 $0xFA1, s0;
	v1 =	vld.idx.msk [tilespmem:v2+s3+$0x0], $0xffff  }
0x7a: {  	v2 =	vadd.s32 s13, v0;
	_ =	sdelay $0x3  }
0x7b: {  	[tilespmem:$0x6640] =	vst v1  }
0x7c: {  	s16 =	sor.u32 $0x12C1, s0;
	v1 =	vld.idx.msk [tilespmem:v2+s3+$0x0], $0xffff  }
0x7d: {  	v2 =	vadd.s32 s16, v0;
	_ =	sdelay $0x3  }
0x7e: {  	[tilespmem:$0x6650] =	vst v1  }
0x7f: {  	s18 =	sadd.s32 $0x15E1, s0;
	v1 =	vld.idx.msk [tilespmem:v2+s3+$0x0], $0xffff  }
0x80: {  	v2 =	vadd.s32 s18, v0;
	_ =	sdelay $0x3  }
0x81: {  	[tilespmem:$0x6660] =	vst v1  }
0x82: {  	s19 =	sor.u32 $0x1901, s0;
	v1 =	vld.idx.msk [tilespmem:v2+s3+$0x0], $0xffff  }
0x83: {  	v2 =	vadd.s32 s19, v0;
	_ =	sdelay $0x3  }
0x84: {  	[tilespmem:$0x6670] =	vst v1  }
0x85: {  	s20 =	sadd.s32 $0x1C21, s0;
	v1 =	vld.idx.msk [tilespmem:v2+s3+$0x0], $0xffff  }
0x86: {  	v2 =	vadd.s32 s20, v0;
	_ =	sdelay $0x3  }
0x87: {  	[tilespmem:$0x6680] =	vst v1  }
0x88: {  	s21 =	sor.u32 $0x1F41, s0;
	v1 =	vld.idx.msk [tilespmem:v2+s3+$0x0], $0xffff  }
0x89: {  	v2 =	vadd.s32 s21, v0;
	_ =	sdelay $0x3  }
0x8a: {  	[tilespmem:$0x6690] =	vst v1  }
0x8b: {  	s23 =	sadd.s32 $0x2261, s0;
	v1 =	vld.idx.msk [tilespmem:v2+s3+$0x0], $0xffff  }
0x8c: {  	v2 =	vadd.s32 s23, v0;
	_ =	sdelay $0x3  }
0x8d: {  	[tilespmem:$0x66A0] =	vst v1  }
0x8e: {  	s24 =	sor.u32 $0x2581, s0;
	v1 =	vld.idx.msk [tilespmem:v2+s3+$0x0], $0xffff  }
0x8f: {  	v2 =	vadd.s32 s24, v0;
	_ =	sdelay $0x3  }
0x90: {  	[tilespmem:$0x66B0] =	vst v1  }
0x91: {  	s25 =	sadd.s32 $0x28A1, s0;
	v1 =	vld.idx.msk [tilespmem:v2+s3+$0x0], $0xffff  }
0x92: {  	v2 =	vadd.s32 s25, v0;
	_ =	sdelay $0x3  }
0x93: {  	[tilespmem:$0x66C0] =	vst v1  }
0x94: {  	s26 =	sor.u32 $0x2BC1, s0;
	v1 =	vld.idx.msk [tilespmem:v2+s3+$0x0], $0xffff  }
0x95: {  	v2 =	vadd.s32 s26, v0;
	_ =	sdelay $0x3  }
0x96: {  	[tilespmem:$0x66D0] =	vst v1  }
0x97: {  	s10 =	sadd.s32 $0x2EE1, s0;
	v1 =	vld.idx.msk [tilespmem:v2+s3+$0x0], $0xffff  }
0x98: {  	v2 =	vadd.s32 s10, v0;
	_ =	sdelay $0x3  }
0x99: {  	[tilespmem:$0x66E0] =	vst v1  }
0x9a: {  	s11 =	sor.u32 $0x3201, s0;
	v1 =	vld.idx.msk [tilespmem:v2+s3+$0x0], $0xffff  }
0x9b: {  	v2 =	vadd.s32 s11, v0;
	_ =	sdelay $0x3  }
0x9c: {  	[tilespmem:$0x66F0] =	vst v1  }
0x9d: {  	s13 =	sadd.s32 $0x3521, s0;
	v1 =	vld.idx.msk [tilespmem:v2+s3+$0x0], $0xffff  }
0x9e: {  	v2 =	vadd.s32 s13, v0;
	_ =	sdelay $0x3  }
0x9f: {  	[tilespmem:$0x6700] =	vst v1  }
0xa0: {  	s16 =	sor.u32 $0x3841, s0;
	v1 =	vld.idx.msk [tilespmem:v2+s3+$0x0], $0xffff  }
0xa1: {  	v2 =	vadd.s32 s16, v0;
	_ =	sdelay $0x3  }
0xa2: {  	[tilespmem:$0x6710] =	vst v1  }
0xa3: {  	s18 =	sadd.s32 $0x3B61, s0;
	v1 =	vld.idx.msk [tilespmem:v2+s3+$0x0], $0xffff  }
0xa4: {  	v2 =	vadd.s32 s18, v0;
	_ =	sdelay $0x3  }
0xa5: {  	[tilespmem:$0x6720] =	vst v1  }
0xa6: {  	s19 =	sor.u32 $0x3E81, s0;
	v1 =	vld.idx.msk [tilespmem:v2+s3+$0x0], $0xffff  }
0xa7: {  	v2 =	vadd.s32 s19, v0;
	_ =	sdelay $0x3  }
0xa8: {  	[tilespmem:$0x6730] =	vst v1  }
0xa9: {  	s20 =	sadd.s32 $0x41A1, s0;
	v1 =	vld.idx.msk [tilespmem:v2+s3+$0x0], $0xffff  }
0xaa: {  	v2 =	vadd.s32 s20, v0;
	_ =	sdelay $0x3  }
0xab: {  	[tilespmem:$0x6740] =	vst v1  }
0xac: {  	s21 =	sor.u32 $0x44C1, s0;
	v1 =	vld.idx.msk [tilespmem:v2+s3+$0x0], $0xffff  }
0xad: {  	v2 =	vadd.s32 s21, v0;
	_ =	sdelay $0x3  }
0xae: {  	[tilespmem:$0x6750] =	vst v1  }
0xaf: {  	s23 =	sadd.s32 $0x47E1, s0;
	v1 =	vld.idx.msk [tilespmem:v2+s3+$0x0], $0xffff  }
0xb0: {  	v2 =	vadd.s32 s23, v0;
	_ =	sdelay $0x3  }
0xb1: {  	[tilespmem:$0x6760] =	vst v1  }
0xb2: {  	s24 =	sor.u32 $0x4B01, s0;
	v1 =	vld.idx.msk [tilespmem:v2+s3+$0x0], $0xffff  }
0xb3: {  	v2 =	vadd.s32 s24, v0;
	_ =	sdelay $0x3  }
0xb4: {  	[tilespmem:$0x6770] =	vst v1  }
0xb5: {  	s25 =	sadd.s32 $0x4E21, s0;
	v1 =	vld.idx.msk [tilespmem:v2+s3+$0x0], $0xffff  }
0xb6: {  	v2 =	vadd.s32 s25, v0;
	_ =	sdelay $0x3  }
0xb7: {  	[tilespmem:$0x6780] =	vst v1  }
0xb8: {  	s26 =	sor.u32 $0x5141, s0;
	v1 =	vld.idx.msk [tilespmem:v2+s3+$0x0], $0xffff  }
0xb9: {  	v2 =	vadd.s32 s26, v0;
	_ =	sdelay $0x3  }
0xba: {  	[tilespmem:$0x6790] =	vst v1  }
0xbb: {  	s10 =	sadd.s32 $0x5461, s0;
	v1 =	vld.idx.msk [tilespmem:v2+s3+$0x0], $0xffff  }
0xbc: {  	v2 =	vadd.s32 s10, v0;
	_ =	sdelay $0x3  }
0xbd: {  	[tilespmem:$0x67A0] =	vst v1  }
0xbe: {  	s11 =	sor.u32 $0x5781, s0;
	v1 =	vld.idx.msk [tilespmem:v2+s3+$0x0], $0xffff  }
0xbf: {  	v2 =	vadd.s32 s11, v0;
	_ =	sdelay $0x3  }
0xc0: {  	[tilespmem:$0x67B0] =	vst v1  }
0xc1: {  	s13 =	sadd.s32 $0x5AA1, s0;
	v1 =	vld.idx.msk [tilespmem:v2+s3+$0x0], $0xffff  }
0xc2: {  	v2 =	vadd.s32 s13, v0;
	_ =	sdelay $0x3  }
0xc3: {  	[tilespmem:$0x67C0] =	vst v1  }
0xc4: {  	s16 =	sor.u32 $0x5DC1, s0;
	v1 =	vld.idx.msk [tilespmem:v2+s3+$0x0], $0xffff  }
0xc5: {  	v2 =	vadd.s32 s16, v0;
	_ =	sdelay $0x3  }
0xc6: {  	[tilespmem:$0x67D0] =	vst v1  }
0xc7: {  	s18 =	sadd.s32 $0x60E1, s0;
	v1 =	vld.idx.msk [tilespmem:v2+s3+$0x0], $0xffff  }
0xc8: {  	v2 =	vadd.s32 s18, v0;
	_ =	sdelay $0x3  }
0xc9: {  	[tilespmem:$0x67E0] =	vst v1  }
0xca: {  	v1 =	vld.idx.msk [tilespmem:v2+s3+$0x0], $0xffff;
	_ =	sdelay $0x3  }
0xcb: {  	p0 =	seq.s32 s31, $0x0  }
0xcc: {  	s5 =	simm.s32 @!p0 $0x4;
	s19 =	simm.s32 $0x6600;
	[tilespmem:$0x67F0] =	vst v1  }
0xcd: {  	[tilespmem:s17], [sflag:$0x3] =	stream.indirect.gather [hbm4b:s4+s12], $0x20, s19, s12, $0xb8;
	[tilespmem:$0x16800] =	vst v63  }
0xce: {  	_ =	swait.ge @!p0 [sflag:s5], $0x1000  }
0xcf: {  	[sflag:s5] =	ssyncset.done @!p0 $0x0  }
0xd0: {  	s10 =	simm.s32 $0x3;
	[sflag:s5] =	ssyncadd.s32 @!p0 $0xFFFFF000  }
0xd1: {  	s11 =	simm.s32 $0x1;
	v1 =	vmov s10;
	_ =	swait.ge @!p0 [sflag:s5], $0x1000  }
0xd2: {  	v2 =	vmov s11;
	v1 =	vand.u32 $0x1F, v1;
	[sflag:s5] =	ssyncset.done @!p0 $0x0  }
0xd3: {  	s20 =	simm.s32 $0x2;
	v2 =	vand.u32 $0x1D, v2;
	v10 =	vbroadcast v1, $0x0;
	[sflag:s5] =	ssyncadd.s32 @!p0 $0xFFFFF000  }
0xd4: {  	s21 =	simm.s32 $0x0;
	v8 =	vbroadcast v2, $0x0;
	v1 =	vmov s20;
	_ =	swait.ge @!p0 [sflag:s5], $0x1000  }
0xd5: {  	v2 =	vmov s21;
	v1 =	vand.u32 $0x1E, v1;
	v3 =	vor.u32 v27, v10;
	[sflag:s5] =	ssyncset.done @!p0 $0x0  }
0xd6: {  	v7 =	vbroadcast v1, $0x0;
	v1 =	vand.u32 $0x1C, v2;
	[sflag:s5] =	ssyncadd.s32 @!p0 $0xFFFFF000  }
0xd7: {  	v2 =	vor.u32 v27, v8;
	v6 =	vbroadcast v1, $0x0;
	_ =	swait.ge @!p0 [sflag:s5], $0x1000  }
0xd8: {  	v1 =	vor.u32 v27, v7;
	[sflag:s5] =	ssyncset.done @!p0 $0x0  }
0xd9: {  	v4 =	vor.u32 v27, v6;
	[sflag:s5] =	ssyncadd.s32 @!p0 $0xFFFFF000  }
0xda: {  	v3 =	vld.idx.msk [tilespmem:v3+s14+$0x0], $0xffff  }
0xdb: {  	v5 =	vor.u32 v33, v10  }
0xdc: {  	s23 =	simm.s32 $0x180;
	s24 =	sand.u32 $0x3000, s21;
	v2 =	vld.idx.msk [tilespmem:v2+s14+$0x0], $0xffff  }
0xdd: {  	v9 =	vor.u32 v33, v8;
	s10 =	sadd.s32 $0xE800, s24;
	s5 =	sand.u32 $0x380, s23;
	v1 =	vld.idx.msk [tilespmem:v1+s14+$0x0], $0xffff  }
0xde: {  	s25 =	simm.s32 $0x80;
	v11 =	vor.u32 v33, v7;
	v4 =	vld.idx.msk [tilespmem:v4+s14+$0x0], $0xffff;
	s20 =	sor.u32 s5, s10  }
0xdf: {  	s26 =	simm.s32 $0x100;
	s11 =	sand.u32 $0x280, s25;
	v12 =	vor.u32 v33, v6;
	[tilespmem:s20+$0x0] =	vst v3  }
0xe0: {  	s13 =	simm.s32 $0x0;
	s16 =	sor.u32 s11, s10;
	s5 =	sand.u32 $0x300, s26;
	v3 =	vld.idx.msk [tilespmem:v5+s14+$0x0], $0xffff  }
0xe1: {  	s13 =	sand.u32 $0x200, s13;
	s28 =	sor.u32 s5, s10;
	[tilespmem:s16+$0x0] =	vst v2;
	v2 =	vor.u32 v34, v10  }
0xe2: {  	s30 =	sor.u32 s13, s10;
	[tilespmem:s28+$0x0] =	vst v1;
	v5 =	vld.idx.msk [tilespmem:v9+s14+$0x0], $0xffff  }
0xe3: {  	[tilespmem:s30+$0x0] =	vst v4;
	v4 =	vor.u32 v34, v8;
	v1 =	vld.idx.msk [tilespmem:v11+s14+$0x0], $0xffff  }
0xe4: {  	v9 =	vld.idx.msk [tilespmem:v12+s14+$0x0], $0xffff;
	v11 =	vor.u32 v34, v7  }
0xe5: {  	v12 =	vor.u32 v34, v6;
	[tilespmem:s20+$0x10] =	vst v3  }
0xe6: {  	v2 =	vld.idx.msk [tilespmem:v2+s14+$0x0], $0xffff  }
0xe7: {  	[tilespmem:s16+$0x10] =	vst v5;
	v3 =	vor.u32 v35, v10  }
0xe8: {  	[tilespmem:s28+$0x10] =	vst v1;
	v4 =	vld.idx.msk [tilespmem:v4+s14+$0x0], $0xffff  }
0xe9: {  	[tilespmem:s30+$0x10] =	vst v9;
	v5 =	vor.u32 v35, v8;
	v1 =	vld.idx.msk [tilespmem:v11+s14+$0x0], $0xffff  }
0xea: {  	v9 =	vld.idx.msk [tilespmem:v12+s14+$0x0], $0xffff;
	v11 =	vor.u32 v35, v7  }
0xeb: {  	v12 =	vor.u32 v35, v6;
	[tilespmem:s20+$0x20] =	vst v2  }
0xec: {  	v2 =	vld.idx.msk [tilespmem:v3+s14+$0x0], $0xffff  }
0xed: {  	[tilespmem:s16+$0x20] =	vst v4;
	v3 =	vor.u32 v36, v10  }
0xee: {  	[tilespmem:s28+$0x20] =	vst v1;
	v4 =	vld.idx.msk [tilespmem:v5+s14+$0x0], $0xffff  }
0xef: {  	[tilespmem:s30+$0x20] =	vst v9;
	v1 =	vld.idx.msk [tilespmem:v11+s14+$0x0], $0xffff;
	v5 =	vor.u32 v36, v8  }
0xf0: {  	v9 =	vld.idx.msk [tilespmem:v12+s14+$0x0], $0xffff;
	v11 =	vor.u32 v36, v7  }
0xf1: {  	v12 =	vor.u32 v36, v6;
	[tilespmem:s20+$0x30] =	vst v2  }
0xf2: {  	v2 =	vld.idx.msk [tilespmem:v3+s14+$0x0], $0xffff  }
0xf3: {  	[tilespmem:s16+$0x30] =	vst v4;
	v3 =	vor.u32 v37, v10  }
0xf4: {  	[tilespmem:s28+$0x30] =	vst v1;
	v4 =	vld.idx.msk [tilespmem:v5+s14+$0x0], $0xffff  }
0xf5: {  	[tilespmem:s30+$0x30] =	vst v9;
	v1 =	vld.idx.msk [tilespmem:v11+s14+$0x0], $0xffff;
	v5 =	vor.u32 v37, v8  }
0xf6: {  	v9 =	vld.idx.msk [tilespmem:v12+s14+$0x0], $0xffff;
	v11 =	vor.u32 v37, v7  }
0xf7: {  	v12 =	vor.u32 v37, v6;
	[tilespmem:s20+$0x40] =	vst v2  }
0xf8: {  	v2 =	vld.idx.msk [tilespmem:v3+s14+$0x0], $0xffff  }
0xf9: {  	[tilespmem:s16+$0x40] =	vst v4;
	v3 =	vor.u32 v38, v10  }
0xfa: {  	[tilespmem:s28+$0x40] =	vst v1;
	v4 =	vld.idx.msk [tilespmem:v5+s14+$0x0], $0xffff  }
0xfb: {  	[tilespmem:s30+$0x40] =	vst v9;
	v1 =	vld.idx.msk [tilespmem:v11+s14+$0x0], $0xffff;
	v5 =	vor.u32 v38, v8  }
0xfc: {  	v9 =	vld.idx.msk [tilespmem:v12+s14+$0x0], $0xffff;
	v11 =	vor.u32 v38, v7  }
0xfd: {  	v12 =	vor.u32 v38, v6;
	[tilespmem:s20+$0x50] =	vst v2  }
0xfe: {  	v2 =	vld.idx.msk [tilespmem:v3+s14+$0x0], $0xffff  }
0xff: {  	[tilespmem:s16+$0x50] =	vst v4;
	v3 =	vor.u32 v39, v10  }
0x100: {  	[tilespmem:s28+$0x50] =	vst v1;
	v4 =	vld.idx.msk [tilespmem:v5+s14+$0x0], $0xffff  }
0x101: {  	[tilespmem:s30+$0x50] =	vst v9;
	v1 =	vld.idx.msk [tilespmem:v11+s14+$0x0], $0xffff;
	v5 =	vor.u32 v39, v8  }
0x102: {  	v9 =	vld.idx.msk [tilespmem:v12+s14+$0x0], $0xffff;
	v11 =	vor.u32 v39, v7  }
0x103: {  	v12 =	vor.u32 v39, v6;
	[tilespmem:s20+$0x60] =	vst v2  }
0x104: {  	v2 =	vld.idx.msk [tilespmem:v3+s14+$0x0], $0xffff  }
0x105: {  	[tilespmem:s16+$0x60] =	vst v4;
	v3 =	vor.u32 v40, v10  }
0x106: {  	[tilespmem:s28+$0x60] =	vst v1;
	v4 =	vld.idx.msk [tilespmem:v5+s14+$0x0], $0xffff  }
0x107: {  	[tilespmem:s30+$0x60] =	vst v9;
	v1 =	vld.idx.msk [tilespmem:v11+s14+$0x0], $0xffff;
	v5 =	vor.u32 v40, v8  }
0x108: {  	v9 =	vld.idx.msk [tilespmem:v12+s14+$0x0], $0xffff;
	v11 =	vor.u32 v40, v7  }
0x109: {  	v12 =	vor.u32 v40, v6;
	[tilespmem:s20+$0x70] =	vst v2  }
0x10a: {  	v2 =	vld.idx.msk [tilespmem:v3+s14+$0x0], $0xffff  }
0x10b: {  	[tilespmem:s16+$0x70] =	vst v4;
	v3 =	vor.u32 v41, v10  }
0x10c: {  	[tilespmem:s28+$0x70] =	vst v1;
	v4 =	vld.idx.msk [tilespmem:v5+s14+$0x0], $0xffff  }
0x10d: {  	[tilespmem:s30+$0x70] =	vst v9;
	v1 =	vld.idx.msk [tilespmem:v11+s14+$0x0], $0xffff;
	v5 =	vor.u32 v41, v8  }
0x10e: {  	v9 =	vld.idx.msk [tilespmem:v12+s14+$0x0], $0xffff;
	v11 =	vor.u32 v41, v7  }
0x10f: {  	v12 =	vor.u32 v41, v6;
	[tilespmem:s20+$0x400] =	vst v2  }
0x110: {  	v2 =	vld.idx.msk [tilespmem:v3+s14+$0x0], $0xffff  }
0x111: {  	[tilespmem:s16+$0x400] =	vst v4;
	v3 =	vor.u32 v42, v10  }
0x112: {  	[tilespmem:s28+$0x400] =	vst v1;
	v4 =	vld.idx.msk [tilespmem:v5+s14+$0x0], $0xffff  }
0x113: {  	[tilespmem:s30+$0x400] =	vst v9;
	v1 =	vld.idx.msk [tilespmem:v11+s14+$0x0], $0xffff;
	v5 =	vor.u32 v42, v8  }
0x114: {  	v9 =	vld.idx.msk [tilespmem:v12+s14+$0x0], $0xffff;
	v11 =	vor.u32 v42, v7  }
0x115: {  	v12 =	vor.u32 v42, v6;
	[tilespmem:s20+$0x410] =	vst v2  }
0x116: {  	v2 =	vld.idx.msk [tilespmem:v3+s14+$0x0], $0xffff  }
0x117: {  	[tilespmem:s16+$0x410] =	vst v4;
	v3 =	vor.u32 v43, v10  }
0x118: {  	[tilespmem:s28+$0x410] =	vst v1;
	v4 =	vld.idx.msk [tilespmem:v5+s14+$0x0], $0xffff  }
0x119: {  	[tilespmem:s30+$0x410] =	vst v9;
	v1 =	vld.idx.msk [tilespmem:v11+s14+$0x0], $0xffff;
	v5 =	vor.u32 v43, v8  }
0x11a: {  	v9 =	vld.idx.msk [tilespmem:v12+s14+$0x0], $0xffff;
	v11 =	vor.u32 v43, v7  }
0x11b: {  	v12 =	vor.u32 v43, v6;
	[tilespmem:s20+$0x420] =	vst v2  }
0x11c: {  	v2 =	vld.idx.msk [tilespmem:v3+s14+$0x0], $0xffff  }
0x11d: {  	[tilespmem:s16+$0x420] =	vst v4;
	v3 =	vor.u32 v44, v10  }
0x11e: {  	[tilespmem:s28+$0x420] =	vst v1;
	v4 =	vld.idx.msk [tilespmem:v5+s14+$0x0], $0xffff  }
0x11f: {  	[tilespmem:s30+$0x420] =	vst v9;
	v1 =	vld.idx.msk [tilespmem:v11+s14+$0x0], $0xffff;
	v5 =	vor.u32 v44, v8  }
0x120: {  	v9 =	vld.idx.msk [tilespmem:v12+s14+$0x0], $0xffff;
	v11 =	vor.u32 v44, v7  }
0x121: {  	v12 =	vor.u32 v44, v6;
	[tilespmem:s20+$0x430] =	vst v2  }
0x122: {  	v2 =	vld.idx.msk [tilespmem:v3+s14+$0x0], $0xffff  }
0x123: {  	[tilespmem:s16+$0x430] =	vst v4;
	v3 =	vor.u32 v45, v10  }
0x124: {  	[tilespmem:s28+$0x430] =	vst v1;
	v4 =	vld.idx.msk [tilespmem:v5+s14+$0x0], $0xffff  }
0x125: {  	[tilespmem:s30+$0x430] =	vst v9;
	v1 =	vld.idx.msk [tilespmem:v11+s14+$0x0], $0xffff;
	v5 =	vor.u32 v45, v8  }
0x126: {  	v9 =	vld.idx.msk [tilespmem:v12+s14+$0x0], $0xffff;
	v11 =	vor.u32 v45, v7  }
0x127: {  	v12 =	vor.u32 v45, v6;
	[tilespmem:s20+$0x440] =	vst v2  }
0x128: {  	v2 =	vld.idx.msk [tilespmem:v3+s14+$0x0], $0xffff  }
0x129: {  	[tilespmem:s16+$0x440] =	vst v4;
	v3 =	vor.u32 v46, v10  }
0x12a: {  	[tilespmem:s28+$0x440] =	vst v1;
	v4 =	vld.idx.msk [tilespmem:v5+s14+$0x0], $0xffff  }
0x12b: {  	[tilespmem:s30+$0x440] =	vst v9;
	v1 =	vld.idx.msk [tilespmem:v11+s14+$0x0], $0xffff;
	v5 =	vor.u32 v46, v8  }
0x12c: {  	v9 =	vld.idx.msk [tilespmem:v12+s14+$0x0], $0xffff;
	v11 =	vor.u32 v46, v7  }
0x12d: {  	v12 =	vor.u32 v46, v6;
	[tilespmem:s20+$0x450] =	vst v2  }
0x12e: {  	v2 =	vld.idx.msk [tilespmem:v3+s14+$0x0], $0xffff  }
0x12f: {  	[tilespmem:s16+$0x450] =	vst v4;
	v3 =	vor.u32 v47, v10  }
0x130: {  	[tilespmem:s28+$0x450] =	vst v1;
	v4 =	vld.idx.msk [tilespmem:v5+s14+$0x0], $0xffff  }
0x131: {  	[tilespmem:s30+$0x450] =	vst v9;
	v1 =	vld.idx.msk [tilespmem:v11+s14+$0x0], $0xffff;
	v5 =	vor.u32 v47, v8  }
0x132: {  	v9 =	vld.idx.msk [tilespmem:v12+s14+$0x0], $0xffff;
	v11 =	vor.u32 v47, v7  }
0x133: {  	v12 =	vor.u32 v47, v6;
	[tilespmem:s20+$0x460] =	vst v2  }
0x134: {  	v2 =	vld.idx.msk [tilespmem:v3+s14+$0x0], $0xffff  }
0x135: {  	[tilespmem:s16+$0x460] =	vst v4;
	v3 =	vor.u32 v48, v10  }
0x136: {  	[tilespmem:s28+$0x460] =	vst v1;
	v4 =	vld.idx.msk [tilespmem:v5+s14+$0x0], $0xffff  }
0x137: {  	s18 =	simm.s32 $0x5;
	[tilespmem:s30+$0x460] =	vst v9;
	v1 =	vld.idx.msk [tilespmem:v11+s14+$0x0], $0xffff;
	v5 =	vor.u32 v48, v8  }
0x138: {  	v9 =	vmov s18;
	v11 =	vld.idx.msk [tilespmem:v12+s14+$0x0], $0xffff;
	v12 =	vor.u32 v48, v7  }
0x139: {  	v13 =	vor.u32 v48, v6;
	v9 =	vand.u32 $0x1D, v9;
	[tilespmem:s20+$0x470] =	vst v2  }
0x13a: {  	v2 =	vbroadcast v9, $0x0;
	v3 =	vld.idx.msk [tilespmem:v3+s14+$0x0], $0xffff  }
0x13b: {  	[tilespmem:s16+$0x470] =	vst v4;
	v4 =	vor.u32 v49, v10  }
0x13c: {  	s19 =	simm.s32 $0x6;
	[tilespmem:s28+$0x470] =	vst v1;
	v15 =	vld.idx.msk [tilespmem:v5+s14+$0x0], $0xffff;
	v9 =	vor.u32 v27, v2  }
0x13d: {  	v14 =	vmov s19;
	[tilespmem:s30+$0x470] =	vst v11;
	v11 =	vld.idx.msk [tilespmem:v12+s14+$0x0], $0xffff;
	v12 =	vor.u32 v49, v8  }
0x13e: {  	v1 =	vand.u32 $0x1E, v14;
	v14 =	vor.u32 v49, v7;
	v13 =	vld.idx.msk [tilespmem:v13+s14+$0x0], $0xffff  }
0x13f: {  	s21 =	simm.s32 $0x7;
	v1 =	vbroadcast v1, $0x0;
	[tilespmem:s20+$0x800] =	vst v3  }
0x140: {  	v16 =	vor.u32 v49, v6;
	v5 =	vmov s21;
	v4 =	vld.idx.msk [tilespmem:v4+s14+$0x0], $0xffff  }
0x141: {  	s23 =	simm.s32 $0x4;
	v17 =	vor.u32 v27, v1;
	v3 =	vand.u32 $0x1F, v5;
	[tilespmem:s16+$0x800] =	vst v15;
	v18 =	vld.idx.msk [tilespmem:v9+s14+$0x0], $0xffff  }
0x142: {  	[tilespmem:s28+$0x800] =	vst v11;
	v5 =	vbroadcast v3, $0x0;
	v9 =	vor.u32 v50, v10;
	v12 =	vld.idx.msk [tilespmem:v12+s14+$0x0], $0xffff;
	v3 =	vmov s23  }
0x143: {  	[tilespmem:s30+$0x800] =	vst v13;
	v13 =	vld.idx.msk [tilespmem:v14+s14+$0x0], $0xffff;
	v14 =	vor.u32 v50, v8;
	v3 =	vand.u32 $0x1C, v3  }
0x144: {  	s24 =	simm.s32 $0x9;
	v11 =	vor.u32 v27, v5;
	v3 =	vbroadcast v3, $0x0  }
0x145: {  	v19 =	vor.u32 v50, v7;
	v15 =	vld.idx.msk [tilespmem:v16+s14+$0x0], $0xffff;
	v16 =	vmov s24  }
0x146: {  	v17 =	vld.idx.msk [tilespmem:v17+s14+$0x0], $0xffff;
	v20 =	vor.u32 v27, v3;
	[tilespmem:s20+$0x810] =	vst v4;
	v4 =	vand.u32 $0x1D, v16  }
0x147: {  	v16 =	vor.u32 v50, v6;
	[tilespmem:s16+$0x810] =	vst v12;
	v9 =	vld.idx.msk [tilespmem:v9+s14+$0x0], $0xffff;
	v4 =	vbroadcast v4, $0x0  }
0x148: {  	v12 =	vor.u32 v51, v10;
	v14 =	vld.idx.msk [tilespmem:v14+s14+$0x0], $0xffff  }
0x149: {  	s18 =	simm.s32 $0x800;
	[tilespmem:s28+$0x810] =	vst v13;
	v11 =	vld.idx.msk [tilespmem:v11+s14+$0x0], $0xffff;
	v13 =	vor.u32 v27, v4  }
0x14a: {  	s25 =	sand.u32 $0x3000, s18;
	s24 =	simm.s32 $0x280;
	[tilespmem:s30+$0x810] =	vst v15;
	v15 =	vor.u32 v33, v5;
	v19 =	vld.idx.msk [tilespmem:v19+s14+$0x0], $0xffff  }
0x14b: {  	v21 =	vor.u32 v51, v8;
	s19 =	simm.s32 $0x380;
	s26 =	sadd.s32 $0xE800, s25;
	s10 =	sand.u32 $0x280, s24;
	v20 =	vld.idx.msk [tilespmem:v20+s14+$0x0], $0xffff  }
0x14c: {  	v22 =	vor.u32 v33, v2;
	s23 =	sand.u32 $0x380, s19;
	s10 =	sor.u32 s10, s26;
	v16 =	vld.idx.msk [tilespmem:v16+s14+$0x0], $0xffff;
	[tilespmem:s20+$0x820] =	vst v9  }
0x14d: {  	s25 =	simm.s32 $0x300;
	v23 =	vor.u32 v33, v1;
	s11 =	sor.u32 s23, s26;
	[tilespmem:s10+$0x0] =	vst v18;
	v12 =	vld.idx.msk [tilespmem:v12+s14+$0x0], $0xffff  }
0x14e: {  	s5 =	sand.u32 $0x300, s25;
	[tilespmem:s11+$0x0] =	vst v11;
	v9 =	vld.idx.msk [tilespmem:v13+s14+$0x0], $0xffff;
	v13 =	vor.u32 v33, v3  }
0x14f: {  	s5 =	sor.u32 s5, s26;
	s21 =	simm.s32 $0x200;
	[tilespmem:s16+$0x820] =	vst v14;
	v14 =	vor.u32 v52, v10;
	v11 =	vld.idx.msk [tilespmem:v15+s14+$0x0], $0xffff  }
0x150: {  	s21 =	sand.u32 $0x200, s21;
	v18 =	vor.u32 v51, v7;
	[tilespmem:s5+$0x0] =	vst v17;
	v15 =	vld.idx.msk [tilespmem:v21+s14+$0x0], $0xffff  }
0x151: {  	s13 =	sor.u32 s21, s26;
	[tilespmem:s28+$0x820] =	vst v19;
	v21 =	vld.idx.msk [tilespmem:v22+s14+$0x0], $0xffff;
	v22 =	vor.u32 v51, v6  }
0x152: {  	v17 =	vor.u32 v34, v5;
	[tilespmem:s13+$0x0] =	vst v20;
	v20 =	vld.idx.msk [tilespmem:v23+s14+$0x0], $0xffff  }
0x153: {  	v23 =	vor.u32 v34, v2;
	[tilespmem:s20+$0x830] =	vst v12;
	v13 =	vld.idx.msk [tilespmem:v13+s14+$0x0], $0xffff  }
0x154: {  	[tilespmem:s30+$0x820] =	vst v16;
	v12 =	vor.u32 v34, v1;
	v14 =	vld.idx.msk [tilespmem:v14+s14+$0x0], $0xffff  }
0x155: {  	v19 =	vor.u32 v34, v3;
	[tilespmem:s11+$0x10] =	vst v11;
	v11 =	vld.idx.msk [tilespmem:v18+s14+$0x0], $0xffff  }
0x156: {  	v16 =	vor.u32 v53, v10;
	[tilespmem:s10+$0x10] =	vst v21;
	v18 =	vld.idx.msk [tilespmem:v22+s14+$0x0], $0xffff  }
0x157: {  	v21 =	vor.u32 v52, v8;
	[tilespmem:s16+$0x830] =	vst v15;
	v17 =	vld.idx.msk [tilespmem:v17+s14+$0x0], $0xffff  }
0x158: {  	v22 =	vld.idx.msk [tilespmem:v23+s14+$0x0], $0xffff;
	[tilespmem:s5+$0x10] =	vst v20;
	v20 =	vor.u32 v35, v5  }
0x159: {  	v23 =	vor.u32 v35, v2;
	v12 =	vld.idx.msk [tilespmem:v12+s14+$0x0], $0xffff;
	[tilespmem:s13+$0x10] =	vst v13  }
0x15a: {  	v13 =	vor.u32 v52, v7;
	[tilespmem:s20+$0x840] =	vst v14;
	v19 =	vld.idx.msk [tilespmem:v19+s14+$0x0], $0xffff  }
0x15b: {  	v14 =	vor.u32 v35, v1;
	[tilespmem:s28+$0x830] =	vst v11;
	v15 =	vld.idx.msk [tilespmem:v16+s14+$0x0], $0xffff  }
0x15c: {  	v16 =	vor.u32 v35, v3;
	[tilespmem:s11+$0x20] =	vst v17;
	v17 =	vld.idx.msk [tilespmem:v21+s14+$0x0], $0xffff  }
0x15d: {  	v11 =	vor.u32 v54, v10;
	[tilespmem:s10+$0x20] =	vst v22;
	v20 =	vld.idx.msk [tilespmem:v20+s14+$0x0], $0xffff  }
0x15e: {  	[tilespmem:s30+$0x830] =	vst v18;
	v21 =	vor.u32 v52, v6;
	v22 =	vld.idx.msk [tilespmem:v23+s14+$0x0], $0xffff  }
0x15f: {  	v23 =	vor.u32 v36, v2;
	[tilespmem:s5+$0x20] =	vst v12;
	v13 =	vld.idx.msk [tilespmem:v13+s14+$0x0], $0xffff  }
0x160: {  	v12 =	vor.u32 v36, v5;
	v14 =	vld.idx.msk [tilespmem:v14+s14+$0x0], $0xffff;
	[tilespmem:s13+$0x20] =	vst v19  }
0x161: {  	v19 =	vor.u32 v53, v8;
	[tilespmem:s20+$0x850] =	vst v15;
	v16 =	vld.idx.msk [tilespmem:v16+s14+$0x0], $0xffff  }
0x162: {  	v15 =	vor.u32 v36, v1;
	v11 =	vld.idx.msk [tilespmem:v11+s14+$0x0], $0xffff;
	[tilespmem:s11+$0x30] =	vst v20  }
0x163: {  	v18 =	vor.u32 v36, v3;
	v20 =	vld.idx.msk [tilespmem:v21+s14+$0x0], $0xffff;
	[tilespmem:s10+$0x30] =	vst v22  }
0x164: {  	[tilespmem:s16+$0x840] =	vst v17;
	v17 =	vor.u32 v55, v10;
	v22 =	vld.idx.msk [tilespmem:v23+s14+$0x0], $0xffff  }
0x165: {  	v21 =	vor.u32 v53, v7;
	v12 =	vld.idx.msk [tilespmem:v12+s14+$0x0], $0xffff;
	[tilespmem:s5+$0x30] =	vst v14  }
0x166: {  	v23 =	vor.u32 v37, v2;
	[tilespmem:s28+$0x840] =	vst v13;
	v19 =	vld.idx.msk [tilespmem:v19+s14+$0x0], $0xffff  }
0x167: {  	v14 =	vor.u32 v37, v5;
	v15 =	vld.idx.msk [tilespmem:v15+s14+$0x0], $0xffff;
	[tilespmem:s13+$0x30] =	vst v16  }
0x168: {  	v16 =	vor.u32 v53, v6;
	[tilespmem:s20+$0x860] =	vst v11;
	v18 =	vld.idx.msk [tilespmem:v18+s14+$0x0], $0xffff  }
0x169: {  	v11 =	vor.u32 v37, v1;
	v13 =	vld.idx.msk [tilespmem:v17+s14+$0x0], $0xffff;
	[tilespmem:s10+$0x40] =	vst v22  }
0x16a: {  	v17 =	vor.u32 v37, v3;
	[tilespmem:s11+$0x40] =	vst v12;
	v12 =	vld.idx.msk [tilespmem:v21+s14+$0x0], $0xffff  }
0x16b: {  	[tilespmem:s30+$0x840] =	vst v20;
	v20 =	vor.u32 v56, v10;
	v22 =	vld.idx.msk [tilespmem:v23+s14+$0x0], $0xffff  }
0x16c: {  	v21 =	vor.u32 v54, v8;
	v14 =	vld.idx.msk [tilespmem:v14+s14+$0x0], $0xffff;
	[tilespmem:s5+$0x40] =	vst v15  }
0x16d: {  	v23 =	vor.u32 v38, v2;
	[tilespmem:s16+$0x850] =	vst v19;
	v16 =	vld.idx.msk [tilespmem:v16+s14+$0x0], $0xffff  }
0x16e: {  	v15 =	vor.u32 v38, v5;
	v11 =	vld.idx.msk [tilespmem:v11+s14+$0x0], $0xffff;
	[tilespmem:s13+$0x40] =	vst v18  }
0x16f: {  	v18 =	vor.u32 v54, v7;
	[tilespmem:s20+$0x870] =	vst v13;
	v17 =	vld.idx.msk [tilespmem:v17+s14+$0x0], $0xffff  }
0x170: {  	v13 =	vor.u32 v38, v1;
	v19 =	vld.idx.msk [tilespmem:v20+s14+$0x0], $0xffff;
	[tilespmem:s10+$0x50] =	vst v22  }
0x171: {  	v20 =	vor.u32 v38, v3;
	[tilespmem:s11+$0x50] =	vst v14;
	v14 =	vld.idx.msk [tilespmem:v21+s14+$0x0], $0xffff  }
0x172: {  	[tilespmem:s28+$0x850] =	vst v12;
	v12 =	vor.u32 v57, v10;
	v22 =	vld.idx.msk [tilespmem:v23+s14+$0x0], $0xffff  }
0x173: {  	v21 =	vor.u32 v54, v6;
	v15 =	vld.idx.msk [tilespmem:v15+s14+$0x0], $0xffff;
	[tilespmem:s5+$0x50] =	vst v11  }
0x174: {  	v23 =	vor.u32 v39, v2;
	[tilespmem:s30+$0x850] =	vst v16;
	v18 =	vld.idx.msk [tilespmem:v18+s14+$0x0], $0xffff  }
0x175: {  	v11 =	vor.u32 v39, v5;
	v13 =	vld.idx.msk [tilespmem:v13+s14+$0x0], $0xffff;
	[tilespmem:s13+$0x50] =	vst v17  }
0x176: {  	v17 =	vor.u32 v55, v8;
	[tilespmem:s20+$0xC00] =	vst v19;
	v20 =	vld.idx.msk [tilespmem:v20+s14+$0x0], $0xffff  }
0x177: {  	v19 =	vor.u32 v39, v1;
	v12 =	vld.idx.msk [tilespmem:v12+s14+$0x0], $0xffff;
	[tilespmem:s10+$0x60] =	vst v22  }
0x178: {  	v16 =	vor.u32 v39, v3;
	[tilespmem:s11+$0x60] =	vst v15;
	v15 =	vld.idx.msk [tilespmem:v21+s14+$0x0], $0xffff  }
0x179: {  	[tilespmem:s16+$0x860] =	vst v14;
	v14 =	vor.u32 v58, v10;
	v22 =	vld.idx.msk [tilespmem:v23+s14+$0x0], $0xffff  }
0x17a: {  	v21 =	vor.u32 v55, v7;
	v11 =	vld.idx.msk [tilespmem:v11+s14+$0x0], $0xffff;
	[tilespmem:s5+$0x60] =	vst v13  }
0x17b: {  	v23 =	vor.u32 v40, v2;
	[tilespmem:s28+$0x860] =	vst v18;
	v17 =	vld.idx.msk [tilespmem:v17+s14+$0x0], $0xffff  }
0x17c: {  	v13 =	vor.u32 v40, v5;
	v19 =	vld.idx.msk [tilespmem:v19+s14+$0x0], $0xffff;
	[tilespmem:s13+$0x60] =	vst v20  }
0x17d: {  	v20 =	vor.u32 v55, v6;
	[tilespmem:s20+$0xC10] =	vst v12;
	v16 =	vld.idx.msk [tilespmem:v16+s14+$0x0], $0xffff  }
0x17e: {  	v12 =	vor.u32 v40, v1;
	v14 =	vld.idx.msk [tilespmem:v14+s14+$0x0], $0xffff;
	[tilespmem:s10+$0x70] =	vst v22  }
0x17f: {  	v18 =	vor.u32 v40, v3;
	[tilespmem:s11+$0x70] =	vst v11;
	v11 =	vld.idx.msk [tilespmem:v21+s14+$0x0], $0xffff  }
0x180: {  	[tilespmem:s30+$0x860] =	vst v15;
	v15 =	vor.u32 v59, v10;
	v22 =	vld.idx.msk [tilespmem:v23+s14+$0x0], $0xffff  }
0x181: {  	v21 =	vor.u32 v56, v8;
	v13 =	vld.idx.msk [tilespmem:v13+s14+$0x0], $0xffff;
	[tilespmem:s5+$0x70] =	vst v19  }
0x182: {  	v23 =	vor.u32 v41, v2;
	[tilespmem:s16+$0x870] =	vst v17;
	v20 =	vld.idx.msk [tilespmem:v20+s14+$0x0], $0xffff  }
0x183: {  	v19 =	vor.u32 v41, v5;
	v12 =	vld.idx.msk [tilespmem:v12+s14+$0x0], $0xffff;
	[tilespmem:s13+$0x70] =	vst v16  }
0x184: {  	v16 =	vor.u32 v56, v7;
	[tilespmem:s20+$0xC20] =	vst v14;
	v18 =	vld.idx.msk [tilespmem:v18+s14+$0x0], $0xffff  }
0x185: {  	v14 =	vor.u32 v41, v1;
	v15 =	vld.idx.msk [tilespmem:v15+s14+$0x0], $0xffff;
	[tilespmem:s10+$0x400] =	vst v22  }
0x186: {  	v17 =	vor.u32 v41, v3;
	[tilespmem:s11+$0x400] =	vst v13;
	v13 =	vld.idx.msk [tilespmem:v21+s14+$0x0], $0xffff  }
0x187: {  	[tilespmem:s28+$0x870] =	vst v11;
	v11 =	vor.u32 v60, v10;
	v22 =	vld.idx.msk [tilespmem:v23+s14+$0x0], $0xffff  }
0x188: {  	v21 =	vor.u32 v56, v6;
	v19 =	vld.idx.msk [tilespmem:v19+s14+$0x0], $0xffff;
	[tilespmem:s5+$0x400] =	vst v12  }
0x189: {  	v23 =	vor.u32 v42, v2;
	[tilespmem:s30+$0x870] =	vst v20;
	v16 =	vld.idx.msk [tilespmem:v16+s14+$0x0], $0xffff  }
0x18a: {  	v12 =	vor.u32 v42, v5;
	v14 =	vld.idx.msk [tilespmem:v14+s14+$0x0], $0xffff;
	[tilespmem:s13+$0x400] =	vst v18  }
0x18b: {  	v18 =	vor.u32 v57, v8;
	[tilespmem:s20+$0xC30] =	vst v15;
	v17 =	vld.idx.msk [tilespmem:v17+s14+$0x0], $0xffff  }
0x18c: {  	v15 =	vor.u32 v42, v1;
	v11 =	vld.idx.msk [tilespmem:v11+s14+$0x0], $0xffff;
	[tilespmem:s10+$0x410] =	vst v22  }
0x18d: {  	v20 =	vor.u32 v42, v3;
	[tilespmem:s11+$0x410] =	vst v19;
	v19 =	vld.idx.msk [tilespmem:v21+s14+$0x0], $0xffff  }
0x18e: {  	[tilespmem:s16+$0xC00] =	vst v13;
	v13 =	vor.u32 v61, v10;
	v22 =	vld.idx.msk [tilespmem:v23+s14+$0x0], $0xffff  }
0x18f: {  	v21 =	vor.u32 v57, v7;
	v12 =	vld.idx.msk [tilespmem:v12+s14+$0x0], $0xffff;
	[tilespmem:s5+$0x410] =	vst v14  }
0x190: {  	v23 =	vor.u32 v43, v2;
	[tilespmem:s28+$0xC00] =	vst v16;
	v18 =	vld.idx.msk [tilespmem:v18+s14+$0x0], $0xffff  }
0x191: {  	v14 =	vor.u32 v43, v5;
	v15 =	vld.idx.msk [tilespmem:v15+s14+$0x0], $0xffff;
	[tilespmem:s13+$0x410] =	vst v17  }
0x192: {  	v17 =	vor.u32 v57, v6;
	[tilespmem:s20+$0xC40] =	vst v11;
	v20 =	vld.idx.msk [tilespmem:v20+s14+$0x0], $0xffff  }
0x193: {  	v11 =	vor.u32 v43, v1;
	v13 =	vld.idx.msk [tilespmem:v13+s14+$0x0], $0xffff;
	[tilespmem:s10+$0x420] =	vst v22  }
0x194: {  	v16 =	vor.u32 v43, v3;
	[tilespmem:s11+$0x420] =	vst v12;
	v12 =	vld.idx.msk [tilespmem:v21+s14+$0x0], $0xffff  }
0x195: {  	[tilespmem:s30+$0xC00] =	vst v19;
	v19 =	vor.u32 v62, v10;
	v22 =	vld.idx.msk [tilespmem:v23+s14+$0x0], $0xffff  }
0x196: {  	v21 =	vor.u32 v58, v8;
	v14 =	vld.idx.msk [tilespmem:v14+s14+$0x0], $0xffff;
	[tilespmem:s5+$0x420] =	vst v15  }
0x197: {  	v23 =	vor.u32 v44, v2;
	[tilespmem:s16+$0xC10] =	vst v18;
	v17 =	vld.idx.msk [tilespmem:v17+s14+$0x0], $0xffff  }
0x198: {  	v15 =	vor.u32 v44, v5;
	v11 =	vld.idx.msk [tilespmem:v11+s14+$0x0], $0xffff;
	[tilespmem:s13+$0x420] =	vst v20  }
0x199: {  	v20 =	vor.u32 v58, v7;
	[tilespmem:s20+$0xC50] =	vst v13;
	v16 =	vld.idx.msk [tilespmem:v16+s14+$0x0], $0xffff  }
0x19a: {  	v13 =	vor.u32 v44, v1;
	v18 =	vld.idx.msk [tilespmem:v19+s14+$0x0], $0xffff;
	[tilespmem:s10+$0x430] =	vst v22  }
0x19b: {  	v19 =	vor.u32 v44, v3;
	[tilespmem:s11+$0x430] =	vst v14;
	v14 =	vld.idx.msk [tilespmem:v21+s14+$0x0], $0xffff  }
0x19c: {  	[tilespmem:s28+$0xC10] =	vst v12;
	v12 =	vor.u32 v63, v10;
	v22 =	vld.idx.msk [tilespmem:v23+s14+$0x0], $0xffff  }
0x19d: {  	v21 =	vor.u32 v58, v6;
	v15 =	vld.idx.msk [tilespmem:v15+s14+$0x0], $0xffff;
	[tilespmem:s5+$0x430] =	vst v11  }
0x19e: {  	s26 =	simm.s32 $0xA;
	v23 =	vor.u32 v45, v2;
	[tilespmem:s30+$0xC10] =	vst v17;
	v20 =	vld.idx.msk [tilespmem:v20+s14+$0x0], $0xffff  }
0x19f: {  	v10 =	vmov s26;
	v11 =	vor.u32 v45, v5;
	v13 =	vld.idx.msk [tilespmem:v13+s14+$0x0], $0xffff;
	[tilespmem:s13+$0x430] =	vst v16  }
0x1a0: {  	v10 =	vand.u32 $0x1E, v10;
	v16 =	vor.u32 v59, v8;
	[tilespmem:s20+$0xC60] =	vst v18;
	v19 =	vld.idx.msk [tilespmem:v19+s14+$0x0], $0xffff  }
0x1a1: {  	v10 =	vbroadcast v10, $0x0;
	v18 =	vor.u32 v45, v1;
	v12 =	vld.idx.msk [tilespmem:v12+s14+$0x0], $0xffff;
	[tilespmem:s10+$0x440] =	vst v22  }
0x1a2: {  	v17 =	vor.u32 v45, v3;
	[tilespmem:s11+$0x440] =	vst v15;
	v15 =	vld.idx.msk [tilespmem:v21+s14+$0x0], $0xffff  }
0x1a3: {  	[tilespmem:s16+$0xC20] =	vst v14;
	v21 =	vor.u32 v27, v10;
	v22 =	vld.idx.msk [tilespmem:v23+s14+$0x0], $0xffff  }
0x1a4: {  	v24 =	vor.u32 v46, v2;
	v11 =	vld.idx.msk [tilespmem:v11+s14+$0x0], $0xffff;
	[tilespmem:s5+$0x440] =	vst v13  }
0x1a5: {  	[tilespmem:s28+$0xC20] =	vst v20;
	v14 =	vld.idx.msk [tilespmem:v16+s14+$0x0], $0xffff;
	v16 =	vor.u32 v59, v7  }
0x1a6: {  	v23 =	vor.u32 v46, v5;
	v18 =	vld.idx.msk [tilespmem:v18+s14+$0x0], $0xffff;
	[tilespmem:s13+$0x440] =	vst v19  }
0x1a7: {  	v19 =	vor.u32 v59, v6;
	[tilespmem:s20+$0xC70] =	vst v12;
	v17 =	vld.idx.msk [tilespmem:v17+s14+$0x0], $0xffff  }
0x1a8: {  	v12 =	vor.u32 v46, v1;
	v13 =	vld.idx.msk [tilespmem:v21+s14+$0x0], $0xffff;
	[tilespmem:s10+$0x450] =	vst v22  }
0x1a9: {  	[tilespmem:s30+$0xC20] =	vst v15;
	v15 =	vor.u32 v60, v8;
	v22 =	vld.idx.msk [tilespmem:v24+s14+$0x0], $0xffff  }
0x1aa: {  	v20 =	vor.u32 v46, v3;
	[tilespmem:s11+$0x450] =	vst v11;
	v11 =	vld.idx.msk [tilespmem:v16+s14+$0x0], $0xffff  }
0x1ab: {  	v16 =	vld.idx.msk [tilespmem:v23+s14+$0x0], $0xffff;
	[tilespmem:s5+$0x450] =	vst v18;
	v23 =	vor.u32 v47, v2  }
0x1ac: {  	v21 =	vor.u32 v60, v7;
	[tilespmem:s16+$0xC30] =	vst v14;
	v19 =	vld.idx.msk [tilespmem:v19+s14+$0x0], $0xffff  }
0x1ad: {  	v18 =	vor.u32 v47, v5;
	v12 =	vld.idx.msk [tilespmem:v12+s14+$0x0], $0xffff;
	[tilespmem:s13+$0x450] =	vst v17  }
0x1ae: {  	v17 =	vor.u32 v60, v6;
	v15 =	vld.idx.msk [tilespmem:v15+s14+$0x0], $0xffff;
	[tilespmem:s10+$0x460] =	vst v22  }
0x1af: {  	v14 =	vor.u32 v47, v1;
	v20 =	vld.idx.msk [tilespmem:v20+s14+$0x0], $0xffff;
	[tilespmem:s28+$0xC30] =	vst v11  }
0x1b0: {  	v11 =	vor.u32 v47, v3;
	[tilespmem:s11+$0x460] =	vst v16;
	v22 =	vld.idx.msk [tilespmem:v23+s14+$0x0], $0xffff  }
0x1b1: {  	v16 =	vld.idx.msk [tilespmem:v21+s14+$0x0], $0xffff;
	[tilespmem:s30+$0xC30] =	vst v19;
	v19 =	vor.u32 v61, v8  }
0x1b2: {  	v18 =	vld.idx.msk [tilespmem:v18+s14+$0x0], $0xffff;
	v21 =	vor.u32 v61, v7  }
0x1b3: {  	[tilespmem:s5+$0x460] =	vst v12;
	v12 =	vor.u32 v48, v5;
	v17 =	vld.idx.msk [tilespmem:v17+s14+$0x0], $0xffff  }
0x1b4: {  	v14 =	vld.idx.msk [tilespmem:v14+s14+$0x0], $0xffff;
	[tilespmem:s13+$0x460] =	vst v20;
	v20 =	vor.u32 v61, v6  }
0x1b5: {  	v23 =	vor.u32 v48, v2;
	[tilespmem:s16+$0xC40] =	vst v15;
	v11 =	vld.idx.msk [tilespmem:v11+s14+$0x0], $0xffff  }
0x1b6: {  	v15 =	vor.u32 v48, v1;
	v25 =	vld.idx.msk [tilespmem:v19+s14+$0x0], $0xffff;
	[tilespmem:s28+$0xC40] =	vst v16  }
0x1b7: {  	v16 =	vor.u32 v48, v3;
	[tilespmem:s11+$0x470] =	vst v18;
	v21 =	vld.idx.msk [tilespmem:v21+s14+$0x0], $0xffff  }
0x1b8: {  	v12 =	vld.idx.msk [tilespmem:v12+s14+$0x0], $0xffff;
	[tilespmem:s30+$0xC40] =	vst v17;
	v17 =	vor.u32 v62, v8  }
0x1b9: {  	v26 =	vor.u32 v62, v7;
	[tilespmem:s10+$0x470] =	vst v22;
	v22 =	vld.idx.msk [tilespmem:v20+s14+$0x0], $0xffff  }
0x1ba: {  	v24 =	vor.u32 v49, v5;
	[tilespmem:s5+$0x470] =	vst v14;
	v20 =	vld.idx.msk [tilespmem:v23+s14+$0x0], $0xffff  }
0x1bb: {  	v18 =	vld.idx.msk [tilespmem:v15+s14+$0x0], $0xffff;
	v23 =	vor.u32 v62, v6;
	[tilespmem:s13+$0x470] =	vst v11  }
0x1bc: {  	v19 =	vld.idx.msk [tilespmem:v16+s14+$0x0], $0xffff;
	[tilespmem:s16+$0xC50] =	vst v25;
	v16 =	vor.u32 v49, v2  }
0x1bd: {  	v15 =	vor.u32 v49, v1;
	v17 =	vld.idx.msk [tilespmem:v17+s14+$0x0], $0xffff;
	[tilespmem:s28+$0xC50] =	vst v21  }
0x1be: {  	s21 =	simm.s32 $0xC;
	s23 =	simm.s32 $0xB;
	s20 =	simm.s32 $0x8;
	v14 =	vor.u32 v49, v3;
	[tilespmem:s11+$0x800] =	vst v12;
	v21 =	vld.idx.msk [tilespmem:v26+s14+$0x0], $0xffff  }
.LBB2_3:
0x1bf: {  	p0 =	slt.u32 s21, $0x1C;
	v11 =	vmov s23;
	v12 =	vld.idx.msk [tilespmem:v24+s14+$0x0], $0xffff;
	[tilespmem:s30+$0xC50] =	vst v22;
	v22 =	vor.u32 v63, v8;
	v8 =	vmovc v2;
	v2 =	vmov v4  }
0x1c0: {  	v4 =	vand.u32 $0x1F, v11;
	[tilespmem:s10+$0x800] =	vst v20;
	v11 =	vld.idx.msk [tilespmem:v23+s14+$0x0], $0xffff;
	v20 =	vor.u32 v63, v7;
	v7 =	vmovc v1;
	v1 =	vmov v10  }
0x1c1: {  	v10 =	vbroadcast v4, $0x0;
	v16 =	vld.idx.msk [tilespmem:v16+s14+$0x0], $0xffff;
	[tilespmem:s5+$0x800] =	vst v18;
	v4 =	vor.u32 v50, v5  }
0x1c2: {  	v18 =	vor.u32 v63, v6;
	v6 =	vmov v3;
	[tilespmem:s13+$0x800] =	vst v19;
	v15 =	vld.idx.msk [tilespmem:v15+s14+$0x0], $0xffff  }
0x1c3: {  	v3 =	vmov s20;
	s20 =	smov.u32 s21;
	v19 =	vor.u32 v27, v10;
	v14 =	vld.idx.msk [tilespmem:v14+s14+$0x0], $0xffff;
	[tilespmem:s16+$0xC60] =	vst v17  }
0x1c4: {  	s23 =	sadd.s32 $0x1, s21;
	v3 =	vand.u32 $0x1C, v3;
	v17 =	vor.u32 v50, v8;
	v22 =	vld.idx.msk [tilespmem:v22+s14+$0x0], $0xffff;
	[tilespmem:s28+$0xC60] =	vst v21  }
0x1c5: {  	v23 =	vor.u32 v50, v7;
	v3 =	vbroadcast v3, $0x0;
	v21 =	vmov s23;
	[tilespmem:s11+$0x810] =	vst v12;
	v12 =	vld.idx.msk [tilespmem:v20+s14+$0x0], $0xffff  }
0x1c6: {  	v20 =	vand.u32 $0x1D, v21;
	v21 =	vor.u32 v50, v6;
	v24 =	vld.idx.msk [tilespmem:v4+s14+$0x0], $0xffff;
	[tilespmem:s30+$0xC60] =	vst v11  }
0x1c7: {  	v4 =	vbroadcast v20, $0x0;
	v11 =	vor.u32 v27, v3;
	[tilespmem:s10+$0x810] =	vst v16;
	v16 =	vld.idx.msk [tilespmem:v18+s14+$0x0], $0xffff  }
0x1c8: {  	v18 =	vld.idx.msk [tilespmem:v19+s14+$0x0], $0xffff;
	[tilespmem:s5+$0x810] =	vst v15;
	v15 =	vor.u32 v51, v5  }
0x1c9: {  	v19 =	vor.u32 v27, v4;
	[tilespmem:s13+$0x810] =	vst v14;
	v14 =	vld.idx.msk [tilespmem:v17+s14+$0x0], $0xffff  }
0x1ca: {  	s18 =	sadd.s32 $0x800, s18;
	v17 =	vor.u32 v33, v10;
	v20 =	vld.idx.msk [tilespmem:v23+s14+$0x0], $0xffff;
	[tilespmem:s16+$0xC70] =	vst v22;
	s16 =	smov.u32 s10  }
0x1cb: {  	s19 =	sadd.s32 $0x200, s19;
	s10 =	sand.u32 $0x3000, s18;
	v22 =	vor.u32 v51, v8;
	v21 =	vld.idx.msk [tilespmem:v21+s14+$0x0], $0xffff;
	[tilespmem:s28+$0xC70] =	vst v12;
	s28 =	smov.u32 s5  }
0x1cc: {  	s5 =	sadd.s32 $0xFFFFFE80, s19;
	s24 =	sadd.s32 $0xE800, s10;
	v12 =	vor.u32 v33, v2;
	s10 =	sand.u32 $0x380, s19;
	v11 =	vld.idx.msk [tilespmem:v11+s14+$0x0], $0xffff;
	[tilespmem:s11+$0x820] =	vst v24  }
0x1cd: {  	s25 =	sadd.s32 $0xFFFFFF00, s19;
	s26 =	sadd.s32 $0xFFFFFF80, s19;
	v23 =	vor.u32 v33, v1;
	s23 =	sor.u32 s10, s24;
	v15 =	vld.idx.msk [tilespmem:v15+s14+$0x0], $0xffff;
	[tilespmem:s30+$0xC70] =	vst v16  }
0x1ce: {  	s5 =	sand.u32 $0x200, s5;
	s10 =	sand.u32 $0x280, s25;
	s25 =	sand.u32 $0x300, s26;
	v16 =	vld.idx.msk [tilespmem:v19+s14+$0x0], $0xffff;
	v19 =	vor.u32 v33, v3;
	[tilespmem:s23+$0x0] =	vst v18  }
0x1cf: {  	s26 =	sor.u32 s5, s24;
	s10 =	sor.u32 s10, s24;
	s5 =	sor.u32 s25, s24;
	v17 =	vld.idx.msk [tilespmem:v17+s14+$0x0], $0xffff;
	[tilespmem:s16+$0x820] =	vst v14;
	v14 =	vor.u32 v52, v5  }
0x1d0: {  	s30 =	smov.u32 s13;
	s13 =	smov.u32 s26;
	[tilespmem:s10+$0x0] =	vst v9;
	v18 =	vld.idx.msk [tilespmem:v22+s14+$0x0], $0xffff;
	v22 =	vor.u32 v51, v7  }
0x1d1: {  	v12 =	vld.idx.msk [tilespmem:v12+s14+$0x0], $0xffff;
	[tilespmem:s5+$0x0] =	vst v13;
	v13 =	vor.u32 v34, v10  }
0x1d2: {  	[tilespmem:s13+$0x0] =	vst v11;
	v11 =	vld.idx.msk [tilespmem:v23+s14+$0x0], $0xffff;
	v23 =	vor.u32 v51, v6  }
0x1d3: {  	v24 =	vor.u32 v34, v2;
	v19 =	vld.idx.msk [tilespmem:v19+s14+$0x0], $0xffff;
	[tilespmem:s11+$0x830] =	vst v15  }
0x1d4: {  	v15 =	vor.u32 v34, v1;
	v9 =	vmov v16;
	[tilespmem:s28+$0x820] =	vst v20;
	v14 =	vld.idx.msk [tilespmem:v14+s14+$0x0], $0xffff  }
0x1d5: {  	v16 =	vor.u32 v34, v3;
	[tilespmem:s23+$0x10] =	vst v17;
	v17 =	vld.idx.msk [tilespmem:v22+s14+$0x0], $0xffff  }
0x1d6: {  	v20 =	vor.u32 v53, v5;
	v13 =	vld.idx.msk [tilespmem:v13+s14+$0x0], $0xffff;
	[tilespmem:s30+$0x820] =	vst v21  }
0x1d7: {  	v21 =	vor.u32 v52, v8;
	[tilespmem:s10+$0x10] =	vst v12;
	v12 =	vld.idx.msk [tilespmem:v23+s14+$0x0], $0xffff  }
0x1d8: {  	v22 =	vld.idx.msk [tilespmem:v24+s14+$0x0], $0xffff;
	[tilespmem:s5+$0x10] =	vst v11;
	v11 =	vor.u32 v35, v10  }
0x1d9: {  	[tilespmem:s13+$0x10] =	vst v19;
	v15 =	vld.idx.msk [tilespmem:v15+s14+$0x0], $0xffff;
	v19 =	vor.u32 v52, v7  }
0x1da: {  	v23 =	vor.u32 v35, v2;
	v16 =	vld.idx.msk [tilespmem:v16+s14+$0x0], $0xffff;
	[tilespmem:s11+$0x840] =	vst v14  }
0x1db: {  	v14 =	vor.u32 v35, v1;
	[tilespmem:s16+$0x830] =	vst v18;
	v18 =	vld.idx.msk [tilespmem:v20+s14+$0x0], $0xffff  }
0x1dc: {  	v20 =	vor.u32 v35, v3;
	[tilespmem:s23+$0x20] =	vst v13;
	v13 =	vld.idx.msk [tilespmem:v21+s14+$0x0], $0xffff  }
0x1dd: {  	v11 =	vld.idx.msk [tilespmem:v11+s14+$0x0], $0xffff;
	[tilespmem:s28+$0x830] =	vst v17;
	v17 =	vor.u32 v54, v5  }
0x1de: {  	v21 =	vor.u32 v52, v6;
	[tilespmem:s10+$0x20] =	vst v22;
	v19 =	vld.idx.msk [tilespmem:v19+s14+$0x0], $0xffff  }
0x1df: {  	v22 =	vld.idx.msk [tilespmem:v23+s14+$0x0], $0xffff;
	[tilespmem:s5+$0x20] =	vst v15;
	v15 =	vor.u32 v36, v10  }
0x1e0: {  	[tilespmem:s13+$0x20] =	vst v16;
	v14 =	vld.idx.msk [tilespmem:v14+s14+$0x0], $0xffff;
	v16 =	vor.u32 v53, v8  }
0x1e1: {  	v23 =	vor.u32 v36, v2;
	v20 =	vld.idx.msk [tilespmem:v20+s14+$0x0], $0xffff;
	[tilespmem:s11+$0x850] =	vst v18  }
0x1e2: {  	v18 =	vor.u32 v36, v1;
	[tilespmem:s30+$0x830] =	vst v12;
	v12 =	vld.idx.msk [tilespmem:v17+s14+$0x0], $0xffff  }
0x1e3: {  	v17 =	vor.u32 v36, v3;
	[tilespmem:s23+$0x30] =	vst v11;
	v11 =	vld.idx.msk [tilespmem:v21+s14+$0x0], $0xffff  }
0x1e4: {  	v15 =	vld.idx.msk [tilespmem:v15+s14+$0x0], $0xffff;
	[tilespmem:s16+$0x840] =	vst v13;
	v13 =	vor.u32 v55, v5  }
0x1e5: {  	v21 =	vor.u32 v53, v7;
	[tilespmem:s10+$0x30] =	vst v22;
	v16 =	vld.idx.msk [tilespmem:v16+s14+$0x0], $0xffff  }
0x1e6: {  	v22 =	vld.idx.msk [tilespmem:v23+s14+$0x0], $0xffff;
	[tilespmem:s5+$0x30] =	vst v14;
	v14 =	vor.u32 v37, v10  }
0x1e7: {  	[tilespmem:s13+$0x30] =	vst v20;
	v18 =	vld.idx.msk [tilespmem:v18+s14+$0x0], $0xffff;
	v20 =	vor.u32 v53, v6  }
0x1e8: {  	v23 =	vor.u32 v37, v2;
	v17 =	vld.idx.msk [tilespmem:v17+s14+$0x0], $0xffff;
	[tilespmem:s11+$0x860] =	vst v12  }
0x1e9: {  	v12 =	vor.u32 v37, v1;
	[tilespmem:s28+$0x840] =	vst v19;
	v13 =	vld.idx.msk [tilespmem:v13+s14+$0x0], $0xffff  }
0x1ea: {  	v19 =	vor.u32 v37, v3;
	[tilespmem:s23+$0x40] =	vst v15;
	v15 =	vld.idx.msk [tilespmem:v21+s14+$0x0], $0xffff  }
0x1eb: {  	v14 =	vld.idx.msk [tilespmem:v14+s14+$0x0], $0xffff;
	[tilespmem:s30+$0x840] =	vst v11;
	v11 =	vor.u32 v56, v5  }
0x1ec: {  	v21 =	vor.u32 v54, v8;
	[tilespmem:s10+$0x40] =	vst v22;
	v20 =	vld.idx.msk [tilespmem:v20+s14+$0x0], $0xffff  }
0x1ed: {  	v22 =	vld.idx.msk [tilespmem:v23+s14+$0x0], $0xffff;
	[tilespmem:s5+$0x40] =	vst v18;
	v18 =	vor.u32 v38, v10  }
0x1ee: {  	[tilespmem:s13+$0x40] =	vst v17;
	v12 =	vld.idx.msk [tilespmem:v12+s14+$0x0], $0xffff;
	v17 =	vor.u32 v54, v7  }
0x1ef: {  	v23 =	vor.u32 v38, v2;
	v19 =	vld.idx.msk [tilespmem:v19+s14+$0x0], $0xffff;
	[tilespmem:s11+$0x870] =	vst v13  }
0x1f0: {  	v13 =	vor.u32 v38, v1;
	[tilespmem:s16+$0x850] =	vst v16;
	v11 =	vld.idx.msk [tilespmem:v11+s14+$0x0], $0xffff  }
0x1f1: {  	v16 =	vor.u32 v38, v3;
	[tilespmem:s23+$0x50] =	vst v14;
	v14 =	vld.idx.msk [tilespmem:v21+s14+$0x0], $0xffff  }
0x1f2: {  	v18 =	vld.idx.msk [tilespmem:v18+s14+$0x0], $0xffff;
	[tilespmem:s28+$0x850] =	vst v15;
	v15 =	vor.u32 v57, v5  }
0x1f3: {  	v21 =	vor.u32 v54, v6;
	[tilespmem:s10+$0x50] =	vst v22;
	v17 =	vld.idx.msk [tilespmem:v17+s14+$0x0], $0xffff  }
0x1f4: {  	v22 =	vld.idx.msk [tilespmem:v23+s14+$0x0], $0xffff;
	[tilespmem:s5+$0x50] =	vst v12;
	v12 =	vor.u32 v39, v10  }
0x1f5: {  	[tilespmem:s13+$0x50] =	vst v19;
	v13 =	vld.idx.msk [tilespmem:v13+s14+$0x0], $0xffff;
	v19 =	vor.u32 v55, v8  }
0x1f6: {  	v23 =	vor.u32 v39, v2;
	v16 =	vld.idx.msk [tilespmem:v16+s14+$0x0], $0xffff;
	[tilespmem:s11+$0xC00] =	vst v11  }
0x1f7: {  	v11 =	vor.u32 v39, v1;
	[tilespmem:s30+$0x850] =	vst v20;
	v15 =	vld.idx.msk [tilespmem:v15+s14+$0x0], $0xffff  }
0x1f8: {  	v20 =	vor.u32 v39, v3;
	[tilespmem:s23+$0x60] =	vst v18;
	v18 =	vld.idx.msk [tilespmem:v21+s14+$0x0], $0xffff  }
0x1f9: {  	v12 =	vld.idx.msk [tilespmem:v12+s14+$0x0], $0xffff;
	[tilespmem:s16+$0x860] =	vst v14;
	v14 =	vor.u32 v58, v5  }
0x1fa: {  	v21 =	vor.u32 v55, v7;
	[tilespmem:s10+$0x60] =	vst v22;
	v19 =	vld.idx.msk [tilespmem:v19+s14+$0x0], $0xffff  }
0x1fb: {  	v22 =	vld.idx.msk [tilespmem:v23+s14+$0x0], $0xffff;
	[tilespmem:s5+$0x60] =	vst v13;
	v13 =	vor.u32 v40, v10  }
0x1fc: {  	[tilespmem:s13+$0x60] =	vst v16;
	v11 =	vld.idx.msk [tilespmem:v11+s14+$0x0], $0xffff;
	v16 =	vor.u32 v55, v6  }
0x1fd: {  	v23 =	vor.u32 v40, v2;
	v20 =	vld.idx.msk [tilespmem:v20+s14+$0x0], $0xffff;
	[tilespmem:s11+$0xC10] =	vst v15  }
0x1fe: {  	v15 =	vor.u32 v40, v1;
	[tilespmem:s28+$0x860] =	vst v17;
	v14 =	vld.idx.msk [tilespmem:v14+s14+$0x0], $0xffff  }
0x1ff: {  	v17 =	vor.u32 v40, v3;
	[tilespmem:s23+$0x70] =	vst v12;
	v12 =	vld.idx.msk [tilespmem:v21+s14+$0x0], $0xffff  }
0x200: {  	v13 =	vld.idx.msk [tilespmem:v13+s14+$0x0], $0xffff;
	[tilespmem:s30+$0x860] =	vst v18;
	v18 =	vor.u32 v59, v5  }
0x201: {  	v21 =	vor.u32 v56, v8;
	[tilespmem:s10+$0x70] =	vst v22;
	v16 =	vld.idx.msk [tilespmem:v16+s14+$0x0], $0xffff  }
0x202: {  	v22 =	vld.idx.msk [tilespmem:v23+s14+$0x0], $0xffff;
	[tilespmem:s5+$0x70] =	vst v11;
	v11 =	vor.u32 v41, v10  }
0x203: {  	[tilespmem:s13+$0x70] =	vst v20;
	v15 =	vld.idx.msk [tilespmem:v15+s14+$0x0], $0xffff;
	v20 =	vor.u32 v56, v7  }
0x204: {  	v23 =	vor.u32 v41, v2;
	v17 =	vld.idx.msk [tilespmem:v17+s14+$0x0], $0xffff;
	[tilespmem:s11+$0xC20] =	vst v14  }
0x205: {  	v14 =	vor.u32 v41, v1;
	[tilespmem:s16+$0x870] =	vst v19;
	v18 =	vld.idx.msk [tilespmem:v18+s14+$0x0], $0xffff  }
0x206: {  	v19 =	vor.u32 v41, v3;
	[tilespmem:s23+$0x400] =	vst v13;
	v13 =	vld.idx.msk [tilespmem:v21+s14+$0x0], $0xffff  }
0x207: {  	v11 =	vld.idx.msk [tilespmem:v11+s14+$0x0], $0xffff;
	[tilespmem:s28+$0x870] =	vst v12;
	v12 =	vor.u32 v60, v5  }
0x208: {  	v21 =	vor.u32 v56, v6;
	[tilespmem:s10+$0x400] =	vst v22;
	v20 =	vld.idx.msk [tilespmem:v20+s14+$0x0], $0xffff  }
0x209: {  	v22 =	vld.idx.msk [tilespmem:v23+s14+$0x0], $0xffff;
	[tilespmem:s5+$0x400] =	vst v15;
	v15 =	vor.u32 v42, v10  }
0x20a: {  	[tilespmem:s13+$0x400] =	vst v17;
	v14 =	vld.idx.msk [tilespmem:v14+s14+$0x0], $0xffff;
	v17 =	vor.u32 v57, v8  }
0x20b: {  	v23 =	vor.u32 v42, v2;
	v19 =	vld.idx.msk [tilespmem:v19+s14+$0x0], $0xffff;
	[tilespmem:s11+$0xC30] =	vst v18  }
0x20c: {  	v18 =	vor.u32 v42, v1;
	[tilespmem:s30+$0x870] =	vst v16;
	v12 =	vld.idx.msk [tilespmem:v12+s14+$0x0], $0xffff  }
0x20d: {  	v16 =	vor.u32 v42, v3;
	[tilespmem:s23+$0x410] =	vst v11;
	v11 =	vld.idx.msk [tilespmem:v21+s14+$0x0], $0xffff  }
0x20e: {  	v15 =	vld.idx.msk [tilespmem:v15+s14+$0x0], $0xffff;
	[tilespmem:s16+$0xC00] =	vst v13;
	v13 =	vor.u32 v61, v5  }
0x20f: {  	v21 =	vor.u32 v57, v7;
	[tilespmem:s10+$0x410] =	vst v22;
	v17 =	vld.idx.msk [tilespmem:v17+s14+$0x0], $0xffff  }
0x210: {  	v22 =	vld.idx.msk [tilespmem:v23+s14+$0x0], $0xffff;
	[tilespmem:s5+$0x410] =	vst v14;
	v14 =	vor.u32 v43, v10  }
0x211: {  	[tilespmem:s13+$0x410] =	vst v19;
	v18 =	vld.idx.msk [tilespmem:v18+s14+$0x0], $0xffff;
	v19 =	vor.u32 v57, v6  }
0x212: {  	v23 =	vor.u32 v43, v2;
	v16 =	vld.idx.msk [tilespmem:v16+s14+$0x0], $0xffff;
	[tilespmem:s11+$0xC40] =	vst v12  }
0x213: {  	v12 =	vor.u32 v43, v1;
	[tilespmem:s28+$0xC00] =	vst v20;
	v13 =	vld.idx.msk [tilespmem:v13+s14+$0x0], $0xffff  }
0x214: {  	v20 =	vor.u32 v43, v3;
	[tilespmem:s23+$0x420] =	vst v15;
	v15 =	vld.idx.msk [tilespmem:v21+s14+$0x0], $0xffff  }
0x215: {  	v14 =	vld.idx.msk [tilespmem:v14+s14+$0x0], $0xffff;
	[tilespmem:s30+$0xC00] =	vst v11;
	v11 =	vor.u32 v62, v5  }
0x216: {  	v21 =	vor.u32 v58, v8;
	[tilespmem:s10+$0x420] =	vst v22;
	v19 =	vld.idx.msk [tilespmem:v19+s14+$0x0], $0xffff  }
0x217: {  	v22 =	vld.idx.msk [tilespmem:v23+s14+$0x0], $0xffff;
	[tilespmem:s5+$0x420] =	vst v18;
	v18 =	vor.u32 v44, v10  }
0x218: {  	[tilespmem:s13+$0x420] =	vst v16;
	v12 =	vld.idx.msk [tilespmem:v12+s14+$0x0], $0xffff;
	v16 =	vor.u32 v58, v7  }
0x219: {  	v23 =	vor.u32 v44, v2;
	v20 =	vld.idx.msk [tilespmem:v20+s14+$0x0], $0xffff;
	[tilespmem:s11+$0xC50] =	vst v13  }
0x21a: {  	v13 =	vor.u32 v44, v1;
	[tilespmem:s16+$0xC10] =	vst v17;
	v11 =	vld.idx.msk [tilespmem:v11+s14+$0x0], $0xffff  }
0x21b: {  	v17 =	vor.u32 v44, v3;
	[tilespmem:s23+$0x430] =	vst v14;
	v14 =	vld.idx.msk [tilespmem:v21+s14+$0x0], $0xffff  }
0x21c: {  	v18 =	vld.idx.msk [tilespmem:v18+s14+$0x0], $0xffff;
	[tilespmem:s28+$0xC10] =	vst v15;
	v15 =	vor.u32 v63, v5;
	v5 =	vmov v10  }
0x21d: {  	v21 =	vor.u32 v58, v6;
	[tilespmem:s10+$0x430] =	vst v22;
	v16 =	vld.idx.msk [tilespmem:v16+s14+$0x0], $0xffff  }
0x21e: {  	s24 =	sadd.s32 $0x2, s21;
	v22 =	vld.idx.msk [tilespmem:v23+s14+$0x0], $0xffff;
	[tilespmem:s5+$0x430] =	vst v12;
	v12 =	vor.u32 v45, v5  }
0x21f: {  	v10 =	vmov s24;
	[tilespmem:s13+$0x430] =	vst v20;
	v13 =	vld.idx.msk [tilespmem:v13+s14+$0x0], $0xffff;
	v20 =	vor.u32 v59, v8  }
0x220: {  	v10 =	vand.u32 $0x1E, v10;
	v23 =	vor.u32 v45, v2;
	v17 =	vld.idx.msk [tilespmem:v17+s14+$0x0], $0xffff;
	[tilespmem:s11+$0xC60] =	vst v11  }
0x221: {  	v10 =	vbroadcast v10, $0x0;
	v11 =	vor.u32 v45, v1;
	[tilespmem:s30+$0xC10] =	vst v19;
	v15 =	vld.idx.msk [tilespmem:v15+s14+$0x0], $0xffff  }
0x222: {  	v19 =	vor.u32 v45, v3;
	[tilespmem:s23+$0x440] =	vst v18;
	v18 =	vld.idx.msk [tilespmem:v21+s14+$0x0], $0xffff  }
0x223: {  	v21 =	vor.u32 v27, v10;
	v12 =	vld.idx.msk [tilespmem:v12+s14+$0x0], $0xffff;
	[tilespmem:s16+$0xC20] =	vst v14  }
0x224: {  	[tilespmem:s10+$0x440] =	vst v22;
	v14 =	vld.idx.msk [tilespmem:v20+s14+$0x0], $0xffff;
	v20 =	vor.u32 v59, v7  }
0x225: {  	v22 =	vld.idx.msk [tilespmem:v23+s14+$0x0], $0xffff;
	[tilespmem:s5+$0x440] =	vst v13;
	v23 =	vor.u32 v46, v5  }
0x226: {  	[tilespmem:s13+$0x440] =	vst v17;
	v11 =	vld.idx.msk [tilespmem:v11+s14+$0x0], $0xffff;
	v17 =	vor.u32 v59, v6  }
0x227: {  	v24 =	vor.u32 v46, v2;
	v19 =	vld.idx.msk [tilespmem:v19+s14+$0x0], $0xffff;
	[tilespmem:s11+$0xC70] =	vst v15;
	s11 =	smov.u32 s23  }
0x228: {  	v15 =	vor.u32 v46, v1;
	v13 =	vld.idx.msk [tilespmem:v21+s14+$0x0], $0xffff;
	[tilespmem:s28+$0xC20] =	vst v16  }
0x229: {  	v16 =	vor.u32 v46, v3;
	[tilespmem:s11+$0x450] =	vst v12;
	v12 =	vld.idx.msk [tilespmem:v20+s14+$0x0], $0xffff  }
0x22a: {  	v20 =	vld.idx.msk [tilespmem:v23+s14+$0x0], $0xffff;
	[tilespmem:s30+$0xC20] =	vst v18;
	v18 =	vor.u32 v60, v8  }
0x22b: {  	v21 =	vor.u32 v60, v7;
	[tilespmem:s10+$0x450] =	vst v22;
	v17 =	vld.idx.msk [tilespmem:v17+s14+$0x0], $0xffff  }
0x22c: {  	v22 =	vld.idx.msk [tilespmem:v24+s14+$0x0], $0xffff;
	[tilespmem:s5+$0x450] =	vst v11;
	v11 =	vor.u32 v47, v5  }
0x22d: {  	[tilespmem:s13+$0x450] =	vst v19;
	v15 =	vld.idx.msk [tilespmem:v15+s14+$0x0], $0xffff;
	v19 =	vor.u32 v60, v6  }
0x22e: {  	v23 =	vor.u32 v47, v2;
	v16 =	vld.idx.msk [tilespmem:v16+s14+$0x0], $0xffff;
	[tilespmem:s16+$0xC30] =	vst v14  }
0x22f: {  	v14 =	vor.u32 v47, v1;
	v18 =	vld.idx.msk [tilespmem:v18+s14+$0x0], $0xffff;
	[tilespmem:s28+$0xC30] =	vst v12  }
0x230: {  	v12 =	vor.u32 v47, v3;
	[tilespmem:s11+$0x460] =	vst v20;
	v20 =	vld.idx.msk [tilespmem:v21+s14+$0x0], $0xffff  }
0x231: {  	v11 =	vld.idx.msk [tilespmem:v11+s14+$0x0], $0xffff;
	[tilespmem:s30+$0xC30] =	vst v17;
	v17 =	vor.u32 v61, v8  }
0x232: {  	v21 =	vor.u32 v61, v7;
	[tilespmem:s10+$0x460] =	vst v22;
	v19 =	vld.idx.msk [tilespmem:v19+s14+$0x0], $0xffff  }
0x233: {  	v22 =	vld.idx.msk [tilespmem:v23+s14+$0x0], $0xffff;
	[tilespmem:s5+$0x460] =	vst v15;
	v15 =	vor.u32 v48, v5  }
0x234: {  	[tilespmem:s13+$0x460] =	vst v16;
	v14 =	vld.idx.msk [tilespmem:v14+s14+$0x0], $0xffff;
	v16 =	vor.u32 v61, v6  }
0x235: {  	v23 =	vor.u32 v48, v2;
	v12 =	vld.idx.msk [tilespmem:v12+s14+$0x0], $0xffff;
	[tilespmem:s16+$0xC40] =	vst v18  }
0x236: {  	v18 =	vor.u32 v48, v1;
	v17 =	vld.idx.msk [tilespmem:v17+s14+$0x0], $0xffff;
	[tilespmem:s28+$0xC40] =	vst v20  }
0x237: {  	v25 =	vor.u32 v48, v3;
	[tilespmem:s11+$0x470] =	vst v11;
	v11 =	vld.idx.msk [tilespmem:v21+s14+$0x0], $0xffff  }
0x238: {  	v26 =	vor.u32 v62, v8;
	v21 =	vld.idx.msk [tilespmem:v15+s14+$0x0], $0xffff;
	[tilespmem:s30+$0xC40] =	vst v19  }
0x239: {  	v28 =	vor.u32 v62, v7;
	[tilespmem:s10+$0x470] =	vst v22;
	v22 =	vld.idx.msk [tilespmem:v16+s14+$0x0], $0xffff  }
.Ltmp0:
0x23a: {  	v24 =	vor.u32 v49, v5;
	v20 =	vld.idx.msk [tilespmem:v23+s14+$0x0], $0xffff;
	[tilespmem:s5+$0x470] =	vst v14;
	(pc) =	sbr.rel @p0 .LBB2_3-.Ltmp0, $4  }
0x23b: {  	v23 =	vor.u32 v62, v6;
	[tilespmem:s13+$0x470] =	vst v12;
	v18 =	vld.idx.msk [tilespmem:v18+s14+$0x0], $0xffff  }
0x23c: {  	v16 =	vor.u32 v49, v2;
	v19 =	vld.idx.msk [tilespmem:v25+s14+$0x0], $0xffff;
	[tilespmem:s16+$0xC50] =	vst v17  }
0x23d: {  	v15 =	vor.u32 v49, v1;
	v17 =	vld.idx.msk [tilespmem:v26+s14+$0x0], $0xffff;
	[tilespmem:s28+$0xC50] =	vst v11  }
0x23e: {  	s21 =	sadd.s32 $0x4, s21;
	s23 =	sadd.s32 $0x3, s20;
	v14 =	vor.u32 v49, v3;
	[tilespmem:s11+$0x800] =	vst v21;
	v21 =	vld.idx.msk [tilespmem:v28+s14+$0x0], $0xffff  }
0x23f: {  	v11 =	vmov s23  }
0x240: {  	v11 =	vand.u32 $0x1F, v11  }
0x241: {  	v12 =	vbroadcast v11, $0x0  }
0x242: {  	v11 =	vmov s20  }
0x243: {  	v11 =	vand.u32 $0x1C, v11;
	v25 =	vor.u32 v27, v12  }
0x244: {  	v11 =	vbroadcast v11, $0x0  }
0x245: {  	[tilespmem:s30+$0xC50] =	vst v22  }
0x246: {  	v22 =	vld.idx.msk [tilespmem:v24+s14+$0x0], $0xffff;
	[tilespmem:s10+$0x800] =	vst v20;
	v20 =	vor.u32 v27, v11  }
0x247: {  	[tilespmem:s5+$0x800] =	vst v18;
	v18 =	vld.idx.msk [tilespmem:v23+s14+$0x0], $0xffff  }
0x248: {  	[tilespmem:s13+$0x800] =	vst v19;
	v19 =	vld.idx.msk [tilespmem:v25+s14+$0x0], $0xffff  }
0x249: {  	s18 =	sadd.s32 $0x800, s18;
	[tilespmem:s16+$0xC60] =	vst v17;
	v17 =	vor.u32 v33, v12  }
0x24a: {  	s19 =	sadd.s32 $0x200, s19;
	s18 =	sand.u32 $0x3000, s18;
	[tilespmem:s28+$0xC60] =	vst v21;
	v21 =	vor.u32 v33, v4  }
0x24b: {  	s24 =	sand.u32 $0x380, s19;
	s25 =	sadd.s32 $0xFFFFFF00, s19;
	s21 =	sadd.s32 $0xE800, s18;
	[tilespmem:s11+$0x810] =	vst v22;
	v22 =	vor.u32 v33, v10;
	v20 =	vld.idx.msk [tilespmem:v20+s14+$0x0], $0xffff  }
0x24c: {  	v16 =	vld.idx.msk [tilespmem:v16+s14+$0x0], $0xffff;
	s26 =	sadd.s32 $0xFFFFFF80, s19;
	s20 =	sand.u32 $0x280, s25;
	s18 =	sor.u32 s24, s21;
	[tilespmem:s30+$0xC60] =	vst v18;
	v18 =	vor.u32 v33, v11  }
0x24d: {  	v15 =	vld.idx.msk [tilespmem:v15+s14+$0x0], $0xffff;
	s23 =	sand.u32 $0x300, s26;
	s24 =	sadd.s32 $0xFFFFFE80, s19;
	s25 =	sor.u32 s20, s21;
	[tilespmem:s18+$0x0] =	vst v19  }
0x24e: {  	v8 =	vor.u32 v63, v8;
	s26 =	sor.u32 s23, s21;
	s24 =	sand.u32 $0x200, s24;
	[tilespmem:s25+$0x0] =	vst v9;
	v17 =	vld.idx.msk [tilespmem:v17+s14+$0x0], $0xffff  }
0x24f: {  	[tilespmem:s26+$0x0] =	vst v13;
	v13 =	vor.u32 v34, v12;
	s21 =	sor.u32 s24, s21;
	v9 =	vld.idx.msk [tilespmem:v21+s14+$0x0], $0xffff  }
0x250: {  	v19 =	vld.idx.msk [tilespmem:v22+s14+$0x0], $0xffff;
	[tilespmem:s21+$0x0] =	vst v20;
	v20 =	vor.u32 v34, v4  }
0x251: {  	[tilespmem:s10+$0x810] =	vst v16;
	v16 =	vld.idx.msk [tilespmem:v18+s14+$0x0], $0xffff;
	v18 =	vor.u32 v34, v10  }
0x252: {  	v14 =	vld.idx.msk [tilespmem:v14+s14+$0x0], $0xffff;
	[tilespmem:s5+$0x810] =	vst v15;
	v15 =	vor.u32 v34, v11  }
0x253: {  	v7 =	vor.u32 v63, v7;
	v8 =	vld.idx.msk [tilespmem:v8+s14+$0x0], $0xffff;
	[tilespmem:s18+$0x10] =	vst v17  }
0x254: {  	[tilespmem:s25+$0x10] =	vst v9;
	v17 =	vor.u32 v50, v5;
	v13 =	vld.idx.msk [tilespmem:v13+s14+$0x0], $0xffff  }
0x255: {  	[tilespmem:s26+$0x10] =	vst v19;
	v19 =	vor.u32 v35, v12;
	v9 =	vld.idx.msk [tilespmem:v20+s14+$0x0], $0xffff  }
0x256: {  	[tilespmem:s21+$0x10] =	vst v16;
	v16 =	vld.idx.msk [tilespmem:v18+s14+$0x0], $0xffff;
	v18 =	vor.u32 v35, v4  }
0x257: {  	[tilespmem:s13+$0x810] =	vst v14;
	v14 =	vld.idx.msk [tilespmem:v15+s14+$0x0], $0xffff;
	v15 =	vor.u32 v35, v10  }
0x258: {  	v7 =	vld.idx.msk [tilespmem:v7+s14+$0x0], $0xffff;
	[tilespmem:s16+$0xC70] =	vst v8;
	v8 =	vor.u32 v35, v11  }
0x259: {  	v6 =	vor.u32 v63, v6;
	v17 =	vld.idx.msk [tilespmem:v17+s14+$0x0], $0xffff;
	[tilespmem:s18+$0x20] =	vst v13  }
0x25a: {  	v13 =	vor.u32 v50, v2;
	[tilespmem:s25+$0x20] =	vst v9;
	v19 =	vld.idx.msk [tilespmem:v19+s14+$0x0], $0xffff  }
0x25b: {  	v9 =	vld.idx.msk [tilespmem:v18+s14+$0x0], $0xffff;
	[tilespmem:s26+$0x20] =	vst v16;
	v16 =	vor.u32 v36, v12  }
0x25c: {  	[tilespmem:s21+$0x20] =	vst v14;
	v14 =	vld.idx.msk [tilespmem:v15+s14+$0x0], $0xffff;
	v15 =	vor.u32 v36, v4  }
0x25d: {  	[tilespmem:s28+$0xC70] =	vst v7;
	v7 =	vld.idx.msk [tilespmem:v8+s14+$0x0], $0xffff;
	v8 =	vor.u32 v36, v10  }
0x25e: {  	v6 =	vld.idx.msk [tilespmem:v6+s14+$0x0], $0xffff;
	[tilespmem:s11+$0x820] =	vst v17;
	v17 =	vor.u32 v36, v11  }
0x25f: {  	v18 =	vor.u32 v51, v5;
	v13 =	vld.idx.msk [tilespmem:v13+s14+$0x0], $0xffff;
	[tilespmem:s18+$0x30] =	vst v19  }
0x260: {  	v19 =	vor.u32 v50, v1;
	[tilespmem:s25+$0x30] =	vst v9;
	v16 =	vld.idx.msk [tilespmem:v16+s14+$0x0], $0xffff  }
0x261: {  	v9 =	vld.idx.msk [tilespmem:v15+s14+$0x0], $0xffff;
	[tilespmem:s26+$0x30] =	vst v14;
	v14 =	vor.u32 v37, v12  }
0x262: {  	[tilespmem:s21+$0x30] =	vst v7;
	v7 =	vld.idx.msk [tilespmem:v8+s14+$0x0], $0xffff;
	v8 =	vor.u32 v37, v4  }
0x263: {  	[tilespmem:s30+$0xC70] =	vst v6;
	v15 =	vor.u32 v37, v10;
	v6 =	vld.idx.msk [tilespmem:v17+s14+$0x0], $0xffff  }
0x264: {  	v17 =	vld.idx.msk [tilespmem:v18+s14+$0x0], $0xffff;
	[tilespmem:s10+$0x820] =	vst v13;
	v13 =	vor.u32 v37, v11  }
0x265: {  	v18 =	vor.u32 v50, v3;
	v19 =	vld.idx.msk [tilespmem:v19+s14+$0x0], $0xffff;
	[tilespmem:s18+$0x40] =	vst v16  }
0x266: {  	v16 =	vor.u32 v52, v5;
	[tilespmem:s25+$0x40] =	vst v9;
	v14 =	vld.idx.msk [tilespmem:v14+s14+$0x0], $0xffff  }
0x267: {  	v8 =	vld.idx.msk [tilespmem:v8+s14+$0x0], $0xffff;
	[tilespmem:s26+$0x40] =	vst v7;
	v7 =	vor.u32 v38, v12  }
0x268: {  	v9 =	vor.u32 v38, v4;
	[tilespmem:s21+$0x40] =	vst v6;
	v6 =	vld.idx.msk [tilespmem:v15+s14+$0x0], $0xffff  }
0x269: {  	[tilespmem:s11+$0x830] =	vst v17;
	v15 =	vor.u32 v38, v10;
	v13 =	vld.idx.msk [tilespmem:v13+s14+$0x0], $0xffff  }
0x26a: {  	v17 =	vld.idx.msk [tilespmem:v18+s14+$0x0], $0xffff;
	v18 =	vor.u32 v38, v11;
	[tilespmem:s5+$0x820] =	vst v19  }
0x26b: {  	v19 =	vor.u32 v51, v2;
	v16 =	vld.idx.msk [tilespmem:v16+s14+$0x0], $0xffff;
	[tilespmem:s18+$0x50] =	vst v14  }
0x26c: {  	v14 =	vor.u32 v51, v1;
	[tilespmem:s25+$0x50] =	vst v8;
	v7 =	vld.idx.msk [tilespmem:v7+s14+$0x0], $0xffff  }
0x26d: {  	v8 =	vld.idx.msk [tilespmem:v9+s14+$0x0], $0xffff;
	[tilespmem:s26+$0x50] =	vst v6;
	v6 =	vor.u32 v39, v12  }
0x26e: {  	[tilespmem:s21+$0x50] =	vst v13;
	v9 =	vld.idx.msk [tilespmem:v15+s14+$0x0], $0xffff;
	v13 =	vor.u32 v39, v4  }
0x26f: {  	[tilespmem:s13+$0x820] =	vst v17;
	v17 =	vor.u32 v39, v10;
	v15 =	vld.idx.msk [tilespmem:v18+s14+$0x0], $0xffff  }
0x270: {  	v18 =	vld.idx.msk [tilespmem:v19+s14+$0x0], $0xffff;
	[tilespmem:s11+$0x840] =	vst v16;
	v16 =	vor.u32 v39, v11  }
0x271: {  	v19 =	vor.u32 v53, v5;
	v14 =	vld.idx.msk [tilespmem:v14+s14+$0x0], $0xffff;
	[tilespmem:s18+$0x60] =	vst v7  }
0x272: {  	v7 =	vor.u32 v51, v3;
	[tilespmem:s25+$0x60] =	vst v8;
	v6 =	vld.idx.msk [tilespmem:v6+s14+$0x0], $0xffff  }
0x273: {  	v8 =	vld.idx.msk [tilespmem:v13+s14+$0x0], $0xffff;
	[tilespmem:s26+$0x60] =	vst v9;
	v9 =	vor.u32 v40, v12  }
0x274: {  	[tilespmem:s21+$0x60] =	vst v15;
	v13 =	vld.idx.msk [tilespmem:v17+s14+$0x0], $0xffff;
	v15 =	vor.u32 v40, v4  }
0x275: {  	[tilespmem:s10+$0x830] =	vst v18;
	v17 =	vor.u32 v40, v10;
	v16 =	vld.idx.msk [tilespmem:v16+s14+$0x0], $0xffff  }
0x276: {  	v18 =	vld.idx.msk [tilespmem:v19+s14+$0x0], $0xffff;
	[tilespmem:s5+$0x830] =	vst v14;
	v14 =	vor.u32 v40, v11  }
0x277: {  	v19 =	vor.u32 v52, v2;
	v7 =	vld.idx.msk [tilespmem:v7+s14+$0x0], $0xffff;
	[tilespmem:s18+$0x70] =	vst v6  }
0x278: {  	v6 =	vor.u32 v54, v5;
	[tilespmem:s25+$0x70] =	vst v8;
	v9 =	vld.idx.msk [tilespmem:v9+s14+$0x0], $0xffff  }
0x279: {  	v8 =	vld.idx.msk [tilespmem:v15+s14+$0x0], $0xffff;
	[tilespmem:s26+$0x70] =	vst v13;
	v13 =	vor.u32 v41, v12  }
0x27a: {  	[tilespmem:s21+$0x70] =	vst v16;
	v15 =	vld.idx.msk [tilespmem:v17+s14+$0x0], $0xffff;
	v16 =	vor.u32 v41, v4  }
0x27b: {  	[tilespmem:s11+$0x850] =	vst v18;
	v17 =	vor.u32 v41, v10;
	v14 =	vld.idx.msk [tilespmem:v14+s14+$0x0], $0xffff  }
0x27c: {  	v18 =	vld.idx.msk [tilespmem:v19+s14+$0x0], $0xffff;
	[tilespmem:s13+$0x830] =	vst v7;
	v7 =	vor.u32 v41, v11  }
0x27d: {  	v19 =	vor.u32 v52, v1;
	v6 =	vld.idx.msk [tilespmem:v6+s14+$0x0], $0xffff;
	[tilespmem:s18+$0x400] =	vst v9  }
0x27e: {  	v9 =	vor.u32 v52, v3;
	[tilespmem:s25+$0x400] =	vst v8;
	v13 =	vld.idx.msk [tilespmem:v13+s14+$0x0], $0xffff  }
0x27f: {  	v8 =	vld.idx.msk [tilespmem:v16+s14+$0x0], $0xffff;
	[tilespmem:s26+$0x400] =	vst v15;
	v15 =	vor.u32 v42, v12  }
0x280: {  	v16 =	vor.u32 v42, v4;
	[tilespmem:s21+$0x400] =	vst v14;
	v14 =	vld.idx.msk [tilespmem:v17+s14+$0x0], $0xffff  }
0x281: {  	[tilespmem:s10+$0x840] =	vst v18;
	v17 =	vor.u32 v42, v10;
	v7 =	vld.idx.msk [tilespmem:v7+s14+$0x0], $0xffff  }
0x282: {  	v18 =	vld.idx.msk [tilespmem:v19+s14+$0x0], $0xffff;
	[tilespmem:s11+$0x860] =	vst v6;
	v6 =	vor.u32 v42, v11  }
0x283: {  	v19 =	vor.u32 v55, v5;
	v9 =	vld.idx.msk [tilespmem:v9+s14+$0x0], $0xffff;
	[tilespmem:s18+$0x410] =	vst v13  }
0x284: {  	v13 =	vor.u32 v53, v2;
	[tilespmem:s25+$0x410] =	vst v8;
	v15 =	vld.idx.msk [tilespmem:v15+s14+$0x0], $0xffff  }
0x285: {  	v8 =	vld.idx.msk [tilespmem:v16+s14+$0x0], $0xffff;
	[tilespmem:s26+$0x410] =	vst v14;
	v14 =	vor.u32 v43, v12  }
0x286: {  	v16 =	vor.u32 v43, v4;
	[tilespmem:s21+$0x410] =	vst v7;
	v7 =	vld.idx.msk [tilespmem:v17+s14+$0x0], $0xffff  }
0x287: {  	[tilespmem:s5+$0x840] =	vst v18;
	v17 =	vor.u32 v43, v10;
	v6 =	vld.idx.msk [tilespmem:v6+s14+$0x0], $0xffff  }
0x288: {  	v18 =	vld.idx.msk [tilespmem:v19+s14+$0x0], $0xffff;
	[tilespmem:s13+$0x840] =	vst v9;
	v9 =	vor.u32 v43, v11  }
0x289: {  	v19 =	vor.u32 v53, v1;
	v13 =	vld.idx.msk [tilespmem:v13+s14+$0x0], $0xffff;
	[tilespmem:s18+$0x420] =	vst v15  }
0x28a: {  	v15 =	vor.u32 v56, v5;
	[tilespmem:s25+$0x420] =	vst v8;
	v14 =	vld.idx.msk [tilespmem:v14+s14+$0x0], $0xffff  }
0x28b: {  	v8 =	vld.idx.msk [tilespmem:v16+s14+$0x0], $0xffff;
	[tilespmem:s26+$0x420] =	vst v7;
	v7 =	vor.u32 v44, v12  }
0x28c: {  	v16 =	vor.u32 v44, v4;
	[tilespmem:s21+$0x420] =	vst v6;
	v6 =	vld.idx.msk [tilespmem:v17+s14+$0x0], $0xffff  }
0x28d: {  	[tilespmem:s11+$0x870] =	vst v18;
	v17 =	vor.u32 v44, v10;
	v9 =	vld.idx.msk [tilespmem:v9+s14+$0x0], $0xffff  }
0x28e: {  	v18 =	vld.idx.msk [tilespmem:v19+s14+$0x0], $0xffff;
	[tilespmem:s10+$0x850] =	vst v13;
	v13 =	vor.u32 v44, v11  }
0x28f: {  	v19 =	vor.u32 v53, v3;
	v15 =	vld.idx.msk [tilespmem:v15+s14+$0x0], $0xffff;
	[tilespmem:s18+$0x430] =	vst v14  }
0x290: {  	v14 =	vor.u32 v54, v2;
	[tilespmem:s25+$0x430] =	vst v8;
	v7 =	vld.idx.msk [tilespmem:v7+s14+$0x0], $0xffff  }
0x291: {  	v8 =	vld.idx.msk [tilespmem:v16+s14+$0x0], $0xffff;
	[tilespmem:s26+$0x430] =	vst v6;
	v6 =	vor.u32 v45, v12  }
0x292: {  	v16 =	vor.u32 v45, v4;
	[tilespmem:s21+$0x430] =	vst v9;
	v9 =	vld.idx.msk [tilespmem:v17+s14+$0x0], $0xffff  }
0x293: {  	[tilespmem:s5+$0x850] =	vst v18;
	v17 =	vor.u32 v45, v10;
	v13 =	vld.idx.msk [tilespmem:v13+s14+$0x0], $0xffff  }
0x294: {  	v18 =	vld.idx.msk [tilespmem:v19+s14+$0x0], $0xffff;
	[tilespmem:s11+$0xC00] =	vst v15;
	v15 =	vor.u32 v45, v11  }
0x295: {  	v19 =	vor.u32 v57, v5;
	v14 =	vld.idx.msk [tilespmem:v14+s14+$0x0], $0xffff;
	[tilespmem:s18+$0x440] =	vst v7  }
0x296: {  	v7 =	vor.u32 v54, v1;
	[tilespmem:s25+$0x440] =	vst v8;
	v6 =	vld.idx.msk [tilespmem:v6+s14+$0x0], $0xffff  }
0x297: {  	v8 =	vld.idx.msk [tilespmem:v16+s14+$0x0], $0xffff;
	[tilespmem:s26+$0x440] =	vst v9;
	v9 =	vor.u32 v46, v12  }
0x298: {  	v16 =	vor.u32 v46, v4;
	[tilespmem:s21+$0x440] =	vst v13;
	v13 =	vld.idx.msk [tilespmem:v17+s14+$0x0], $0xffff  }
0x299: {  	[tilespmem:s13+$0x850] =	vst v18;
	v17 =	vor.u32 v46, v10;
	v15 =	vld.idx.msk [tilespmem:v15+s14+$0x0], $0xffff  }
0x29a: {  	v18 =	vld.idx.msk [tilespmem:v19+s14+$0x0], $0xffff;
	[tilespmem:s10+$0x860] =	vst v14;
	v14 =	vor.u32 v46, v11  }
0x29b: {  	v19 =	vor.u32 v54, v3;
	v7 =	vld.idx.msk [tilespmem:v7+s14+$0x0], $0xffff;
	[tilespmem:s18+$0x450] =	vst v6  }
0x29c: {  	v6 =	vor.u32 v58, v5;
	[tilespmem:s25+$0x450] =	vst v8;
	v9 =	vld.idx.msk [tilespmem:v9+s14+$0x0], $0xffff  }
0x29d: {  	v8 =	vld.idx.msk [tilespmem:v16+s14+$0x0], $0xffff;
	[tilespmem:s26+$0x450] =	vst v13;
	v13 =	vor.u32 v47, v12  }
0x29e: {  	v16 =	vor.u32 v47, v4;
	[tilespmem:s21+$0x450] =	vst v15;
	v15 =	vld.idx.msk [tilespmem:v17+s14+$0x0], $0xffff  }
0x29f: {  	[tilespmem:s11+$0xC10] =	vst v18;
	v17 =	vor.u32 v47, v10;
	v14 =	vld.idx.msk [tilespmem:v14+s14+$0x0], $0xffff  }
0x2a0: {  	v18 =	vld.idx.msk [tilespmem:v19+s14+$0x0], $0xffff;
	[tilespmem:s5+$0x860] =	vst v7;
	v7 =	vor.u32 v47, v11  }
0x2a1: {  	v19 =	vor.u32 v55, v2;
	v6 =	vld.idx.msk [tilespmem:v6+s14+$0x0], $0xffff;
	[tilespmem:s18+$0x460] =	vst v9  }
0x2a2: {  	v9 =	vor.u32 v55, v1;
	[tilespmem:s25+$0x460] =	vst v8;
	v13 =	vld.idx.msk [tilespmem:v13+s14+$0x0], $0xffff  }
0x2a3: {  	v8 =	vld.idx.msk [tilespmem:v16+s14+$0x0], $0xffff;
	[tilespmem:s26+$0x460] =	vst v15;
	v15 =	vor.u32 v48, v12  }
0x2a4: {  	v16 =	vor.u32 v48, v4;
	[tilespmem:s21+$0x460] =	vst v14;
	v14 =	vld.idx.msk [tilespmem:v17+s14+$0x0], $0xffff  }
0x2a5: {  	[tilespmem:s13+$0x860] =	vst v18;
	v17 =	vor.u32 v48, v10;
	v7 =	vld.idx.msk [tilespmem:v7+s14+$0x0], $0xffff  }
0x2a6: {  	v18 =	vld.idx.msk [tilespmem:v19+s14+$0x0], $0xffff;
	[tilespmem:s11+$0xC20] =	vst v6;
	v6 =	vor.u32 v48, v11  }
0x2a7: {  	v19 =	vor.u32 v59, v5;
	v9 =	vld.idx.msk [tilespmem:v9+s14+$0x0], $0xffff;
	[tilespmem:s18+$0x470] =	vst v13  }
0x2a8: {  	v13 =	vor.u32 v55, v3;
	[tilespmem:s25+$0x470] =	vst v8;
	v15 =	vld.idx.msk [tilespmem:v15+s14+$0x0], $0xffff  }
0x2a9: {  	v8 =	vld.idx.msk [tilespmem:v16+s14+$0x0], $0xffff;
	[tilespmem:s26+$0x470] =	vst v14;
	v14 =	vor.u32 v49, v12  }
0x2aa: {  	v16 =	vor.u32 v49, v4;
	[tilespmem:s21+$0x470] =	vst v7;
	v7 =	vld.idx.msk [tilespmem:v17+s14+$0x0], $0xffff  }
0x2ab: {  	[tilespmem:s10+$0x870] =	vst v18;
	v17 =	vor.u32 v49, v10;
	v6 =	vld.idx.msk [tilespmem:v6+s14+$0x0], $0xffff  }
0x2ac: {  	v18 =	vld.idx.msk [tilespmem:v19+s14+$0x0], $0xffff;
	[tilespmem:s5+$0x870] =	vst v9;
	v9 =	vor.u32 v49, v11  }
0x2ad: {  	v19 =	vor.u32 v56, v2;
	v13 =	vld.idx.msk [tilespmem:v13+s14+$0x0], $0xffff;
	[tilespmem:s18+$0x800] =	vst v15  }
0x2ae: {  	v15 =	vor.u32 v60, v5;
	[tilespmem:s25+$0x800] =	vst v8;
	v14 =	vld.idx.msk [tilespmem:v14+s14+$0x0], $0xffff  }
0x2af: {  	v8 =	vld.idx.msk [tilespmem:v16+s14+$0x0], $0xffff;
	[tilespmem:s26+$0x800] =	vst v7;
	v7 =	vor.u32 v50, v12  }
0x2b0: {  	v16 =	vor.u32 v50, v4;
	[tilespmem:s21+$0x800] =	vst v6;
	v6 =	vld.idx.msk [tilespmem:v17+s14+$0x0], $0xffff  }
0x2b1: {  	[tilespmem:s11+$0xC30] =	vst v18;
	v17 =	vor.u32 v50, v10;
	v9 =	vld.idx.msk [tilespmem:v9+s14+$0x0], $0xffff  }
0x2b2: {  	v18 =	vld.idx.msk [tilespmem:v19+s14+$0x0], $0xffff;
	[tilespmem:s13+$0x870] =	vst v13;
	v13 =	vor.u32 v50, v11  }
0x2b3: {  	v19 =	vor.u32 v56, v1;
	v15 =	vld.idx.msk [tilespmem:v15+s14+$0x0], $0xffff;
	[tilespmem:s18+$0x810] =	vst v14  }
0x2b4: {  	v14 =	vor.u32 v56, v3;
	[tilespmem:s25+$0x810] =	vst v8;
	v7 =	vld.idx.msk [tilespmem:v7+s14+$0x0], $0xffff  }
0x2b5: {  	[tilespmem:s26+$0x810] =	vst v6;
	v6 =	vor.u32 v51, v12;
	v8 =	vld.idx.msk [tilespmem:v16+s14+$0x0], $0xffff  }
0x2b6: {  	v16 =	vor.u32 v51, v4;
	[tilespmem:s21+$0x810] =	vst v9;
	v9 =	vld.idx.msk [tilespmem:v17+s14+$0x0], $0xffff  }
0x2b7: {  	[tilespmem:s10+$0xC00] =	vst v18;
	v17 =	vor.u32 v51, v10;
	v13 =	vld.idx.msk [tilespmem:v13+s14+$0x0], $0xffff  }
0x2b8: {  	v18 =	vld.idx.msk [tilespmem:v19+s14+$0x0], $0xffff;
	[tilespmem:s11+$0xC40] =	vst v15;
	v15 =	vor.u32 v51, v11  }
0x2b9: {  	v19 =	vor.u32 v61, v5;
	v14 =	vld.idx.msk [tilespmem:v14+s14+$0x0], $0xffff;
	[tilespmem:s18+$0x820] =	vst v7  }
0x2ba: {  	v7 =	vor.u32 v57, v2;
	[tilespmem:s25+$0x820] =	vst v8;
	v6 =	vld.idx.msk [tilespmem:v6+s14+$0x0], $0xffff  }
0x2bb: {  	v8 =	vor.u32 v52, v12;
	v16 =	vld.idx.msk [tilespmem:v16+s14+$0x0], $0xffff;
	[tilespmem:s26+$0x820] =	vst v9  }
0x2bc: {  	v9 =	vld.idx.msk [tilespmem:v17+s14+$0x0], $0xffff;
	[tilespmem:s21+$0x820] =	vst v13;
	v13 =	vor.u32 v52, v4  }
0x2bd: {  	[tilespmem:s5+$0xC00] =	vst v18;
	v17 =	vor.u32 v52, v10;
	v15 =	vld.idx.msk [tilespmem:v15+s14+$0x0], $0xffff  }
0x2be: {  	v18 =	vld.idx.msk [tilespmem:v19+s14+$0x0], $0xffff;
	[tilespmem:s13+$0xC00] =	vst v14;
	v14 =	vor.u32 v52, v11  }
0x2bf: {  	v19 =	vor.u32 v57, v1;
	v7 =	vld.idx.msk [tilespmem:v7+s14+$0x0], $0xffff;
	[tilespmem:s18+$0x830] =	vst v6  }
0x2c0: {  	v6 =	vor.u32 v62, v5;
	[tilespmem:s25+$0x830] =	vst v16;
	v8 =	vld.idx.msk [tilespmem:v8+s14+$0x0], $0xffff  }
0x2c1: {  	v16 =	vor.u32 v53, v12;
	v13 =	vld.idx.msk [tilespmem:v13+s14+$0x0], $0xffff;
	[tilespmem:s26+$0x830] =	vst v9  }
0x2c2: {  	v9 =	vld.idx.msk [tilespmem:v17+s14+$0x0], $0xffff;
	v17 =	vor.u32 v53, v4;
	[tilespmem:s21+$0x830] =	vst v15  }
0x2c3: {  	[tilespmem:s11+$0xC50] =	vst v18;
	v15 =	vor.u32 v53, v10;
	v14 =	vld.idx.msk [tilespmem:v14+s14+$0x0], $0xffff  }
0x2c4: {  	v18 =	vld.idx.msk [tilespmem:v19+s14+$0x0], $0xffff;
	[tilespmem:s10+$0xC10] =	vst v7;
	v7 =	vor.u32 v53, v11  }
0x2c5: {  	v19 =	vor.u32 v57, v3;
	v6 =	vld.idx.msk [tilespmem:v6+s14+$0x0], $0xffff;
	[tilespmem:s18+$0x840] =	vst v8  }
0x2c6: {  	v8 =	vor.u32 v58, v2;
	[tilespmem:s25+$0x840] =	vst v13;
	v16 =	vld.idx.msk [tilespmem:v16+s14+$0x0], $0xffff  }
0x2c7: {  	v13 =	vor.u32 v54, v12;
	v17 =	vld.idx.msk [tilespmem:v17+s14+$0x0], $0xffff;
	[tilespmem:s26+$0x840] =	vst v9  }
0x2c8: {  	v9 =	vld.idx.msk [tilespmem:v15+s14+$0x0], $0xffff;
	[tilespmem:s21+$0x840] =	vst v14;
	v14 =	vor.u32 v54, v4  }
0x2c9: {  	[tilespmem:s5+$0xC10] =	vst v18;
	v15 =	vor.u32 v54, v10;
	v7 =	vld.idx.msk [tilespmem:v7+s14+$0x0], $0xffff  }
0x2ca: {  	v18 =	vld.idx.msk [tilespmem:v19+s14+$0x0], $0xffff;
	[tilespmem:s11+$0xC60] =	vst v6;
	v6 =	vor.u32 v54, v11  }
0x2cb: {  	v5 =	vor.u32 v63, v5;
	v8 =	vld.idx.msk [tilespmem:v8+s14+$0x0], $0xffff;
	[tilespmem:s18+$0x850] =	vst v16  }
0x2cc: {  	v16 =	vor.u32 v58, v1;
	[tilespmem:s25+$0x850] =	vst v17;
	v13 =	vld.idx.msk [tilespmem:v13+s14+$0x0], $0xffff  }
0x2cd: {  	v17 =	vor.u32 v55, v12;
	v14 =	vld.idx.msk [tilespmem:v14+s14+$0x0], $0xffff;
	[tilespmem:s26+$0x850] =	vst v9  }
0x2ce: {  	v9 =	vld.idx.msk [tilespmem:v15+s14+$0x0], $0xffff;
	v15 =	vor.u32 v55, v4;
	[tilespmem:s21+$0x850] =	vst v7  }
0x2cf: {  	[tilespmem:s13+$0xC10] =	vst v18;
	v7 =	vor.u32 v55, v10;
	v6 =	vld.idx.msk [tilespmem:v6+s14+$0x0], $0xffff  }
0x2d0: {  	v5 =	vld.idx.msk [tilespmem:v5+s14+$0x0], $0xffff;
	[tilespmem:s10+$0xC20] =	vst v8;
	v8 =	vor.u32 v55, v11  }
0x2d1: {  	v18 =	vor.u32 v58, v3;
	v16 =	vld.idx.msk [tilespmem:v16+s14+$0x0], $0xffff;
	[tilespmem:s18+$0x860] =	vst v13  }
0x2d2: {  	v13 =	vor.u32 v59, v2;
	[tilespmem:s25+$0x860] =	vst v14;
	v17 =	vld.idx.msk [tilespmem:v17+s14+$0x0], $0xffff  }
0x2d3: {  	v14 =	vor.u32 v56, v12;
	v15 =	vld.idx.msk [tilespmem:v15+s14+$0x0], $0xffff;
	[tilespmem:s26+$0x860] =	vst v9  }
0x2d4: {  	v7 =	vld.idx.msk [tilespmem:v7+s14+$0x0], $0xffff;
	[tilespmem:s21+$0x860] =	vst v6;
	v6 =	vor.u32 v56, v4  }
0x2d5: {  	[tilespmem:s11+$0xC70] =	vst v5;
	v5 =	vld.idx.msk [tilespmem:v8+s14+$0x0], $0xffff;
	v8 =	vor.u32 v56, v10  }
0x2d6: {  	v9 =	vld.idx.msk [tilespmem:v18+s14+$0x0], $0xffff;
	[tilespmem:s5+$0xC20] =	vst v16;
	v16 =	vor.u32 v56, v11  }
0x2d7: {  	v18 =	vor.u32 v59, v1;
	v13 =	vld.idx.msk [tilespmem:v13+s14+$0x0], $0xffff;
	[tilespmem:s18+$0x870] =	vst v17  }
0x2d8: {  	v17 =	vor.u32 v59, v3;
	[tilespmem:s25+$0x870] =	vst v15;
	v14 =	vld.idx.msk [tilespmem:v14+s14+$0x0], $0xffff  }
0x2d9: {  	v15 =	vor.u32 v57, v12;
	v6 =	vld.idx.msk [tilespmem:v6+s14+$0x0], $0xffff;
	[tilespmem:s26+$0x870] =	vst v7  }
0x2da: {  	v7 =	vld.idx.msk [tilespmem:v8+s14+$0x0], $0xffff;
	v8 =	vor.u32 v57, v4;
	[tilespmem:s21+$0x870] =	vst v5  }
0x2db: {  	[tilespmem:s13+$0xC20] =	vst v9;
	v9 =	vor.u32 v57, v10;
	v5 =	vld.idx.msk [tilespmem:v16+s14+$0x0], $0xffff  }
0x2dc: {  	v16 =	vld.idx.msk [tilespmem:v18+s14+$0x0], $0xffff;
	[tilespmem:s10+$0xC30] =	vst v13;
	v13 =	vor.u32 v57, v11  }
0x2dd: {  	v18 =	vor.u32 v60, v2;
	v17 =	vld.idx.msk [tilespmem:v17+s14+$0x0], $0xffff;
	[tilespmem:s18+$0xC00] =	vst v14  }
0x2de: {  	v14 =	vor.u32 v60, v1;
	[tilespmem:s25+$0xC00] =	vst v6;
	v15 =	vld.idx.msk [tilespmem:v15+s14+$0x0], $0xffff  }
0x2df: {  	v6 =	vor.u32 v58, v12;
	v8 =	vld.idx.msk [tilespmem:v8+s14+$0x0], $0xffff;
	[tilespmem:s26+$0xC00] =	vst v7  }
0x2e0: {  	v7 =	vld.idx.msk [tilespmem:v9+s14+$0x0], $0xffff;
	[tilespmem:s21+$0xC00] =	vst v5;
	v5 =	vor.u32 v58, v4  }
0x2e1: {  	[tilespmem:s5+$0xC30] =	vst v16;
	v9 =	vld.idx.msk [tilespmem:v13+s14+$0x0], $0xffff;
	v13 =	vor.u32 v58, v10  }
0x2e2: {  	v16 =	vld.idx.msk [tilespmem:v18+s14+$0x0], $0xffff;
	[tilespmem:s13+$0xC30] =	vst v17;
	v17 =	vor.u32 v58, v11  }
0x2e3: {  	v18 =	vor.u32 v60, v3;
	v14 =	vld.idx.msk [tilespmem:v14+s14+$0x0], $0xffff;
	[tilespmem:s18+$0xC10] =	vst v15  }
0x2e4: {  	v15 =	vor.u32 v61, v2;
	[tilespmem:s25+$0xC10] =	vst v8;
	v6 =	vld.idx.msk [tilespmem:v6+s14+$0x0], $0xffff  }
0x2e5: {  	v8 =	vor.u32 v59, v12;
	v5 =	vld.idx.msk [tilespmem:v5+s14+$0x0], $0xffff;
	[tilespmem:s26+$0xC10] =	vst v7  }
0x2e6: {  	v7 =	vld.idx.msk [tilespmem:v13+s14+$0x0], $0xffff;
	v13 =	vor.u32 v59, v4;
	[tilespmem:s21+$0xC10] =	vst v9  }
0x2e7: {  	[tilespmem:s10+$0xC40] =	vst v16;
	v16 =	vor.u32 v59, v10;
	v9 =	vld.idx.msk [tilespmem:v17+s14+$0x0], $0xffff  }
0x2e8: {  	v17 =	vld.idx.msk [tilespmem:v18+s14+$0x0], $0xffff;
	[tilespmem:s5+$0xC40] =	vst v14;
	v14 =	vor.u32 v59, v11  }
0x2e9: {  	v18 =	vor.u32 v61, v1;
	v15 =	vld.idx.msk [tilespmem:v15+s14+$0x0], $0xffff;
	[tilespmem:s18+$0xC20] =	vst v6  }
0x2ea: {  	v6 =	vor.u32 v61, v3;
	[tilespmem:s25+$0xC20] =	vst v5;
	v8 =	vld.idx.msk [tilespmem:v8+s14+$0x0], $0xffff  }
0x2eb: {  	v5 =	vor.u32 v60, v12;
	v13 =	vld.idx.msk [tilespmem:v13+s14+$0x0], $0xffff;
	[tilespmem:s26+$0xC20] =	vst v7  }
0x2ec: {  	v7 =	vld.idx.msk [tilespmem:v16+s14+$0x0], $0xffff;
	[tilespmem:s21+$0xC20] =	vst v9;
	v9 =	vor.u32 v60, v4  }
0x2ed: {  	[tilespmem:s13+$0xC40] =	vst v17;
	v16 =	vor.u32 v60, v10;
	v14 =	vld.idx.msk [tilespmem:v14+s14+$0x0], $0xffff  }
0x2ee: {  	v17 =	vld.idx.msk [tilespmem:v18+s14+$0x0], $0xffff;
	[tilespmem:s10+$0xC50] =	vst v15;
	v15 =	vor.u32 v60, v11  }
0x2ef: {  	v18 =	vor.u32 v62, v2;
	v6 =	vld.idx.msk [tilespmem:v6+s14+$0x0], $0xffff;
	[tilespmem:s18+$0xC30] =	vst v8  }
0x2f0: {  	v8 =	vor.u32 v62, v1;
	[tilespmem:s25+$0xC30] =	vst v13;
	v5 =	vld.idx.msk [tilespmem:v5+s14+$0x0], $0xffff  }
0x2f1: {  	v13 =	vor.u32 v61, v12;
	v9 =	vld.idx.msk [tilespmem:v9+s14+$0x0], $0xffff;
	[tilespmem:s26+$0xC30] =	vst v7  }
0x2f2: {  	v7 =	vld.idx.msk [tilespmem:v16+s14+$0x0], $0xffff;
	[tilespmem:s21+$0xC30] =	vst v14;
	v14 =	vor.u32 v61, v4  }
0x2f3: {  	[tilespmem:s5+$0xC50] =	vst v17;
	v16 =	vor.u32 v61, v10;
	v15 =	vld.idx.msk [tilespmem:v15+s14+$0x0], $0xffff  }
0x2f4: {  	v17 =	vld.idx.msk [tilespmem:v18+s14+$0x0], $0xffff;
	[tilespmem:s13+$0xC50] =	vst v6;
	v6 =	vor.u32 v61, v11  }
0x2f5: {  	v18 =	vor.u32 v62, v3;
	v8 =	vld.idx.msk [tilespmem:v8+s14+$0x0], $0xffff;
	[tilespmem:s18+$0xC40] =	vst v5  }
0x2f6: {  	v2 =	vor.u32 v63, v2;
	[tilespmem:s25+$0xC40] =	vst v9;
	v5 =	vld.idx.msk [tilespmem:v13+s14+$0x0], $0xffff  }
0x2f7: {  	v9 =	vor.u32 v62, v12;
	v13 =	vld.idx.msk [tilespmem:v14+s14+$0x0], $0xffff;
	[tilespmem:s26+$0xC40] =	vst v7  }
0x2f8: {  	v14 =	vor.u32 v62, v4;
	v7 =	vld.idx.msk [tilespmem:v16+s14+$0x0], $0xffff;
	[tilespmem:s21+$0xC40] =	vst v15  }
0x2f9: {  	[tilespmem:s10+$0xC60] =	vst v17;
	v15 =	vor.u32 v62, v10;
	v6 =	vld.idx.msk [tilespmem:v6+s14+$0x0], $0xffff  }
0x2fa: {  	v16 =	vld.idx.msk [tilespmem:v18+s14+$0x0], $0xffff;
	[tilespmem:s5+$0xC60] =	vst v8;
	v8 =	vor.u32 v62, v11  }
0x2fb: {  	v1 =	vor.u32 v63, v1;
	v2 =	vld.idx.msk [tilespmem:v2+s14+$0x0], $0xffff;
	[tilespmem:s18+$0xC50] =	vst v5  }
0x2fc: {  	v3 =	vor.u32 v63, v3;
	[tilespmem:s25+$0xC50] =	vst v13;
	v5 =	vld.idx.msk [tilespmem:v9+s14+$0x0], $0xffff  }
0x2fd: {  	v9 =	vor.u32 v63, v12;
	v12 =	vld.idx.msk [tilespmem:v14+s14+$0x0], $0xffff;
	[tilespmem:s26+$0xC50] =	vst v7  }
0x2fe: {  	v4 =	vor.u32 v63, v4;
	v7 =	vld.idx.msk [tilespmem:v15+s14+$0x0], $0xffff;
	[tilespmem:s21+$0xC50] =	vst v6  }
0x2ff: {  	[tilespmem:s13+$0xC60] =	vst v16;
	v6 =	vld.idx.msk [tilespmem:v8+s14+$0x0], $0xffff;
	v8 =	vor.u32 v63, v10  }
0x300: {  	v1 =	vld.idx.msk [tilespmem:v1+s14+$0x0], $0xffff;
	[tilespmem:s10+$0xC70] =	vst v2;
	v2 =	vor.u32 v63, v11  }
0x301: {  	v3 =	vld.idx.msk [tilespmem:v3+s14+$0x0], $0xffff;
	[tilespmem:s18+$0xC60] =	vst v5  }
0x302: {  	[tilespmem:s25+$0xC60] =	vst v12;
	v5 =	vld.idx.msk [tilespmem:v9+s14+$0x0], $0xffff  }
0x303: {  	v4 =	vld.idx.msk [tilespmem:v4+s14+$0x0], $0xffff;
	[tilespmem:s26+$0xC60] =	vst v7  }
0x304: {  	v7 =	vld.idx.msk [tilespmem:v8+s14+$0x0], $0xffff;
	[tilespmem:s21+$0xC60] =	vst v6  }
0x305: {  	[tilespmem:s5+$0xC70] =	vst v1;
	v1 =	vld.idx.msk [tilespmem:v2+s14+$0x0], $0xffff  }
0x306: {  	[tilespmem:s13+$0xC70] =	vst v3  }
0x307: {  	[tilespmem:s18+$0xC70] =	vst v5  }
0x308: {  	s23 =	sshll.u32 s31, $0x11;
	[tilespmem:s25+$0xC70] =	vst v4  }
0x309: {  	s5 =	sor.u32 s6, s23;
	[tilespmem:s26+$0xC70] =	vst v7  }
0x30a: {  	s24 =	sadd.s32 s2, s5;
	s25 =	simm.s32 $0xE800;
	[tilespmem:s21+$0xC70] =	vst v1  }
0x30b: {  	[hbm4b:s24+s3] =	stream.linear.scatter [tilespmem:s25], [sflag:$0x4], $0x1000, $0x38;
	[tilespmem:$0x16800] =	vst v63  }
0x30c: {  	p0 =	seq.s32 s31, $0x18;
	s30 =	simm.s32 $0xF800;
	s26 =	sadd.s32 s5, s7  }
0x30d: {  	v1 =	vlaneseq.u32 @!p0;
	[hbm4b:s26+s3] =	stream.linear.scatter [tilespmem:s30], [sflag:$0x4], $0x1000, $0x38;
	[tilespmem:$0x16800] =	vst v63  }
0x30e: {  	s10 =	sadd.s32 @!p0 $0x2, s0;
	s11 =	sadd.s32 s5, s8;
	s13 =	simm.s32 $0x10800;
	v1 =	vmul.u32 @!p0 $0x32, v1  }
0x30f: {  	[hbm4b:s11+s3] =	stream.linear.scatter [tilespmem:s13], [sflag:$0x4], $0x1000, $0x38;
	[tilespmem:$0x16800] =	vst v63  }
0x310: {  	s16 =	simm.s32 $0x11800;
	s5 =	sadd.s32 s5, s9;
	v2 =	vadd.s32 @!p0 s10, v1  }
0x311: {  	[hbm4b:s5+s3] =	stream.linear.scatter [tilespmem:s16], [sflag:$0x4], $0x1000, $0x38;
	[tilespmem:$0x16800] =	vst v63  }
0x312: {  	_ =	swait.ge [sflag:s22], $0x4000  }
0x313: {  	[sflag:s22] =	ssyncset.done $0x0  }
0x314: {  	s5 =	simm.s32 @!p0 $0x0;
	[sflag:s22] =	ssyncadd.s32 $0xFFFFC000  }
0x315: {  	s10 =	sadd.s32 @!p0 $0x322, s0;
	v2 =	vld.idx.msk @!p0 [tilespmem:v2+s5+$0x0], $0xffff  }
0x316: {  	v3 =	vadd.s32 @!p0 s10, v1;
	_ =	sdelay $0x3  }
0x317: {  	[tilespmem:$0x6400] =	vst @!p0 v2  }
0x318: {  	s10 =	sadd.s32 @!p0 $0x642, s0;
	v2 =	vld.idx.msk @!p0 [tilespmem:v3+s5+$0x0], $0xffff  }
0x319: {  	v3 =	vadd.s32 @!p0 s10, v1;
	_ =	sdelay $0x3  }
0x31a: {  	[tilespmem:$0x6410] =	vst @!p0 v2  }
0x31b: {  	s10 =	sadd.s32 @!p0 $0x962, s0;
	v2 =	vld.idx.msk @!p0 [tilespmem:v3+s5+$0x0], $0xffff  }
0x31c: {  	v3 =	vadd.s32 @!p0 s10, v1;
	_ =	sdelay $0x3  }
0x31d: {  	[tilespmem:$0x6420] =	vst @!p0 v2  }
0x31e: {  	s10 =	sadd.s32 @!p0 $0xC82, s0;
	v2 =	vld.idx.msk @!p0 [tilespmem:v3+s5+$0x0], $0xffff  }
0x31f: {  	v3 =	vadd.s32 @!p0 s10, v1;
	_ =	sdelay $0x3  }
0x320: {  	[tilespmem:$0x6430] =	vst @!p0 v2  }
0x321: {  	s10 =	sadd.s32 @!p0 $0xFA2, s0;
	v2 =	vld.idx.msk @!p0 [tilespmem:v3+s5+$0x0], $0xffff  }
0x322: {  	v3 =	vadd.s32 @!p0 s10, v1;
	_ =	sdelay $0x3  }
0x323: {  	[tilespmem:$0x6440] =	vst @!p0 v2  }
0x324: {  	s10 =	sadd.s32 @!p0 $0x12C2, s0;
	v2 =	vld.idx.msk @!p0 [tilespmem:v3+s5+$0x0], $0xffff  }
0x325: {  	v3 =	vadd.s32 @!p0 s10, v1;
	_ =	sdelay $0x3  }
0x326: {  	[tilespmem:$0x6450] =	vst @!p0 v2  }
0x327: {  	s10 =	sadd.s32 @!p0 $0x15E2, s0;
	v2 =	vld.idx.msk @!p0 [tilespmem:v3+s5+$0x0], $0xffff  }
0x328: {  	v3 =	vadd.s32 @!p0 s10, v1;
	_ =	sdelay $0x3  }
0x329: {  	[tilespmem:$0x6460] =	vst @!p0 v2  }
0x32a: {  	s10 =	sadd.s32 @!p0 $0x1902, s0;
	v2 =	vld.idx.msk @!p0 [tilespmem:v3+s5+$0x0], $0xffff  }
0x32b: {  	v3 =	vadd.s32 @!p0 s10, v1;
	_ =	sdelay $0x3  }
0x32c: {  	[tilespmem:$0x6470] =	vst @!p0 v2  }
0x32d: {  	s10 =	sadd.s32 @!p0 $0x1C22, s0;
	v2 =	vld.idx.msk @!p0 [tilespmem:v3+s5+$0x0], $0xffff  }
0x32e: {  	v3 =	vadd.s32 @!p0 s10, v1;
	_ =	sdelay $0x3  }
0x32f: {  	[tilespmem:$0x6480] =	vst @!p0 v2  }
0x330: {  	s10 =	sadd.s32 @!p0 $0x1F42, s0;
	v2 =	vld.idx.msk @!p0 [tilespmem:v3+s5+$0x0], $0xffff  }
0x331: {  	v3 =	vadd.s32 @!p0 s10, v1;
	_ =	sdelay $0x3  }
0x332: {  	[tilespmem:$0x6490] =	vst @!p0 v2  }
0x333: {  	s10 =	sadd.s32 @!p0 $0x2262, s0;
	v2 =	vld.idx.msk @!p0 [tilespmem:v3+s5+$0x0], $0xffff  }
0x334: {  	v3 =	vadd.s32 @!p0 s10, v1;
	_ =	sdelay $0x3  }
0x335: {  	[tilespmem:$0x64A0] =	vst @!p0 v2  }
0x336: {  	s10 =	sadd.s32 @!p0 $0x2582, s0;
	v2 =	vld.idx.msk @!p0 [tilespmem:v3+s5+$0x0], $0xffff  }
0x337: {  	v3 =	vadd.s32 @!p0 s10, v1;
	_ =	sdelay $0x3  }
0x338: {  	[tilespmem:$0x64B0] =	vst @!p0 v2  }
0x339: {  	s10 =	sadd.s32 @!p0 $0x28A2, s0;
	v2 =	vld.idx.msk @!p0 [tilespmem:v3+s5+$0x0], $0xffff  }
0x33a: {  	v3 =	vadd.s32 @!p0 s10, v1;
	_ =	sdelay $0x3  }
0x33b: {  	[tilespmem:$0x64C0] =	vst @!p0 v2  }
0x33c: {  	s10 =	sadd.s32 @!p0 $0x2BC2, s0;
	v2 =	vld.idx.msk @!p0 [tilespmem:v3+s5+$0x0], $0xffff  }
0x33d: {  	v3 =	vadd.s32 @!p0 s10, v1;
	_ =	sdelay $0x3  }
0x33e: {  	[tilespmem:$0x64D0] =	vst @!p0 v2  }
0x33f: {  	s10 =	sadd.s32 @!p0 $0x2EE2, s0;
	v2 =	vld.idx.msk @!p0 [tilespmem:v3+s5+$0x0], $0xffff  }
0x340: {  	v3 =	vadd.s32 @!p0 s10, v1;
	_ =	sdelay $0x3  }
0x341: {  	[tilespmem:$0x64E0] =	vst @!p0 v2  }
0x342: {  	s10 =	sadd.s32 @!p0 $0x3202, s0;
	v2 =	vld.idx.msk @!p0 [tilespmem:v3+s5+$0x0], $0xffff  }
0x343: {  	v3 =	vadd.s32 @!p0 s10, v1;
	_ =	sdelay $0x3  }
0x344: {  	[tilespmem:$0x64F0] =	vst @!p0 v2  }
0x345: {  	s10 =	sadd.s32 @!p0 $0x3522, s0;
	v2 =	vld.idx.msk @!p0 [tilespmem:v3+s5+$0x0], $0xffff  }
0x346: {  	v3 =	vadd.s32 @!p0 s10, v1;
	_ =	sdelay $0x3  }
0x347: {  	[tilespmem:$0x6500] =	vst @!p0 v2  }
0x348: {  	s10 =	sadd.s32 @!p0 $0x3842, s0;
	v2 =	vld.idx.msk @!p0 [tilespmem:v3+s5+$0x0], $0xffff  }
0x349: {  	v3 =	vadd.s32 @!p0 s10, v1;
	_ =	sdelay $0x3  }
0x34a: {  	[tilespmem:$0x6510] =	vst @!p0 v2  }
0x34b: {  	s10 =	sadd.s32 @!p0 $0x3B62, s0;
	v2 =	vld.idx.msk @!p0 [tilespmem:v3+s5+$0x0], $0xffff  }
0x34c: {  	v3 =	vadd.s32 @!p0 s10, v1;
	_ =	sdelay $0x3  }
0x34d: {  	[tilespmem:$0x6520] =	vst @!p0 v2  }
0x34e: {  	s10 =	sadd.s32 @!p0 $0x3E82, s0;
	v2 =	vld.idx.msk @!p0 [tilespmem:v3+s5+$0x0], $0xffff  }
0x34f: {  	v3 =	vadd.s32 @!p0 s10, v1;
	_ =	sdelay $0x3  }
0x350: {  	[tilespmem:$0x6530] =	vst @!p0 v2  }
0x351: {  	s10 =	sadd.s32 @!p0 $0x41A2, s0;
	v2 =	vld.idx.msk @!p0 [tilespmem:v3+s5+$0x0], $0xffff  }
0x352: {  	v3 =	vadd.s32 @!p0 s10, v1;
	_ =	sdelay $0x3  }
0x353: {  	[tilespmem:$0x6540] =	vst @!p0 v2  }
0x354: {  	s10 =	sadd.s32 @!p0 $0x44C2, s0;
	v2 =	vld.idx.msk @!p0 [tilespmem:v3+s5+$0x0], $0xffff  }
0x355: {  	v3 =	vadd.s32 @!p0 s10, v1;
	_ =	sdelay $0x3  }
0x356: {  	[tilespmem:$0x6550] =	vst @!p0 v2  }
0x357: {  	s10 =	sadd.s32 @!p0 $0x47E2, s0;
	v2 =	vld.idx.msk @!p0 [tilespmem:v3+s5+$0x0], $0xffff  }
0x358: {  	v3 =	vadd.s32 @!p0 s10, v1;
	_ =	sdelay $0x3  }
0x359: {  	[tilespmem:$0x6560] =	vst @!p0 v2  }
0x35a: {  	s10 =	sadd.s32 @!p0 $0x4B02, s0;
	v2 =	vld.idx.msk @!p0 [tilespmem:v3+s5+$0x0], $0xffff  }
0x35b: {  	v3 =	vadd.s32 @!p0 s10, v1;
	_ =	sdelay $0x3  }
0x35c: {  	[tilespmem:$0x6570] =	vst @!p0 v2  }
0x35d: {  	s10 =	sadd.s32 @!p0 $0x4E22, s0;
	v2 =	vld.idx.msk @!p0 [tilespmem:v3+s5+$0x0], $0xffff  }
0x35e: {  	v3 =	vadd.s32 @!p0 s10, v1;
	_ =	sdelay $0x3  }
0x35f: {  	[tilespmem:$0x6580] =	vst @!p0 v2  }
0x360: {  	s10 =	sadd.s32 @!p0 $0x5142, s0;
	v2 =	vld.idx.msk @!p0 [tilespmem:v3+s5+$0x0], $0xffff  }
0x361: {  	v3 =	vadd.s32 @!p0 s10, v1;
	_ =	sdelay $0x3  }
0x362: {  	[tilespmem:$0x6590] =	vst @!p0 v2  }
0x363: {  	s10 =	sadd.s32 @!p0 $0x5462, s0;
	v2 =	vld.idx.msk @!p0 [tilespmem:v3+s5+$0x0], $0xffff  }
0x364: {  	v3 =	vadd.s32 @!p0 s10, v1;
	_ =	sdelay $0x3  }
0x365: {  	[tilespmem:$0x65A0] =	vst @!p0 v2  }
0x366: {  	s10 =	sadd.s32 @!p0 $0x5782, s0;
	v2 =	vld.idx.msk @!p0 [tilespmem:v3+s5+$0x0], $0xffff  }
0x367: {  	v3 =	vadd.s32 @!p0 s10, v1;
	_ =	sdelay $0x3  }
0x368: {  	[tilespmem:$0x65B0] =	vst @!p0 v2  }
0x369: {  	s10 =	sadd.s32 @!p0 $0x5AA2, s0;
	v2 =	vld.idx.msk @!p0 [tilespmem:v3+s5+$0x0], $0xffff  }
0x36a: {  	v3 =	vadd.s32 @!p0 s10, v1;
	_ =	sdelay $0x3  }
0x36b: {  	[tilespmem:$0x65C0] =	vst @!p0 v2  }
0x36c: {  	s10 =	sadd.s32 @!p0 $0x5DC2, s0;
	v2 =	vld.idx.msk @!p0 [tilespmem:v3+s5+$0x0], $0xffff  }
0x36d: {  	v3 =	vadd.s32 @!p0 s10, v1;
	_ =	sdelay $0x3  }
0x36e: {  	[tilespmem:$0x65D0] =	vst @!p0 v2  }
0x36f: {  	s0 =	sadd.s32 @!p0 $0x60E2, s0;
	v2 =	vld.idx.msk @!p0 [tilespmem:v3+s5+$0x0], $0xffff  }
0x370: {  	v1 =	vadd.s32 @!p0 s0, v1;
	_ =	sdelay $0x3  }
0x371: {  	[tilespmem:$0x65E0] =	vst @!p0 v2  }
0x372: {  	v1 =	vld.idx.msk @!p0 [tilespmem:v1+s5+$0x0], $0xffff;
	_ =	sdelay $0x3  }
0x373: {  	p1 =	seq.s32 @!p0 s31, $0x0  }
0x374: {  	s0 =	simm.s32 @!p0 $0x200;
	s10 =	simm.s32 @!p0 $0x6800;
	s5 =	simm.s32 @!p0 $0x6400;
	[tilespmem:$0x65F0] =	vst @!p0 v1  }
0x375: {  	[tilespmem:s10], [sflag:$0x2] =	stream.indirect.gather @!p0 [hbm4b:s4+s0], $0x20, s5, s0, $0xb8;
	[tilespmem:$0x16800] =	vst v63  }
0x376: {  	p0 =	por p0, !p1  }
0x377: {  	_ =	swait.ge @p0 [sflag:s29], $0x1000  }
0x378: {  	[sflag:s29] =	ssyncset.done @p0 $0x0  }
0x379: {  	s18 =	simm.s32 $0x3;
	[sflag:s29] =	ssyncadd.s32 @p0 $0xFFFFF000  }
0x37a: {  	s19 =	simm.s32 $0x1;
	v1 =	vmov s18;
	_ =	swait.ge @p0 [sflag:s29], $0x1000  }
0x37b: {  	v2 =	vmov s19;
	v1 =	vand.u32 $0x1F, v1;
	[sflag:s29] =	ssyncset.done @p0 $0x0  }
0x37c: {  	s20 =	simm.s32 $0x2;
	v2 =	vand.u32 $0x1D, v2;
	v10 =	vbroadcast v1, $0x0;
	[sflag:s29] =	ssyncadd.s32 @p0 $0xFFFFF000  }
0x37d: {  	s21 =	simm.s32 $0x0;
	v8 =	vbroadcast v2, $0x0;
	v1 =	vmov s20;
	_ =	swait.ge @p0 [sflag:s29], $0x1000  }
0x37e: {  	v2 =	vmov s21;
	v1 =	vand.u32 $0x1E, v1;
	v3 =	vor.u32 v27, v10;
	[sflag:s29] =	ssyncset.done @p0 $0x0  }
0x37f: {  	v7 =	vbroadcast v1, $0x0;
	v1 =	vand.u32 $0x1C, v2;
	[sflag:s29] =	ssyncadd.s32 @p0 $0xFFFFF000  }
0x380: {  	v2 =	vor.u32 v27, v8;
	v6 =	vbroadcast v1, $0x0;
	_ =	swait.ge @p0 [sflag:s29], $0x1000  }
0x381: {  	v1 =	vor.u32 v27, v7;
	[sflag:s29] =	ssyncset.done @p0 $0x0  }
0x382: {  	v4 =	vor.u32 v27, v6;
	[sflag:s29] =	ssyncadd.s32 @p0 $0xFFFFF000  }
0x383: {  	v3 =	vld.idx.msk [tilespmem:v3+s17+$0x0], $0xffff  }
0x384: {  	v5 =	vor.u32 v33, v10  }
0x385: {  	s23 =	simm.s32 $0x180;
	s5 =	sand.u32 $0x3000, s21;
	v2 =	vld.idx.msk [tilespmem:v2+s17+$0x0], $0xffff  }
0x386: {  	v9 =	vor.u32 v33, v8;
	s0 =	sand.u32 $0x380, s23;
	s5 =	sadd.s32 $0x12800, s5;
	v1 =	vld.idx.msk [tilespmem:v1+s17+$0x0], $0xffff  }
0x387: {  	s24 =	simm.s32 $0x80;
	s20 =	sor.u32 s0, s5;
	v11 =	vor.u32 v33, v7;
	v4 =	vld.idx.msk [tilespmem:v4+s17+$0x0], $0xffff  }
0x388: {  	s25 =	simm.s32 $0x100;
	s10 =	sand.u32 $0x280, s24;
	v12 =	vor.u32 v33, v6;
	[tilespmem:s20+$0x0] =	vst v3  }
0x389: {  	s26 =	simm.s32 $0x0;
	s0 =	sand.u32 $0x300, s25;
	s16 =	sor.u32 s10, s5;
	v3 =	vld.idx.msk [tilespmem:v5+s17+$0x0], $0xffff  }
0x38a: {  	s30 =	sand.u32 $0x200, s26;
	s13 =	sor.u32 s0, s5;
	[tilespmem:s16+$0x0] =	vst v2;
	v2 =	vor.u32 v34, v10  }
0x38b: {  	s28 =	sor.u32 s30, s5;
	[tilespmem:s13+$0x0] =	vst v1;
	v5 =	vld.idx.msk [tilespmem:v9+s17+$0x0], $0xffff  }
0x38c: {  	[tilespmem:s28+$0x0] =	vst v4;
	v4 =	vor.u32 v34, v8;
	v1 =	vld.idx.msk [tilespmem:v11+s17+$0x0], $0xffff  }
0x38d: {  	v9 =	vld.idx.msk [tilespmem:v12+s17+$0x0], $0xffff;
	v11 =	vor.u32 v34, v7  }
0x38e: {  	v12 =	vor.u32 v34, v6;
	[tilespmem:s20+$0x10] =	vst v3  }
0x38f: {  	v2 =	vld.idx.msk [tilespmem:v2+s17+$0x0], $0xffff  }
0x390: {  	[tilespmem:s16+$0x10] =	vst v5;
	v3 =	vor.u32 v35, v10  }
0x391: {  	[tilespmem:s13+$0x10] =	vst v1;
	v4 =	vld.idx.msk [tilespmem:v4+s17+$0x0], $0xffff  }
0x392: {  	[tilespmem:s28+$0x10] =	vst v9;
	v5 =	vor.u32 v35, v8;
	v1 =	vld.idx.msk [tilespmem:v11+s17+$0x0], $0xffff  }
0x393: {  	v9 =	vld.idx.msk [tilespmem:v12+s17+$0x0], $0xffff;
	v11 =	vor.u32 v35, v7  }
0x394: {  	v12 =	vor.u32 v35, v6;
	[tilespmem:s20+$0x20] =	vst v2  }
0x395: {  	v2 =	vld.idx.msk [tilespmem:v3+s17+$0x0], $0xffff  }
0x396: {  	[tilespmem:s16+$0x20] =	vst v4;
	v3 =	vor.u32 v36, v10  }
0x397: {  	[tilespmem:s13+$0x20] =	vst v1;
	v4 =	vld.idx.msk [tilespmem:v5+s17+$0x0], $0xffff  }
0x398: {  	[tilespmem:s28+$0x20] =	vst v9;
	v1 =	vld.idx.msk [tilespmem:v11+s17+$0x0], $0xffff;
	v5 =	vor.u32 v36, v8  }
0x399: {  	v9 =	vld.idx.msk [tilespmem:v12+s17+$0x0], $0xffff;
	v11 =	vor.u32 v36, v7  }
0x39a: {  	v12 =	vor.u32 v36, v6;
	[tilespmem:s20+$0x30] =	vst v2  }
0x39b: {  	v2 =	vld.idx.msk [tilespmem:v3+s17+$0x0], $0xffff  }
0x39c: {  	[tilespmem:s16+$0x30] =	vst v4;
	v3 =	vor.u32 v37, v10  }
0x39d: {  	[tilespmem:s13+$0x30] =	vst v1;
	v4 =	vld.idx.msk [tilespmem:v5+s17+$0x0], $0xffff  }
0x39e: {  	[tilespmem:s28+$0x30] =	vst v9;
	v1 =	vld.idx.msk [tilespmem:v11+s17+$0x0], $0xffff;
	v5 =	vor.u32 v37, v8  }
0x39f: {  	v9 =	vld.idx.msk [tilespmem:v12+s17+$0x0], $0xffff;
	v11 =	vor.u32 v37, v7  }
0x3a0: {  	v12 =	vor.u32 v37, v6;
	[tilespmem:s20+$0x40] =	vst v2  }
0x3a1: {  	v2 =	vld.idx.msk [tilespmem:v3+s17+$0x0], $0xffff  }
0x3a2: {  	[tilespmem:s16+$0x40] =	vst v4;
	v3 =	vor.u32 v38, v10  }
0x3a3: {  	[tilespmem:s13+$0x40] =	vst v1;
	v4 =	vld.idx.msk [tilespmem:v5+s17+$0x0], $0xffff  }
0x3a4: {  	[tilespmem:s28+$0x40] =	vst v9;
	v1 =	vld.idx.msk [tilespmem:v11+s17+$0x0], $0xffff;
	v5 =	vor.u32 v38, v8  }
0x3a5: {  	v9 =	vld.idx.msk [tilespmem:v12+s17+$0x0], $0xffff;
	v11 =	vor.u32 v38, v7  }
0x3a6: {  	v12 =	vor.u32 v38, v6;
	[tilespmem:s20+$0x50] =	vst v2  }
0x3a7: {  	v2 =	vld.idx.msk [tilespmem:v3+s17+$0x0], $0xffff  }
0x3a8: {  	[tilespmem:s16+$0x50] =	vst v4;
	v3 =	vor.u32 v39, v10  }
0x3a9: {  	[tilespmem:s13+$0x50] =	vst v1;
	v4 =	vld.idx.msk [tilespmem:v5+s17+$0x0], $0xffff  }
0x3aa: {  	[tilespmem:s28+$0x50] =	vst v9;
	v1 =	vld.idx.msk [tilespmem:v11+s17+$0x0], $0xffff;
	v5 =	vor.u32 v39, v8  }
0x3ab: {  	v9 =	vld.idx.msk [tilespmem:v12+s17+$0x0], $0xffff;
	v11 =	vor.u32 v39, v7  }
0x3ac: {  	v12 =	vor.u32 v39, v6;
	[tilespmem:s20+$0x60] =	vst v2  }
0x3ad: {  	v2 =	vld.idx.msk [tilespmem:v3+s17+$0x0], $0xffff  }
0x3ae: {  	[tilespmem:s16+$0x60] =	vst v4;
	v3 =	vor.u32 v40, v10  }
0x3af: {  	[tilespmem:s13+$0x60] =	vst v1;
	v4 =	vld.idx.msk [tilespmem:v5+s17+$0x0], $0xffff  }
0x3b0: {  	[tilespmem:s28+$0x60] =	vst v9;
	v1 =	vld.idx.msk [tilespmem:v11+s17+$0x0], $0xffff;
	v5 =	vor.u32 v40, v8  }
0x3b1: {  	v9 =	vld.idx.msk [tilespmem:v12+s17+$0x0], $0xffff;
	v11 =	vor.u32 v40, v7  }
0x3b2: {  	v12 =	vor.u32 v40, v6;
	[tilespmem:s20+$0x70] =	vst v2  }
0x3b3: {  	v2 =	vld.idx.msk [tilespmem:v3+s17+$0x0], $0xffff  }
0x3b4: {  	[tilespmem:s16+$0x70] =	vst v4;
	v3 =	vor.u32 v41, v10  }
0x3b5: {  	[tilespmem:s13+$0x70] =	vst v1;
	v4 =	vld.idx.msk [tilespmem:v5+s17+$0x0], $0xffff  }
0x3b6: {  	[tilespmem:s28+$0x70] =	vst v9;
	v1 =	vld.idx.msk [tilespmem:v11+s17+$0x0], $0xffff;
	v5 =	vor.u32 v41, v8  }
0x3b7: {  	v9 =	vld.idx.msk [tilespmem:v12+s17+$0x0], $0xffff;
	v11 =	vor.u32 v41, v7  }
0x3b8: {  	v12 =	vor.u32 v41, v6;
	[tilespmem:s20+$0x400] =	vst v2  }
0x3b9: {  	v2 =	vld.idx.msk [tilespmem:v3+s17+$0x0], $0xffff  }
0x3ba: {  	[tilespmem:s16+$0x400] =	vst v4;
	v3 =	vor.u32 v42, v10  }
0x3bb: {  	[tilespmem:s13+$0x400] =	vst v1;
	v4 =	vld.idx.msk [tilespmem:v5+s17+$0x0], $0xffff  }
0x3bc: {  	[tilespmem:s28+$0x400] =	vst v9;
	v1 =	vld.idx.msk [tilespmem:v11+s17+$0x0], $0xffff;
	v5 =	vor.u32 v42, v8  }
0x3bd: {  	v9 =	vld.idx.msk [tilespmem:v12+s17+$0x0], $0xffff;
	v11 =	vor.u32 v42, v7  }
0x3be: {  	v12 =	vor.u32 v42, v6;
	[tilespmem:s20+$0x410] =	vst v2  }
0x3bf: {  	v2 =	vld.idx.msk [tilespmem:v3+s17+$0x0], $0xffff  }
0x3c0: {  	[tilespmem:s16+$0x410] =	vst v4;
	v3 =	vor.u32 v43, v10  }
0x3c1: {  	[tilespmem:s13+$0x410] =	vst v1;
	v4 =	vld.idx.msk [tilespmem:v5+s17+$0x0], $0xffff  }
0x3c2: {  	[tilespmem:s28+$0x410] =	vst v9;
	v1 =	vld.idx.msk [tilespmem:v11+s17+$0x0], $0xffff;
	v5 =	vor.u32 v43, v8  }
0x3c3: {  	v9 =	vld.idx.msk [tilespmem:v12+s17+$0x0], $0xffff;
	v11 =	vor.u32 v43, v7  }
0x3c4: {  	v12 =	vor.u32 v43, v6;
	[tilespmem:s20+$0x420] =	vst v2  }
0x3c5: {  	v2 =	vld.idx.msk [tilespmem:v3+s17+$0x0], $0xffff  }
0x3c6: {  	[tilespmem:s16+$0x420] =	vst v4;
	v3 =	vor.u32 v44, v10  }
0x3c7: {  	[tilespmem:s13+$0x420] =	vst v1;
	v4 =	vld.idx.msk [tilespmem:v5+s17+$0x0], $0xffff  }
0x3c8: {  	[tilespmem:s28+$0x420] =	vst v9;
	v1 =	vld.idx.msk [tilespmem:v11+s17+$0x0], $0xffff;
	v5 =	vor.u32 v44, v8  }
0x3c9: {  	v9 =	vld.idx.msk [tilespmem:v12+s17+$0x0], $0xffff;
	v11 =	vor.u32 v44, v7  }
0x3ca: {  	v12 =	vor.u32 v44, v6;
	[tilespmem:s20+$0x430] =	vst v2  }
0x3cb: {  	v2 =	vld.idx.msk [tilespmem:v3+s17+$0x0], $0xffff  }
0x3cc: {  	[tilespmem:s16+$0x430] =	vst v4;
	v3 =	vor.u32 v45, v10  }
0x3cd: {  	[tilespmem:s13+$0x430] =	vst v1;
	v4 =	vld.idx.msk [tilespmem:v5+s17+$0x0], $0xffff  }
0x3ce: {  	[tilespmem:s28+$0x430] =	vst v9;
	v1 =	vld.idx.msk [tilespmem:v11+s17+$0x0], $0xffff;
	v5 =	vor.u32 v45, v8  }
0x3cf: {  	v9 =	vld.idx.msk [tilespmem:v12+s17+$0x0], $0xffff;
	v11 =	vor.u32 v45, v7  }
0x3d0: {  	v12 =	vor.u32 v45, v6;
	[tilespmem:s20+$0x440] =	vst v2  }
0x3d1: {  	v2 =	vld.idx.msk [tilespmem:v3+s17+$0x0], $0xffff  }
0x3d2: {  	[tilespmem:s16+$0x440] =	vst v4;
	v3 =	vor.u32 v46, v10  }
0x3d3: {  	[tilespmem:s13+$0x440] =	vst v1;
	v4 =	vld.idx.msk [tilespmem:v5+s17+$0x0], $0xffff  }
0x3d4: {  	[tilespmem:s28+$0x440] =	vst v9;
	v1 =	vld.idx.msk [tilespmem:v11+s17+$0x0], $0xffff;
	v5 =	vor.u32 v46, v8  }
0x3d5: {  	v9 =	vld.idx.msk [tilespmem:v12+s17+$0x0], $0xffff;
	v11 =	vor.u32 v46, v7  }
0x3d6: {  	v12 =	vor.u32 v46, v6;
	[tilespmem:s20+$0x450] =	vst v2  }
0x3d7: {  	v2 =	vld.idx.msk [tilespmem:v3+s17+$0x0], $0xffff  }
0x3d8: {  	[tilespmem:s16+$0x450] =	vst v4;
	v3 =	vor.u32 v47, v10  }
0x3d9: {  	[tilespmem:s13+$0x450] =	vst v1;
	v4 =	vld.idx.msk [tilespmem:v5+s17+$0x0], $0xffff  }
0x3da: {  	[tilespmem:s28+$0x450] =	vst v9;
	v1 =	vld.idx.msk [tilespmem:v11+s17+$0x0], $0xffff;
	v5 =	vor.u32 v47, v8  }
0x3db: {  	v9 =	vld.idx.msk [tilespmem:v12+s17+$0x0], $0xffff;
	v11 =	vor.u32 v47, v7  }
0x3dc: {  	v12 =	vor.u32 v47, v6;
	[tilespmem:s20+$0x460] =	vst v2  }
0x3dd: {  	v2 =	vld.idx.msk [tilespmem:v3+s17+$0x0], $0xffff  }
0x3de: {  	[tilespmem:s16+$0x460] =	vst v4;
	v3 =	vor.u32 v48, v10  }
0x3df: {  	[tilespmem:s13+$0x460] =	vst v1;
	v4 =	vld.idx.msk [tilespmem:v5+s17+$0x0], $0xffff  }
0x3e0: {  	s5 =	simm.s32 $0x5;
	[tilespmem:s28+$0x460] =	vst v9;
	v1 =	vld.idx.msk [tilespmem:v11+s17+$0x0], $0xffff;
	v5 =	vor.u32 v48, v8  }
0x3e1: {  	v9 =	vmov s5;
	v11 =	vld.idx.msk [tilespmem:v12+s17+$0x0], $0xffff;
	v12 =	vor.u32 v48, v7  }
0x3e2: {  	v13 =	vor.u32 v48, v6;
	v9 =	vand.u32 $0x1D, v9;
	[tilespmem:s20+$0x470] =	vst v2  }
0x3e3: {  	v2 =	vbroadcast v9, $0x0;
	v3 =	vld.idx.msk [tilespmem:v3+s17+$0x0], $0xffff  }
0x3e4: {  	[tilespmem:s16+$0x470] =	vst v4;
	v4 =	vor.u32 v49, v10  }
0x3e5: {  	s10 =	simm.s32 $0x6;
	[tilespmem:s13+$0x470] =	vst v1;
	v15 =	vld.idx.msk [tilespmem:v5+s17+$0x0], $0xffff;
	v9 =	vor.u32 v27, v2  }
0x3e6: {  	v14 =	vmov s10;
	[tilespmem:s28+$0x470] =	vst v11;
	v11 =	vld.idx.msk [tilespmem:v12+s17+$0x0], $0xffff;
	v12 =	vor.u32 v49, v8  }
0x3e7: {  	v1 =	vand.u32 $0x1E, v14;
	v14 =	vor.u32 v49, v7;
	v13 =	vld.idx.msk [tilespmem:v13+s17+$0x0], $0xffff  }
0x3e8: {  	s11 =	simm.s32 $0x7;
	v1 =	vbroadcast v1, $0x0;
	[tilespmem:s20+$0x800] =	vst v3  }
0x3e9: {  	v16 =	vor.u32 v49, v6;
	v5 =	vmov s11;
	v4 =	vld.idx.msk [tilespmem:v4+s17+$0x0], $0xffff  }
0x3ea: {  	s18 =	simm.s32 $0x4;
	v17 =	vor.u32 v27, v1;
	v3 =	vand.u32 $0x1F, v5;
	[tilespmem:s16+$0x800] =	vst v15;
	v18 =	vld.idx.msk [tilespmem:v9+s17+$0x0], $0xffff  }
0x3eb: {  	[tilespmem:s13+$0x800] =	vst v11;
	v5 =	vbroadcast v3, $0x0;
	v9 =	vor.u32 v50, v10;
	v12 =	vld.idx.msk [tilespmem:v12+s17+$0x0], $0xffff;
	v3 =	vmov s18  }
0x3ec: {  	[tilespmem:s28+$0x800] =	vst v13;
	v13 =	vld.idx.msk [tilespmem:v14+s17+$0x0], $0xffff;
	v14 =	vor.u32 v50, v8;
	v3 =	vand.u32 $0x1C, v3  }
0x3ed: {  	s19 =	simm.s32 $0x9;
	v11 =	vor.u32 v27, v5;
	v3 =	vbroadcast v3, $0x0  }
0x3ee: {  	v19 =	vor.u32 v50, v7;
	v15 =	vld.idx.msk [tilespmem:v16+s17+$0x0], $0xffff;
	v16 =	vmov s19  }
0x3ef: {  	v17 =	vld.idx.msk [tilespmem:v17+s17+$0x0], $0xffff;
	v20 =	vor.u32 v27, v3;
	[tilespmem:s20+$0x810] =	vst v4;
	v4 =	vand.u32 $0x1D, v16  }
0x3f0: {  	v16 =	vor.u32 v50, v6;
	[tilespmem:s16+$0x810] =	vst v12;
	v9 =	vld.idx.msk [tilespmem:v9+s17+$0x0], $0xffff;
	v4 =	vbroadcast v4, $0x0  }
0x3f1: {  	v12 =	vor.u32 v51, v10;
	v14 =	vld.idx.msk [tilespmem:v14+s17+$0x0], $0xffff  }
0x3f2: {  	s18 =	simm.s32 $0x800;
	[tilespmem:s13+$0x810] =	vst v13;
	v11 =	vld.idx.msk [tilespmem:v11+s17+$0x0], $0xffff;
	v13 =	vor.u32 v27, v4  }
0x3f3: {  	s24 =	simm.s32 $0x280;
	s21 =	sand.u32 $0x3000, s18;
	[tilespmem:s28+$0x810] =	vst v15;
	v15 =	vor.u32 v33, v5;
	v19 =	vld.idx.msk [tilespmem:v19+s17+$0x0], $0xffff  }
0x3f4: {  	v21 =	vor.u32 v51, v8;
	s10 =	sand.u32 $0x280, s24;
	s19 =	simm.s32 $0x380;
	s0 =	sadd.s32 $0x12800, s21;
	v20 =	vld.idx.msk [tilespmem:v20+s17+$0x0], $0xffff  }
0x3f5: {  	v22 =	vor.u32 v33, v2;
	s23 =	sand.u32 $0x380, s19;
	s10 =	sor.u32 s10, s0;
	v16 =	vld.idx.msk [tilespmem:v16+s17+$0x0], $0xffff;
	[tilespmem:s20+$0x820] =	vst v9  }
0x3f6: {  	s25 =	simm.s32 $0x300;
	v23 =	vor.u32 v33, v1;
	s11 =	sor.u32 s23, s0;
	[tilespmem:s10+$0x0] =	vst v18;
	v12 =	vld.idx.msk [tilespmem:v12+s17+$0x0], $0xffff  }
0x3f7: {  	s5 =	sand.u32 $0x300, s25;
	[tilespmem:s11+$0x0] =	vst v11;
	v9 =	vld.idx.msk [tilespmem:v13+s17+$0x0], $0xffff;
	v13 =	vor.u32 v33, v3  }
0x3f8: {  	s26 =	simm.s32 $0x200;
	s5 =	sor.u32 s5, s0;
	[tilespmem:s16+$0x820] =	vst v14;
	v14 =	vor.u32 v52, v10;
	v11 =	vld.idx.msk [tilespmem:v15+s17+$0x0], $0xffff  }
0x3f9: {  	s21 =	sand.u32 $0x200, s26;
	v18 =	vor.u32 v51, v7;
	[tilespmem:s5+$0x0] =	vst v17;
	v15 =	vld.idx.msk [tilespmem:v21+s17+$0x0], $0xffff  }
0x3fa: {  	s0 =	sor.u32 s21, s0;
	[tilespmem:s13+$0x820] =	vst v19;
	v21 =	vld.idx.msk [tilespmem:v22+s17+$0x0], $0xffff;
	v22 =	vor.u32 v51, v6  }
0x3fb: {  	v17 =	vor.u32 v34, v5;
	[tilespmem:s0+$0x0] =	vst v20;
	v20 =	vld.idx.msk [tilespmem:v23+s17+$0x0], $0xffff  }
0x3fc: {  	v23 =	vor.u32 v34, v2;
	[tilespmem:s20+$0x830] =	vst v12;
	v13 =	vld.idx.msk [tilespmem:v13+s17+$0x0], $0xffff  }
0x3fd: {  	[tilespmem:s28+$0x820] =	vst v16;
	v12 =	vor.u32 v34, v1;
	v14 =	vld.idx.msk [tilespmem:v14+s17+$0x0], $0xffff  }
0x3fe: {  	v19 =	vor.u32 v34, v3;
	[tilespmem:s11+$0x10] =	vst v11;
	v11 =	vld.idx.msk [tilespmem:v18+s17+$0x0], $0xffff  }
0x3ff: {  	v16 =	vor.u32 v53, v10;
	[tilespmem:s10+$0x10] =	vst v21;
	v18 =	vld.idx.msk [tilespmem:v22+s17+$0x0], $0xffff  }
0x400: {  	v21 =	vor.u32 v52, v8;
	[tilespmem:s16+$0x830] =	vst v15;
	v17 =	vld.idx.msk [tilespmem:v17+s17+$0x0], $0xffff  }
0x401: {  	v22 =	vld.idx.msk [tilespmem:v23+s17+$0x0], $0xffff;
	[tilespmem:s5+$0x10] =	vst v20;
	v20 =	vor.u32 v35, v5  }
0x402: {  	v23 =	vor.u32 v35, v2;
	v12 =	vld.idx.msk [tilespmem:v12+s17+$0x0], $0xffff;
	[tilespmem:s0+$0x10] =	vst v13  }
0x403: {  	v13 =	vor.u32 v52, v7;
	[tilespmem:s20+$0x840] =	vst v14;
	v19 =	vld.idx.msk [tilespmem:v19+s17+$0x0], $0xffff  }
0x404: {  	v14 =	vor.u32 v35, v1;
	[tilespmem:s13+$0x830] =	vst v11;
	v15 =	vld.idx.msk [tilespmem:v16+s17+$0x0], $0xffff  }
0x405: {  	v16 =	vor.u32 v35, v3;
	[tilespmem:s11+$0x20] =	vst v17;
	v17 =	vld.idx.msk [tilespmem:v21+s17+$0x0], $0xffff  }
0x406: {  	v11 =	vor.u32 v54, v10;
	[tilespmem:s10+$0x20] =	vst v22;
	v20 =	vld.idx.msk [tilespmem:v20+s17+$0x0], $0xffff  }
0x407: {  	[tilespmem:s28+$0x830] =	vst v18;
	v21 =	vor.u32 v52, v6;
	v22 =	vld.idx.msk [tilespmem:v23+s17+$0x0], $0xffff  }
0x408: {  	v23 =	vor.u32 v36, v2;
	[tilespmem:s5+$0x20] =	vst v12;
	v13 =	vld.idx.msk [tilespmem:v13+s17+$0x0], $0xffff  }
0x409: {  	v12 =	vor.u32 v36, v5;
	v14 =	vld.idx.msk [tilespmem:v14+s17+$0x0], $0xffff;
	[tilespmem:s0+$0x20] =	vst v19  }
0x40a: {  	v19 =	vor.u32 v53, v8;
	[tilespmem:s20+$0x850] =	vst v15;
	v16 =	vld.idx.msk [tilespmem:v16+s17+$0x0], $0xffff  }
0x40b: {  	v15 =	vor.u32 v36, v1;
	v11 =	vld.idx.msk [tilespmem:v11+s17+$0x0], $0xffff;
	[tilespmem:s11+$0x30] =	vst v20  }
0x40c: {  	v18 =	vor.u32 v36, v3;
	v20 =	vld.idx.msk [tilespmem:v21+s17+$0x0], $0xffff;
	[tilespmem:s10+$0x30] =	vst v22  }
0x40d: {  	[tilespmem:s16+$0x840] =	vst v17;
	v17 =	vor.u32 v55, v10;
	v22 =	vld.idx.msk [tilespmem:v23+s17+$0x0], $0xffff  }
0x40e: {  	v21 =	vor.u32 v53, v7;
	v12 =	vld.idx.msk [tilespmem:v12+s17+$0x0], $0xffff;
	[tilespmem:s5+$0x30] =	vst v14  }
0x40f: {  	v23 =	vor.u32 v37, v2;
	[tilespmem:s13+$0x840] =	vst v13;
	v19 =	vld.idx.msk [tilespmem:v19+s17+$0x0], $0xffff  }
0x410: {  	v14 =	vor.u32 v37, v5;
	v15 =	vld.idx.msk [tilespmem:v15+s17+$0x0], $0xffff;
	[tilespmem:s0+$0x30] =	vst v16  }
0x411: {  	v16 =	vor.u32 v53, v6;
	[tilespmem:s20+$0x860] =	vst v11;
	v18 =	vld.idx.msk [tilespmem:v18+s17+$0x0], $0xffff  }
0x412: {  	v11 =	vor.u32 v37, v1;
	v13 =	vld.idx.msk [tilespmem:v17+s17+$0x0], $0xffff;
	[tilespmem:s10+$0x40] =	vst v22  }
0x413: {  	v17 =	vor.u32 v37, v3;
	[tilespmem:s11+$0x40] =	vst v12;
	v12 =	vld.idx.msk [tilespmem:v21+s17+$0x0], $0xffff  }
0x414: {  	[tilespmem:s28+$0x840] =	vst v20;
	v20 =	vor.u32 v56, v10;
	v22 =	vld.idx.msk [tilespmem:v23+s17+$0x0], $0xffff  }
0x415: {  	v21 =	vor.u32 v54, v8;
	v14 =	vld.idx.msk [tilespmem:v14+s17+$0x0], $0xffff;
	[tilespmem:s5+$0x40] =	vst v15  }
0x416: {  	v23 =	vor.u32 v38, v2;
	[tilespmem:s16+$0x850] =	vst v19;
	v16 =	vld.idx.msk [tilespmem:v16+s17+$0x0], $0xffff  }
0x417: {  	v15 =	vor.u32 v38, v5;
	v11 =	vld.idx.msk [tilespmem:v11+s17+$0x0], $0xffff;
	[tilespmem:s0+$0x40] =	vst v18  }
0x418: {  	v18 =	vor.u32 v54, v7;
	[tilespmem:s20+$0x870] =	vst v13;
	v17 =	vld.idx.msk [tilespmem:v17+s17+$0x0], $0xffff  }
0x419: {  	v13 =	vor.u32 v38, v1;
	v19 =	vld.idx.msk [tilespmem:v20+s17+$0x0], $0xffff;
	[tilespmem:s10+$0x50] =	vst v22  }
0x41a: {  	v20 =	vor.u32 v38, v3;
	[tilespmem:s11+$0x50] =	vst v14;
	v14 =	vld.idx.msk [tilespmem:v21+s17+$0x0], $0xffff  }
0x41b: {  	[tilespmem:s13+$0x850] =	vst v12;
	v12 =	vor.u32 v57, v10;
	v22 =	vld.idx.msk [tilespmem:v23+s17+$0x0], $0xffff  }
0x41c: {  	v21 =	vor.u32 v54, v6;
	v15 =	vld.idx.msk [tilespmem:v15+s17+$0x0], $0xffff;
	[tilespmem:s5+$0x50] =	vst v11  }
0x41d: {  	v23 =	vor.u32 v39, v2;
	[tilespmem:s28+$0x850] =	vst v16;
	v18 =	vld.idx.msk [tilespmem:v18+s17+$0x0], $0xffff  }
0x41e: {  	v11 =	vor.u32 v39, v5;
	v13 =	vld.idx.msk [tilespmem:v13+s17+$0x0], $0xffff;
	[tilespmem:s0+$0x50] =	vst v17  }
0x41f: {  	v17 =	vor.u32 v55, v8;
	[tilespmem:s20+$0xC00] =	vst v19;
	v20 =	vld.idx.msk [tilespmem:v20+s17+$0x0], $0xffff  }
0x420: {  	v19 =	vor.u32 v39, v1;
	v12 =	vld.idx.msk [tilespmem:v12+s17+$0x0], $0xffff;
	[tilespmem:s10+$0x60] =	vst v22  }
0x421: {  	v16 =	vor.u32 v39, v3;
	[tilespmem:s11+$0x60] =	vst v15;
	v15 =	vld.idx.msk [tilespmem:v21+s17+$0x0], $0xffff  }
0x422: {  	[tilespmem:s16+$0x860] =	vst v14;
	v14 =	vor.u32 v58, v10;
	v22 =	vld.idx.msk [tilespmem:v23+s17+$0x0], $0xffff  }
0x423: {  	v21 =	vor.u32 v55, v7;
	v11 =	vld.idx.msk [tilespmem:v11+s17+$0x0], $0xffff;
	[tilespmem:s5+$0x60] =	vst v13  }
0x424: {  	v23 =	vor.u32 v40, v2;
	[tilespmem:s13+$0x860] =	vst v18;
	v17 =	vld.idx.msk [tilespmem:v17+s17+$0x0], $0xffff  }
0x425: {  	v13 =	vor.u32 v40, v5;
	v19 =	vld.idx.msk [tilespmem:v19+s17+$0x0], $0xffff;
	[tilespmem:s0+$0x60] =	vst v20  }
0x426: {  	v20 =	vor.u32 v55, v6;
	[tilespmem:s20+$0xC10] =	vst v12;
	v16 =	vld.idx.msk [tilespmem:v16+s17+$0x0], $0xffff  }
0x427: {  	v12 =	vor.u32 v40, v1;
	v14 =	vld.idx.msk [tilespmem:v14+s17+$0x0], $0xffff;
	[tilespmem:s10+$0x70] =	vst v22  }
0x428: {  	v18 =	vor.u32 v40, v3;
	[tilespmem:s11+$0x70] =	vst v11;
	v11 =	vld.idx.msk [tilespmem:v21+s17+$0x0], $0xffff  }
0x429: {  	[tilespmem:s28+$0x860] =	vst v15;
	v15 =	vor.u32 v59, v10;
	v22 =	vld.idx.msk [tilespmem:v23+s17+$0x0], $0xffff  }
0x42a: {  	v21 =	vor.u32 v56, v8;
	v13 =	vld.idx.msk [tilespmem:v13+s17+$0x0], $0xffff;
	[tilespmem:s5+$0x70] =	vst v19  }
0x42b: {  	v23 =	vor.u32 v41, v2;
	[tilespmem:s16+$0x870] =	vst v17;
	v20 =	vld.idx.msk [tilespmem:v20+s17+$0x0], $0xffff  }
0x42c: {  	v19 =	vor.u32 v41, v5;
	v12 =	vld.idx.msk [tilespmem:v12+s17+$0x0], $0xffff;
	[tilespmem:s0+$0x70] =	vst v16  }
0x42d: {  	v16 =	vor.u32 v56, v7;
	[tilespmem:s20+$0xC20] =	vst v14;
	v18 =	vld.idx.msk [tilespmem:v18+s17+$0x0], $0xffff  }
0x42e: {  	v14 =	vor.u32 v41, v1;
	v15 =	vld.idx.msk [tilespmem:v15+s17+$0x0], $0xffff;
	[tilespmem:s10+$0x400] =	vst v22  }
0x42f: {  	v17 =	vor.u32 v41, v3;
	[tilespmem:s11+$0x400] =	vst v13;
	v13 =	vld.idx.msk [tilespmem:v21+s17+$0x0], $0xffff  }
0x430: {  	[tilespmem:s13+$0x870] =	vst v11;
	v11 =	vor.u32 v60, v10;
	v22 =	vld.idx.msk [tilespmem:v23+s17+$0x0], $0xffff  }
0x431: {  	v21 =	vor.u32 v56, v6;
	v19 =	vld.idx.msk [tilespmem:v19+s17+$0x0], $0xffff;
	[tilespmem:s5+$0x400] =	vst v12  }
0x432: {  	v23 =	vor.u32 v42, v2;
	[tilespmem:s28+$0x870] =	vst v20;
	v16 =	vld.idx.msk [tilespmem:v16+s17+$0x0], $0xffff  }
0x433: {  	v12 =	vor.u32 v42, v5;
	v14 =	vld.idx.msk [tilespmem:v14+s17+$0x0], $0xffff;
	[tilespmem:s0+$0x400] =	vst v18  }
0x434: {  	v18 =	vor.u32 v57, v8;
	[tilespmem:s20+$0xC30] =	vst v15;
	v17 =	vld.idx.msk [tilespmem:v17+s17+$0x0], $0xffff  }
0x435: {  	v15 =	vor.u32 v42, v1;
	v11 =	vld.idx.msk [tilespmem:v11+s17+$0x0], $0xffff;
	[tilespmem:s10+$0x410] =	vst v22  }
0x436: {  	v20 =	vor.u32 v42, v3;
	[tilespmem:s11+$0x410] =	vst v19;
	v19 =	vld.idx.msk [tilespmem:v21+s17+$0x0], $0xffff  }
0x437: {  	[tilespmem:s16+$0xC00] =	vst v13;
	v13 =	vor.u32 v61, v10;
	v22 =	vld.idx.msk [tilespmem:v23+s17+$0x0], $0xffff  }
0x438: {  	v21 =	vor.u32 v57, v7;
	v12 =	vld.idx.msk [tilespmem:v12+s17+$0x0], $0xffff;
	[tilespmem:s5+$0x410] =	vst v14  }
0x439: {  	v23 =	vor.u32 v43, v2;
	[tilespmem:s13+$0xC00] =	vst v16;
	v18 =	vld.idx.msk [tilespmem:v18+s17+$0x0], $0xffff  }
0x43a: {  	v14 =	vor.u32 v43, v5;
	v15 =	vld.idx.msk [tilespmem:v15+s17+$0x0], $0xffff;
	[tilespmem:s0+$0x410] =	vst v17  }
0x43b: {  	v17 =	vor.u32 v57, v6;
	[tilespmem:s20+$0xC40] =	vst v11;
	v20 =	vld.idx.msk [tilespmem:v20+s17+$0x0], $0xffff  }
0x43c: {  	v11 =	vor.u32 v43, v1;
	v13 =	vld.idx.msk [tilespmem:v13+s17+$0x0], $0xffff;
	[tilespmem:s10+$0x420] =	vst v22  }
0x43d: {  	v16 =	vor.u32 v43, v3;
	[tilespmem:s11+$0x420] =	vst v12;
	v12 =	vld.idx.msk [tilespmem:v21+s17+$0x0], $0xffff  }
0x43e: {  	[tilespmem:s28+$0xC00] =	vst v19;
	v19 =	vor.u32 v62, v10;
	v22 =	vld.idx.msk [tilespmem:v23+s17+$0x0], $0xffff  }
0x43f: {  	v21 =	vor.u32 v58, v8;
	v14 =	vld.idx.msk [tilespmem:v14+s17+$0x0], $0xffff;
	[tilespmem:s5+$0x420] =	vst v15  }
0x440: {  	v23 =	vor.u32 v44, v2;
	[tilespmem:s16+$0xC10] =	vst v18;
	v17 =	vld.idx.msk [tilespmem:v17+s17+$0x0], $0xffff  }
0x441: {  	v15 =	vor.u32 v44, v5;
	v11 =	vld.idx.msk [tilespmem:v11+s17+$0x0], $0xffff;
	[tilespmem:s0+$0x420] =	vst v20  }
0x442: {  	v20 =	vor.u32 v58, v7;
	[tilespmem:s20+$0xC50] =	vst v13;
	v16 =	vld.idx.msk [tilespmem:v16+s17+$0x0], $0xffff  }
0x443: {  	v13 =	vor.u32 v44, v1;
	v18 =	vld.idx.msk [tilespmem:v19+s17+$0x0], $0xffff;
	[tilespmem:s10+$0x430] =	vst v22  }
0x444: {  	v19 =	vor.u32 v44, v3;
	[tilespmem:s11+$0x430] =	vst v14;
	v14 =	vld.idx.msk [tilespmem:v21+s17+$0x0], $0xffff  }
0x445: {  	[tilespmem:s13+$0xC10] =	vst v12;
	v12 =	vor.u32 v63, v10;
	v22 =	vld.idx.msk [tilespmem:v23+s17+$0x0], $0xffff  }
0x446: {  	v21 =	vor.u32 v58, v6;
	v15 =	vld.idx.msk [tilespmem:v15+s17+$0x0], $0xffff;
	[tilespmem:s5+$0x430] =	vst v11  }
0x447: {  	s30 =	simm.s32 $0xA;
	v23 =	vor.u32 v45, v2;
	[tilespmem:s28+$0xC10] =	vst v17;
	v20 =	vld.idx.msk [tilespmem:v20+s17+$0x0], $0xffff  }
0x448: {  	v10 =	vmov s30;
	v11 =	vor.u32 v45, v5;
	v13 =	vld.idx.msk [tilespmem:v13+s17+$0x0], $0xffff;
	[tilespmem:s0+$0x430] =	vst v16  }
0x449: {  	v10 =	vand.u32 $0x1E, v10;
	v16 =	vor.u32 v59, v8;
	[tilespmem:s20+$0xC60] =	vst v18;
	v19 =	vld.idx.msk [tilespmem:v19+s17+$0x0], $0xffff  }
0x44a: {  	v10 =	vbroadcast v10, $0x0;
	v18 =	vor.u32 v45, v1;
	v12 =	vld.idx.msk [tilespmem:v12+s17+$0x0], $0xffff;
	[tilespmem:s10+$0x440] =	vst v22  }
0x44b: {  	v17 =	vor.u32 v45, v3;
	[tilespmem:s11+$0x440] =	vst v15;
	v15 =	vld.idx.msk [tilespmem:v21+s17+$0x0], $0xffff  }
0x44c: {  	[tilespmem:s16+$0xC20] =	vst v14;
	v21 =	vor.u32 v27, v10;
	v22 =	vld.idx.msk [tilespmem:v23+s17+$0x0], $0xffff  }
0x44d: {  	v24 =	vor.u32 v46, v2;
	v11 =	vld.idx.msk [tilespmem:v11+s17+$0x0], $0xffff;
	[tilespmem:s5+$0x440] =	vst v13  }
0x44e: {  	[tilespmem:s13+$0xC20] =	vst v20;
	v14 =	vld.idx.msk [tilespmem:v16+s17+$0x0], $0xffff;
	v16 =	vor.u32 v59, v7  }
0x44f: {  	v23 =	vor.u32 v46, v5;
	v18 =	vld.idx.msk [tilespmem:v18+s17+$0x0], $0xffff;
	[tilespmem:s0+$0x440] =	vst v19  }
0x450: {  	v19 =	vor.u32 v59, v6;
	[tilespmem:s20+$0xC70] =	vst v12;
	v17 =	vld.idx.msk [tilespmem:v17+s17+$0x0], $0xffff  }
0x451: {  	v12 =	vor.u32 v46, v1;
	v13 =	vld.idx.msk [tilespmem:v21+s17+$0x0], $0xffff;
	[tilespmem:s10+$0x450] =	vst v22  }
0x452: {  	[tilespmem:s28+$0xC20] =	vst v15;
	v15 =	vor.u32 v60, v8;
	v22 =	vld.idx.msk [tilespmem:v24+s17+$0x0], $0xffff  }
0x453: {  	v20 =	vor.u32 v46, v3;
	[tilespmem:s11+$0x450] =	vst v11;
	v11 =	vld.idx.msk [tilespmem:v16+s17+$0x0], $0xffff  }
0x454: {  	v16 =	vld.idx.msk [tilespmem:v23+s17+$0x0], $0xffff;
	[tilespmem:s5+$0x450] =	vst v18;
	v23 =	vor.u32 v47, v2  }
0x455: {  	v21 =	vor.u32 v60, v7;
	[tilespmem:s16+$0xC30] =	vst v14;
	v19 =	vld.idx.msk [tilespmem:v19+s17+$0x0], $0xffff  }
0x456: {  	v18 =	vor.u32 v47, v5;
	v12 =	vld.idx.msk [tilespmem:v12+s17+$0x0], $0xffff;
	[tilespmem:s0+$0x450] =	vst v17  }
0x457: {  	v17 =	vor.u32 v60, v6;
	v15 =	vld.idx.msk [tilespmem:v15+s17+$0x0], $0xffff;
	[tilespmem:s10+$0x460] =	vst v22  }
0x458: {  	v14 =	vor.u32 v47, v1;
	v20 =	vld.idx.msk [tilespmem:v20+s17+$0x0], $0xffff;
	[tilespmem:s13+$0xC30] =	vst v11  }
0x459: {  	v11 =	vor.u32 v47, v3;
	[tilespmem:s11+$0x460] =	vst v16;
	v22 =	vld.idx.msk [tilespmem:v23+s17+$0x0], $0xffff  }
0x45a: {  	v16 =	vld.idx.msk [tilespmem:v21+s17+$0x0], $0xffff;
	[tilespmem:s28+$0xC30] =	vst v19;
	v19 =	vor.u32 v61, v8  }
0x45b: {  	v18 =	vld.idx.msk [tilespmem:v18+s17+$0x0], $0xffff;
	v21 =	vor.u32 v61, v7  }
0x45c: {  	[tilespmem:s5+$0x460] =	vst v12;
	v12 =	vor.u32 v48, v5;
	v17 =	vld.idx.msk [tilespmem:v17+s17+$0x0], $0xffff  }
0x45d: {  	v14 =	vld.idx.msk [tilespmem:v14+s17+$0x0], $0xffff;
	[tilespmem:s0+$0x460] =	vst v20;
	v20 =	vor.u32 v61, v6  }
0x45e: {  	v23 =	vor.u32 v48, v2;
	[tilespmem:s16+$0xC40] =	vst v15;
	v11 =	vld.idx.msk [tilespmem:v11+s17+$0x0], $0xffff  }
0x45f: {  	v15 =	vor.u32 v48, v1;
	v25 =	vld.idx.msk [tilespmem:v19+s17+$0x0], $0xffff;
	[tilespmem:s13+$0xC40] =	vst v16  }
0x460: {  	v16 =	vor.u32 v48, v3;
	[tilespmem:s11+$0x470] =	vst v18;
	v21 =	vld.idx.msk [tilespmem:v21+s17+$0x0], $0xffff  }
0x461: {  	v12 =	vld.idx.msk [tilespmem:v12+s17+$0x0], $0xffff;
	[tilespmem:s28+$0xC40] =	vst v17;
	v17 =	vor.u32 v62, v8  }
0x462: {  	v26 =	vor.u32 v62, v7;
	[tilespmem:s10+$0x470] =	vst v22;
	v22 =	vld.idx.msk [tilespmem:v20+s17+$0x0], $0xffff  }
0x463: {  	v24 =	vor.u32 v49, v5;
	[tilespmem:s5+$0x470] =	vst v14;
	v20 =	vld.idx.msk [tilespmem:v23+s17+$0x0], $0xffff  }
0x464: {  	v18 =	vld.idx.msk [tilespmem:v15+s17+$0x0], $0xffff;
	v23 =	vor.u32 v62, v6;
	[tilespmem:s0+$0x470] =	vst v11  }
0x465: {  	v19 =	vld.idx.msk [tilespmem:v16+s17+$0x0], $0xffff;
	[tilespmem:s16+$0xC50] =	vst v25;
	v16 =	vor.u32 v49, v2  }
0x466: {  	v15 =	vor.u32 v49, v1;
	v17 =	vld.idx.msk [tilespmem:v17+s17+$0x0], $0xffff;
	[tilespmem:s13+$0xC50] =	vst v21  }
0x467: {  	s23 =	simm.s32 $0xB;
	s21 =	simm.s32 $0xC;
	s20 =	simm.s32 $0x8;
	v14 =	vor.u32 v49, v3;
	[tilespmem:s11+$0x800] =	vst v12;
	v21 =	vld.idx.msk [tilespmem:v26+s17+$0x0], $0xffff  }
.LBB2_5:
0x468: {  	p0 =	slt.u32 s21, $0x1C;
	v11 =	vmov s23;
	v12 =	vld.idx.msk [tilespmem:v24+s17+$0x0], $0xffff;
	[tilespmem:s28+$0xC50] =	vst v22;
	v22 =	vor.u32 v63, v8;
	v8 =	vmovc v2;
	v2 =	vmov v4  }
0x469: {  	v4 =	vand.u32 $0x1F, v11;
	[tilespmem:s10+$0x800] =	vst v20;
	v11 =	vld.idx.msk [tilespmem:v23+s17+$0x0], $0xffff;
	v20 =	vor.u32 v63, v7;
	v7 =	vmovc v1;
	v1 =	vmov v10  }
0x46a: {  	v10 =	vbroadcast v4, $0x0;
	v16 =	vld.idx.msk [tilespmem:v16+s17+$0x0], $0xffff;
	[tilespmem:s5+$0x800] =	vst v18;
	v4 =	vor.u32 v50, v5  }
0x46b: {  	v18 =	vor.u32 v63, v6;
	v6 =	vmov v3;
	[tilespmem:s0+$0x800] =	vst v19;
	v15 =	vld.idx.msk [tilespmem:v15+s17+$0x0], $0xffff  }
0x46c: {  	v3 =	vmov s20;
	s20 =	smov.u32 s21;
	v19 =	vor.u32 v27, v10;
	v14 =	vld.idx.msk [tilespmem:v14+s17+$0x0], $0xffff;
	[tilespmem:s16+$0xC60] =	vst v17  }
0x46d: {  	s23 =	sadd.s32 $0x1, s21;
	v3 =	vand.u32 $0x1C, v3;
	v17 =	vor.u32 v50, v8;
	v22 =	vld.idx.msk [tilespmem:v22+s17+$0x0], $0xffff;
	[tilespmem:s13+$0xC60] =	vst v21  }
0x46e: {  	v23 =	vor.u32 v50, v7;
	v3 =	vbroadcast v3, $0x0;
	v21 =	vmov s23;
	[tilespmem:s11+$0x810] =	vst v12;
	v12 =	vld.idx.msk [tilespmem:v20+s17+$0x0], $0xffff  }
0x46f: {  	v20 =	vand.u32 $0x1D, v21;
	v21 =	vor.u32 v50, v6;
	v24 =	vld.idx.msk [tilespmem:v4+s17+$0x0], $0xffff;
	[tilespmem:s28+$0xC60] =	vst v11  }
0x470: {  	v4 =	vbroadcast v20, $0x0;
	v11 =	vor.u32 v27, v3;
	[tilespmem:s10+$0x810] =	vst v16;
	v16 =	vld.idx.msk [tilespmem:v18+s17+$0x0], $0xffff  }
0x471: {  	v18 =	vld.idx.msk [tilespmem:v19+s17+$0x0], $0xffff;
	[tilespmem:s5+$0x810] =	vst v15;
	v15 =	vor.u32 v51, v5  }
0x472: {  	v19 =	vor.u32 v27, v4;
	[tilespmem:s0+$0x810] =	vst v14;
	v14 =	vld.idx.msk [tilespmem:v17+s17+$0x0], $0xffff  }
0x473: {  	s18 =	sadd.s32 $0x800, s18;
	v17 =	vor.u32 v33, v10;
	v20 =	vld.idx.msk [tilespmem:v23+s17+$0x0], $0xffff;
	[tilespmem:s16+$0xC70] =	vst v22;
	s16 =	smov.u32 s10  }
0x474: {  	s19 =	sadd.s32 $0x200, s19;
	s10 =	sand.u32 $0x3000, s18;
	v22 =	vor.u32 v51, v8;
	v21 =	vld.idx.msk [tilespmem:v21+s17+$0x0], $0xffff;
	[tilespmem:s13+$0xC70] =	vst v12;
	s13 =	smov.u32 s5  }
0x475: {  	s5 =	sadd.s32 $0xFFFFFE80, s19;
	s24 =	sadd.s32 $0x12800, s10;
	v12 =	vor.u32 v33, v2;
	s10 =	sand.u32 $0x380, s19;
	v11 =	vld.idx.msk [tilespmem:v11+s17+$0x0], $0xffff;
	[tilespmem:s11+$0x820] =	vst v24  }
0x476: {  	s25 =	sadd.s32 $0xFFFFFF00, s19;
	s26 =	sadd.s32 $0xFFFFFF80, s19;
	v23 =	vor.u32 v33, v1;
	s23 =	sor.u32 s10, s24;
	v15 =	vld.idx.msk [tilespmem:v15+s17+$0x0], $0xffff;
	[tilespmem:s28+$0xC70] =	vst v16  }
0x477: {  	s5 =	sand.u32 $0x200, s5;
	s10 =	sand.u32 $0x280, s25;
	s25 =	sand.u32 $0x300, s26;
	v16 =	vld.idx.msk [tilespmem:v19+s17+$0x0], $0xffff;
	v19 =	vor.u32 v33, v3;
	[tilespmem:s23+$0x0] =	vst v18  }
0x478: {  	s26 =	sor.u32 s5, s24;
	s10 =	sor.u32 s10, s24;
	s5 =	sor.u32 s25, s24;
	v17 =	vld.idx.msk [tilespmem:v17+s17+$0x0], $0xffff;
	[tilespmem:s16+$0x820] =	vst v14;
	v14 =	vor.u32 v52, v5  }
0x479: {  	s28 =	smov.u32 s0;
	s0 =	smov.u32 s26;
	[tilespmem:s10+$0x0] =	vst v9;
	v18 =	vld.idx.msk [tilespmem:v22+s17+$0x0], $0xffff;
	v22 =	vor.u32 v51, v7  }
0x47a: {  	v12 =	vld.idx.msk [tilespmem:v12+s17+$0x0], $0xffff;
	[tilespmem:s5+$0x0] =	vst v13;
	v13 =	vor.u32 v34, v10  }
0x47b: {  	[tilespmem:s0+$0x0] =	vst v11;
	v11 =	vld.idx.msk [tilespmem:v23+s17+$0x0], $0xffff;
	v23 =	vor.u32 v51, v6  }
0x47c: {  	v24 =	vor.u32 v34, v2;
	v19 =	vld.idx.msk [tilespmem:v19+s17+$0x0], $0xffff;
	[tilespmem:s11+$0x830] =	vst v15  }
0x47d: {  	v15 =	vor.u32 v34, v1;
	v9 =	vmov v16;
	[tilespmem:s13+$0x820] =	vst v20;
	v14 =	vld.idx.msk [tilespmem:v14+s17+$0x0], $0xffff  }
0x47e: {  	v16 =	vor.u32 v34, v3;
	[tilespmem:s23+$0x10] =	vst v17;
	v17 =	vld.idx.msk [tilespmem:v22+s17+$0x0], $0xffff  }
0x47f: {  	v20 =	vor.u32 v53, v5;
	v13 =	vld.idx.msk [tilespmem:v13+s17+$0x0], $0xffff;
	[tilespmem:s28+$0x820] =	vst v21  }
0x480: {  	v21 =	vor.u32 v52, v8;
	[tilespmem:s10+$0x10] =	vst v12;
	v12 =	vld.idx.msk [tilespmem:v23+s17+$0x0], $0xffff  }
0x481: {  	v22 =	vld.idx.msk [tilespmem:v24+s17+$0x0], $0xffff;
	[tilespmem:s5+$0x10] =	vst v11;
	v11 =	vor.u32 v35, v10  }
0x482: {  	[tilespmem:s0+$0x10] =	vst v19;
	v15 =	vld.idx.msk [tilespmem:v15+s17+$0x0], $0xffff;
	v19 =	vor.u32 v52, v7  }
0x483: {  	v23 =	vor.u32 v35, v2;
	v16 =	vld.idx.msk [tilespmem:v16+s17+$0x0], $0xffff;
	[tilespmem:s11+$0x840] =	vst v14  }
0x484: {  	v14 =	vor.u32 v35, v1;
	[tilespmem:s16+$0x830] =	vst v18;
	v18 =	vld.idx.msk [tilespmem:v20+s17+$0x0], $0xffff  }
0x485: {  	v20 =	vor.u32 v35, v3;
	[tilespmem:s23+$0x20] =	vst v13;
	v13 =	vld.idx.msk [tilespmem:v21+s17+$0x0], $0xffff  }
0x486: {  	v11 =	vld.idx.msk [tilespmem:v11+s17+$0x0], $0xffff;
	[tilespmem:s13+$0x830] =	vst v17;
	v17 =	vor.u32 v54, v5  }
0x487: {  	v21 =	vor.u32 v52, v6;
	[tilespmem:s10+$0x20] =	vst v22;
	v19 =	vld.idx.msk [tilespmem:v19+s17+$0x0], $0xffff  }
0x488: {  	v22 =	vld.idx.msk [tilespmem:v23+s17+$0x0], $0xffff;
	[tilespmem:s5+$0x20] =	vst v15;
	v15 =	vor.u32 v36, v10  }
0x489: {  	[tilespmem:s0+$0x20] =	vst v16;
	v14 =	vld.idx.msk [tilespmem:v14+s17+$0x0], $0xffff;
	v16 =	vor.u32 v53, v8  }
0x48a: {  	v23 =	vor.u32 v36, v2;
	v20 =	vld.idx.msk [tilespmem:v20+s17+$0x0], $0xffff;
	[tilespmem:s11+$0x850] =	vst v18  }
0x48b: {  	v18 =	vor.u32 v36, v1;
	[tilespmem:s28+$0x830] =	vst v12;
	v12 =	vld.idx.msk [tilespmem:v17+s17+$0x0], $0xffff  }
0x48c: {  	v17 =	vor.u32 v36, v3;
	[tilespmem:s23+$0x30] =	vst v11;
	v11 =	vld.idx.msk [tilespmem:v21+s17+$0x0], $0xffff  }
0x48d: {  	v15 =	vld.idx.msk [tilespmem:v15+s17+$0x0], $0xffff;
	[tilespmem:s16+$0x840] =	vst v13;
	v13 =	vor.u32 v55, v5  }
0x48e: {  	v21 =	vor.u32 v53, v7;
	[tilespmem:s10+$0x30] =	vst v22;
	v16 =	vld.idx.msk [tilespmem:v16+s17+$0x0], $0xffff  }
0x48f: {  	v22 =	vld.idx.msk [tilespmem:v23+s17+$0x0], $0xffff;
	[tilespmem:s5+$0x30] =	vst v14;
	v14 =	vor.u32 v37, v10  }
0x490: {  	[tilespmem:s0+$0x30] =	vst v20;
	v18 =	vld.idx.msk [tilespmem:v18+s17+$0x0], $0xffff;
	v20 =	vor.u32 v53, v6  }
0x491: {  	v23 =	vor.u32 v37, v2;
	v17 =	vld.idx.msk [tilespmem:v17+s17+$0x0], $0xffff;
	[tilespmem:s11+$0x860] =	vst v12  }
0x492: {  	v12 =	vor.u32 v37, v1;
	[tilespmem:s13+$0x840] =	vst v19;
	v13 =	vld.idx.msk [tilespmem:v13+s17+$0x0], $0xffff  }
0x493: {  	v19 =	vor.u32 v37, v3;
	[tilespmem:s23+$0x40] =	vst v15;
	v15 =	vld.idx.msk [tilespmem:v21+s17+$0x0], $0xffff  }
0x494: {  	v14 =	vld.idx.msk [tilespmem:v14+s17+$0x0], $0xffff;
	[tilespmem:s28+$0x840] =	vst v11;
	v11 =	vor.u32 v56, v5  }
0x495: {  	v21 =	vor.u32 v54, v8;
	[tilespmem:s10+$0x40] =	vst v22;
	v20 =	vld.idx.msk [tilespmem:v20+s17+$0x0], $0xffff  }
0x496: {  	v22 =	vld.idx.msk [tilespmem:v23+s17+$0x0], $0xffff;
	[tilespmem:s5+$0x40] =	vst v18;
	v18 =	vor.u32 v38, v10  }
0x497: {  	[tilespmem:s0+$0x40] =	vst v17;
	v12 =	vld.idx.msk [tilespmem:v12+s17+$0x0], $0xffff;
	v17 =	vor.u32 v54, v7  }
0x498: {  	v23 =	vor.u32 v38, v2;
	v19 =	vld.idx.msk [tilespmem:v19+s17+$0x0], $0xffff;
	[tilespmem:s11+$0x870] =	vst v13  }
0x499: {  	v13 =	vor.u32 v38, v1;
	[tilespmem:s16+$0x850] =	vst v16;
	v11 =	vld.idx.msk [tilespmem:v11+s17+$0x0], $0xffff  }
0x49a: {  	v16 =	vor.u32 v38, v3;
	[tilespmem:s23+$0x50] =	vst v14;
	v14 =	vld.idx.msk [tilespmem:v21+s17+$0x0], $0xffff  }
0x49b: {  	v18 =	vld.idx.msk [tilespmem:v18+s17+$0x0], $0xffff;
	[tilespmem:s13+$0x850] =	vst v15;
	v15 =	vor.u32 v57, v5  }
0x49c: {  	v21 =	vor.u32 v54, v6;
	[tilespmem:s10+$0x50] =	vst v22;
	v17 =	vld.idx.msk [tilespmem:v17+s17+$0x0], $0xffff  }
0x49d: {  	v22 =	vld.idx.msk [tilespmem:v23+s17+$0x0], $0xffff;
	[tilespmem:s5+$0x50] =	vst v12;
	v12 =	vor.u32 v39, v10  }
0x49e: {  	[tilespmem:s0+$0x50] =	vst v19;
	v13 =	vld.idx.msk [tilespmem:v13+s17+$0x0], $0xffff;
	v19 =	vor.u32 v55, v8  }
0x49f: {  	v23 =	vor.u32 v39, v2;
	v16 =	vld.idx.msk [tilespmem:v16+s17+$0x0], $0xffff;
	[tilespmem:s11+$0xC00] =	vst v11  }
0x4a0: {  	v11 =	vor.u32 v39, v1;
	[tilespmem:s28+$0x850] =	vst v20;
	v15 =	vld.idx.msk [tilespmem:v15+s17+$0x0], $0xffff  }
0x4a1: {  	v20 =	vor.u32 v39, v3;
	[tilespmem:s23+$0x60] =	vst v18;
	v18 =	vld.idx.msk [tilespmem:v21+s17+$0x0], $0xffff  }
0x4a2: {  	v12 =	vld.idx.msk [tilespmem:v12+s17+$0x0], $0xffff;
	[tilespmem:s16+$0x860] =	vst v14;
	v14 =	vor.u32 v58, v5  }
0x4a3: {  	v21 =	vor.u32 v55, v7;
	[tilespmem:s10+$0x60] =	vst v22;
	v19 =	vld.idx.msk [tilespmem:v19+s17+$0x0], $0xffff  }
0x4a4: {  	v22 =	vld.idx.msk [tilespmem:v23+s17+$0x0], $0xffff;
	[tilespmem:s5+$0x60] =	vst v13;
	v13 =	vor.u32 v40, v10  }
0x4a5: {  	[tilespmem:s0+$0x60] =	vst v16;
	v11 =	vld.idx.msk [tilespmem:v11+s17+$0x0], $0xffff;
	v16 =	vor.u32 v55, v6  }
0x4a6: {  	v23 =	vor.u32 v40, v2;
	v20 =	vld.idx.msk [tilespmem:v20+s17+$0x0], $0xffff;
	[tilespmem:s11+$0xC10] =	vst v15  }
0x4a7: {  	v15 =	vor.u32 v40, v1;
	[tilespmem:s13+$0x860] =	vst v17;
	v14 =	vld.idx.msk [tilespmem:v14+s17+$0x0], $0xffff  }
0x4a8: {  	v17 =	vor.u32 v40, v3;
	[tilespmem:s23+$0x70] =	vst v12;
	v12 =	vld.idx.msk [tilespmem:v21+s17+$0x0], $0xffff  }
0x4a9: {  	v13 =	vld.idx.msk [tilespmem:v13+s17+$0x0], $0xffff;
	[tilespmem:s28+$0x860] =	vst v18;
	v18 =	vor.u32 v59, v5  }
0x4aa: {  	v21 =	vor.u32 v56, v8;
	[tilespmem:s10+$0x70] =	vst v22;
	v16 =	vld.idx.msk [tilespmem:v16+s17+$0x0], $0xffff  }
0x4ab: {  	v22 =	vld.idx.msk [tilespmem:v23+s17+$0x0], $0xffff;
	[tilespmem:s5+$0x70] =	vst v11;
	v11 =	vor.u32 v41, v10  }
0x4ac: {  	[tilespmem:s0+$0x70] =	vst v20;
	v15 =	vld.idx.msk [tilespmem:v15+s17+$0x0], $0xffff;
	v20 =	vor.u32 v56, v7  }
0x4ad: {  	v23 =	vor.u32 v41, v2;
	v17 =	vld.idx.msk [tilespmem:v17+s17+$0x0], $0xffff;
	[tilespmem:s11+$0xC20] =	vst v14  }
0x4ae: {  	v14 =	vor.u32 v41, v1;
	[tilespmem:s16+$0x870] =	vst v19;
	v18 =	vld.idx.msk [tilespmem:v18+s17+$0x0], $0xffff  }
0x4af: {  	v19 =	vor.u32 v41, v3;
	[tilespmem:s23+$0x400] =	vst v13;
	v13 =	vld.idx.msk [tilespmem:v21+s17+$0x0], $0xffff  }
0x4b0: {  	v11 =	vld.idx.msk [tilespmem:v11+s17+$0x0], $0xffff;
	[tilespmem:s13+$0x870] =	vst v12;
	v12 =	vor.u32 v60, v5  }
0x4b1: {  	v21 =	vor.u32 v56, v6;
	[tilespmem:s10+$0x400] =	vst v22;
	v20 =	vld.idx.msk [tilespmem:v20+s17+$0x0], $0xffff  }
0x4b2: {  	v22 =	vld.idx.msk [tilespmem:v23+s17+$0x0], $0xffff;
	[tilespmem:s5+$0x400] =	vst v15;
	v15 =	vor.u32 v42, v10  }
0x4b3: {  	[tilespmem:s0+$0x400] =	vst v17;
	v14 =	vld.idx.msk [tilespmem:v14+s17+$0x0], $0xffff;
	v17 =	vor.u32 v57, v8  }
0x4b4: {  	v23 =	vor.u32 v42, v2;
	v19 =	vld.idx.msk [tilespmem:v19+s17+$0x0], $0xffff;
	[tilespmem:s11+$0xC30] =	vst v18  }
0x4b5: {  	v18 =	vor.u32 v42, v1;
	[tilespmem:s28+$0x870] =	vst v16;
	v12 =	vld.idx.msk [tilespmem:v12+s17+$0x0], $0xffff  }
0x4b6: {  	v16 =	vor.u32 v42, v3;
	[tilespmem:s23+$0x410] =	vst v11;
	v11 =	vld.idx.msk [tilespmem:v21+s17+$0x0], $0xffff  }
0x4b7: {  	v15 =	vld.idx.msk [tilespmem:v15+s17+$0x0], $0xffff;
	[tilespmem:s16+$0xC00] =	vst v13;
	v13 =	vor.u32 v61, v5  }
0x4b8: {  	v21 =	vor.u32 v57, v7;
	[tilespmem:s10+$0x410] =	vst v22;
	v17 =	vld.idx.msk [tilespmem:v17+s17+$0x0], $0xffff  }
0x4b9: {  	v22 =	vld.idx.msk [tilespmem:v23+s17+$0x0], $0xffff;
	[tilespmem:s5+$0x410] =	vst v14;
	v14 =	vor.u32 v43, v10  }
0x4ba: {  	[tilespmem:s0+$0x410] =	vst v19;
	v18 =	vld.idx.msk [tilespmem:v18+s17+$0x0], $0xffff;
	v19 =	vor.u32 v57, v6  }
0x4bb: {  	v23 =	vor.u32 v43, v2;
	v16 =	vld.idx.msk [tilespmem:v16+s17+$0x0], $0xffff;
	[tilespmem:s11+$0xC40] =	vst v12  }
0x4bc: {  	v12 =	vor.u32 v43, v1;
	[tilespmem:s13+$0xC00] =	vst v20;
	v13 =	vld.idx.msk [tilespmem:v13+s17+$0x0], $0xffff  }
0x4bd: {  	v20 =	vor.u32 v43, v3;
	[tilespmem:s23+$0x420] =	vst v15;
	v15 =	vld.idx.msk [tilespmem:v21+s17+$0x0], $0xffff  }
0x4be: {  	v14 =	vld.idx.msk [tilespmem:v14+s17+$0x0], $0xffff;
	[tilespmem:s28+$0xC00] =	vst v11;
	v11 =	vor.u32 v62, v5  }
0x4bf: {  	v21 =	vor.u32 v58, v8;
	[tilespmem:s10+$0x420] =	vst v22;
	v19 =	vld.idx.msk [tilespmem:v19+s17+$0x0], $0xffff  }
0x4c0: {  	v22 =	vld.idx.msk [tilespmem:v23+s17+$0x0], $0xffff;
	[tilespmem:s5+$0x420] =	vst v18;
	v18 =	vor.u32 v44, v10  }
0x4c1: {  	[tilespmem:s0+$0x420] =	vst v16;
	v12 =	vld.idx.msk [tilespmem:v12+s17+$0x0], $0xffff;
	v16 =	vor.u32 v58, v7  }
0x4c2: {  	v23 =	vor.u32 v44, v2;
	v20 =	vld.idx.msk [tilespmem:v20+s17+$0x0], $0xffff;
	[tilespmem:s11+$0xC50] =	vst v13  }
0x4c3: {  	v13 =	vor.u32 v44, v1;
	[tilespmem:s16+$0xC10] =	vst v17;
	v11 =	vld.idx.msk [tilespmem:v11+s17+$0x0], $0xffff  }
0x4c4: {  	v17 =	vor.u32 v44, v3;
	[tilespmem:s23+$0x430] =	vst v14;
	v14 =	vld.idx.msk [tilespmem:v21+s17+$0x0], $0xffff  }
0x4c5: {  	v18 =	vld.idx.msk [tilespmem:v18+s17+$0x0], $0xffff;
	[tilespmem:s13+$0xC10] =	vst v15;
	v15 =	vor.u32 v63, v5;
	v5 =	vmov v10  }
0x4c6: {  	v21 =	vor.u32 v58, v6;
	[tilespmem:s10+$0x430] =	vst v22;
	v16 =	vld.idx.msk [tilespmem:v16+s17+$0x0], $0xffff  }
0x4c7: {  	s24 =	sadd.s32 $0x2, s21;
	v22 =	vld.idx.msk [tilespmem:v23+s17+$0x0], $0xffff;
	[tilespmem:s5+$0x430] =	vst v12;
	v12 =	vor.u32 v45, v5  }
0x4c8: {  	v10 =	vmov s24;
	[tilespmem:s0+$0x430] =	vst v20;
	v13 =	vld.idx.msk [tilespmem:v13+s17+$0x0], $0xffff;
	v20 =	vor.u32 v59, v8  }
0x4c9: {  	v10 =	vand.u32 $0x1E, v10;
	v23 =	vor.u32 v45, v2;
	v17 =	vld.idx.msk [tilespmem:v17+s17+$0x0], $0xffff;
	[tilespmem:s11+$0xC60] =	vst v11  }
0x4ca: {  	v10 =	vbroadcast v10, $0x0;
	v11 =	vor.u32 v45, v1;
	[tilespmem:s28+$0xC10] =	vst v19;
	v15 =	vld.idx.msk [tilespmem:v15+s17+$0x0], $0xffff  }
0x4cb: {  	v19 =	vor.u32 v45, v3;
	[tilespmem:s23+$0x440] =	vst v18;
	v18 =	vld.idx.msk [tilespmem:v21+s17+$0x0], $0xffff  }
0x4cc: {  	v21 =	vor.u32 v27, v10;
	v12 =	vld.idx.msk [tilespmem:v12+s17+$0x0], $0xffff;
	[tilespmem:s16+$0xC20] =	vst v14  }
0x4cd: {  	[tilespmem:s10+$0x440] =	vst v22;
	v14 =	vld.idx.msk [tilespmem:v20+s17+$0x0], $0xffff;
	v20 =	vor.u32 v59, v7  }
0x4ce: {  	v22 =	vld.idx.msk [tilespmem:v23+s17+$0x0], $0xffff;
	[tilespmem:s5+$0x440] =	vst v13;
	v23 =	vor.u32 v46, v5  }
0x4cf: {  	[tilespmem:s0+$0x440] =	vst v17;
	v11 =	vld.idx.msk [tilespmem:v11+s17+$0x0], $0xffff;
	v17 =	vor.u32 v59, v6  }
0x4d0: {  	v24 =	vor.u32 v46, v2;
	v19 =	vld.idx.msk [tilespmem:v19+s17+$0x0], $0xffff;
	[tilespmem:s11+$0xC70] =	vst v15;
	s11 =	smov.u32 s23  }
0x4d1: {  	v15 =	vor.u32 v46, v1;
	v13 =	vld.idx.msk [tilespmem:v21+s17+$0x0], $0xffff;
	[tilespmem:s13+$0xC20] =	vst v16  }
0x4d2: {  	v16 =	vor.u32 v46, v3;
	[tilespmem:s11+$0x450] =	vst v12;
	v12 =	vld.idx.msk [tilespmem:v20+s17+$0x0], $0xffff  }
0x4d3: {  	v20 =	vld.idx.msk [tilespmem:v23+s17+$0x0], $0xffff;
	[tilespmem:s28+$0xC20] =	vst v18;
	v18 =	vor.u32 v60, v8  }
0x4d4: {  	v21 =	vor.u32 v60, v7;
	[tilespmem:s10+$0x450] =	vst v22;
	v17 =	vld.idx.msk [tilespmem:v17+s17+$0x0], $0xffff  }
0x4d5: {  	v22 =	vld.idx.msk [tilespmem:v24+s17+$0x0], $0xffff;
	[tilespmem:s5+$0x450] =	vst v11;
	v11 =	vor.u32 v47, v5  }
0x4d6: {  	[tilespmem:s0+$0x450] =	vst v19;
	v15 =	vld.idx.msk [tilespmem:v15+s17+$0x0], $0xffff;
	v19 =	vor.u32 v60, v6  }
0x4d7: {  	v23 =	vor.u32 v47, v2;
	v16 =	vld.idx.msk [tilespmem:v16+s17+$0x0], $0xffff;
	[tilespmem:s16+$0xC30] =	vst v14  }
0x4d8: {  	v14 =	vor.u32 v47, v1;
	v18 =	vld.idx.msk [tilespmem:v18+s17+$0x0], $0xffff;
	[tilespmem:s13+$0xC30] =	vst v12  }
0x4d9: {  	v12 =	vor.u32 v47, v3;
	[tilespmem:s11+$0x460] =	vst v20;
	v20 =	vld.idx.msk [tilespmem:v21+s17+$0x0], $0xffff  }
0x4da: {  	v11 =	vld.idx.msk [tilespmem:v11+s17+$0x0], $0xffff;
	[tilespmem:s28+$0xC30] =	vst v17;
	v17 =	vor.u32 v61, v8  }
0x4db: {  	v21 =	vor.u32 v61, v7;
	[tilespmem:s10+$0x460] =	vst v22;
	v19 =	vld.idx.msk [tilespmem:v19+s17+$0x0], $0xffff  }
0x4dc: {  	v22 =	vld.idx.msk [tilespmem:v23+s17+$0x0], $0xffff;
	[tilespmem:s5+$0x460] =	vst v15;
	v15 =	vor.u32 v48, v5  }
0x4dd: {  	[tilespmem:s0+$0x460] =	vst v16;
	v14 =	vld.idx.msk [tilespmem:v14+s17+$0x0], $0xffff;
	v16 =	vor.u32 v61, v6  }
0x4de: {  	v23 =	vor.u32 v48, v2;
	v12 =	vld.idx.msk [tilespmem:v12+s17+$0x0], $0xffff;
	[tilespmem:s16+$0xC40] =	vst v18  }
0x4df: {  	v18 =	vor.u32 v48, v1;
	v17 =	vld.idx.msk [tilespmem:v17+s17+$0x0], $0xffff;
	[tilespmem:s13+$0xC40] =	vst v20  }
0x4e0: {  	v25 =	vor.u32 v48, v3;
	[tilespmem:s11+$0x470] =	vst v11;
	v11 =	vld.idx.msk [tilespmem:v21+s17+$0x0], $0xffff  }
0x4e1: {  	v26 =	vor.u32 v62, v8;
	v21 =	vld.idx.msk [tilespmem:v15+s17+$0x0], $0xffff;
	[tilespmem:s28+$0xC40] =	vst v19  }
0x4e2: {  	v28 =	vor.u32 v62, v7;
	[tilespmem:s10+$0x470] =	vst v22;
	v22 =	vld.idx.msk [tilespmem:v16+s17+$0x0], $0xffff  }
.Ltmp1:
0x4e3: {  	v24 =	vor.u32 v49, v5;
	v20 =	vld.idx.msk [tilespmem:v23+s17+$0x0], $0xffff;
	[tilespmem:s5+$0x470] =	vst v14;
	(pc) =	sbr.rel @p0 .LBB2_5-.Ltmp1, $4  }
0x4e4: {  	v23 =	vor.u32 v62, v6;
	[tilespmem:s0+$0x470] =	vst v12;
	v18 =	vld.idx.msk [tilespmem:v18+s17+$0x0], $0xffff  }
0x4e5: {  	v16 =	vor.u32 v49, v2;
	v19 =	vld.idx.msk [tilespmem:v25+s17+$0x0], $0xffff;
	[tilespmem:s16+$0xC50] =	vst v17  }
0x4e6: {  	v15 =	vor.u32 v49, v1;
	v17 =	vld.idx.msk [tilespmem:v26+s17+$0x0], $0xffff;
	[tilespmem:s13+$0xC50] =	vst v11  }
0x4e7: {  	s21 =	sadd.s32 $0x4, s21;
	s23 =	sadd.s32 $0x3, s20;
	v14 =	vor.u32 v49, v3;
	[tilespmem:s11+$0x800] =	vst v21;
	v21 =	vld.idx.msk [tilespmem:v28+s17+$0x0], $0xffff  }
0x4e8: {  	v11 =	vmov s23  }
0x4e9: {  	v11 =	vand.u32 $0x1F, v11  }
0x4ea: {  	v12 =	vbroadcast v11, $0x0  }
0x4eb: {  	v11 =	vmov s20  }
0x4ec: {  	v11 =	vand.u32 $0x1C, v11;
	v25 =	vor.u32 v27, v12  }
0x4ed: {  	v11 =	vbroadcast v11, $0x0  }
0x4ee: {  	[tilespmem:s28+$0xC50] =	vst v22  }
0x4ef: {  	v22 =	vld.idx.msk [tilespmem:v24+s17+$0x0], $0xffff;
	[tilespmem:s10+$0x800] =	vst v20;
	v20 =	vor.u32 v27, v11  }
0x4f0: {  	[tilespmem:s5+$0x800] =	vst v18;
	v18 =	vld.idx.msk [tilespmem:v23+s17+$0x0], $0xffff  }
0x4f1: {  	[tilespmem:s0+$0x800] =	vst v19;
	v19 =	vld.idx.msk [tilespmem:v25+s17+$0x0], $0xffff  }
0x4f2: {  	s18 =	sadd.s32 $0x800, s18;
	[tilespmem:s16+$0xC60] =	vst v17;
	v17 =	vor.u32 v33, v12  }
0x4f3: {  	s19 =	sadd.s32 $0x200, s19;
	s18 =	sand.u32 $0x3000, s18;
	[tilespmem:s13+$0xC60] =	vst v21;
	v21 =	vor.u32 v33, v4  }
0x4f4: {  	s23 =	sand.u32 $0x380, s19;
	s24 =	sadd.s32 $0xFFFFFF00, s19;
	s21 =	sadd.s32 $0x12800, s18;
	[tilespmem:s11+$0x810] =	vst v22;
	v22 =	vor.u32 v33, v10;
	v20 =	vld.idx.msk [tilespmem:v20+s17+$0x0], $0xffff  }
0x4f5: {  	v16 =	vld.idx.msk [tilespmem:v16+s17+$0x0], $0xffff;
	s25 =	sadd.s32 $0xFFFFFF80, s19;
	s20 =	sand.u32 $0x280, s24;
	s18 =	sor.u32 s23, s21;
	[tilespmem:s28+$0xC60] =	vst v18;
	v18 =	vor.u32 v33, v11  }
0x4f6: {  	v15 =	vld.idx.msk [tilespmem:v15+s17+$0x0], $0xffff;
	s24 =	sadd.s32 $0xFFFFFE80, s19;
	s23 =	sand.u32 $0x300, s25;
	s26 =	sor.u32 s20, s21;
	[tilespmem:s18+$0x0] =	vst v19  }
0x4f7: {  	v8 =	vor.u32 v63, v8;
	s24 =	sand.u32 $0x200, s24;
	s30 =	sor.u32 s23, s21;
	[tilespmem:s26+$0x0] =	vst v9;
	v17 =	vld.idx.msk [tilespmem:v17+s17+$0x0], $0xffff  }
0x4f8: {  	s21 =	sor.u32 s24, s21;
	[tilespmem:s30+$0x0] =	vst v13;
	v13 =	vor.u32 v34, v12;
	v9 =	vld.idx.msk [tilespmem:v21+s17+$0x0], $0xffff  }
0x4f9: {  	v19 =	vld.idx.msk [tilespmem:v22+s17+$0x0], $0xffff;
	[tilespmem:s21+$0x0] =	vst v20;
	v20 =	vor.u32 v34, v4  }
0x4fa: {  	[tilespmem:s10+$0x810] =	vst v16;
	v21 =	vor.u32 v34, v10;
	v16 =	vld.idx.msk [tilespmem:v18+s17+$0x0], $0xffff  }
0x4fb: {  	v14 =	vld.idx.msk [tilespmem:v14+s17+$0x0], $0xffff;
	[tilespmem:s5+$0x810] =	vst v15;
	v22 =	vor.u32 v34, v11  }
0x4fc: {  	v7 =	vor.u32 v63, v7;
	v8 =	vld.idx.msk [tilespmem:v8+s17+$0x0], $0xffff;
	[tilespmem:s18+$0x10] =	vst v17  }
0x4fd: {  	v23 =	vor.u32 v50, v5;
	[tilespmem:s26+$0x10] =	vst v9;
	v13 =	vld.idx.msk [tilespmem:v13+s17+$0x0], $0xffff  }
0x4fe: {  	[tilespmem:s30+$0x10] =	vst v19;
	v19 =	vor.u32 v35, v12;
	v9 =	vld.idx.msk [tilespmem:v20+s17+$0x0], $0xffff  }
0x4ff: {  	v18 =	vor.u32 v35, v4;
	[tilespmem:s21+$0x10] =	vst v16;
	v16 =	vld.idx.msk [tilespmem:v21+s17+$0x0], $0xffff  }
0x500: {  	[tilespmem:s0+$0x810] =	vst v14;
	v21 =	vor.u32 v35, v10;
	v14 =	vld.idx.msk [tilespmem:v22+s17+$0x0], $0xffff  }
0x501: {  	v7 =	vld.idx.msk [tilespmem:v7+s17+$0x0], $0xffff;
	[tilespmem:s16+$0xC70] =	vst v8;
	v22 =	vor.u32 v35, v11  }
0x502: {  	v6 =	vor.u32 v63, v6;
	v17 =	vld.idx.msk [tilespmem:v23+s17+$0x0], $0xffff;
	[tilespmem:s18+$0x20] =	vst v13  }
0x503: {  	v23 =	vor.u32 v50, v2;
	[tilespmem:s26+$0x20] =	vst v9;
	v19 =	vld.idx.msk [tilespmem:v19+s17+$0x0], $0xffff  }
0x504: {  	v9 =	vld.idx.msk [tilespmem:v18+s17+$0x0], $0xffff;
	[tilespmem:s30+$0x20] =	vst v16;
	v16 =	vor.u32 v36, v12  }
0x505: {  	v15 =	vor.u32 v36, v4;
	[tilespmem:s21+$0x20] =	vst v14;
	v14 =	vld.idx.msk [tilespmem:v21+s17+$0x0], $0xffff  }
0x506: {  	[tilespmem:s13+$0xC70] =	vst v7;
	v7 =	vld.idx.msk [tilespmem:v22+s17+$0x0], $0xffff;
	v22 =	vor.u32 v51, v5  }
0x507: {  	v6 =	vld.idx.msk [tilespmem:v6+s17+$0x0], $0xffff;
	v8 =	vor.u32 v36, v10;
	[tilespmem:s11+$0x820] =	vst v17  }
0x508: {  	v13 =	vld.idx.msk [tilespmem:v23+s17+$0x0], $0xffff;
	v23 =	vor.u32 v50, v1;
	[tilespmem:s18+$0x30] =	vst v19  }
0x509: {  	v21 =	vor.u32 v36, v11;
	[tilespmem:s26+$0x30] =	vst v9;
	v16 =	vld.idx.msk [tilespmem:v16+s17+$0x0], $0xffff  }
0x50a: {  	v9 =	vld.idx.msk [tilespmem:v15+s17+$0x0], $0xffff;
	[tilespmem:s30+$0x30] =	vst v14;
	v14 =	vor.u32 v37, v12  }
0x50b: {  	v17 =	vld.idx.msk [tilespmem:v22+s17+$0x0], $0xffff;
	v22 =	vor.u32 v50, v3  }
0x50c: {  	[tilespmem:s21+$0x30] =	vst v7;
	v7 =	vld.idx.msk [tilespmem:v8+s17+$0x0], $0xffff;
	v8 =	vor.u32 v37, v4  }
0x50d: {  	[tilespmem:s28+$0xC70] =	vst v6;
	v19 =	vld.idx.msk [tilespmem:v23+s17+$0x0], $0xffff;
	v23 =	vor.u32 v52, v5  }
0x50e: {  	v15 =	vor.u32 v37, v10;
	v6 =	vld.idx.msk [tilespmem:v21+s17+$0x0], $0xffff;
	[tilespmem:s18+$0x40] =	vst v16  }
0x50f: {  	v21 =	vor.u32 v37, v11;
	[tilespmem:s26+$0x40] =	vst v9;
	v14 =	vld.idx.msk [tilespmem:v14+s17+$0x0], $0xffff  }
0x510: {  	[tilespmem:s11+$0x830] =	vst v17;
	v17 =	vld.idx.msk [tilespmem:v22+s17+$0x0], $0xffff;
	v22 =	vor.u32 v51, v2  }
0x511: {  	v8 =	vld.idx.msk [tilespmem:v8+s17+$0x0], $0xffff;
	[tilespmem:s30+$0x40] =	vst v7;
	v7 =	vor.u32 v38, v12  }
0x512: {  	[tilespmem:s10+$0x820] =	vst v13;
	v16 =	vld.idx.msk [tilespmem:v23+s17+$0x0], $0xffff;
	v23 =	vor.u32 v51, v1  }
0x513: {  	v9 =	vor.u32 v38, v4;
	[tilespmem:s21+$0x40] =	vst v6;
	v6 =	vld.idx.msk [tilespmem:v15+s17+$0x0], $0xffff  }
0x514: {  	[tilespmem:s5+$0x820] =	vst v19;
	v15 =	vor.u32 v38, v10;
	v13 =	vld.idx.msk [tilespmem:v21+s17+$0x0], $0xffff  }
0x515: {  	v21 =	vor.u32 v38, v11;
	[tilespmem:s18+$0x50] =	vst v14;
	v18 =	vld.idx.msk [tilespmem:v22+s17+$0x0], $0xffff  }
0x516: {  	[tilespmem:s26+$0x50] =	vst v8;
	v22 =	vor.u32 v53, v5;
	v7 =	vld.idx.msk [tilespmem:v7+s17+$0x0], $0xffff  }
0x517: {  	[tilespmem:s0+$0x820] =	vst v17;
	v14 =	vld.idx.msk [tilespmem:v23+s17+$0x0], $0xffff;
	v23 =	vor.u32 v51, v3  }
0x518: {  	v8 =	vld.idx.msk [tilespmem:v9+s17+$0x0], $0xffff;
	[tilespmem:s30+$0x50] =	vst v6;
	v6 =	vor.u32 v39, v12  }
0x519: {  	[tilespmem:s21+$0x50] =	vst v13;
	v9 =	vld.idx.msk [tilespmem:v15+s17+$0x0], $0xffff;
	v13 =	vor.u32 v39, v4  }
0x51a: {  	v17 =	vor.u32 v39, v10;
	[tilespmem:s11+$0x840] =	vst v16;
	v15 =	vld.idx.msk [tilespmem:v21+s17+$0x0], $0xffff  }
0x51b: {  	v21 =	vor.u32 v39, v11;
	[tilespmem:s10+$0x830] =	vst v18;
	v18 =	vld.idx.msk [tilespmem:v22+s17+$0x0], $0xffff  }
0x51c: {  	v22 =	vor.u32 v52, v2;
	[tilespmem:s18+$0x60] =	vst v7;
	v7 =	vld.idx.msk [tilespmem:v23+s17+$0x0], $0xffff  }
0x51d: {  	[tilespmem:s26+$0x60] =	vst v8;
	v23 =	vor.u32 v54, v5;
	v6 =	vld.idx.msk [tilespmem:v6+s17+$0x0], $0xffff  }
0x51e: {  	v8 =	vld.idx.msk [tilespmem:v13+s17+$0x0], $0xffff;
	[tilespmem:s30+$0x60] =	vst v9;
	v9 =	vor.u32 v40, v12  }
0x51f: {  	[tilespmem:s21+$0x60] =	vst v15;
	v13 =	vld.idx.msk [tilespmem:v17+s17+$0x0], $0xffff;
	v15 =	vor.u32 v40, v4  }
0x520: {  	[tilespmem:s5+$0x830] =	vst v14;
	v17 =	vor.u32 v40, v10;
	v16 =	vld.idx.msk [tilespmem:v21+s17+$0x0], $0xffff  }
0x521: {  	v21 =	vor.u32 v40, v11;
	[tilespmem:s11+$0x850] =	vst v18;
	v18 =	vld.idx.msk [tilespmem:v22+s17+$0x0], $0xffff  }
0x522: {  	v22 =	vor.u32 v52, v1;
	[tilespmem:s18+$0x70] =	vst v6;
	v6 =	vld.idx.msk [tilespmem:v23+s17+$0x0], $0xffff  }
0x523: {  	[tilespmem:s26+$0x70] =	vst v8;
	v23 =	vor.u32 v52, v3;
	v9 =	vld.idx.msk [tilespmem:v9+s17+$0x0], $0xffff  }
0x524: {  	v8 =	vld.idx.msk [tilespmem:v15+s17+$0x0], $0xffff;
	[tilespmem:s30+$0x70] =	vst v13;
	v13 =	vor.u32 v41, v12  }
0x525: {  	[tilespmem:s21+$0x70] =	vst v16;
	v15 =	vld.idx.msk [tilespmem:v17+s17+$0x0], $0xffff;
	v16 =	vor.u32 v41, v4  }
0x526: {  	[tilespmem:s0+$0x830] =	vst v7;
	v17 =	vor.u32 v41, v10;
	v14 =	vld.idx.msk [tilespmem:v21+s17+$0x0], $0xffff  }
0x527: {  	v21 =	vor.u32 v41, v11;
	[tilespmem:s10+$0x840] =	vst v18;
	v18 =	vld.idx.msk [tilespmem:v22+s17+$0x0], $0xffff  }
0x528: {  	v22 =	vor.u32 v55, v5;
	[tilespmem:s18+$0x400] =	vst v9;
	v9 =	vld.idx.msk [tilespmem:v23+s17+$0x0], $0xffff  }
0x529: {  	[tilespmem:s26+$0x400] =	vst v8;
	v23 =	vor.u32 v53, v2;
	v13 =	vld.idx.msk [tilespmem:v13+s17+$0x0], $0xffff  }
0x52a: {  	v8 =	vld.idx.msk [tilespmem:v16+s17+$0x0], $0xffff;
	[tilespmem:s30+$0x400] =	vst v15;
	v15 =	vor.u32 v42, v12  }
0x52b: {  	v16 =	vor.u32 v42, v4;
	[tilespmem:s21+$0x400] =	vst v14;
	v14 =	vld.idx.msk [tilespmem:v17+s17+$0x0], $0xffff  }
0x52c: {  	[tilespmem:s11+$0x860] =	vst v6;
	v17 =	vor.u32 v42, v10;
	v7 =	vld.idx.msk [tilespmem:v21+s17+$0x0], $0xffff  }
0x52d: {  	[tilespmem:s5+$0x840] =	vst v18;
	v18 =	vld.idx.msk [tilespmem:v22+s17+$0x0], $0xffff;
	v21 =	vor.u32 v42, v11  }
0x52e: {  	v22 =	vor.u32 v53, v1;
	[tilespmem:s18+$0x410] =	vst v13;
	v13 =	vld.idx.msk [tilespmem:v23+s17+$0x0], $0xffff  }
0x52f: {  	[tilespmem:s26+$0x410] =	vst v8;
	v23 =	vor.u32 v56, v5;
	v15 =	vld.idx.msk [tilespmem:v15+s17+$0x0], $0xffff  }
0x530: {  	v8 =	vld.idx.msk [tilespmem:v16+s17+$0x0], $0xffff;
	[tilespmem:s30+$0x410] =	vst v14;
	v14 =	vor.u32 v43, v12  }
0x531: {  	v16 =	vor.u32 v43, v4;
	[tilespmem:s21+$0x410] =	vst v7;
	v7 =	vld.idx.msk [tilespmem:v17+s17+$0x0], $0xffff  }
0x532: {  	[tilespmem:s0+$0x840] =	vst v9;
	v17 =	vor.u32 v43, v10;
	v6 =	vld.idx.msk [tilespmem:v21+s17+$0x0], $0xffff  }
0x533: {  	[tilespmem:s11+$0x870] =	vst v18;
	v18 =	vld.idx.msk [tilespmem:v22+s17+$0x0], $0xffff;
	v21 =	vor.u32 v43, v11  }
0x534: {  	v22 =	vor.u32 v53, v3;
	[tilespmem:s18+$0x420] =	vst v15;
	v15 =	vld.idx.msk [tilespmem:v23+s17+$0x0], $0xffff  }
0x535: {  	[tilespmem:s26+$0x420] =	vst v8;
	v23 =	vor.u32 v54, v2;
	v14 =	vld.idx.msk [tilespmem:v14+s17+$0x0], $0xffff  }
0x536: {  	v8 =	vld.idx.msk [tilespmem:v16+s17+$0x0], $0xffff;
	[tilespmem:s30+$0x420] =	vst v7;
	v7 =	vor.u32 v44, v12  }
0x537: {  	v16 =	vor.u32 v44, v4;
	[tilespmem:s21+$0x420] =	vst v6;
	v6 =	vld.idx.msk [tilespmem:v17+s17+$0x0], $0xffff  }
0x538: {  	[tilespmem:s10+$0x850] =	vst v13;
	v17 =	vor.u32 v44, v10;
	v9 =	vld.idx.msk [tilespmem:v21+s17+$0x0], $0xffff  }
0x539: {  	[tilespmem:s5+$0x850] =	vst v18;
	v18 =	vld.idx.msk [tilespmem:v22+s17+$0x0], $0xffff;
	v21 =	vor.u32 v44, v11  }
0x53a: {  	v22 =	vor.u32 v57, v5;
	[tilespmem:s18+$0x430] =	vst v14;
	v14 =	vld.idx.msk [tilespmem:v23+s17+$0x0], $0xffff  }
0x53b: {  	[tilespmem:s26+$0x430] =	vst v8;
	v23 =	vor.u32 v54, v1;
	v7 =	vld.idx.msk [tilespmem:v7+s17+$0x0], $0xffff  }
0x53c: {  	v8 =	vld.idx.msk [tilespmem:v16+s17+$0x0], $0xffff;
	[tilespmem:s30+$0x430] =	vst v6;
	v6 =	vor.u32 v45, v12  }
0x53d: {  	v16 =	vor.u32 v45, v4;
	[tilespmem:s21+$0x430] =	vst v9;
	v9 =	vld.idx.msk [tilespmem:v17+s17+$0x0], $0xffff  }
0x53e: {  	[tilespmem:s11+$0xC00] =	vst v15;
	v17 =	vor.u32 v45, v10;
	v13 =	vld.idx.msk [tilespmem:v21+s17+$0x0], $0xffff  }
0x53f: {  	[tilespmem:s0+$0x850] =	vst v18;
	v18 =	vld.idx.msk [tilespmem:v22+s17+$0x0], $0xffff;
	v21 =	vor.u32 v45, v11  }
0x540: {  	v22 =	vor.u32 v54, v3;
	[tilespmem:s18+$0x440] =	vst v7;
	v7 =	vld.idx.msk [tilespmem:v23+s17+$0x0], $0xffff  }
0x541: {  	[tilespmem:s26+$0x440] =	vst v8;
	v23 =	vor.u32 v58, v5;
	v6 =	vld.idx.msk [tilespmem:v6+s17+$0x0], $0xffff  }
0x542: {  	v8 =	vld.idx.msk [tilespmem:v16+s17+$0x0], $0xffff;
	[tilespmem:s30+$0x440] =	vst v9;
	v9 =	vor.u32 v46, v12  }
0x543: {  	v16 =	vor.u32 v46, v4;
	[tilespmem:s21+$0x440] =	vst v13;
	v13 =	vld.idx.msk [tilespmem:v17+s17+$0x0], $0xffff  }
0x544: {  	[tilespmem:s10+$0x860] =	vst v14;
	v17 =	vor.u32 v46, v10;
	v15 =	vld.idx.msk [tilespmem:v21+s17+$0x0], $0xffff  }
0x545: {  	[tilespmem:s11+$0xC10] =	vst v18;
	v18 =	vld.idx.msk [tilespmem:v22+s17+$0x0], $0xffff;
	v21 =	vor.u32 v46, v11  }
0x546: {  	v22 =	vor.u32 v55, v2;
	[tilespmem:s18+$0x450] =	vst v6;
	v6 =	vld.idx.msk [tilespmem:v23+s17+$0x0], $0xffff  }
0x547: {  	[tilespmem:s26+$0x450] =	vst v8;
	v23 =	vor.u32 v55, v1;
	v9 =	vld.idx.msk [tilespmem:v9+s17+$0x0], $0xffff  }
0x548: {  	v8 =	vld.idx.msk [tilespmem:v16+s17+$0x0], $0xffff;
	[tilespmem:s30+$0x450] =	vst v13;
	v13 =	vor.u32 v47, v12  }
0x549: {  	v16 =	vor.u32 v47, v4;
	[tilespmem:s21+$0x450] =	vst v15;
	v15 =	vld.idx.msk [tilespmem:v17+s17+$0x0], $0xffff  }
0x54a: {  	[tilespmem:s0+$0x860] =	vst v18;
	v17 =	vor.u32 v47, v10;
	v14 =	vld.idx.msk [tilespmem:v21+s17+$0x0], $0xffff  }
0x54b: {  	v18 =	vld.idx.msk [tilespmem:v22+s17+$0x0], $0xffff;
	[tilespmem:s5+$0x860] =	vst v7;
	v21 =	vor.u32 v47, v11  }
0x54c: {  	v22 =	vor.u32 v59, v5;
	[tilespmem:s18+$0x460] =	vst v9;
	v9 =	vld.idx.msk [tilespmem:v23+s17+$0x0], $0xffff  }
0x54d: {  	[tilespmem:s26+$0x460] =	vst v8;
	v23 =	vor.u32 v55, v3;
	v13 =	vld.idx.msk [tilespmem:v13+s17+$0x0], $0xffff  }
0x54e: {  	v8 =	vld.idx.msk [tilespmem:v16+s17+$0x0], $0xffff;
	[tilespmem:s30+$0x460] =	vst v15;
	v15 =	vor.u32 v48, v12  }
0x54f: {  	v16 =	vor.u32 v48, v4;
	[tilespmem:s21+$0x460] =	vst v14;
	v14 =	vld.idx.msk [tilespmem:v17+s17+$0x0], $0xffff  }
0x550: {  	[tilespmem:s11+$0xC20] =	vst v6;
	v17 =	vor.u32 v48, v10;
	v7 =	vld.idx.msk [tilespmem:v21+s17+$0x0], $0xffff  }
0x551: {  	[tilespmem:s10+$0x870] =	vst v18;
	v18 =	vld.idx.msk [tilespmem:v22+s17+$0x0], $0xffff;
	v21 =	vor.u32 v48, v11  }
0x552: {  	v22 =	vor.u32 v56, v2;
	[tilespmem:s18+$0x470] =	vst v13;
	v13 =	vld.idx.msk [tilespmem:v23+s17+$0x0], $0xffff  }
0x553: {  	[tilespmem:s26+$0x470] =	vst v8;
	v23 =	vor.u32 v60, v5;
	v15 =	vld.idx.msk [tilespmem:v15+s17+$0x0], $0xffff  }
0x554: {  	v8 =	vld.idx.msk [tilespmem:v16+s17+$0x0], $0xffff;
	[tilespmem:s30+$0x470] =	vst v14;
	v14 =	vor.u32 v49, v12  }
0x555: {  	v16 =	vor.u32 v49, v4;
	[tilespmem:s21+$0x470] =	vst v7;
	v7 =	vld.idx.msk [tilespmem:v17+s17+$0x0], $0xffff  }
0x556: {  	[tilespmem:s5+$0x870] =	vst v9;
	v17 =	vor.u32 v49, v10;
	v6 =	vld.idx.msk [tilespmem:v21+s17+$0x0], $0xffff  }
0x557: {  	[tilespmem:s11+$0xC30] =	vst v18;
	v18 =	vld.idx.msk [tilespmem:v22+s17+$0x0], $0xffff;
	v21 =	vor.u32 v49, v11  }
0x558: {  	v22 =	vor.u32 v56, v1;
	[tilespmem:s18+$0x800] =	vst v15;
	v15 =	vld.idx.msk [tilespmem:v23+s17+$0x0], $0xffff  }
0x559: {  	[tilespmem:s26+$0x800] =	vst v8;
	v23 =	vor.u32 v56, v3;
	v14 =	vld.idx.msk [tilespmem:v14+s17+$0x0], $0xffff  }
0x55a: {  	v8 =	vld.idx.msk [tilespmem:v16+s17+$0x0], $0xffff;
	[tilespmem:s30+$0x800] =	vst v7;
	v7 =	vor.u32 v50, v12  }
0x55b: {  	v16 =	vor.u32 v50, v4;
	[tilespmem:s21+$0x800] =	vst v6;
	v6 =	vld.idx.msk [tilespmem:v17+s17+$0x0], $0xffff  }
0x55c: {  	[tilespmem:s10+$0xC00] =	vst v18;
	v17 =	vor.u32 v50, v10;
	v9 =	vld.idx.msk [tilespmem:v21+s17+$0x0], $0xffff  }
0x55d: {  	v18 =	vld.idx.msk [tilespmem:v22+s17+$0x0], $0xffff;
	[tilespmem:s0+$0x870] =	vst v13;
	v21 =	vor.u32 v50, v11  }
0x55e: {  	[tilespmem:s18+$0x810] =	vst v14;
	v14 =	vld.idx.msk [tilespmem:v23+s17+$0x0], $0xffff  }
0x55f: {  	[tilespmem:s26+$0x810] =	vst v8;
	v23 =	vor.u32 v57, v2;
	v7 =	vld.idx.msk [tilespmem:v7+s17+$0x0], $0xffff  }
0x560: {  	[tilespmem:s30+$0x810] =	vst v6;
	v6 =	vor.u32 v51, v12;
	v8 =	vld.idx.msk [tilespmem:v16+s17+$0x0], $0xffff  }
0x561: {  	v16 =	vor.u32 v51, v4;
	[tilespmem:s21+$0x810] =	vst v9;
	v9 =	vld.idx.msk [tilespmem:v17+s17+$0x0], $0xffff  }
0x562: {  	v17 =	vor.u32 v51, v10;
	v13 =	vld.idx.msk [tilespmem:v21+s17+$0x0], $0xffff  }
0x563: {  	[tilespmem:s5+$0xC00] =	vst v18;
	v21 =	vor.u32 v51, v11  }
0x564: {  	v22 =	vor.u32 v61, v5;
	[tilespmem:s18+$0x820] =	vst v7;
	v7 =	vld.idx.msk [tilespmem:v23+s17+$0x0], $0xffff  }
0x565: {  	[tilespmem:s26+$0x820] =	vst v8;
	v6 =	vld.idx.msk [tilespmem:v6+s17+$0x0], $0xffff  }
0x566: {  	v8 =	vor.u32 v52, v12;
	v16 =	vld.idx.msk [tilespmem:v16+s17+$0x0], $0xffff;
	[tilespmem:s30+$0x820] =	vst v9  }
0x567: {  	v9 =	vld.idx.msk [tilespmem:v17+s17+$0x0], $0xffff;
	[tilespmem:s21+$0x820] =	vst v13;
	v13 =	vor.u32 v52, v4  }
0x568: {  	[tilespmem:s11+$0xC40] =	vst v15;
	v17 =	vor.u32 v52, v10;
	v15 =	vld.idx.msk [tilespmem:v21+s17+$0x0], $0xffff  }
0x569: {  	[tilespmem:s0+$0xC00] =	vst v14;
	v21 =	vld.idx.msk [tilespmem:v22+s17+$0x0], $0xffff;
	v22 =	vor.u32 v52, v11  }
0x56a: {  	v23 =	vor.u32 v57, v1;
	[tilespmem:s18+$0x830] =	vst v6  }
0x56b: {  	v6 =	vor.u32 v62, v5;
	[tilespmem:s26+$0x830] =	vst v16;
	v8 =	vld.idx.msk [tilespmem:v8+s17+$0x0], $0xffff  }
0x56c: {  	v16 =	vor.u32 v53, v12;
	v13 =	vld.idx.msk [tilespmem:v13+s17+$0x0], $0xffff;
	[tilespmem:s30+$0x830] =	vst v9  }
0x56d: {  	v9 =	vld.idx.msk [tilespmem:v17+s17+$0x0], $0xffff;
	v17 =	vor.u32 v53, v4;
	[tilespmem:s21+$0x830] =	vst v15  }
0x56e: {  	[tilespmem:s10+$0xC10] =	vst v7;
	v15 =	vor.u32 v53, v10;
	v14 =	vld.idx.msk [tilespmem:v22+s17+$0x0], $0xffff  }
0x56f: {  	[tilespmem:s11+$0xC50] =	vst v21;
	v21 =	vld.idx.msk [tilespmem:v23+s17+$0x0], $0xffff;
	v22 =	vor.u32 v53, v11  }
0x570: {  	v23 =	vor.u32 v57, v3;
	v6 =	vld.idx.msk [tilespmem:v6+s17+$0x0], $0xffff;
	[tilespmem:s18+$0x840] =	vst v8  }
0x571: {  	v8 =	vor.u32 v58, v2;
	[tilespmem:s26+$0x840] =	vst v13;
	v16 =	vld.idx.msk [tilespmem:v16+s17+$0x0], $0xffff  }
0x572: {  	v13 =	vor.u32 v54, v12;
	v17 =	vld.idx.msk [tilespmem:v17+s17+$0x0], $0xffff;
	[tilespmem:s30+$0x840] =	vst v9  }
0x573: {  	v9 =	vld.idx.msk [tilespmem:v15+s17+$0x0], $0xffff;
	[tilespmem:s21+$0x840] =	vst v14;
	v14 =	vor.u32 v54, v4  }
0x574: {  	[tilespmem:s5+$0xC10] =	vst v21;
	v21 =	vor.u32 v54, v10;
	v7 =	vld.idx.msk [tilespmem:v22+s17+$0x0], $0xffff  }
0x575: {  	v22 =	vld.idx.msk [tilespmem:v23+s17+$0x0], $0xffff;
	v23 =	vor.u32 v54, v11;
	[tilespmem:s11+$0xC60] =	vst v6  }
0x576: {  	v20 =	vor.u32 v63, v5;
	v8 =	vld.idx.msk [tilespmem:v8+s17+$0x0], $0xffff;
	[tilespmem:s18+$0x850] =	vst v16  }
0x577: {  	v16 =	vor.u32 v58, v1;
	[tilespmem:s26+$0x850] =	vst v17;
	v13 =	vld.idx.msk [tilespmem:v13+s17+$0x0], $0xffff  }
0x578: {  	v17 =	vor.u32 v55, v12;
	v14 =	vld.idx.msk [tilespmem:v14+s17+$0x0], $0xffff;
	[tilespmem:s30+$0x850] =	vst v9  }
0x579: {  	v15 =	vor.u32 v55, v4;
	v9 =	vld.idx.msk [tilespmem:v21+s17+$0x0], $0xffff;
	[tilespmem:s21+$0x850] =	vst v7  }
0x57a: {  	[tilespmem:s0+$0xC10] =	vst v22;
	v21 =	vor.u32 v55, v10;
	v6 =	vld.idx.msk [tilespmem:v23+s17+$0x0], $0xffff  }
0x57b: {  	v5 =	vld.idx.msk [tilespmem:v20+s17+$0x0], $0xffff;
	v22 =	vor.u32 v55, v11;
	[tilespmem:s10+$0xC20] =	vst v8  }
0x57c: {  	v20 =	vor.u32 v59, v2;
	v16 =	vld.idx.msk [tilespmem:v16+s17+$0x0], $0xffff;
	[tilespmem:s18+$0x860] =	vst v13  }
0x57d: {  	v23 =	vor.u32 v58, v3;
	[tilespmem:s26+$0x860] =	vst v14;
	v17 =	vld.idx.msk [tilespmem:v17+s17+$0x0], $0xffff  }
0x57e: {  	v14 =	vor.u32 v56, v12;
	v15 =	vld.idx.msk [tilespmem:v15+s17+$0x0], $0xffff;
	[tilespmem:s30+$0x860] =	vst v9  }
0x57f: {  	v7 =	vld.idx.msk [tilespmem:v21+s17+$0x0], $0xffff;
	[tilespmem:s21+$0x860] =	vst v6;
	v6 =	vor.u32 v56, v4  }
0x580: {  	[tilespmem:s11+$0xC70] =	vst v5;
	v8 =	vor.u32 v56, v10;
	v5 =	vld.idx.msk [tilespmem:v22+s17+$0x0], $0xffff  }
0x581: {  	v13 =	vld.idx.msk [tilespmem:v20+s17+$0x0], $0xffff;
	v22 =	vor.u32 v56, v11;
	[tilespmem:s5+$0xC20] =	vst v16  }
0x582: {  	v21 =	vld.idx.msk [tilespmem:v23+s17+$0x0], $0xffff;
	v23 =	vor.u32 v59, v1;
	[tilespmem:s18+$0x870] =	vst v17  }
0x583: {  	v17 =	vor.u32 v59, v3;
	[tilespmem:s26+$0x870] =	vst v15;
	v14 =	vld.idx.msk [tilespmem:v14+s17+$0x0], $0xffff  }
0x584: {  	v15 =	vor.u32 v57, v12;
	v6 =	vld.idx.msk [tilespmem:v6+s17+$0x0], $0xffff;
	[tilespmem:s30+$0x870] =	vst v7  }
0x585: {  	v7 =	vld.idx.msk [tilespmem:v8+s17+$0x0], $0xffff;
	v8 =	vor.u32 v57, v4;
	[tilespmem:s21+$0x870] =	vst v5  }
0x586: {  	v9 =	vor.u32 v57, v10;
	[tilespmem:s10+$0xC30] =	vst v13;
	v5 =	vld.idx.msk [tilespmem:v22+s17+$0x0], $0xffff  }
0x587: {  	[tilespmem:s0+$0xC20] =	vst v21;
	v21 =	vld.idx.msk [tilespmem:v23+s17+$0x0], $0xffff;
	v22 =	vor.u32 v57, v11  }
0x588: {  	v23 =	vor.u32 v60, v2;
	v17 =	vld.idx.msk [tilespmem:v17+s17+$0x0], $0xffff;
	[tilespmem:s18+$0xC00] =	vst v14  }
0x589: {  	v14 =	vor.u32 v60, v1;
	[tilespmem:s26+$0xC00] =	vst v6;
	v15 =	vld.idx.msk [tilespmem:v15+s17+$0x0], $0xffff  }
0x58a: {  	v6 =	vor.u32 v58, v12;
	v8 =	vld.idx.msk [tilespmem:v8+s17+$0x0], $0xffff;
	[tilespmem:s30+$0xC00] =	vst v7  }
0x58b: {  	v7 =	vld.idx.msk [tilespmem:v9+s17+$0x0], $0xffff;
	[tilespmem:s21+$0xC00] =	vst v5;
	v5 =	vor.u32 v58, v4  }
0x58c: {  	v13 =	vor.u32 v58, v10;
	[tilespmem:s5+$0xC30] =	vst v21;
	v9 =	vld.idx.msk [tilespmem:v22+s17+$0x0], $0xffff  }
0x58d: {  	v21 =	vld.idx.msk [tilespmem:v23+s17+$0x0], $0xffff;
	v22 =	vor.u32 v58, v11;
	[tilespmem:s0+$0xC30] =	vst v17  }
0x58e: {  	v23 =	vor.u32 v60, v3;
	v14 =	vld.idx.msk [tilespmem:v14+s17+$0x0], $0xffff;
	[tilespmem:s18+$0xC10] =	vst v15  }
0x58f: {  	v15 =	vor.u32 v61, v2;
	[tilespmem:s26+$0xC10] =	vst v8;
	v6 =	vld.idx.msk [tilespmem:v6+s17+$0x0], $0xffff  }
0x590: {  	v8 =	vor.u32 v59, v12;
	v5 =	vld.idx.msk [tilespmem:v5+s17+$0x0], $0xffff;
	[tilespmem:s30+$0xC10] =	vst v7  }
0x591: {  	v7 =	vld.idx.msk [tilespmem:v13+s17+$0x0], $0xffff;
	v13 =	vor.u32 v59, v4;
	[tilespmem:s21+$0xC10] =	vst v9  }
0x592: {  	v16 =	vor.u32 v59, v10;
	[tilespmem:s10+$0xC40] =	vst v21;
	v9 =	vld.idx.msk [tilespmem:v22+s17+$0x0], $0xffff  }
0x593: {  	v21 =	vld.idx.msk [tilespmem:v23+s17+$0x0], $0xffff;
	v22 =	vor.u32 v59, v11;
	[tilespmem:s5+$0xC40] =	vst v14  }
0x594: {  	v23 =	vor.u32 v61, v1;
	v15 =	vld.idx.msk [tilespmem:v15+s17+$0x0], $0xffff;
	[tilespmem:s18+$0xC20] =	vst v6  }
0x595: {  	v6 =	vor.u32 v61, v3;
	[tilespmem:s26+$0xC20] =	vst v5;
	v8 =	vld.idx.msk [tilespmem:v8+s17+$0x0], $0xffff  }
0x596: {  	v5 =	vor.u32 v60, v12;
	v13 =	vld.idx.msk [tilespmem:v13+s17+$0x0], $0xffff;
	[tilespmem:s30+$0xC20] =	vst v7  }
0x597: {  	v7 =	vld.idx.msk [tilespmem:v16+s17+$0x0], $0xffff;
	[tilespmem:s21+$0xC20] =	vst v9;
	v9 =	vor.u32 v60, v4  }
0x598: {  	[tilespmem:s0+$0xC40] =	vst v21;
	v16 =	vor.u32 v60, v10;
	v14 =	vld.idx.msk [tilespmem:v22+s17+$0x0], $0xffff  }
0x599: {  	v21 =	vld.idx.msk [tilespmem:v23+s17+$0x0], $0xffff;
	v22 =	vor.u32 v60, v11;
	[tilespmem:s10+$0xC50] =	vst v15  }
0x59a: {  	v23 =	vor.u32 v62, v2;
	v6 =	vld.idx.msk [tilespmem:v6+s17+$0x0], $0xffff;
	[tilespmem:s18+$0xC30] =	vst v8  }
0x59b: {  	v8 =	vor.u32 v62, v1;
	[tilespmem:s26+$0xC30] =	vst v13;
	v5 =	vld.idx.msk [tilespmem:v5+s17+$0x0], $0xffff  }
0x59c: {  	v13 =	vor.u32 v61, v12;
	v9 =	vld.idx.msk [tilespmem:v9+s17+$0x0], $0xffff;
	[tilespmem:s30+$0xC30] =	vst v7  }
0x59d: {  	v7 =	vld.idx.msk [tilespmem:v16+s17+$0x0], $0xffff;
	[tilespmem:s21+$0xC30] =	vst v14;
	v14 =	vor.u32 v61, v4  }
0x59e: {  	[tilespmem:s5+$0xC50] =	vst v21;
	v21 =	vor.u32 v61, v10;
	v15 =	vld.idx.msk [tilespmem:v22+s17+$0x0], $0xffff  }
0x59f: {  	v17 =	vld.idx.msk [tilespmem:v23+s17+$0x0], $0xffff;
	v22 =	vor.u32 v61, v11;
	[tilespmem:s0+$0xC50] =	vst v6  }
0x5a0: {  	v23 =	vor.u32 v62, v3;
	v8 =	vld.idx.msk [tilespmem:v8+s17+$0x0], $0xffff;
	[tilespmem:s18+$0xC40] =	vst v5  }
0x5a1: {  	v2 =	vor.u32 v63, v2;
	[tilespmem:s26+$0xC40] =	vst v9;
	v5 =	vld.idx.msk [tilespmem:v13+s17+$0x0], $0xffff  }
0x5a2: {  	v9 =	vor.u32 v62, v12;
	v20 =	vld.idx.msk [tilespmem:v14+s17+$0x0], $0xffff;
	[tilespmem:s30+$0xC40] =	vst v7  }
0x5a3: {  	v7 =	vld.idx.msk [tilespmem:v21+s17+$0x0], $0xffff;
	[tilespmem:s21+$0xC40] =	vst v15;
	v21 =	vor.u32 v62, v4  }
0x5a4: {  	[tilespmem:s10+$0xC60] =	vst v17;
	v6 =	vld.idx.msk [tilespmem:v22+s17+$0x0], $0xffff;
	v22 =	vor.u32 v62, v10  }
0x5a5: {  	v19 =	vor.u32 v62, v11;
	v23 =	vld.idx.msk [tilespmem:v23+s17+$0x0], $0xffff;
	[tilespmem:s5+$0xC60] =	vst v8  }
0x5a6: {  	v1 =	vor.u32 v63, v1;
	v2 =	vld.idx.msk [tilespmem:v2+s17+$0x0], $0xffff;
	[tilespmem:s18+$0xC50] =	vst v5  }
0x5a7: {  	v3 =	vor.u32 v63, v3;
	[tilespmem:s26+$0xC50] =	vst v20;
	v5 =	vld.idx.msk [tilespmem:v9+s17+$0x0], $0xffff  }
0x5a8: {  	v20 =	vor.u32 v63, v12;
	v21 =	vld.idx.msk [tilespmem:v21+s17+$0x0], $0xffff;
	[tilespmem:s30+$0xC50] =	vst v7  }
0x5a9: {  	v7 =	vld.idx.msk [tilespmem:v22+s17+$0x0], $0xffff;
	[tilespmem:s21+$0xC50] =	vst v6;
	v22 =	vor.u32 v63, v4  }
0x5aa: {  	[tilespmem:s0+$0xC60] =	vst v23;
	v23 =	vor.u32 v63, v10;
	v6 =	vld.idx.msk [tilespmem:v19+s17+$0x0], $0xffff  }
0x5ab: {  	[tilespmem:s10+$0xC70] =	vst v2;
	v2 =	vor.u32 v63, v11;
	v1 =	vld.idx.msk [tilespmem:v1+s17+$0x0], $0xffff  }
0x5ac: {  	v3 =	vld.idx.msk [tilespmem:v3+s17+$0x0], $0xffff;
	[tilespmem:s18+$0xC60] =	vst v5  }
0x5ad: {  	[tilespmem:s26+$0xC60] =	vst v21;
	v5 =	vld.idx.msk [tilespmem:v20+s17+$0x0], $0xffff  }
0x5ae: {  	v4 =	vld.idx.msk [tilespmem:v22+s17+$0x0], $0xffff;
	[tilespmem:s30+$0xC60] =	vst v7  }
0x5af: {  	v7 =	vld.idx.msk [tilespmem:v23+s17+$0x0], $0xffff;
	[tilespmem:s21+$0xC60] =	vst v6  }
0x5b0: {  	[tilespmem:s5+$0xC70] =	vst v1;
	v1 =	vld.idx.msk [tilespmem:v2+s17+$0x0], $0xffff  }
0x5b1: {  	[tilespmem:s0+$0xC70] =	vst v3  }
0x5b2: {  	[tilespmem:s18+$0xC70] =	vst v5  }
0x5b3: {  	s19 =	sshll.u32 s1, $0x10;
	[tilespmem:s26+$0xC70] =	vst v4  }
0x5b4: {  	s0 =	sor.u32 s6, s19;
	[tilespmem:s30+$0xC70] =	vst v7  }
0x5b5: {  	s31 =	sadd.s32 $0x1, s31;
	s23 =	simm.s32 $0x12800;
	[tilespmem:s21+$0xC70] =	vst v1;
	s21 =	sadd.s32 s2, s0  }
0x5b6: {  	[hbm4b:s21+s3] =	stream.linear.scatter [tilespmem:s23], [sflag:$0x5], $0x1000, $0x38;
	[tilespmem:$0x16800] =	vst v63  }
0x5b7: {  	p0 =	sne.s32 s31, $0x19;
	s25 =	simm.s32 $0x13800;
	s24 =	sadd.s32 s0, s7  }
0x5b8: {  	[hbm4b:s24+s3] =	stream.linear.scatter [tilespmem:s25], [sflag:$0x5], $0x1000, $0x38;
	[tilespmem:$0x16800] =	vst v63  }
.Ltmp2:
0x5b9: {  	_ = 	snop;
	(pc) =	sbr.rel @p0 .LBB2_2-.Ltmp2, $4  }
0x5ba: {  	s28 =	simm.s32 $0x14800;
	s26 =	sadd.s32 s0, s8  }
0x5bb: {  	[hbm4b:s26+s3] =	stream.linear.scatter [tilespmem:s28], [sflag:$0x5], $0x1000, $0x38;
	[tilespmem:$0x16800] =	vst v63  }
0x5bc: {  	s30 =	simm.s32 $0x15800;
	s0 =	sadd.s32 s0, s9  }
0x5bd: {  	[hbm4b:s0+s3] =	stream.linear.scatter [tilespmem:s30], [sflag:$0x5], $0x1000, $0x38;
	[tilespmem:$0x16800] =	vst v63  }
0x5be: {  	s0 =	simm.s32 $0x4  }
0x5bf: {  	_ =	swait.ge [sflag:s0], $0x1000  }
0x5c0: {  	[sflag:s0] =	ssyncset.done $0x0  }
0x5c1: {  	[sflag:s0] =	ssyncadd.s32 $0xFFFFF000  }
0x5c2: {  	_ =	swait.ge [sflag:s0], $0x1000  }
0x5c3: {  	[sflag:s0] =	ssyncset.done $0x0  }
0x5c4: {  	[sflag:s0] =	ssyncadd.s32 $0xFFFFF000  }
0x5c5: {  	_ =	swait.ge [sflag:s0], $0x1000  }
0x5c6: {  	[sflag:s0] =	ssyncset.done $0x0  }
0x5c7: {  	[sflag:s0] =	ssyncadd.s32 $0xFFFFF000  }
0x5c8: {  	_ =	swait.ge [sflag:s0], $0x1000  }
0x5c9: {  	[sflag:s0] =	ssyncset.done $0x0  }
0x5ca: {  	[sflag:s0] =	ssyncadd.s32 $0xFFFFF000  }
0x5cb: {  	_ =	swait.ge [sflag:s29], $0x1000  }
0x5cc: {  	[sflag:s29] =	ssyncset.done $0x0  }
0x5cd: {  	[sflag:s29] =	ssyncadd.s32 $0xFFFFF000  }
0x5ce: {  	_ =	swait.ge [sflag:s29], $0x1000  }
0x5cf: {  	[sflag:s29] =	ssyncset.done $0x0  }
0x5d0: {  	[sflag:s29] =	ssyncadd.s32 $0xFFFFF000  }
0x5d1: {  	_ =	swait.ge [sflag:s29], $0x1000  }
0x5d2: {  	[sflag:s29] =	ssyncset.done $0x0  }
0x5d3: {  	[sflag:s29] =	ssyncadd.s32 $0xFFFFF000  }
0x5d4: {  	_ =	swait.ge [sflag:s29], $0x1000  }
0x5d5: {  	s1 =	rddreg [dreg:$0x5]  }
0x5d6: {  	s31 =	rddreg [dreg:$0x4];
	s1 =	sadd.s32 $0x1, s1  }
0x5d7: {  	p0 =	sne.s32 s1, s31  }
.Ltmp3:
0x5d8: {  	_ = 	snop;
	(pc) =	sbr.rel @p0 .LBB2_1-.Ltmp3, $3  }
0x5d9: {  	_ =	sdelay $0x1  }
0x5da: {  	[sflag:s29] =	ssyncset.done $0x0  }
0x5db: {  	[sflag:s29] =	ssyncadd.s32 $0xFFFFF000  }
0x5dc: {  	_ =	sfence.sel $0x180000  }
0x5dd: {  	[bflag:$0x0] =	sbarrier.arrive $0xFFFF  }
0x5de: {  	_ =	strace $0x90000047  }
0x5df: {  	s0 =	stileid.u32;
	[bflag:$0x2] =	sbarrier.arrive $0xFFFF  }
0x5e0: {  	p0 =	sne.s32 s0, $0x0;
	s0 =	rddreg [dreg:$0x2]  }
0x5e1: {  	s0 =	sadd.s32 @!p0 $0x100000, s0  }
0x5e2: {  	[sflag:s0] =	ssyncadd.tile.s32 @!p0 $0x1;
	_ =	shalt  }
.Lfunc_end2:
_tile_overlayer_lowered:
.L_overlay_start_2:
0x5e3: {  	(tag) =	ssettag $0x2  }
0x5e4: {  	s0 =	rddreg [dreg:$0x0];
	s2 =	stileid.u32  }
0x5e5: {  	s1 =	rddreg [dreg:$0x1];
	p0 =	sne.s32 s2, $0x0  }
0x5e6: {  	s3 =	rddreg [dreg:$0x2];
	[bflag:$0x3] =	sbarrier.arrive $0xFFFF;
	s2 =	simm.s32 @!p0 $0x1C06  }
0x5e7: {  	[timem:s3], [sflag:s2] =	dma.local @!p0 [hbm:s0], s1  }
0x5e8: {  	s0 =	simm.s32 @!p0 $0x6  }
0x5e9: {  	_ =	swait.ge @!p0 [sflag:s0], s1  }
0x5ea: {  	s1 =	ssub.s32 @!p0 $0x0, s1;
	[sflag:s0] =	ssyncset.done @!p0 $0x0  }
0x5eb: {  	[sflag:s0] =	ssyncadd.s32 @!p0 s1  }
0x5ec: {  	[bflag:$0x3] =	sbarrier.arrive $0xFFFF  }
0x5ed: {  	_ =	shalt  }

</sc_bundles>
